<compile_context>
chip_gen: v7x
topology: tpu7x:2x2x1
jax: 0.10.2.dev20260603
libtpu: 0.0.44.dev20260713+nightly
codegen_flags: <defaults>
</compile_context>

<pallas_src>
import functools
import jax
import jax.numpy as jnp
from jax import lax
from jax.experimental import pallas as pl
from jax.experimental.pallas import tpu as pltpu
from jax.experimental.pallas import tpu_sc as plsc

N = 8192
DIM = 128
NC = 8
B = 8

ROWS = 128
SPLIT = 5120
STEPS_TC = SPLIT // ROWS

SC_CORES = 2
SC_SUBCORES = 16
LANES = 16
NW = SC_CORES * SC_SUBCORES
COLS = N // NW
GRPS = COLS // LANES
CHUNK = 128
NCHUNK = (N - SPLIT) // CHUNK
SLOTS = B + 1


def _sc_segsum(ed_hbm, adj_hbm, out_hbm, edv, bufv, accv, sem0, sem1):
    cid = lax.axis_index("c")
    sid = lax.axis_index("s")
    w = sid * SC_CORES + cid

    pltpu.sync_copy(ed_hbm, edv)
    eds = [edv[pl.ds(k * LANES, LANES)][0] for k in range(B)]

    def seg_scalar(r):
        s = jnp.int32(0)
        for k in range(B):
            s = s + jnp.where(eds[k] <= r, jnp.int32(1), jnp.int32(0))
        return s

    z16 = jnp.zeros((LANES,), jnp.float32)
    for s in range(SLOTS):
        for g in range(GRPS):
            accv[s, pl.ds(g * LANES, LANES)] = z16

    col0 = w * COLS

    def src_slice(c):
        return adj_hbm.at[pl.ds(SPLIT + c * CHUNK, CHUNK), pl.ds(col0, COLS)]

    def start(bslot, c, sem):
        return pltpu.async_copy(src_slice(c), bufv.at[bslot], sem)

    def wait(bslot, c, sem):
        pltpu.make_async_copy(src_slice(c), bufv.at[bslot], sem).wait()

    sems = (sem0, sem1)

    start(0, 0, sems[0])

    def process(c, bslot):
        @pl.when(c + 1 < NCHUNK)
        def _pref():
            start(1 - bslot, c + 1, sems[1 - bslot])

        wait(bslot, c, sems[bslot])

        r0 = SPLIT + c * CHUNK
        s0 = seg_scalar(r0)
        s1 = seg_scalar(r0 + (CHUNK - 1))

        @pl.when(s0 == s1)
        def _fast():
            def rowf(jj, acc):
                j = jj * 4
                for u in range(4):
                    acc = tuple(
                        acc[g] + bufv[bslot, j + u, pl.ds(g * LANES, LANES)]
                        for g in range(GRPS)
                    )
                return acc

            acc = lax.fori_loop(
                0, CHUNK // 4, rowf,
                tuple(jnp.zeros((LANES,), jnp.float32) for _ in range(GRPS)),
            )
            for g in range(GRPS):
                accv[s0, pl.ds(g * LANES, LANES)] = (
                    accv[s0, pl.ds(g * LANES, LANES)] + acc[g]
                )

        @pl.when(s0 != s1)
        def _slow():
            def rows_(j, carry):
                s = seg_scalar(r0 + j)
                for g in range(GRPS):
                    accv[s, pl.ds(g * LANES, LANES)] = (
                        accv[s, pl.ds(g * LANES, LANES)]
                        + bufv[bslot, j, pl.ds(g * LANES, LANES)]
                    )
                return carry

            lax.fori_loop(0, CHUNK, rows_, 0)

    def outer(cc, carry):
        process(cc * 2, 0)
        process(cc * 2 + 1, 1)
        return carry

    lax.fori_loop(0, NCHUNK // 2, outer, 0)

    pltpu.sync_copy(accv, out_hbm.at[w])


def _tc_partial(ed_ref, x_ref, W_ref, b_ref, adj_ref, out_ref, hid_ref, acc_ref):
    i = pl.program_id(0)

    @pl.when(i == 0)
    def _init():
        acc_ref[...] = jnp.zeros_like(acc_ref)
        hid_ref[...] = (
            jnp.dot(x_ref[...], W_ref[...], preferred_element_type=jnp.float32)
            + b_ref[...]
        )

    base = i * ROWS
    s0 = jnp.int32(0)
    s1 = jnp.int32(0)
    for k in range(B):
        e = ed_ref[k]
        s0 = s0 + jnp.where(e <= base, 1, 0).astype(jnp.int32)
        s1 = s1 + jnp.where(e <= base + ROWS - 1, 1, 0).astype(jnp.int32)

    @pl.when(s0 == s1)
    def _fast():
        col = jnp.sum(adj_ref[...], axis=0, keepdims=True)
        acc_ref[pl.ds(s0, 1), :] += col

    @pl.when(s0 != s1)
    def _slow():
        rid = base + jax.lax.broadcasted_iota(jnp.int32, (ROWS, 1), 0)
        cnt = jnp.zeros((ROWS, 1), jnp.int32)
        for k in range(B):
            cnt = cnt + jnp.where(ed_ref[k] <= rid, 1, 0).astype(jnp.int32)
        tile = adj_ref[...]
        for s in range(B + 1):
            mask = (cnt == s).astype(jnp.float32)
            acc_ref[pl.ds(s, 1), :] += jnp.sum(tile * mask, axis=0, keepdims=True)

    @pl.when(i == STEPS_TC - 1)
    def _final():
        out_ref[...] = jnp.dot(
            acc_ref[0:B, :], hid_ref[...], preferred_element_type=jnp.float32
        )


def _tc_finish(parts_ref, tc_ref, hid_ref, out_ref):
    acc = tc_ref[...]
    for w in range(NW):
        acc = acc + jnp.dot(
            parts_ref[w, 0:B, :],
            hid_ref[w * COLS:(w + 1) * COLS, :],
            preferred_element_type=jnp.float32,
        )
    out_ref[...] = acc


def kernel(x, ed_idx, adj, W, b):
    ed_b = jnp.broadcast_to(ed_idx[:, None], (B, LANES)).reshape(B * LANES)
    ed16 = jnp.concatenate([ed_idx, jnp.full((8,), N, jnp.int32)])
    b2 = b.reshape(1, NC)

    sc = functools.partial(
        pl.kernel,
        out_type=jax.ShapeDtypeStruct((NW, SLOTS, COLS), jnp.float32),
        mesh=plsc.VectorSubcoreMesh(
            core_axis_name="c", subcore_axis_name="s",
            num_cores=SC_CORES, num_subcores=SC_SUBCORES,
        ),
        scratch_types=[
            pltpu.VMEM((B * LANES,), jnp.int32),
            pltpu.VMEM((2, CHUNK, COLS), jnp.float32),
            pltpu.VMEM((SLOTS, COLS), jnp.float32),
            pltpu.SemaphoreType.DMA,
            pltpu.SemaphoreType.DMA,
        ],
    )(_sc_segsum)
    parts = sc(ed_b, adj)

    grid_spec = pltpu.PrefetchScalarGridSpec(
        num_scalar_prefetch=1,
        grid=(STEPS_TC,),
        in_specs=[
            pl.BlockSpec((N, DIM), lambda i, *_: (0, 0)),
            pl.BlockSpec((DIM, NC), lambda i, *_: (0, 0)),
            pl.BlockSpec((1, NC), lambda i, *_: (0, 0)),
            pl.BlockSpec((ROWS, N), lambda i, *_: (i, 0)),
        ],
        out_specs=[
            pl.BlockSpec((B, NC), lambda i, *_: (0, 0)),
            pl.BlockSpec((N, NC), lambda i, *_: (0, 0)),
        ],
        scratch_shapes=[
            pltpu.VMEM((16, N), jnp.float32),
        ],
    )
    tc_out, hidden = pl.pallas_call(
        _tc_partial,
        grid_spec=grid_spec,
        out_shape=[
            jax.ShapeDtypeStruct((B, NC), jnp.float32),
            jax.ShapeDtypeStruct((N, NC), jnp.float32),
        ],
    )(ed16, x, W, b2, adj)

    return pl.pallas_call(
        _tc_finish,
        out_shape=jax.ShapeDtypeStruct((B, NC), jnp.float32),
    )(parts, tc_out, hidden)

# --- scband reference (transcript-rebuilt; emitter-appended) ---
"""Pipeline reference for scband-euclidean-pool-decoder-72980084294073 (READ-ONLY COPY).

The authoritative reference and input builder live on the scoring server;
editing this copy changes nothing except your own understanding.
"""

import jax, jax.numpy as jnp
import numpy as np

N = 8192
DIM = 128
N_CLASSES = 8
B = 8


def setup_inputs(seed: int = 0) -> dict:
    key = jax.random.key(seed)
    k1, k2, k3, k4, k5 = jax.random.split(key, 5)
    x = jax.random.normal(k1, (N, DIM), dtype=jnp.float32)
    adj = jax.random.uniform(k2, (N, N), dtype=jnp.float32)
    ed_idx = jnp.sort(jax.random.randint(k3, (B,), 0, N, dtype=jnp.int32))
    # GraphConvolution params: Linear(dim -> n_classes) with bias
    bound = 1.0 / np.sqrt(DIM)
    W = jax.random.uniform(k4, (DIM, N_CLASSES), dtype=jnp.float32, minval=-bound, maxval=bound)
    b = jax.random.uniform(k5, (N_CLASSES,), dtype=jnp.float32, minval=-bound, maxval=bound)
    return {"x": x, "ed_idx": ed_idx, "adj": adj, "W": W, "b": b}


def reference(x, ed_idx, adj, W, b):
    # GraphConvolution: linear (dropout=0 / eval mode, act=None => identity), then adj @ hidden
    hidden = x @ W + b
    support = adj @ hidden  # [N, n_classes]
    # ragged pooling: segment i is rows [ed_idx[i-1], ed_idx[i]) with ed_idx[-1] := 0
    n = x.shape[0]
    row_ids = jnp.arange(n, dtype=jnp.int32)
    seg = jnp.searchsorted(ed_idx, row_ids, side='right')  # rows >= ed_idx[-1] get id B (dropped)
    x0 = jax.ops.segment_sum(support, seg, num_segments=ed_idx.shape[0])
    return x0

if __name__ == "__main__":
    import jax
    _d = setup_inputs()
    print(jax.jit(kernel)(*tuple(_d.values())))

</pallas_src>

<mosaic_0001>
#map = affine_map<(d0, d1) -> (0)>
#map1 = affine_map<(d0, d1) -> (0, 0)>
#map2 = affine_map<(d0, d1) -> (0, 0, 0)>
module attributes {stable_mosaic.version = 14 : i64} {
  func.func @_sc_segsum(%arg0: i32, %arg1: i32, %arg2: memref<128xi32, #tpu.memory_space<hbm>>, %arg3: memref<8192x8192xf32, #tpu.memory_space<hbm>>, %arg4: memref<32x9x256xf32, #tpu.memory_space<hbm>>, %arg5: memref<128xi32, #tpu.memory_space<vmem>>, %arg6: memref<2x128x256xf32, #tpu.memory_space<vmem>>, %arg7: memref<9x256xf32, #tpu.memory_space<vmem>>, %arg8: memref<!tpu.dma_semaphore, #tpu.memory_space<semaphore_mem>>, %arg9: memref<!tpu.dma_semaphore, #tpu.memory_space<semaphore_mem>>) attributes {dimension_semantics = [#tpu.dimension_semantics<core_parallel>, #tpu.dimension_semantics<subcore_parallel>], iteration_bounds = array<i64: 2, 16>, scalar_prefetch = 0 : i64, scratch_operands = 5 : i64, tpu.core_type = #tpu.core_type<sc_vector_subcore>, window_params = [{transform_indices = #map}, {transform_indices = #map1}, {transform_indices = #map2}]} {
    %mul3A = arith.constant 2 : i32
    %mul3A_0 = arith.muli %arg1, %mul3A : i32
    %add3A = arith.addi %mul3A_0, %arg0 : i32
    "tpu.region"() ({
      %run_scoped3A = tpu.sem_alloc : memref<!tpu.dma_semaphore, #tpu.memory_space<semaphore_mem>>
      tpu.enqueue_dma source(%arg2 : memref<128xi32, #tpu.memory_space<hbm>>) target(%arg5 : memref<128xi32, #tpu.memory_space<vmem>>) target_semaphore(%run_scoped3A : memref<!tpu.dma_semaphore, #tpu.memory_space<semaphore_mem>>)
      tpu.wait_dma2 semaphore(%run_scoped3A : memref<!tpu.dma_semaphore, #tpu.memory_space<semaphore_mem>>) src(%arg2 : memref<128xi32, #tpu.memory_space<hbm>>) dst(%arg5 : memref<128xi32, #tpu.memory_space<vmem>>)
      tpu.yield
    }) : () -> ()
    %get3A = arith.constant 0 : index
    %get3A_1 = tpu.vector_load %arg5[%get3A] {strides = array<i32>} : memref<128xi32, #tpu.memory_space<vmem>>, vector<16xi32>,
    %get3A_2 = vector.shape_cast %get3A_1 : vector<16xi32> to vector<16xi32>
    %slice3A = vector.extract_strided_slice %get3A_2 {offsets = [0], sizes = [1], strides = [1]} : vector<16xi32> to vector<1xi32>
    %squeeze3A = vector.extract %slice3A[0] : i32 from vector<1xi32>
    %get3A_3 = arith.constant 16 : index
    %get3A_4 = tpu.vector_load %arg5[%get3A_3] {strides = array<i32>} : memref<128xi32, #tpu.memory_space<vmem>>, vector<16xi32>,
    %get3A_5 = vector.shape_cast %get3A_4 : vector<16xi32> to vector<16xi32>
    %slice3A_6 = vector.extract_strided_slice %get3A_5 {offsets = [0], sizes = [1], strides = [1]} : vector<16xi32> to vector<1xi32>
    %squeeze3A_7 = vector.extract %slice3A_6[0] : i32 from vector<1xi32>
    %get3A_8 = arith.constant 32 : index
    %get3A_9 = tpu.vector_load %arg5[%get3A_8] {strides = array<i32>} : memref<128xi32, #tpu.memory_space<vmem>>, vector<16xi32>,
    %get3A_10 = vector.shape_cast %get3A_9 : vector<16xi32> to vector<16xi32>
    %slice3A_11 = vector.extract_strided_slice %get3A_10 {offsets = [0], sizes = [1], strides = [1]} : vector<16xi32> to vector<1xi32>
    %squeeze3A_12 = vector.extract %slice3A_11[0] : i32 from vector<1xi32>
    %get3A_13 = arith.constant 48 : index
    %get3A_14 = tpu.vector_load %arg5[%get3A_13] {strides = array<i32>} : memref<128xi32, #tpu.memory_space<vmem>>, vector<16xi32>,
    %get3A_15 = vector.shape_cast %get3A_14 : vector<16xi32> to vector<16xi32>
    %slice3A_16 = vector.extract_strided_slice %get3A_15 {offsets = [0], sizes = [1], strides = [1]} : vector<16xi32> to vector<1xi32>
    %squeeze3A_17 = vector.extract %slice3A_16[0] : i32 from vector<1xi32>
    %get3A_18 = arith.constant 64 : index
    %get3A_19 = tpu.vector_load %arg5[%get3A_18] {strides = array<i32>} : memref<128xi32, #tpu.memory_space<vmem>>, vector<16xi32>,
    %get3A_20 = vector.shape_cast %get3A_19 : vector<16xi32> to vector<16xi32>
    %slice3A_21 = vector.extract_strided_slice %get3A_20 {offsets = [0], sizes = [1], strides = [1]} : vector<16xi32> to vector<1xi32>
    %squeeze3A_22 = vector.extract %slice3A_21[0] : i32 from vector<1xi32>
    %get3A_23 = arith.constant 80 : index
    %get3A_24 = tpu.vector_load %arg5[%get3A_23] {strides = array<i32>} : memref<128xi32, #tpu.memory_space<vmem>>, vector<16xi32>,
    %get3A_25 = vector.shape_cast %get3A_24 : vector<16xi32> to vector<16xi32>
    %slice3A_26 = vector.extract_strided_slice %get3A_25 {offsets = [0], sizes = [1], strides = [1]} : vector<16xi32> to vector<1xi32>
    %squeeze3A_27 = vector.extract %slice3A_26[0] : i32 from vector<1xi32>
    %get3A_28 = arith.constant 96 : index
    %get3A_29 = tpu.vector_load %arg5[%get3A_28] {strides = array<i32>} : memref<128xi32, #tpu.memory_space<vmem>>, vector<16xi32>,
    %get3A_30 = vector.shape_cast %get3A_29 : vector<16xi32> to vector<16xi32>
    %slice3A_31 = vector.extract_strided_slice %get3A_30 {offsets = [0], sizes = [1], strides = [1]} : vector<16xi32> to vector<1xi32>
    %squeeze3A_32 = vector.extract %slice3A_31[0] : i32 from vector<1xi32>
    %get3A_33 = arith.constant 112 : index
    %get3A_34 = tpu.vector_load %arg5[%get3A_33] {strides = array<i32>} : memref<128xi32, #tpu.memory_space<vmem>>, vector<16xi32>,
    %get3A_35 = vector.shape_cast %get3A_34 : vector<16xi32> to vector<16xi32>
    %slice3A_36 = vector.extract_strided_slice %get3A_35 {offsets = [0], sizes = [1], strides = [1]} : vector<16xi32> to vector<1xi32>
    %squeeze3A_37 = vector.extract %slice3A_36[0] : i32 from vector<1xi32>
    %broadcast_in_dim3A = arith.constant 0.000000e+00 : f32
    %broadcast_in_dim3A_38 = vector.broadcast %broadcast_in_dim3A : f32 to vector<16xf32>
    %swap3A = arith.constant 0 : i32
    %swap3A_39 = arith.index_cast %swap3A : i32 to index
    %swap3A_40 = arith.constant 0 : index
    %swap3A_41 = tpu.vector_load %arg7[%swap3A_39, %swap3A_40] {strides = array<i32>} : memref<9x256xf32, #tpu.memory_space<vmem>>, vector<1x16xf32>,
    %swap3A_42 = vector.shape_cast %swap3A_41 : vector<1x16xf32> to vector<16xf32>
    %swap3A_43 = vector.shape_cast %broadcast_in_dim3A_38 : vector<16xf32> to vector<1x16xf32>
    tpu.vector_store %arg7[%swap3A_39, %swap3A_40], %swap3A_43 {strides = array<i32>} : memref<9x256xf32, #tpu.memory_space<vmem>>, vector<1x16xf32>,
    %swap3A_44 = arith.constant 0 : i32
    %swap3A_45 = arith.index_cast %swap3A_44 : i32 to index
    %swap3A_46 = arith.constant 16 : index
    %swap3A_47 = tpu.vector_load %arg7[%swap3A_45, %swap3A_46] {strides = array<i32>} : memref<9x256xf32, #tpu.memory_space<vmem>>, vector<1x16xf32>,
    %swap3A_48 = vector.shape_cast %swap3A_47 : vector<1x16xf32> to vector<16xf32>
    %swap3A_49 = vector.shape_cast %broadcast_in_dim3A_38 : vector<16xf32> to vector<1x16xf32>
    tpu.vector_store %arg7[%swap3A_45, %swap3A_46], %swap3A_49 {strides = array<i32>} : memref<9x256xf32, #tpu.memory_space<vmem>>, vector<1x16xf32>,
    %swap3A_50 = arith.constant 0 : i32
    %swap3A_51 = arith.index_cast %swap3A_50 : i32 to index
    %swap3A_52 = arith.constant 32 : index
    %swap3A_53 = tpu.vector_load %arg7[%swap3A_51, %swap3A_52] {strides = array<i32>} : memref<9x256xf32, #tpu.memory_space<vmem>>, vector<1x16xf32>,
    %swap3A_54 = vector.shape_cast %swap3A_53 : vector<1x16xf32> to vector<16xf32>
    %swap3A_55 = vector.shape_cast %broadcast_in_dim3A_38 : vector<16xf32> to vector<1x16xf32>
    tpu.vector_store %arg7[%swap3A_51, %swap3A_52], %swap3A_55 {strides = array<i32>} : memref<9x256xf32, #tpu.memory_space<vmem>>, vector<1x16xf32>,
    %swap3A_56 = arith.constant 0 : i32
    %swap3A_57 = arith.index_cast %swap3A_56 : i32 to index
    %swap3A_58 = arith.constant 48 : index
    %swap3A_59 = tpu.vector_load %arg7[%swap3A_57, %swap3A_58] {strides = array<i32>} : memref<9x256xf32, #tpu.memory_space<vmem>>, vector<1x16xf32>,
    %swap3A_60 = vector.shape_cast %swap3A_59 : vector<1x16xf32> to vector<16xf32>
    %swap3A_61 = vector.shape_cast %broadcast_in_dim3A_38 : vector<16xf32> to vector<1x16xf32>
    tpu.vector_store %arg7[%swap3A_57, %swap3A_58], %swap3A_61 {strides = array<i32>} : memref<9x256xf32, #tpu.memory_space<vmem>>, vector<1x16xf32>,
    %swap3A_62 = arith.constant 0 : i32
    %swap3A_63 = arith.index_cast %swap3A_62 : i32 to index
    %swap3A_64 = arith.constant 64 : index
    %swap3A_65 = tpu.vector_load %arg7[%swap3A_63, %swap3A_64] {strides = array<i32>} : memref<9x256xf32, #tpu.memory_space<vmem>>, vector<1x16xf32>,
    %swap3A_66 = vector.shape_cast %swap3A_65 : vector<1x16xf32> to vector<16xf32>
    %swap3A_67 = vector.shape_cast %broadcast_in_dim3A_38 : vector<16xf32> to vector<1x16xf32>
    tpu.vector_store %arg7[%swap3A_63, %swap3A_64], %swap3A_67 {strides = array<i32>} : memref<9x256xf32, #tpu.memory_space<vmem>>, vector<1x16xf32>,
    %swap3A_68 = arith.constant 0 : i32
    %swap3A_69 = arith.index_cast %swap3A_68 : i32 to index
    %swap3A_70 = arith.constant 80 : index
    %swap3A_71 = tpu.vector_load %arg7[%swap3A_69, %swap3A_70] {strides = array<i32>} : memref<9x256xf32, #tpu.memory_space<vmem>>, vector<1x16xf32>,
    %swap3A_72 = vector.shape_cast %swap3A_71 : vector<1x16xf32> to vector<16xf32>
    %swap3A_73 = vector.shape_cast %broadcast_in_dim3A_38 : vector<16xf32> to vector<1x16xf32>
    tpu.vector_store %arg7[%swap3A_69, %swap3A_70], %swap3A_73 {strides = array<i32>} : memref<9x256xf32, #tpu.memory_space<vmem>>, vector<1x16xf32>,
    %swap3A_74 = arith.constant 0 : i32
    %swap3A_75 = arith.index_cast %swap3A_74 : i32 to index
    %swap3A_76 = arith.constant 96 : index
    %swap3A_77 = tpu.vector_load %arg7[%swap3A_75, %swap3A_76] {strides = array<i32>} : memref<9x256xf32, #tpu.memory_space<vmem>>, vector<1x16xf32>,
    %swap3A_78 = vector.shape_cast %swap3A_77 : vector<1x16xf32> to vector<16xf32>
    %swap3A_79 = vector.shape_cast %broadcast_in_dim3A_38 : vector<16xf32> to vector<1x16xf32>
    tpu.vector_store %arg7[%swap3A_75, %swap3A_76], %swap3A_79 {strides = array<i32>} : memref<9x256xf32, #tpu.memory_space<vmem>>, vector<1x16xf32>,
    %swap3A_80 = arith.constant 0 : i32
    %swap3A_81 = arith.index_cast %swap3A_80 : i32 to index
    %swap3A_82 = arith.constant 112 : index
    %swap3A_83 = tpu.vector_load %arg7[%swap3A_81, %swap3A_82] {strides = array<i32>} : memref<9x256xf32, #tpu.memory_space<vmem>>, vector<1x16xf32>,
    %swap3A_84 = vector.shape_cast %swap3A_83 : vector<1x16xf32> to vector<16xf32>
    %swap3A_85 = vector.shape_cast %broadcast_in_dim3A_38 : vector<16xf32> to vector<1x16xf32>
    tpu.vector_store %arg7[%swap3A_81, %swap3A_82], %swap3A_85 {strides = array<i32>} : memref<9x256xf32, #tpu.memory_space<vmem>>, vector<1x16xf32>,
    %swap3A_86 = arith.constant 0 : i32
    %swap3A_87 = arith.index_cast %swap3A_86 : i32 to index
    %swap3A_88 = arith.constant 128 : index
    %swap3A_89 = tpu.vector_load %arg7[%swap3A_87, %swap3A_88] {strides = array<i32>} : memref<9x256xf32, #tpu.memory_space<vmem>>, vector<1x16xf32>,
    %swap3A_90 = vector.shape_cast %swap3A_89 : vector<1x16xf32> to vector<16xf32>
    %swap3A_91 = vector.shape_cast %broadcast_in_dim3A_38 : vector<16xf32> to vector<1x16xf32>
    tpu.vector_store %arg7[%swap3A_87, %swap3A_88], %swap3A_91 {strides = array<i32>} : memref<9x256xf32, #tpu.memory_space<vmem>>, vector<1x16xf32>,
    %swap3A_92 = arith.constant 0 : i32
    %swap3A_93 = arith.index_cast %swap3A_92 : i32 to index
    %swap3A_94 = arith.constant 144 : index
    %swap3A_95 = tpu.vector_load %arg7[%swap3A_93, %swap3A_94] {strides = array<i32>} : memref<9x256xf32, #tpu.memory_space<vmem>>, vector<1x16xf32>,
    %swap3A_96 = vector.shape_cast %swap3A_95 : vector<1x16xf32> to vector<16xf32>
    %swap3A_97 = vector.shape_cast %broadcast_in_dim3A_38 : vector<16xf32> to vector<1x16xf32>
    tpu.vector_store %arg7[%swap3A_93, %swap3A_94], %swap3A_97 {strides = array<i32>} : memref<9x256xf32, #tpu.memory_space<vmem>>, vector<1x16xf32>,
    %swap3A_98 = arith.constant 0 : i32
    %swap3A_99 = arith.index_cast %swap3A_98 : i32 to index
    %swap3A_100 = arith.constant 160 : index
    %swap3A_101 = tpu.vector_load %arg7[%swap3A_99, %swap3A_100] {strides = array<i32>} : memref<9x256xf32, #tpu.memory_space<vmem>>, vector<1x16xf32>,
    %swap3A_102 = vector.shape_cast %swap3A_101 : vector<1x16xf32> to vector<16xf32>
    %swap3A_103 = vector.shape_cast %broadcast_in_dim3A_38 : vector<16xf32> to vector<1x16xf32>
    tpu.vector_store %arg7[%swap3A_99, %swap3A_100], %swap3A_103 {strides = array<i32>} : memref<9x256xf32, #tpu.memory_space<vmem>>, vector<1x16xf32>,
    %swap3A_104 = arith.constant 0 : i32
    %swap3A_105 = arith.index_cast %swap3A_104 : i32 to index
    %swap3A_106 = arith.constant 176 : index
    %swap3A_107 = tpu.vector_load %arg7[%swap3A_105, %swap3A_106] {strides = array<i32>} : memref<9x256xf32, #tpu.memory_space<vmem>>, vector<1x16xf32>,
    %swap3A_108 = vector.shape_cast %swap3A_107 : vector<1x16xf32> to vector<16xf32>
    %swap3A_109 = vector.shape_cast %broadcast_in_dim3A_38 : vector<16xf32> to vector<1x16xf32>
    tpu.vector_store %arg7[%swap3A_105, %swap3A_106], %swap3A_109 {strides = array<i32>} : memref<9x256xf32, #tpu.memory_space<vmem>>, vector<1x16xf32>,
    %swap3A_110 = arith.constant 0 : i32
    %swap3A_111 = arith.index_cast %swap3A_110 : i32 to index
    %swap3A_112 = arith.constant 192 : index
    %swap3A_113 = tpu.vector_load %arg7[%swap3A_111, %swap3A_112] {strides = array<i32>} : memref<9x256xf32, #tpu.memory_space<vmem>>, vector<1x16xf32>,
    %swap3A_114 = vector.shape_cast %swap3A_113 : vector<1x16xf32> to vector<16xf32>
    %swap3A_115 = vector.shape_cast %broadcast_in_dim3A_38 : vector<16xf32> to vector<1x16xf32>
    tpu.vector_store %arg7[%swap3A_111, %swap3A_112], %swap3A_115 {strides = array<i32>} : memref<9x256xf32, #tpu.memory_space<vmem>>, vector<1x16xf32>,
    %swap3A_116 = arith.constant 0 : i32
    %swap3A_117 = arith.index_cast %swap3A_116 : i32 to index
    %swap3A_118 = arith.constant 208 : index
    %swap3A_119 = tpu.vector_load %arg7[%swap3A_117, %swap3A_118] {strides = array<i32>} : memref<9x256xf32, #tpu.memory_space<vmem>>, vector<1x16xf32>,
    %swap3A_120 = vector.shape_cast %swap3A_119 : vector<1x16xf32> to vector<16xf32>
    %swap3A_121 = vector.shape_cast %broadcast_in_dim3A_38 : vector<16xf32> to vector<1x16xf32>
    tpu.vector_store %arg7[%swap3A_117, %swap3A_118], %swap3A_121 {strides = array<i32>} : memref<9x256xf32, #tpu.memory_space<vmem>>, vector<1x16xf32>,
    %swap3A_122 = arith.constant 0 : i32
    %swap3A_123 = arith.index_cast %swap3A_122 : i32 to index
    %swap3A_124 = arith.constant 224 : index
    %swap3A_125 = tpu.vector_load %arg7[%swap3A_123, %swap3A_124] {strides = array<i32>} : memref<9x256xf32, #tpu.memory_space<vmem>>, vector<1x16xf32>,
    %swap3A_126 = vector.shape_cast %swap3A_125 : vector<1x16xf32> to vector<16xf32>
    %swap3A_127 = vector.shape_cast %broadcast_in_dim3A_38 : vector<16xf32> to vector<1x16xf32>
    tpu.vector_store %arg7[%swap3A_123, %swap3A_124], %swap3A_127 {strides = array<i32>} : memref<9x256xf32, #tpu.memory_space<vmem>>, vector<1x16xf32>,
    %swap3A_128 = arith.constant 0 : i32
    %swap3A_129 = arith.index_cast %swap3A_128 : i32 to index
    %swap3A_130 = arith.constant 240 : index
    %swap3A_131 = tpu.vector_load %arg7[%swap3A_129, %swap3A_130] {strides = array<i32>} : memref<9x256xf32, #tpu.memory_space<vmem>>, vector<1x16xf32>,
    %swap3A_132 = vector.shape_cast %swap3A_131 : vector<1x16xf32> to vector<16xf32>
    %swap3A_133 = vector.shape_cast %broadcast_in_dim3A_38 : vector<16xf32> to vector<1x16xf32>
    tpu.vector_store %arg7[%swap3A_129, %swap3A_130], %swap3A_133 {strides = array<i32>} : memref<9x256xf32, #tpu.memory_space<vmem>>, vector<1x16xf32>,
    %swap3A_134 = arith.constant 1 : i32
    %swap3A_135 = arith.index_cast %swap3A_134 : i32 to index
    %swap3A_136 = arith.constant 0 : index
    %swap3A_137 = tpu.vector_load %arg7[%swap3A_135, %swap3A_136] {strides = array<i32>} : memref<9x256xf32, #tpu.memory_space<vmem>>, vector<1x16xf32>,
    %swap3A_138 = vector.shape_cast %swap3A_137 : vector<1x16xf32> to vector<16xf32>
    %swap3A_139 = vector.shape_cast %broadcast_in_dim3A_38 : vector<16xf32> to vector<1x16xf32>
    tpu.vector_store %arg7[%swap3A_135, %swap3A_136], %swap3A_139 {strides = array<i32>} : memref<9x256xf32, #tpu.memory_space<vmem>>, vector<1x16xf32>,
    %swap3A_140 = arith.constant 1 : i32
    %swap3A_141 = arith.index_cast %swap3A_140 : i32 to index
    %swap3A_142 = arith.constant 16 : index
    %swap3A_143 = tpu.vector_load %arg7[%swap3A_141, %swap3A_142] {strides = array<i32>} : memref<9x256xf32, #tpu.memory_space<vmem>>, vector<1x16xf32>,
    %swap3A_144 = vector.shape_cast %swap3A_143 : vector<1x16xf32> to vector<16xf32>
    %swap3A_145 = vector.shape_cast %broadcast_in_dim3A_38 : vector<16xf32> to vector<1x16xf32>
    tpu.vector_store %arg7[%swap3A_141, %swap3A_142], %swap3A_145 {strides = array<i32>} : memref<9x256xf32, #tpu.memory_space<vmem>>, vector<1x16xf32>,
    %swap3A_146 = arith.constant 1 : i32
    %swap3A_147 = arith.index_cast %swap3A_146 : i32 to index
    %swap3A_148 = arith.constant 32 : index
    %swap3A_149 = tpu.vector_load %arg7[%swap3A_147, %swap3A_148] {strides = array<i32>} : memref<9x256xf32, #tpu.memory_space<vmem>>, vector<1x16xf32>,
    %swap3A_150 = vector.shape_cast %swap3A_149 : vector<1x16xf32> to vector<16xf32>
    %swap3A_151 = vector.shape_cast %broadcast_in_dim3A_38 : vector<16xf32> to vector<1x16xf32>
    tpu.vector_store %arg7[%swap3A_147, %swap3A_148], %swap3A_151 {strides = array<i32>} : memref<9x256xf32, #tpu.memory_space<vmem>>, vector<1x16xf32>,
    %swap3A_152 = arith.constant 1 : i32
    %swap3A_153 = arith.index_cast %swap3A_152 : i32 to index
    %swap3A_154 = arith.constant 48 : index
    %swap3A_155 = tpu.vector_load %arg7[%swap3A_153, %swap3A_154] {strides = array<i32>} : memref<9x256xf32, #tpu.memory_space<vmem>>, vector<1x16xf32>,
    %swap3A_156 = vector.shape_cast %swap3A_155 : vector<1x16xf32> to vector<16xf32>
    %swap3A_157 = vector.shape_cast %broadcast_in_dim3A_38 : vector<16xf32> to vector<1x16xf32>
    tpu.vector_store %arg7[%swap3A_153, %swap3A_154], %swap3A_157 {strides = array<i32>} : memref<9x256xf32, #tpu.memory_space<vmem>>, vector<1x16xf32>,
    %swap3A_158 = arith.constant 1 : i32
    %swap3A_159 = arith.index_cast %swap3A_158 : i32 to index
    %swap3A_160 = arith.constant 64 : index
    %swap3A_161 = tpu.vector_load %arg7[%swap3A_159, %swap3A_160] {strides = array<i32>} : memref<9x256xf32, #tpu.memory_space<vmem>>, vector<1x16xf32>,
    %swap3A_162 = vector.shape_cast %swap3A_161 : vector<1x16xf32> to vector<16xf32>
    %swap3A_163 = vector.shape_cast %broadcast_in_dim3A_38 : vector<16xf32> to vector<1x16xf32>
    tpu.vector_store %arg7[%swap3A_159, %swap3A_160], %swap3A_163 {strides = array<i32>} : memref<9x256xf32, #tpu.memory_space<vmem>>, vector<1x16xf32>,
    %swap3A_164 = arith.constant 1 : i32
    %swap3A_165 = arith.index_cast %swap3A_164 : i32 to index
    %swap3A_166 = arith.constant 80 : index
    %swap3A_167 = tpu.vector_load %arg7[%swap3A_165, %swap3A_166] {strides = array<i32>} : memref<9x256xf32, #tpu.memory_space<vmem>>, vector<1x16xf32>,
    %swap3A_168 = vector.shape_cast %swap3A_167 : vector<1x16xf32> to vector<16xf32>
    %swap3A_169 = vector.shape_cast %broadcast_in_dim3A_38 : vector<16xf32> to vector<1x16xf32>
    tpu.vector_store %arg7[%swap3A_165, %swap3A_166], %swap3A_169 {strides = array<i32>} : memref<9x256xf32, #tpu.memory_space<vmem>>, vector<1x16xf32>,
    %swap3A_170 = arith.constant 1 : i32
    %swap3A_171 = arith.index_cast %swap3A_170 : i32 to index
    %swap3A_172 = arith.constant 96 : index
    %swap3A_173 = tpu.vector_load %arg7[%swap3A_171, %swap3A_172] {strides = array<i32>} : memref<9x256xf32, #tpu.memory_space<vmem>>, vector<1x16xf32>,
    %swap3A_174 = vector.shape_cast %swap3A_173 : vector<1x16xf32> to vector<16xf32>
    %swap3A_175 = vector.shape_cast %broadcast_in_dim3A_38 : vector<16xf32> to vector<1x16xf32>
    tpu.vector_store %arg7[%swap3A_171, %swap3A_172], %swap3A_175 {strides = array<i32>} : memref<9x256xf32, #tpu.memory_space<vmem>>, vector<1x16xf32>,
    %swap3A_176 = arith.constant 1 : i32
    %swap3A_177 = arith.index_cast %swap3A_176 : i32 to index
    %swap3A_178 = arith.constant 112 : index
    %swap3A_179 = tpu.vector_load %arg7[%swap3A_177, %swap3A_178] {strides = array<i32>} : memref<9x256xf32, #tpu.memory_space<vmem>>, vector<1x16xf32>,
    %swap3A_180 = vector.shape_cast %swap3A_179 : vector<1x16xf32> to vector<16xf32>
    %swap3A_181 = vector.shape_cast %broadcast_in_dim3A_38 : vector<16xf32> to vector<1x16xf32>
    tpu.vector_store %arg7[%swap3A_177, %swap3A_178], %swap3A_181 {strides = array<i32>} : memref<9x256xf32, #tpu.memory_space<vmem>>, vector<1x16xf32>,
    %swap3A_182 = arith.constant 1 : i32
    %swap3A_183 = arith.index_cast %swap3A_182 : i32 to index
    %swap3A_184 = arith.constant 128 : index
    %swap3A_185 = tpu.vector_load %arg7[%swap3A_183, %swap3A_184] {strides = array<i32>} : memref<9x256xf32, #tpu.memory_space<vmem>>, vector<1x16xf32>,
    %swap3A_186 = vector.shape_cast %swap3A_185 : vector<1x16xf32> to vector<16xf32>
    %swap3A_187 = vector.shape_cast %broadcast_in_dim3A_38 : vector<16xf32> to vector<1x16xf32>
    tpu.vector_store %arg7[%swap3A_183, %swap3A_184], %swap3A_187 {strides = array<i32>} : memref<9x256xf32, #tpu.memory_space<vmem>>, vector<1x16xf32>,
    %swap3A_188 = arith.constant 1 : i32
    %swap3A_189 = arith.index_cast %swap3A_188 : i32 to index
    %swap3A_190 = arith.constant 144 : index
    %swap3A_191 = tpu.vector_load %arg7[%swap3A_189, %swap3A_190] {strides = array<i32>} : memref<9x256xf32, #tpu.memory_space<vmem>>, vector<1x16xf32>,
    %swap3A_192 = vector.shape_cast %swap3A_191 : vector<1x16xf32> to vector<16xf32>
    %swap3A_193 = vector.shape_cast %broadcast_in_dim3A_38 : vector<16xf32> to vector<1x16xf32>
    tpu.vector_store %arg7[%swap3A_189, %swap3A_190], %swap3A_193 {strides = array<i32>} : memref<9x256xf32, #tpu.memory_space<vmem>>, vector<1x16xf32>,
    %swap3A_194 = arith.constant 1 : i32
    %swap3A_195 = arith.index_cast %swap3A_194 : i32 to index
    %swap3A_196 = arith.constant 160 : index
    %swap3A_197 = tpu.vector_load %arg7[%swap3A_195, %swap3A_196] {strides = array<i32>} : memref<9x256xf32, #tpu.memory_space<vmem>>, vector<1x16xf32>,
    %swap3A_198 = vector.shape_cast %swap3A_197 : vector<1x16xf32> to vector<16xf32>
    %swap3A_199 = vector.shape_cast %broadcast_in_dim3A_38 : vector<16xf32> to vector<1x16xf32>
    tpu.vector_store %arg7[%swap3A_195, %swap3A_196], %swap3A_199 {strides = array<i32>} : memref<9x256xf32, #tpu.memory_space<vmem>>, vector<1x16xf32>,
    %swap3A_200 = arith.constant 1 : i32
    %swap3A_201 = arith.index_cast %swap3A_200 : i32 to index
    %swap3A_202 = arith.constant 176 : index
    %swap3A_203 = tpu.vector_load %arg7[%swap3A_201, %swap3A_202] {strides = array<i32>} : memref<9x256xf32, #tpu.memory_space<vmem>>, vector<1x16xf32>,
    %swap3A_204 = vector.shape_cast %swap3A_203 : vector<1x16xf32> to vector<16xf32>
    %swap3A_205 = vector.shape_cast %broadcast_in_dim3A_38 : vector<16xf32> to vector<1x16xf32>
    tpu.vector_store %arg7[%swap3A_201, %swap3A_202], %swap3A_205 {strides = array<i32>} : memref<9x256xf32, #tpu.memory_space<vmem>>, vector<1x16xf32>,
    %swap3A_206 = arith.constant 1 : i32
    %swap3A_207 = arith.index_cast %swap3A_206 : i32 to index
    %swap3A_208 = arith.constant 192 : index
    %swap3A_209 = tpu.vector_load %arg7[%swap3A_207, %swap3A_208] {strides = array<i32>} : memref<9x256xf32, #tpu.memory_space<vmem>>, vector<1x16xf32>,
    %swap3A_210 = vector.shape_cast %swap3A_209 : vector<1x16xf32> to vector<16xf32>
    %swap3A_211 = vector.shape_cast %broadcast_in_dim3A_38 : vector<16xf32> to vector<1x16xf32>
    tpu.vector_store %arg7[%swap3A_207, %swap3A_208], %swap3A_211 {strides = array<i32>} : memref<9x256xf32, #tpu.memory_space<vmem>>, vector<1x16xf32>,
    %swap3A_212 = arith.constant 1 : i32
    %swap3A_213 = arith.index_cast %swap3A_212 : i32 to index
    %swap3A_214 = arith.constant 208 : index
    %swap3A_215 = tpu.vector_load %arg7[%swap3A_213, %swap3A_214] {strides = array<i32>} : memref<9x256xf32, #tpu.memory_space<vmem>>, vector<1x16xf32>,
    %swap3A_216 = vector.shape_cast %swap3A_215 : vector<1x16xf32> to vector<16xf32>
    %swap3A_217 = vector.shape_cast %broadcast_in_dim3A_38 : vector<16xf32> to vector<1x16xf32>
    tpu.vector_store %arg7[%swap3A_213, %swap3A_214], %swap3A_217 {strides = array<i32>} : memref<9x256xf32, #tpu.memory_space<vmem>>, vector<1x16xf32>,
    %swap3A_218 = arith.constant 1 : i32
    %swap3A_219 = arith.index_cast %swap3A_218 : i32 to index
    %swap3A_220 = arith.constant 224 : index
    %swap3A_221 = tpu.vector_load %arg7[%swap3A_219, %swap3A_220] {strides = array<i32>} : memref<9x256xf32, #tpu.memory_space<vmem>>, vector<1x16xf32>,
    %swap3A_222 = vector.shape_cast %swap3A_221 : vector<1x16xf32> to vector<16xf32>
    %swap3A_223 = vector.shape_cast %broadcast_in_dim3A_38 : vector<16xf32> to vector<1x16xf32>
    tpu.vector_store %arg7[%swap3A_219, %swap3A_220], %swap3A_223 {strides = array<i32>} : memref<9x256xf32, #tpu.memory_space<vmem>>, vector<1x16xf32>,
    %swap3A_224 = arith.constant 1 : i32
    %swap3A_225 = arith.index_cast %swap3A_224 : i32 to index
    %swap3A_226 = arith.constant 240 : index
    %swap3A_227 = tpu.vector_load %arg7[%swap3A_225, %swap3A_226] {strides = array<i32>} : memref<9x256xf32, #tpu.memory_space<vmem>>, vector<1x16xf32>,
    %swap3A_228 = vector.shape_cast %swap3A_227 : vector<1x16xf32> to vector<16xf32>
    %swap3A_229 = vector.shape_cast %broadcast_in_dim3A_38 : vector<16xf32> to vector<1x16xf32>
    tpu.vector_store %arg7[%swap3A_225, %swap3A_226], %swap3A_229 {strides = array<i32>} : memref<9x256xf32, #tpu.memory_space<vmem>>, vector<1x16xf32>,
    %swap3A_230 = arith.constant 2 : i32
    %swap3A_231 = arith.index_cast %swap3A_230 : i32 to index
    %swap3A_232 = arith.constant 0 : index
    %swap3A_233 = tpu.vector_load %arg7[%swap3A_231, %swap3A_232] {strides = array<i32>} : memref<9x256xf32, #tpu.memory_space<vmem>>, vector<1x16xf32>,
    %swap3A_234 = vector.shape_cast %swap3A_233 : vector<1x16xf32> to vector<16xf32>
    %swap3A_235 = vector.shape_cast %broadcast_in_dim3A_38 : vector<16xf32> to vector<1x16xf32>
    tpu.vector_store %arg7[%swap3A_231, %swap3A_232], %swap3A_235 {strides = array<i32>} : memref<9x256xf32, #tpu.memory_space<vmem>>, vector<1x16xf32>,
    %swap3A_236 = arith.constant 2 : i32
    %swap3A_237 = arith.index_cast %swap3A_236 : i32 to index
    %swap3A_238 = arith.constant 16 : index
    %swap3A_239 = tpu.vector_load %arg7[%swap3A_237, %swap3A_238] {strides = array<i32>} : memref<9x256xf32, #tpu.memory_space<vmem>>, vector<1x16xf32>,
    %swap3A_240 = vector.shape_cast %swap3A_239 : vector<1x16xf32> to vector<16xf32>
    %swap3A_241 = vector.shape_cast %broadcast_in_dim3A_38 : vector<16xf32> to vector<1x16xf32>
    tpu.vector_store %arg7[%swap3A_237, %swap3A_238], %swap3A_241 {strides = array<i32>} : memref<9x256xf32, #tpu.memory_space<vmem>>, vector<1x16xf32>,
    %swap3A_242 = arith.constant 2 : i32
    %swap3A_243 = arith.index_cast %swap3A_242 : i32 to index
    %swap3A_244 = arith.constant 32 : index
    %swap3A_245 = tpu.vector_load %arg7[%swap3A_243, %swap3A_244] {strides = array<i32>} : memref<9x256xf32, #tpu.memory_space<vmem>>, vector<1x16xf32>,
    %swap3A_246 = vector.shape_cast %swap3A_245 : vector<1x16xf32> to vector<16xf32>
    %swap3A_247 = vector.shape_cast %broadcast_in_dim3A_38 : vector<16xf32> to vector<1x16xf32>
    tpu.vector_store %arg7[%swap3A_243, %swap3A_244], %swap3A_247 {strides = array<i32>} : memref<9x256xf32, #tpu.memory_space<vmem>>, vector<1x16xf32>,
    %swap3A_248 = arith.constant 2 : i32
    %swap3A_249 = arith.index_cast %swap3A_248 : i32 to index
    %swap3A_250 = arith.constant 48 : index
    %swap3A_251 = tpu.vector_load %arg7[%swap3A_249, %swap3A_250] {strides = array<i32>} : memref<9x256xf32, #tpu.memory_space<vmem>>, vector<1x16xf32>,
    %swap3A_252 = vector.shape_cast %swap3A_251 : vector<1x16xf32> to vector<16xf32>
    %swap3A_253 = vector.shape_cast %broadcast_in_dim3A_38 : vector<16xf32> to vector<1x16xf32>
    tpu.vector_store %arg7[%swap3A_249, %swap3A_250], %swap3A_253 {strides = array<i32>} : memref<9x256xf32, #tpu.memory_space<vmem>>, vector<1x16xf32>,
    %swap3A_254 = arith.constant 2 : i32
    %swap3A_255 = arith.index_cast %swap3A_254 : i32 to index
    %swap3A_256 = arith.constant 64 : index
    %swap3A_257 = tpu.vector_load %arg7[%swap3A_255, %swap3A_256] {strides = array<i32>} : memref<9x256xf32, #tpu.memory_space<vmem>>, vector<1x16xf32>,
    %swap3A_258 = vector.shape_cast %swap3A_257 : vector<1x16xf32> to vector<16xf32>
    %swap3A_259 = vector.shape_cast %broadcast_in_dim3A_38 : vector<16xf32> to vector<1x16xf32>
    tpu.vector_store %arg7[%swap3A_255, %swap3A_256], %swap3A_259 {strides = array<i32>} : memref<9x256xf32, #tpu.memory_space<vmem>>, vector<1x16xf32>,
    %swap3A_260 = arith.constant 2 : i32
    %swap3A_261 = arith.index_cast %swap3A_260 : i32 to index
    %swap3A_262 = arith.constant 80 : index
    %swap3A_263 = tpu.vector_load %arg7[%swap3A_261, %swap3A_262] {strides = array<i32>} : memref<9x256xf32, #tpu.memory_space<vmem>>, vector<1x16xf32>,
    %swap3A_264 = vector.shape_cast %swap3A_263 : vector<1x16xf32> to vector<16xf32>
    %swap3A_265 = vector.shape_cast %broadcast_in_dim3A_38 : vector<16xf32> to vector<1x16xf32>
    tpu.vector_store %arg7[%swap3A_261, %swap3A_262], %swap3A_265 {strides = array<i32>} : memref<9x256xf32, #tpu.memory_space<vmem>>, vector<1x16xf32>,
    %swap3A_266 = arith.constant 2 : i32
    %swap3A_267 = arith.index_cast %swap3A_266 : i32 to index
    %swap3A_268 = arith.constant 96 : index
    %swap3A_269 = tpu.vector_load %arg7[%swap3A_267, %swap3A_268] {strides = array<i32>} : memref<9x256xf32, #tpu.memory_space<vmem>>, vector<1x16xf32>,
    %swap3A_270 = vector.shape_cast %swap3A_269 : vector<1x16xf32> to vector<16xf32>
    %swap3A_271 = vector.shape_cast %broadcast_in_dim3A_38 : vector<16xf32> to vector<1x16xf32>
    tpu.vector_store %arg7[%swap3A_267, %swap3A_268], %swap3A_271 {strides = array<i32>} : memref<9x256xf32, #tpu.memory_space<vmem>>, vector<1x16xf32>,
    %swap3A_272 = arith.constant 2 : i32
    %swap3A_273 = arith.index_cast %swap3A_272 : i32 to index
    %swap3A_274 = arith.constant 112 : index
    %swap3A_275 = tpu.vector_load %arg7[%swap3A_273, %swap3A_274] {strides = array<i32>} : memref<9x256xf32, #tpu.memory_space<vmem>>, vector<1x16xf32>,
    %swap3A_276 = vector.shape_cast %swap3A_275 : vector<1x16xf32> to vector<16xf32>
    %swap3A_277 = vector.shape_cast %broadcast_in_dim3A_38 : vector<16xf32> to vector<1x16xf32>
    tpu.vector_store %arg7[%swap3A_273, %swap3A_274], %swap3A_277 {strides = array<i32>} : memref<9x256xf32, #tpu.memory_space<vmem>>, vector<1x16xf32>,
    %swap3A_278 = arith.constant 2 : i32
    %swap3A_279 = arith.index_cast %swap3A_278 : i32 to index
    %swap3A_280 = arith.constant 128 : index
    %swap3A_281 = tpu.vector_load %arg7[%swap3A_279, %swap3A_280] {strides = array<i32>} : memref<9x256xf32, #tpu.memory_space<vmem>>, vector<1x16xf32>,
    %swap3A_282 = vector.shape_cast %swap3A_281 : vector<1x16xf32> to vector<16xf32>
    %swap3A_283 = vector.shape_cast %broadcast_in_dim3A_38 : vector<16xf32> to vector<1x16xf32>
    tpu.vector_store %arg7[%swap3A_279, %swap3A_280], %swap3A_283 {strides = array<i32>} : memref<9x256xf32, #tpu.memory_space<vmem>>, vector<1x16xf32>,
    %swap3A_284 = arith.constant 2 : i32
    %swap3A_285 = arith.index_cast %swap3A_284 : i32 to index
    %swap3A_286 = arith.constant 144 : index
    %swap3A_287 = tpu.vector_load %arg7[%swap3A_285, %swap3A_286] {strides = array<i32>} : memref<9x256xf32, #tpu.memory_space<vmem>>, vector<1x16xf32>,
    %swap3A_288 = vector.shape_cast %swap3A_287 : vector<1x16xf32> to vector<16xf32>
    %swap3A_289 = vector.shape_cast %broadcast_in_dim3A_38 : vector<16xf32> to vector<1x16xf32>
    tpu.vector_store %arg7[%swap3A_285, %swap3A_286], %swap3A_289 {strides = array<i32>} : memref<9x256xf32, #tpu.memory_space<vmem>>, vector<1x16xf32>,
    %swap3A_290 = arith.constant 2 : i32
    %swap3A_291 = arith.index_cast %swap3A_290 : i32 to index
    %swap3A_292 = arith.constant 160 : index
    %swap3A_293 = tpu.vector_load %arg7[%swap3A_291, %swap3A_292] {strides = array<i32>} : memref<9x256xf32, #tpu.memory_space<vmem>>, vector<1x16xf32>,
    %swap3A_294 = vector.shape_cast %swap3A_293 : vector<1x16xf32> to vector<16xf32>
    %swap3A_295 = vector.shape_cast %broadcast_in_dim3A_38 : vector<16xf32> to vector<1x16xf32>
    tpu.vector_store %arg7[%swap3A_291, %swap3A_292], %swap3A_295 {strides = array<i32>} : memref<9x256xf32, #tpu.memory_space<vmem>>, vector<1x16xf32>,
    %swap3A_296 = arith.constant 2 : i32
    %swap3A_297 = arith.index_cast %swap3A_296 : i32 to index
    %swap3A_298 = arith.constant 176 : index
    %swap3A_299 = tpu.vector_load %arg7[%swap3A_297, %swap3A_298] {strides = array<i32>} : memref<9x256xf32, #tpu.memory_space<vmem>>, vector<1x16xf32>,
    %swap3A_300 = vector.shape_cast %swap3A_299 : vector<1x16xf32> to vector<16xf32>
    %swap3A_301 = vector.shape_cast %broadcast_in_dim3A_38 : vector<16xf32> to vector<1x16xf32>
    tpu.vector_store %arg7[%swap3A_297, %swap3A_298], %swap3A_301 {strides = array<i32>} : memref<9x256xf32, #tpu.memory_space<vmem>>, vector<1x16xf32>,
    %swap3A_302 = arith.constant 2 : i32
    %swap3A_303 = arith.index_cast %swap3A_302 : i32 to index
    %swap3A_304 = arith.constant 192 : index
    %swap3A_305 = tpu.vector_load %arg7[%swap3A_303, %swap3A_304] {strides = array<i32>} : memref<9x256xf32, #tpu.memory_space<vmem>>, vector<1x16xf32>,
    %swap3A_306 = vector.shape_cast %swap3A_305 : vector<1x16xf32> to vector<16xf32>
    %swap3A_307 = vector.shape_cast %broadcast_in_dim3A_38 : vector<16xf32> to vector<1x16xf32>
    tpu.vector_store %arg7[%swap3A_303, %swap3A_304], %swap3A_307 {strides = array<i32>} : memref<9x256xf32, #tpu.memory_space<vmem>>, vector<1x16xf32>,
    %swap3A_308 = arith.constant 2 : i32
    %swap3A_309 = arith.index_cast %swap3A_308 : i32 to index
    %swap3A_310 = arith.constant 208 : index
    %swap3A_311 = tpu.vector_load %arg7[%swap3A_309, %swap3A_310] {strides = array<i32>} : memref<9x256xf32, #tpu.memory_space<vmem>>, vector<1x16xf32>,
    %swap3A_312 = vector.shape_cast %swap3A_311 : vector<1x16xf32> to vector<16xf32>
    %swap3A_313 = vector.shape_cast %broadcast_in_dim3A_38 : vector<16xf32> to vector<1x16xf32>
    tpu.vector_store %arg7[%swap3A_309, %swap3A_310], %swap3A_313 {strides = array<i32>} : memref<9x256xf32, #tpu.memory_space<vmem>>, vector<1x16xf32>,
    %swap3A_314 = arith.constant 2 : i32
    %swap3A_315 = arith.index_cast %swap3A_314 : i32 to index
    %swap3A_316 = arith.constant 224 : index
    %swap3A_317 = tpu.vector_load %arg7[%swap3A_315, %swap3A_316] {strides = array<i32>} : memref<9x256xf32, #tpu.memory_space<vmem>>, vector<1x16xf32>,
    %swap3A_318 = vector.shape_cast %swap3A_317 : vector<1x16xf32> to vector<16xf32>
    %swap3A_319 = vector.shape_cast %broadcast_in_dim3A_38 : vector<16xf32> to vector<1x16xf32>
    tpu.vector_store %arg7[%swap3A_315, %swap3A_316], %swap3A_319 {strides = array<i32>} : memref<9x256xf32, #tpu.memory_space<vmem>>, vector<1x16xf32>,
    %swap3A_320 = arith.constant 2 : i32
    %swap3A_321 = arith.index_cast %swap3A_320 : i32 to index
    %swap3A_322 = arith.constant 240 : index
    %swap3A_323 = tpu.vector_load %arg7[%swap3A_321, %swap3A_322] {strides = array<i32>} : memref<9x256xf32, #tpu.memory_space<vmem>>, vector<1x16xf32>,
    %swap3A_324 = vector.shape_cast %swap3A_323 : vector<1x16xf32> to vector<16xf32>
    %swap3A_325 = vector.shape_cast %broadcast_in_dim3A_38 : vector<16xf32> to vector<1x16xf32>
    tpu.vector_store %arg7[%swap3A_321, %swap3A_322], %swap3A_325 {strides = array<i32>} : memref<9x256xf32, #tpu.memory_space<vmem>>, vector<1x16xf32>,
    %swap3A_326 = arith.constant 3 : i32
    %swap3A_327 = arith.index_cast %swap3A_326 : i32 to index
    %swap3A_328 = arith.constant 0 : index
    %swap3A_329 = tpu.vector_load %arg7[%swap3A_327, %swap3A_328] {strides = array<i32>} : memref<9x256xf32, #tpu.memory_space<vmem>>, vector<1x16xf32>,
    %swap3A_330 = vector.shape_cast %swap3A_329 : vector<1x16xf32> to vector<16xf32>
    %swap3A_331 = vector.shape_cast %broadcast_in_dim3A_38 : vector<16xf32> to vector<1x16xf32>
    tpu.vector_store %arg7[%swap3A_327, %swap3A_328], %swap3A_331 {strides = array<i32>} : memref<9x256xf32, #tpu.memory_space<vmem>>, vector<1x16xf32>,
    %swap3A_332 = arith.constant 3 : i32
    %swap3A_333 = arith.index_cast %swap3A_332 : i32 to index
    %swap3A_334 = arith.constant 16 : index
    %swap3A_335 = tpu.vector_load %arg7[%swap3A_333, %swap3A_334] {strides = array<i32>} : memref<9x256xf32, #tpu.memory_space<vmem>>, vector<1x16xf32>,
    %swap3A_336 = vector.shape_cast %swap3A_335 : vector<1x16xf32> to vector<16xf32>
    %swap3A_337 = vector.shape_cast %broadcast_in_dim3A_38 : vector<16xf32> to vector<1x16xf32>
    tpu.vector_store %arg7[%swap3A_333, %swap3A_334], %swap3A_337 {strides = array<i32>} : memref<9x256xf32, #tpu.memory_space<vmem>>, vector<1x16xf32>,
    %swap3A_338 = arith.constant 3 : i32
    %swap3A_339 = arith.index_cast %swap3A_338 : i32 to index
    %swap3A_340 = arith.constant 32 : index
    %swap3A_341 = tpu.vector_load %arg7[%swap3A_339, %swap3A_340] {strides = array<i32>} : memref<9x256xf32, #tpu.memory_space<vmem>>, vector<1x16xf32>,
    %swap3A_342 = vector.shape_cast %swap3A_341 : vector<1x16xf32> to vector<16xf32>
    %swap3A_343 = vector.shape_cast %broadcast_in_dim3A_38 : vector<16xf32> to vector<1x16xf32>
    tpu.vector_store %arg7[%swap3A_339, %swap3A_340], %swap3A_343 {strides = array<i32>} : memref<9x256xf32, #tpu.memory_space<vmem>>, vector<1x16xf32>,
    %swap3A_344 = arith.constant 3 : i32
    %swap3A_345 = arith.index_cast %swap3A_344 : i32 to index
    %swap3A_346 = arith.constant 48 : index
    %swap3A_347 = tpu.vector_load %arg7[%swap3A_345, %swap3A_346] {strides = array<i32>} : memref<9x256xf32, #tpu.memory_space<vmem>>, vector<1x16xf32>,
    %swap3A_348 = vector.shape_cast %swap3A_347 : vector<1x16xf32> to vector<16xf32>
    %swap3A_349 = vector.shape_cast %broadcast_in_dim3A_38 : vector<16xf32> to vector<1x16xf32>
    tpu.vector_store %arg7[%swap3A_345, %swap3A_346], %swap3A_349 {strides = array<i32>} : memref<9x256xf32, #tpu.memory_space<vmem>>, vector<1x16xf32>,
    %swap3A_350 = arith.constant 3 : i32
    %swap3A_351 = arith.index_cast %swap3A_350 : i32 to index
    %swap3A_352 = arith.constant 64 : index
    %swap3A_353 = tpu.vector_load %arg7[%swap3A_351, %swap3A_352] {strides = array<i32>} : memref<9x256xf32, #tpu.memory_space<vmem>>, vector<1x16xf32>,
    %swap3A_354 = vector.shape_cast %swap3A_353 : vector<1x16xf32> to vector<16xf32>
    %swap3A_355 = vector.shape_cast %broadcast_in_dim3A_38 : vector<16xf32> to vector<1x16xf32>
    tpu.vector_store %arg7[%swap3A_351, %swap3A_352], %swap3A_355 {strides = array<i32>} : memref<9x256xf32, #tpu.memory_space<vmem>>, vector<1x16xf32>,
    %swap3A_356 = arith.constant 3 : i32
    %swap3A_357 = arith.index_cast %swap3A_356 : i32 to index
    %swap3A_358 = arith.constant 80 : index
    %swap3A_359 = tpu.vector_load %arg7[%swap3A_357, %swap3A_358] {strides = array<i32>} : memref<9x256xf32, #tpu.memory_space<vmem>>, vector<1x16xf32>,
    %swap3A_360 = vector.shape_cast %swap3A_359 : vector<1x16xf32> to vector<16xf32>
    %swap3A_361 = vector.shape_cast %broadcast_in_dim3A_38 : vector<16xf32> to vector<1x16xf32>
    tpu.vector_store %arg7[%swap3A_357, %swap3A_358], %swap3A_361 {strides = array<i32>} : memref<9x256xf32, #tpu.memory_space<vmem>>, vector<1x16xf32>,
    %swap3A_362 = arith.constant 3 : i32
    %swap3A_363 = arith.index_cast %swap3A_362 : i32 to index
    %swap3A_364 = arith.constant 96 : index
    %swap3A_365 = tpu.vector_load %arg7[%swap3A_363, %swap3A_364] {strides = array<i32>} : memref<9x256xf32, #tpu.memory_space<vmem>>, vector<1x16xf32>,
    %swap3A_366 = vector.shape_cast %swap3A_365 : vector<1x16xf32> to vector<16xf32>
    %swap3A_367 = vector.shape_cast %broadcast_in_dim3A_38 : vector<16xf32> to vector<1x16xf32>
    tpu.vector_store %arg7[%swap3A_363, %swap3A_364], %swap3A_367 {strides = array<i32>} : memref<9x256xf32, #tpu.memory_space<vmem>>, vector<1x16xf32>,
    %swap3A_368 = arith.constant 3 : i32
    %swap3A_369 = arith.index_cast %swap3A_368 : i32 to index
    %swap3A_370 = arith.constant 112 : index
    %swap3A_371 = tpu.vector_load %arg7[%swap3A_369, %swap3A_370] {strides = array<i32>} : memref<9x256xf32, #tpu.memory_space<vmem>>, vector<1x16xf32>,
    %swap3A_372 = vector.shape_cast %swap3A_371 : vector<1x16xf32> to vector<16xf32>
    %swap3A_373 = vector.shape_cast %broadcast_in_dim3A_38 : vector<16xf32> to vector<1x16xf32>
    tpu.vector_store %arg7[%swap3A_369, %swap3A_370], %swap3A_373 {strides = array<i32>} : memref<9x256xf32, #tpu.memory_space<vmem>>, vector<1x16xf32>,
    %swap3A_374 = arith.constant 3 : i32
    %swap3A_375 = arith.index_cast %swap3A_374 : i32 to index
    %swap3A_376 = arith.constant 128 : index
    %swap3A_377 = tpu.vector_load %arg7[%swap3A_375, %swap3A_376] {strides = array<i32>} : memref<9x256xf32, #tpu.memory_space<vmem>>, vector<1x16xf32>,
    %swap3A_378 = vector.shape_cast %swap3A_377 : vector<1x16xf32> to vector<16xf32>
    %swap3A_379 = vector.shape_cast %broadcast_in_dim3A_38 : vector<16xf32> to vector<1x16xf32>
    tpu.vector_store %arg7[%swap3A_375, %swap3A_376], %swap3A_379 {strides = array<i32>} : memref<9x256xf32, #tpu.memory_space<vmem>>, vector<1x16xf32>,
    %swap3A_380 = arith.constant 3 : i32
    %swap3A_381 = arith.index_cast %swap3A_380 : i32 to index
    %swap3A_382 = arith.constant 144 : index
    %swap3A_383 = tpu.vector_load %arg7[%swap3A_381, %swap3A_382] {strides = array<i32>} : memref<9x256xf32, #tpu.memory_space<vmem>>, vector<1x16xf32>,
    %swap3A_384 = vector.shape_cast %swap3A_383 : vector<1x16xf32> to vector<16xf32>
    %swap3A_385 = vector.shape_cast %broadcast_in_dim3A_38 : vector<16xf32> to vector<1x16xf32>
    tpu.vector_store %arg7[%swap3A_381, %swap3A_382], %swap3A_385 {strides = array<i32>} : memref<9x256xf32, #tpu.memory_space<vmem>>, vector<1x16xf32>,
    %swap3A_386 = arith.constant 3 : i32
    %swap3A_387 = arith.index_cast %swap3A_386 : i32 to index
    %swap3A_388 = arith.constant 160 : index
    %swap3A_389 = tpu.vector_load %arg7[%swap3A_387, %swap3A_388] {strides = array<i32>} : memref<9x256xf32, #tpu.memory_space<vmem>>, vector<1x16xf32>,
    %swap3A_390 = vector.shape_cast %swap3A_389 : vector<1x16xf32> to vector<16xf32>
    %swap3A_391 = vector.shape_cast %broadcast_in_dim3A_38 : vector<16xf32> to vector<1x16xf32>
    tpu.vector_store %arg7[%swap3A_387, %swap3A_388], %swap3A_391 {strides = array<i32>} : memref<9x256xf32, #tpu.memory_space<vmem>>, vector<1x16xf32>,
    %swap3A_392 = arith.constant 3 : i32
    %swap3A_393 = arith.index_cast %swap3A_392 : i32 to index
    %swap3A_394 = arith.constant 176 : index
    %swap3A_395 = tpu.vector_load %arg7[%swap3A_393, %swap3A_394] {strides = array<i32>} : memref<9x256xf32, #tpu.memory_space<vmem>>, vector<1x16xf32>,
    %swap3A_396 = vector.shape_cast %swap3A_395 : vector<1x16xf32> to vector<16xf32>
    %swap3A_397 = vector.shape_cast %broadcast_in_dim3A_38 : vector<16xf32> to vector<1x16xf32>
    tpu.vector_store %arg7[%swap3A_393, %swap3A_394], %swap3A_397 {strides = array<i32>} : memref<9x256xf32, #tpu.memory_space<vmem>>, vector<1x16xf32>,
    %swap3A_398 = arith.constant 3 : i32
    %swap3A_399 = arith.index_cast %swap3A_398 : i32 to index
    %swap3A_400 = arith.constant 192 : index
    %swap3A_401 = tpu.vector_load %arg7[%swap3A_399, %swap3A_400] {strides = array<i32>} : memref<9x256xf32, #tpu.memory_space<vmem>>, vector<1x16xf32>,
    %swap3A_402 = vector.shape_cast %swap3A_401 : vector<1x16xf32> to vector<16xf32>
    %swap3A_403 = vector.shape_cast %broadcast_in_dim3A_38 : vector<16xf32> to vector<1x16xf32>
    tpu.vector_store %arg7[%swap3A_399, %swap3A_400], %swap3A_403 {strides = array<i32>} : memref<9x256xf32, #tpu.memory_space<vmem>>, vector<1x16xf32>,
    %swap3A_404 = arith.constant 3 : i32
    %swap3A_405 = arith.index_cast %swap3A_404 : i32 to index
    %swap3A_406 = arith.constant 208 : index
    %swap3A_407 = tpu.vector_load %arg7[%swap3A_405, %swap3A_406] {strides = array<i32>} : memref<9x256xf32, #tpu.memory_space<vmem>>, vector<1x16xf32>,
    %swap3A_408 = vector.shape_cast %swap3A_407 : vector<1x16xf32> to vector<16xf32>
    %swap3A_409 = vector.shape_cast %broadcast_in_dim3A_38 : vector<16xf32> to vector<1x16xf32>
    tpu.vector_store %arg7[%swap3A_405, %swap3A_406], %swap3A_409 {strides = array<i32>} : memref<9x256xf32, #tpu.memory_space<vmem>>, vector<1x16xf32>,
    %swap3A_410 = arith.constant 3 : i32
    %swap3A_411 = arith.index_cast %swap3A_410 : i32 to index
    %swap3A_412 = arith.constant 224 : index
    %swap3A_413 = tpu.vector_load %arg7[%swap3A_411, %swap3A_412] {strides = array<i32>} : memref<9x256xf32, #tpu.memory_space<vmem>>, vector<1x16xf32>,
    %swap3A_414 = vector.shape_cast %swap3A_413 : vector<1x16xf32> to vector<16xf32>
    %swap3A_415 = vector.shape_cast %broadcast_in_dim3A_38 : vector<16xf32> to vector<1x16xf32>
    tpu.vector_store %arg7[%swap3A_411, %swap3A_412], %swap3A_415 {strides = array<i32>} : memref<9x256xf32, #tpu.memory_space<vmem>>, vector<1x16xf32>,
    %swap3A_416 = arith.constant 3 : i32
    %swap3A_417 = arith.index_cast %swap3A_416 : i32 to index
    %swap3A_418 = arith.constant 240 : index
    %swap3A_419 = tpu.vector_load %arg7[%swap3A_417, %swap3A_418] {strides = array<i32>} : memref<9x256xf32, #tpu.memory_space<vmem>>, vector<1x16xf32>,
    %swap3A_420 = vector.shape_cast %swap3A_419 : vector<1x16xf32> to vector<16xf32>
    %swap3A_421 = vector.shape_cast %broadcast_in_dim3A_38 : vector<16xf32> to vector<1x16xf32>
    tpu.vector_store %arg7[%swap3A_417, %swap3A_418], %swap3A_421 {strides = array<i32>} : memref<9x256xf32, #tpu.memory_space<vmem>>, vector<1x16xf32>,
    %swap3A_422 = arith.constant 4 : i32
    %swap3A_423 = arith.index_cast %swap3A_422 : i32 to index
    %swap3A_424 = arith.constant 0 : index
    %swap3A_425 = tpu.vector_load %arg7[%swap3A_423, %swap3A_424] {strides = array<i32>} : memref<9x256xf32, #tpu.memory_space<vmem>>, vector<1x16xf32>,
    %swap3A_426 = vector.shape_cast %swap3A_425 : vector<1x16xf32> to vector<16xf32>
    %swap3A_427 = vector.shape_cast %broadcast_in_dim3A_38 : vector<16xf32> to vector<1x16xf32>
    tpu.vector_store %arg7[%swap3A_423, %swap3A_424], %swap3A_427 {strides = array<i32>} : memref<9x256xf32, #tpu.memory_space<vmem>>, vector<1x16xf32>,
    %swap3A_428 = arith.constant 4 : i32
    %swap3A_429 = arith.index_cast %swap3A_428 : i32 to index
    %swap3A_430 = arith.constant 16 : index
    %swap3A_431 = tpu.vector_load %arg7[%swap3A_429, %swap3A_430] {strides = array<i32>} : memref<9x256xf32, #tpu.memory_space<vmem>>, vector<1x16xf32>,
    %swap3A_432 = vector.shape_cast %swap3A_431 : vector<1x16xf32> to vector<16xf32>
    %swap3A_433 = vector.shape_cast %broadcast_in_dim3A_38 : vector<16xf32> to vector<1x16xf32>
    tpu.vector_store %arg7[%swap3A_429, %swap3A_430], %swap3A_433 {strides = array<i32>} : memref<9x256xf32, #tpu.memory_space<vmem>>, vector<1x16xf32>,
    %swap3A_434 = arith.constant 4 : i32
    %swap3A_435 = arith.index_cast %swap3A_434 : i32 to index
    %swap3A_436 = arith.constant 32 : index
    %swap3A_437 = tpu.vector_load %arg7[%swap3A_435, %swap3A_436] {strides = array<i32>} : memref<9x256xf32, #tpu.memory_space<vmem>>, vector<1x16xf32>,
    %swap3A_438 = vector.shape_cast %swap3A_437 : vector<1x16xf32> to vector<16xf32>
    %swap3A_439 = vector.shape_cast %broadcast_in_dim3A_38 : vector<16xf32> to vector<1x16xf32>
    tpu.vector_store %arg7[%swap3A_435, %swap3A_436], %swap3A_439 {strides = array<i32>} : memref<9x256xf32, #tpu.memory_space<vmem>>, vector<1x16xf32>,
    %swap3A_440 = arith.constant 4 : i32
    %swap3A_441 = arith.index_cast %swap3A_440 : i32 to index
    %swap3A_442 = arith.constant 48 : index
    %swap3A_443 = tpu.vector_load %arg7[%swap3A_441, %swap3A_442] {strides = array<i32>} : memref<9x256xf32, #tpu.memory_space<vmem>>, vector<1x16xf32>,
    %swap3A_444 = vector.shape_cast %swap3A_443 : vector<1x16xf32> to vector<16xf32>
    %swap3A_445 = vector.shape_cast %broadcast_in_dim3A_38 : vector<16xf32> to vector<1x16xf32>
    tpu.vector_store %arg7[%swap3A_441, %swap3A_442], %swap3A_445 {strides = array<i32>} : memref<9x256xf32, #tpu.memory_space<vmem>>, vector<1x16xf32>,
    %swap3A_446 = arith.constant 4 : i32
    %swap3A_447 = arith.index_cast %swap3A_446 : i32 to index
    %swap3A_448 = arith.constant 64 : index
    %swap3A_449 = tpu.vector_load %arg7[%swap3A_447, %swap3A_448] {strides = array<i32>} : memref<9x256xf32, #tpu.memory_space<vmem>>, vector<1x16xf32>,
    %swap3A_450 = vector.shape_cast %swap3A_449 : vector<1x16xf32> to vector<16xf32>
    %swap3A_451 = vector.shape_cast %broadcast_in_dim3A_38 : vector<16xf32> to vector<1x16xf32>
    tpu.vector_store %arg7[%swap3A_447, %swap3A_448], %swap3A_451 {strides = array<i32>} : memref<9x256xf32, #tpu.memory_space<vmem>>, vector<1x16xf32>,
    %swap3A_452 = arith.constant 4 : i32
    %swap3A_453 = arith.index_cast %swap3A_452 : i32 to index
    %swap3A_454 = arith.constant 80 : index
    %swap3A_455 = tpu.vector_load %arg7[%swap3A_453, %swap3A_454] {strides = array<i32>} : memref<9x256xf32, #tpu.memory_space<vmem>>, vector<1x16xf32>,
    %swap3A_456 = vector.shape_cast %swap3A_455 : vector<1x16xf32> to vector<16xf32>
    %swap3A_457 = vector.shape_cast %broadcast_in_dim3A_38 : vector<16xf32> to vector<1x16xf32>
    tpu.vector_store %arg7[%swap3A_453, %swap3A_454], %swap3A_457 {strides = array<i32>} : memref<9x256xf32, #tpu.memory_space<vmem>>, vector<1x16xf32>,
    %swap3A_458 = arith.constant 4 : i32
    %swap3A_459 = arith.index_cast %swap3A_458 : i32 to index
    %swap3A_460 = arith.constant 96 : index
    %swap3A_461 = tpu.vector_load %arg7[%swap3A_459, %swap3A_460] {strides = array<i32>} : memref<9x256xf32, #tpu.memory_space<vmem>>, vector<1x16xf32>,
    %swap3A_462 = vector.shape_cast %swap3A_461 : vector<1x16xf32> to vector<16xf32>
    %swap3A_463 = vector.shape_cast %broadcast_in_dim3A_38 : vector<16xf32> to vector<1x16xf32>
    tpu.vector_store %arg7[%swap3A_459, %swap3A_460], %swap3A_463 {strides = array<i32>} : memref<9x256xf32, #tpu.memory_space<vmem>>, vector<1x16xf32>,
    %swap3A_464 = arith.constant 4 : i32
    %swap3A_465 = arith.index_cast %swap3A_464 : i32 to index
    %swap3A_466 = arith.constant 112 : index
    %swap3A_467 = tpu.vector_load %arg7[%swap3A_465, %swap3A_466] {strides = array<i32>} : memref<9x256xf32, #tpu.memory_space<vmem>>, vector<1x16xf32>,
    %swap3A_468 = vector.shape_cast %swap3A_467 : vector<1x16xf32> to vector<16xf32>
    %swap3A_469 = vector.shape_cast %broadcast_in_dim3A_38 : vector<16xf32> to vector<1x16xf32>
    tpu.vector_store %arg7[%swap3A_465, %swap3A_466], %swap3A_469 {strides = array<i32>} : memref<9x256xf32, #tpu.memory_space<vmem>>, vector<1x16xf32>,
    %swap3A_470 = arith.constant 4 : i32
    %swap3A_471 = arith.index_cast %swap3A_470 : i32 to index
    %swap3A_472 = arith.constant 128 : index
    %swap3A_473 = tpu.vector_load %arg7[%swap3A_471, %swap3A_472] {strides = array<i32>} : memref<9x256xf32, #tpu.memory_space<vmem>>, vector<1x16xf32>,
    %swap3A_474 = vector.shape_cast %swap3A_473 : vector<1x16xf32> to vector<16xf32>
    %swap3A_475 = vector.shape_cast %broadcast_in_dim3A_38 : vector<16xf32> to vector<1x16xf32>
    tpu.vector_store %arg7[%swap3A_471, %swap3A_472], %swap3A_475 {strides = array<i32>} : memref<9x256xf32, #tpu.memory_space<vmem>>, vector<1x16xf32>,
    %swap3A_476 = arith.constant 4 : i32
    %swap3A_477 = arith.index_cast %swap3A_476 : i32 to index
    %swap3A_478 = arith.constant 144 : index
    %swap3A_479 = tpu.vector_load %arg7[%swap3A_477, %swap3A_478] {strides = array<i32>} : memref<9x256xf32, #tpu.memory_space<vmem>>, vector<1x16xf32>,
    %swap3A_480 = vector.shape_cast %swap3A_479 : vector<1x16xf32> to vector<16xf32>
    %swap3A_481 = vector.shape_cast %broadcast_in_dim3A_38 : vector<16xf32> to vector<1x16xf32>
    tpu.vector_store %arg7[%swap3A_477, %swap3A_478], %swap3A_481 {strides = array<i32>} : memref<9x256xf32, #tpu.memory_space<vmem>>, vector<1x16xf32>,
    %swap3A_482 = arith.constant 4 : i32
    %swap3A_483 = arith.index_cast %swap3A_482 : i32 to index
    %swap3A_484 = arith.constant 160 : index
    %swap3A_485 = tpu.vector_load %arg7[%swap3A_483, %swap3A_484] {strides = array<i32>} : memref<9x256xf32, #tpu.memory_space<vmem>>, vector<1x16xf32>,
    %swap3A_486 = vector.shape_cast %swap3A_485 : vector<1x16xf32> to vector<16xf32>
    %swap3A_487 = vector.shape_cast %broadcast_in_dim3A_38 : vector<16xf32> to vector<1x16xf32>
    tpu.vector_store %arg7[%swap3A_483, %swap3A_484], %swap3A_487 {strides = array<i32>} : memref<9x256xf32, #tpu.memory_space<vmem>>, vector<1x16xf32>,
    %swap3A_488 = arith.constant 4 : i32
    %swap3A_489 = arith.index_cast %swap3A_488 : i32 to index
    %swap3A_490 = arith.constant 176 : index
    %swap3A_491 = tpu.vector_load %arg7[%swap3A_489, %swap3A_490] {strides = array<i32>} : memref<9x256xf32, #tpu.memory_space<vmem>>, vector<1x16xf32>,
    %swap3A_492 = vector.shape_cast %swap3A_491 : vector<1x16xf32> to vector<16xf32>
    %swap3A_493 = vector.shape_cast %broadcast_in_dim3A_38 : vector<16xf32> to vector<1x16xf32>
    tpu.vector_store %arg7[%swap3A_489, %swap3A_490], %swap3A_493 {strides = array<i32>} : memref<9x256xf32, #tpu.memory_space<vmem>>, vector<1x16xf32>,
    %swap3A_494 = arith.constant 4 : i32
    %swap3A_495 = arith.index_cast %swap3A_494 : i32 to index
    %swap3A_496 = arith.constant 192 : index
    %swap3A_497 = tpu.vector_load %arg7[%swap3A_495, %swap3A_496] {strides = array<i32>} : memref<9x256xf32, #tpu.memory_space<vmem>>, vector<1x16xf32>,
    %swap3A_498 = vector.shape_cast %swap3A_497 : vector<1x16xf32> to vector<16xf32>
    %swap3A_499 = vector.shape_cast %broadcast_in_dim3A_38 : vector<16xf32> to vector<1x16xf32>
    tpu.vector_store %arg7[%swap3A_495, %swap3A_496], %swap3A_499 {strides = array<i32>} : memref<9x256xf32, #tpu.memory_space<vmem>>, vector<1x16xf32>,
    %swap3A_500 = arith.constant 4 : i32
    %swap3A_501 = arith.index_cast %swap3A_500 : i32 to index
    %swap3A_502 = arith.constant 208 : index
    %swap3A_503 = tpu.vector_load %arg7[%swap3A_501, %swap3A_502] {strides = array<i32>} : memref<9x256xf32, #tpu.memory_space<vmem>>, vector<1x16xf32>,
    %swap3A_504 = vector.shape_cast %swap3A_503 : vector<1x16xf32> to vector<16xf32>
    %swap3A_505 = vector.shape_cast %broadcast_in_dim3A_38 : vector<16xf32> to vector<1x16xf32>
    tpu.vector_store %arg7[%swap3A_501, %swap3A_502], %swap3A_505 {strides = array<i32>} : memref<9x256xf32, #tpu.memory_space<vmem>>, vector<1x16xf32>,
    %swap3A_506 = arith.constant 4 : i32
    %swap3A_507 = arith.index_cast %swap3A_506 : i32 to index
    %swap3A_508 = arith.constant 224 : index
    %swap3A_509 = tpu.vector_load %arg7[%swap3A_507, %swap3A_508] {strides = array<i32>} : memref<9x256xf32, #tpu.memory_space<vmem>>, vector<1x16xf32>,
    %swap3A_510 = vector.shape_cast %swap3A_509 : vector<1x16xf32> to vector<16xf32>
    %swap3A_511 = vector.shape_cast %broadcast_in_dim3A_38 : vector<16xf32> to vector<1x16xf32>
    tpu.vector_store %arg7[%swap3A_507, %swap3A_508], %swap3A_511 {strides = array<i32>} : memref<9x256xf32, #tpu.memory_space<vmem>>, vector<1x16xf32>,
    %swap3A_512 = arith.constant 4 : i32
    %swap3A_513 = arith.index_cast %swap3A_512 : i32 to index
    %swap3A_514 = arith.constant 240 : index
    %swap3A_515 = tpu.vector_load %arg7[%swap3A_513, %swap3A_514] {strides = array<i32>} : memref<9x256xf32, #tpu.memory_space<vmem>>, vector<1x16xf32>,
    %swap3A_516 = vector.shape_cast %swap3A_515 : vector<1x16xf32> to vector<16xf32>
    %swap3A_517 = vector.shape_cast %broadcast_in_dim3A_38 : vector<16xf32> to vector<1x16xf32>
    tpu.vector_store %arg7[%swap3A_513, %swap3A_514], %swap3A_517 {strides = array<i32>} : memref<9x256xf32, #tpu.memory_space<vmem>>, vector<1x16xf32>,
    %swap3A_518 = arith.constant 5 : i32
    %swap3A_519 = arith.index_cast %swap3A_518 : i32 to index
    %swap3A_520 = arith.constant 0 : index
    %swap3A_521 = tpu.vector_load %arg7[%swap3A_519, %swap3A_520] {strides = array<i32>} : memref<9x256xf32, #tpu.memory_space<vmem>>, vector<1x16xf32>,
    %swap3A_522 = vector.shape_cast %swap3A_521 : vector<1x16xf32> to vector<16xf32>
    %swap3A_523 = vector.shape_cast %broadcast_in_dim3A_38 : vector<16xf32> to vector<1x16xf32>
    tpu.vector_store %arg7[%swap3A_519, %swap3A_520], %swap3A_523 {strides = array<i32>} : memref<9x256xf32, #tpu.memory_space<vmem>>, vector<1x16xf32>,
    %swap3A_524 = arith.constant 5 : i32
    %swap3A_525 = arith.index_cast %swap3A_524 : i32 to index
    %swap3A_526 = arith.constant 16 : index
    %swap3A_527 = tpu.vector_load %arg7[%swap3A_525, %swap3A_526] {strides = array<i32>} : memref<9x256xf32, #tpu.memory_space<vmem>>, vector<1x16xf32>,
    %swap3A_528 = vector.shape_cast %swap3A_527 : vector<1x16xf32> to vector<16xf32>
    %swap3A_529 = vector.shape_cast %broadcast_in_dim3A_38 : vector<16xf32> to vector<1x16xf32>
    tpu.vector_store %arg7[%swap3A_525, %swap3A_526], %swap3A_529 {strides = array<i32>} : memref<9x256xf32, #tpu.memory_space<vmem>>, vector<1x16xf32>,
    %swap3A_530 = arith.constant 5 : i32
    %swap3A_531 = arith.index_cast %swap3A_530 : i32 to index
    %swap3A_532 = arith.constant 32 : index
    %swap3A_533 = tpu.vector_load %arg7[%swap3A_531, %swap3A_532] {strides = array<i32>} : memref<9x256xf32, #tpu.memory_space<vmem>>, vector<1x16xf32>,
    %swap3A_534 = vector.shape_cast %swap3A_533 : vector<1x16xf32> to vector<16xf32>
    %swap3A_535 = vector.shape_cast %broadcast_in_dim3A_38 : vector<16xf32> to vector<1x16xf32>
    tpu.vector_store %arg7[%swap3A_531, %swap3A_532], %swap3A_535 {strides = array<i32>} : memref<9x256xf32, #tpu.memory_space<vmem>>, vector<1x16xf32>,
    %swap3A_536 = arith.constant 5 : i32
    %swap3A_537 = arith.index_cast %swap3A_536 : i32 to index
    %swap3A_538 = arith.constant 48 : index
    %swap3A_539 = tpu.vector_load %arg7[%swap3A_537, %swap3A_538] {strides = array<i32>} : memref<9x256xf32, #tpu.memory_space<vmem>>, vector<1x16xf32>,
    %swap3A_540 = vector.shape_cast %swap3A_539 : vector<1x16xf32> to vector<16xf32>
    %swap3A_541 = vector.shape_cast %broadcast_in_dim3A_38 : vector<16xf32> to vector<1x16xf32>
    tpu.vector_store %arg7[%swap3A_537, %swap3A_538], %swap3A_541 {strides = array<i32>} : memref<9x256xf32, #tpu.memory_space<vmem>>, vector<1x16xf32>,
    %swap3A_542 = arith.constant 5 : i32
    %swap3A_543 = arith.index_cast %swap3A_542 : i32 to index
    %swap3A_544 = arith.constant 64 : index
    %swap3A_545 = tpu.vector_load %arg7[%swap3A_543, %swap3A_544] {strides = array<i32>} : memref<9x256xf32, #tpu.memory_space<vmem>>, vector<1x16xf32>,
    %swap3A_546 = vector.shape_cast %swap3A_545 : vector<1x16xf32> to vector<16xf32>
    %swap3A_547 = vector.shape_cast %broadcast_in_dim3A_38 : vector<16xf32> to vector<1x16xf32>
    tpu.vector_store %arg7[%swap3A_543, %swap3A_544], %swap3A_547 {strides = array<i32>} : memref<9x256xf32, #tpu.memory_space<vmem>>, vector<1x16xf32>,
    %swap3A_548 = arith.constant 5 : i32
    %swap3A_549 = arith.index_cast %swap3A_548 : i32 to index
    %swap3A_550 = arith.constant 80 : index
    %swap3A_551 = tpu.vector_load %arg7[%swap3A_549, %swap3A_550] {strides = array<i32>} : memref<9x256xf32, #tpu.memory_space<vmem>>, vector<1x16xf32>,
    %swap3A_552 = vector.shape_cast %swap3A_551 : vector<1x16xf32> to vector<16xf32>
    %swap3A_553 = vector.shape_cast %broadcast_in_dim3A_38 : vector<16xf32> to vector<1x16xf32>
    tpu.vector_store %arg7[%swap3A_549, %swap3A_550], %swap3A_553 {strides = array<i32>} : memref<9x256xf32, #tpu.memory_space<vmem>>, vector<1x16xf32>,
    %swap3A_554 = arith.constant 5 : i32
    %swap3A_555 = arith.index_cast %swap3A_554 : i32 to index
    %swap3A_556 = arith.constant 96 : index
    %swap3A_557 = tpu.vector_load %arg7[%swap3A_555, %swap3A_556] {strides = array<i32>} : memref<9x256xf32, #tpu.memory_space<vmem>>, vector<1x16xf32>,
    %swap3A_558 = vector.shape_cast %swap3A_557 : vector<1x16xf32> to vector<16xf32>
    %swap3A_559 = vector.shape_cast %broadcast_in_dim3A_38 : vector<16xf32> to vector<1x16xf32>
    tpu.vector_store %arg7[%swap3A_555, %swap3A_556], %swap3A_559 {strides = array<i32>} : memref<9x256xf32, #tpu.memory_space<vmem>>, vector<1x16xf32>,
    %swap3A_560 = arith.constant 5 : i32
    %swap3A_561 = arith.index_cast %swap3A_560 : i32 to index
    %swap3A_562 = arith.constant 112 : index
    %swap3A_563 = tpu.vector_load %arg7[%swap3A_561, %swap3A_562] {strides = array<i32>} : memref<9x256xf32, #tpu.memory_space<vmem>>, vector<1x16xf32>,
    %swap3A_564 = vector.shape_cast %swap3A_563 : vector<1x16xf32> to vector<16xf32>
    %swap3A_565 = vector.shape_cast %broadcast_in_dim3A_38 : vector<16xf32> to vector<1x16xf32>
    tpu.vector_store %arg7[%swap3A_561, %swap3A_562], %swap3A_565 {strides = array<i32>} : memref<9x256xf32, #tpu.memory_space<vmem>>, vector<1x16xf32>,
    %swap3A_566 = arith.constant 5 : i32
    %swap3A_567 = arith.index_cast %swap3A_566 : i32 to index
    %swap3A_568 = arith.constant 128 : index
    %swap3A_569 = tpu.vector_load %arg7[%swap3A_567, %swap3A_568] {strides = array<i32>} : memref<9x256xf32, #tpu.memory_space<vmem>>, vector<1x16xf32>,
    %swap3A_570 = vector.shape_cast %swap3A_569 : vector<1x16xf32> to vector<16xf32>
    %swap3A_571 = vector.shape_cast %broadcast_in_dim3A_38 : vector<16xf32> to vector<1x16xf32>
    tpu.vector_store %arg7[%swap3A_567, %swap3A_568], %swap3A_571 {strides = array<i32>} : memref<9x256xf32, #tpu.memory_space<vmem>>, vector<1x16xf32>,
    %swap3A_572 = arith.constant 5 : i32
    %swap3A_573 = arith.index_cast %swap3A_572 : i32 to index
    %swap3A_574 = arith.constant 144 : index
    %swap3A_575 = tpu.vector_load %arg7[%swap3A_573, %swap3A_574] {strides = array<i32>} : memref<9x256xf32, #tpu.memory_space<vmem>>, vector<1x16xf32>,
    %swap3A_576 = vector.shape_cast %swap3A_575 : vector<1x16xf32> to vector<16xf32>
    %swap3A_577 = vector.shape_cast %broadcast_in_dim3A_38 : vector<16xf32> to vector<1x16xf32>
    tpu.vector_store %arg7[%swap3A_573, %swap3A_574], %swap3A_577 {strides = array<i32>} : memref<9x256xf32, #tpu.memory_space<vmem>>, vector<1x16xf32>,
    %swap3A_578 = arith.constant 5 : i32
    %swap3A_579 = arith.index_cast %swap3A_578 : i32 to index
    %swap3A_580 = arith.constant 160 : index
    %swap3A_581 = tpu.vector_load %arg7[%swap3A_579, %swap3A_580] {strides = array<i32>} : memref<9x256xf32, #tpu.memory_space<vmem>>, vector<1x16xf32>,
    %swap3A_582 = vector.shape_cast %swap3A_581 : vector<1x16xf32> to vector<16xf32>
    %swap3A_583 = vector.shape_cast %broadcast_in_dim3A_38 : vector<16xf32> to vector<1x16xf32>
    tpu.vector_store %arg7[%swap3A_579, %swap3A_580], %swap3A_583 {strides = array<i32>} : memref<9x256xf32, #tpu.memory_space<vmem>>, vector<1x16xf32>,
    %swap3A_584 = arith.constant 5 : i32
    %swap3A_585 = arith.index_cast %swap3A_584 : i32 to index
    %swap3A_586 = arith.constant 176 : index
    %swap3A_587 = tpu.vector_load %arg7[%swap3A_585, %swap3A_586] {strides = array<i32>} : memref<9x256xf32, #tpu.memory_space<vmem>>, vector<1x16xf32>,
    %swap3A_588 = vector.shape_cast %swap3A_587 : vector<1x16xf32> to vector<16xf32>
    %swap3A_589 = vector.shape_cast %broadcast_in_dim3A_38 : vector<16xf32> to vector<1x16xf32>
    tpu.vector_store %arg7[%swap3A_585, %swap3A_586], %swap3A_589 {strides = array<i32>} : memref<9x256xf32, #tpu.memory_space<vmem>>, vector<1x16xf32>,
    %swap3A_590 = arith.constant 5 : i32
    %swap3A_591 = arith.index_cast %swap3A_590 : i32 to index
    %swap3A_592 = arith.constant 192 : index
    %swap3A_593 = tpu.vector_load %arg7[%swap3A_591, %swap3A_592] {strides = array<i32>} : memref<9x256xf32, #tpu.memory_space<vmem>>, vector<1x16xf32>,
    %swap3A_594 = vector.shape_cast %swap3A_593 : vector<1x16xf32> to vector<16xf32>
    %swap3A_595 = vector.shape_cast %broadcast_in_dim3A_38 : vector<16xf32> to vector<1x16xf32>
    tpu.vector_store %arg7[%swap3A_591, %swap3A_592], %swap3A_595 {strides = array<i32>} : memref<9x256xf32, #tpu.memory_space<vmem>>, vector<1x16xf32>,
    %swap3A_596 = arith.constant 5 : i32
    %swap3A_597 = arith.index_cast %swap3A_596 : i32 to index
    %swap3A_598 = arith.constant 208 : index
    %swap3A_599 = tpu.vector_load %arg7[%swap3A_597, %swap3A_598] {strides = array<i32>} : memref<9x256xf32, #tpu.memory_space<vmem>>, vector<1x16xf32>,
    %swap3A_600 = vector.shape_cast %swap3A_599 : vector<1x16xf32> to vector<16xf32>
    %swap3A_601 = vector.shape_cast %broadcast_in_dim3A_38 : vector<16xf32> to vector<1x16xf32>
    tpu.vector_store %arg7[%swap3A_597, %swap3A_598], %swap3A_601 {strides = array<i32>} : memref<9x256xf32, #tpu.memory_space<vmem>>, vector<1x16xf32>,
    %swap3A_602 = arith.constant 5 : i32
    %swap3A_603 = arith.index_cast %swap3A_602 : i32 to index
    %swap3A_604 = arith.constant 224 : index
    %swap3A_605 = tpu.vector_load %arg7[%swap3A_603, %swap3A_604] {strides = array<i32>} : memref<9x256xf32, #tpu.memory_space<vmem>>, vector<1x16xf32>,
    %swap3A_606 = vector.shape_cast %swap3A_605 : vector<1x16xf32> to vector<16xf32>
    %swap3A_607 = vector.shape_cast %broadcast_in_dim3A_38 : vector<16xf32> to vector<1x16xf32>
    tpu.vector_store %arg7[%swap3A_603, %swap3A_604], %swap3A_607 {strides = array<i32>} : memref<9x256xf32, #tpu.memory_space<vmem>>, vector<1x16xf32>,
    %swap3A_608 = arith.constant 5 : i32
    %swap3A_609 = arith.index_cast %swap3A_608 : i32 to index
    %swap3A_610 = arith.constant 240 : index
    %swap3A_611 = tpu.vector_load %arg7[%swap3A_609, %swap3A_610] {strides = array<i32>} : memref<9x256xf32, #tpu.memory_space<vmem>>, vector<1x16xf32>,
    %swap3A_612 = vector.shape_cast %swap3A_611 : vector<1x16xf32> to vector<16xf32>
    %swap3A_613 = vector.shape_cast %broadcast_in_dim3A_38 : vector<16xf32> to vector<1x16xf32>
    tpu.vector_store %arg7[%swap3A_609, %swap3A_610], %swap3A_613 {strides = array<i32>} : memref<9x256xf32, #tpu.memory_space<vmem>>, vector<1x16xf32>,
    %swap3A_614 = arith.constant 6 : i32
    %swap3A_615 = arith.index_cast %swap3A_614 : i32 to index
    %swap3A_616 = arith.constant 0 : index
    %swap3A_617 = tpu.vector_load %arg7[%swap3A_615, %swap3A_616] {strides = array<i32>} : memref<9x256xf32, #tpu.memory_space<vmem>>, vector<1x16xf32>,
    %swap3A_618 = vector.shape_cast %swap3A_617 : vector<1x16xf32> to vector<16xf32>
    %swap3A_619 = vector.shape_cast %broadcast_in_dim3A_38 : vector<16xf32> to vector<1x16xf32>
    tpu.vector_store %arg7[%swap3A_615, %swap3A_616], %swap3A_619 {strides = array<i32>} : memref<9x256xf32, #tpu.memory_space<vmem>>, vector<1x16xf32>,
    %swap3A_620 = arith.constant 6 : i32
    %swap3A_621 = arith.index_cast %swap3A_620 : i32 to index
    %swap3A_622 = arith.constant 16 : index
    %swap3A_623 = tpu.vector_load %arg7[%swap3A_621, %swap3A_622] {strides = array<i32>} : memref<9x256xf32, #tpu.memory_space<vmem>>, vector<1x16xf32>,
    %swap3A_624 = vector.shape_cast %swap3A_623 : vector<1x16xf32> to vector<16xf32>
    %swap3A_625 = vector.shape_cast %broadcast_in_dim3A_38 : vector<16xf32> to vector<1x16xf32>
    tpu.vector_store %arg7[%swap3A_621, %swap3A_622], %swap3A_625 {strides = array<i32>} : memref<9x256xf32, #tpu.memory_space<vmem>>, vector<1x16xf32>,
    %swap3A_626 = arith.constant 6 : i32
    %swap3A_627 = arith.index_cast %swap3A_626 : i32 to index
    %swap3A_628 = arith.constant 32 : index
    %swap3A_629 = tpu.vector_load %arg7[%swap3A_627, %swap3A_628] {strides = array<i32>} : memref<9x256xf32, #tpu.memory_space<vmem>>, vector<1x16xf32>,
    %swap3A_630 = vector.shape_cast %swap3A_629 : vector<1x16xf32> to vector<16xf32>
    %swap3A_631 = vector.shape_cast %broadcast_in_dim3A_38 : vector<16xf32> to vector<1x16xf32>
    tpu.vector_store %arg7[%swap3A_627, %swap3A_628], %swap3A_631 {strides = array<i32>} : memref<9x256xf32, #tpu.memory_space<vmem>>, vector<1x16xf32>,
    %swap3A_632 = arith.constant 6 : i32
    %swap3A_633 = arith.index_cast %swap3A_632 : i32 to index
    %swap3A_634 = arith.constant 48 : index
    %swap3A_635 = tpu.vector_load %arg7[%swap3A_633, %swap3A_634] {strides = array<i32>} : memref<9x256xf32, #tpu.memory_space<vmem>>, vector<1x16xf32>,
    %swap3A_636 = vector.shape_cast %swap3A_635 : vector<1x16xf32> to vector<16xf32>
    %swap3A_637 = vector.shape_cast %broadcast_in_dim3A_38 : vector<16xf32> to vector<1x16xf32>
    tpu.vector_store %arg7[%swap3A_633, %swap3A_634], %swap3A_637 {strides = array<i32>} : memref<9x256xf32, #tpu.memory_space<vmem>>, vector<1x16xf32>,
    %swap3A_638 = arith.constant 6 : i32
    %swap3A_639 = arith.index_cast %swap3A_638 : i32 to index
    %swap3A_640 = arith.constant 64 : index
    %swap3A_641 = tpu.vector_load %arg7[%swap3A_639, %swap3A_640] {strides = array<i32>} : memref<9x256xf32, #tpu.memory_space<vmem>>, vector<1x16xf32>,
    %swap3A_642 = vector.shape_cast %swap3A_641 : vector<1x16xf32> to vector<16xf32>
    %swap3A_643 = vector.shape_cast %broadcast_in_dim3A_38 : vector<16xf32> to vector<1x16xf32>
    tpu.vector_store %arg7[%swap3A_639, %swap3A_640], %swap3A_643 {strides = array<i32>} : memref<9x256xf32, #tpu.memory_space<vmem>>, vector<1x16xf32>,
    %swap3A_644 = arith.constant 6 : i32
    %swap3A_645 = arith.index_cast %swap3A_644 : i32 to index
    %swap3A_646 = arith.constant 80 : index
    %swap3A_647 = tpu.vector_load %arg7[%swap3A_645, %swap3A_646] {strides = array<i32>} : memref<9x256xf32, #tpu.memory_space<vmem>>, vector<1x16xf32>,
    %swap3A_648 = vector.shape_cast %swap3A_647 : vector<1x16xf32> to vector<16xf32>
    %swap3A_649 = vector.shape_cast %broadcast_in_dim3A_38 : vector<16xf32> to vector<1x16xf32>
    tpu.vector_store %arg7[%swap3A_645, %swap3A_646], %swap3A_649 {strides = array<i32>} : memref<9x256xf32, #tpu.memory_space<vmem>>, vector<1x16xf32>,
    %swap3A_650 = arith.constant 6 : i32
    %swap3A_651 = arith.index_cast %swap3A_650 : i32 to index
    %swap3A_652 = arith.constant 96 : index
    %swap3A_653 = tpu.vector_load %arg7[%swap3A_651, %swap3A_652] {strides = array<i32>} : memref<9x256xf32, #tpu.memory_space<vmem>>, vector<1x16xf32>,
    %swap3A_654 = vector.shape_cast %swap3A_653 : vector<1x16xf32> to vector<16xf32>
    %swap3A_655 = vector.shape_cast %broadcast_in_dim3A_38 : vector<16xf32> to vector<1x16xf32>
    tpu.vector_store %arg7[%swap3A_651, %swap3A_652], %swap3A_655 {strides = array<i32>} : memref<9x256xf32, #tpu.memory_space<vmem>>, vector<1x16xf32>,
    %swap3A_656 = arith.constant 6 : i32
    %swap3A_657 = arith.index_cast %swap3A_656 : i32 to index
    %swap3A_658 = arith.constant 112 : index
    %swap3A_659 = tpu.vector_load %arg7[%swap3A_657, %swap3A_658] {strides = array<i32>} : memref<9x256xf32, #tpu.memory_space<vmem>>, vector<1x16xf32>,
    %swap3A_660 = vector.shape_cast %swap3A_659 : vector<1x16xf32> to vector<16xf32>
    %swap3A_661 = vector.shape_cast %broadcast_in_dim3A_38 : vector<16xf32> to vector<1x16xf32>
    tpu.vector_store %arg7[%swap3A_657, %swap3A_658], %swap3A_661 {strides = array<i32>} : memref<9x256xf32, #tpu.memory_space<vmem>>, vector<1x16xf32>,
    %swap3A_662 = arith.constant 6 : i32
    %swap3A_663 = arith.index_cast %swap3A_662 : i32 to index
    %swap3A_664 = arith.constant 128 : index
    %swap3A_665 = tpu.vector_load %arg7[%swap3A_663, %swap3A_664] {strides = array<i32>} : memref<9x256xf32, #tpu.memory_space<vmem>>, vector<1x16xf32>,
    %swap3A_666 = vector.shape_cast %swap3A_665 : vector<1x16xf32> to vector<16xf32>
    %swap3A_667 = vector.shape_cast %broadcast_in_dim3A_38 : vector<16xf32> to vector<1x16xf32>
    tpu.vector_store %arg7[%swap3A_663, %swap3A_664], %swap3A_667 {strides = array<i32>} : memref<9x256xf32, #tpu.memory_space<vmem>>, vector<1x16xf32>,
    %swap3A_668 = arith.constant 6 : i32
    %swap3A_669 = arith.index_cast %swap3A_668 : i32 to index
    %swap3A_670 = arith.constant 144 : index
    %swap3A_671 = tpu.vector_load %arg7[%swap3A_669, %swap3A_670] {strides = array<i32>} : memref<9x256xf32, #tpu.memory_space<vmem>>, vector<1x16xf32>,
    %swap3A_672 = vector.shape_cast %swap3A_671 : vector<1x16xf32> to vector<16xf32>
    %swap3A_673 = vector.shape_cast %broadcast_in_dim3A_38 : vector<16xf32> to vector<1x16xf32>
    tpu.vector_store %arg7[%swap3A_669, %swap3A_670], %swap3A_673 {strides = array<i32>} : memref<9x256xf32, #tpu.memory_space<vmem>>, vector<1x16xf32>,
    %swap3A_674 = arith.constant 6 : i32
    %swap3A_675 = arith.index_cast %swap3A_674 : i32 to index
    %swap3A_676 = arith.constant 160 : index
    %swap3A_677 = tpu.vector_load %arg7[%swap3A_675, %swap3A_676] {strides = array<i32>} : memref<9x256xf32, #tpu.memory_space<vmem>>, vector<1x16xf32>,
    %swap3A_678 = vector.shape_cast %swap3A_677 : vector<1x16xf32> to vector<16xf32>
    %swap3A_679 = vector.shape_cast %broadcast_in_dim3A_38 : vector<16xf32> to vector<1x16xf32>
    tpu.vector_store %arg7[%swap3A_675, %swap3A_676], %swap3A_679 {strides = array<i32>} : memref<9x256xf32, #tpu.memory_space<vmem>>, vector<1x16xf32>,
    %swap3A_680 = arith.constant 6 : i32
    %swap3A_681 = arith.index_cast %swap3A_680 : i32 to index
    %swap3A_682 = arith.constant 176 : index
    %swap3A_683 = tpu.vector_load %arg7[%swap3A_681, %swap3A_682] {strides = array<i32>} : memref<9x256xf32, #tpu.memory_space<vmem>>, vector<1x16xf32>,
    %swap3A_684 = vector.shape_cast %swap3A_683 : vector<1x16xf32> to vector<16xf32>
    %swap3A_685 = vector.shape_cast %broadcast_in_dim3A_38 : vector<16xf32> to vector<1x16xf32>
    tpu.vector_store %arg7[%swap3A_681, %swap3A_682], %swap3A_685 {strides = array<i32>} : memref<9x256xf32, #tpu.memory_space<vmem>>, vector<1x16xf32>,
    %swap3A_686 = arith.constant 6 : i32
    %swap3A_687 = arith.index_cast %swap3A_686 : i32 to index
    %swap3A_688 = arith.constant 192 : index
    %swap3A_689 = tpu.vector_load %arg7[%swap3A_687, %swap3A_688] {strides = array<i32>} : memref<9x256xf32, #tpu.memory_space<vmem>>, vector<1x16xf32>,
    %swap3A_690 = vector.shape_cast %swap3A_689 : vector<1x16xf32> to vector<16xf32>
    %swap3A_691 = vector.shape_cast %broadcast_in_dim3A_38 : vector<16xf32> to vector<1x16xf32>
    tpu.vector_store %arg7[%swap3A_687, %swap3A_688], %swap3A_691 {strides = array<i32>} : memref<9x256xf32, #tpu.memory_space<vmem>>, vector<1x16xf32>,
    %swap3A_692 = arith.constant 6 : i32
    %swap3A_693 = arith.index_cast %swap3A_692 : i32 to index
    %swap3A_694 = arith.constant 208 : index
    %swap3A_695 = tpu.vector_load %arg7[%swap3A_693, %swap3A_694] {strides = array<i32>} : memref<9x256xf32, #tpu.memory_space<vmem>>, vector<1x16xf32>,
    %swap3A_696 = vector.shape_cast %swap3A_695 : vector<1x16xf32> to vector<16xf32>
    %swap3A_697 = vector.shape_cast %broadcast_in_dim3A_38 : vector<16xf32> to vector<1x16xf32>
    tpu.vector_store %arg7[%swap3A_693, %swap3A_694], %swap3A_697 {strides = array<i32>} : memref<9x256xf32, #tpu.memory_space<vmem>>, vector<1x16xf32>,
    %swap3A_698 = arith.constant 6 : i32
    %swap3A_699 = arith.index_cast %swap3A_698 : i32 to index
    %swap3A_700 = arith.constant 224 : index
    %swap3A_701 = tpu.vector_load %arg7[%swap3A_699, %swap3A_700] {strides = array<i32>} : memref<9x256xf32, #tpu.memory_space<vmem>>, vector<1x16xf32>,
    %swap3A_702 = vector.shape_cast %swap3A_701 : vector<1x16xf32> to vector<16xf32>
    %swap3A_703 = vector.shape_cast %broadcast_in_dim3A_38 : vector<16xf32> to vector<1x16xf32>
    tpu.vector_store %arg7[%swap3A_699, %swap3A_700], %swap3A_703 {strides = array<i32>} : memref<9x256xf32, #tpu.memory_space<vmem>>, vector<1x16xf32>,
    %swap3A_704 = arith.constant 6 : i32
    %swap3A_705 = arith.index_cast %swap3A_704 : i32 to index
    %swap3A_706 = arith.constant 240 : index
    %swap3A_707 = tpu.vector_load %arg7[%swap3A_705, %swap3A_706] {strides = array<i32>} : memref<9x256xf32, #tpu.memory_space<vmem>>, vector<1x16xf32>,
    %swap3A_708 = vector.shape_cast %swap3A_707 : vector<1x16xf32> to vector<16xf32>
    %swap3A_709 = vector.shape_cast %broadcast_in_dim3A_38 : vector<16xf32> to vector<1x16xf32>
    tpu.vector_store %arg7[%swap3A_705, %swap3A_706], %swap3A_709 {strides = array<i32>} : memref<9x256xf32, #tpu.memory_space<vmem>>, vector<1x16xf32>,
    %swap3A_710 = arith.constant 7 : i32
    %swap3A_711 = arith.index_cast %swap3A_710 : i32 to index
    %swap3A_712 = arith.constant 0 : index
    %swap3A_713 = tpu.vector_load %arg7[%swap3A_711, %swap3A_712] {strides = array<i32>} : memref<9x256xf32, #tpu.memory_space<vmem>>, vector<1x16xf32>,
    %swap3A_714 = vector.shape_cast %swap3A_713 : vector<1x16xf32> to vector<16xf32>
    %swap3A_715 = vector.shape_cast %broadcast_in_dim3A_38 : vector<16xf32> to vector<1x16xf32>
    tpu.vector_store %arg7[%swap3A_711, %swap3A_712], %swap3A_715 {strides = array<i32>} : memref<9x256xf32, #tpu.memory_space<vmem>>, vector<1x16xf32>,
    %swap3A_716 = arith.constant 7 : i32
    %swap3A_717 = arith.index_cast %swap3A_716 : i32 to index
    %swap3A_718 = arith.constant 16 : index
    %swap3A_719 = tpu.vector_load %arg7[%swap3A_717, %swap3A_718] {strides = array<i32>} : memref<9x256xf32, #tpu.memory_space<vmem>>, vector<1x16xf32>,
    %swap3A_720 = vector.shape_cast %swap3A_719 : vector<1x16xf32> to vector<16xf32>
    %swap3A_721 = vector.shape_cast %broadcast_in_dim3A_38 : vector<16xf32> to vector<1x16xf32>
    tpu.vector_store %arg7[%swap3A_717, %swap3A_718], %swap3A_721 {strides = array<i32>} : memref<9x256xf32, #tpu.memory_space<vmem>>, vector<1x16xf32>,
    %swap3A_722 = arith.constant 7 : i32
    %swap3A_723 = arith.index_cast %swap3A_722 : i32 to index
    %swap3A_724 = arith.constant 32 : index
    %swap3A_725 = tpu.vector_load %arg7[%swap3A_723, %swap3A_724] {strides = array<i32>} : memref<9x256xf32, #tpu.memory_space<vmem>>, vector<1x16xf32>,
    %swap3A_726 = vector.shape_cast %swap3A_725 : vector<1x16xf32> to vector<16xf32>
    %swap3A_727 = vector.shape_cast %broadcast_in_dim3A_38 : vector<16xf32> to vector<1x16xf32>
    tpu.vector_store %arg7[%swap3A_723, %swap3A_724], %swap3A_727 {strides = array<i32>} : memref<9x256xf32, #tpu.memory_space<vmem>>, vector<1x16xf32>,
    %swap3A_728 = arith.constant 7 : i32
    %swap3A_729 = arith.index_cast %swap3A_728 : i32 to index
    %swap3A_730 = arith.constant 48 : index
    %swap3A_731 = tpu.vector_load %arg7[%swap3A_729, %swap3A_730] {strides = array<i32>} : memref<9x256xf32, #tpu.memory_space<vmem>>, vector<1x16xf32>,
    %swap3A_732 = vector.shape_cast %swap3A_731 : vector<1x16xf32> to vector<16xf32>
    %swap3A_733 = vector.shape_cast %broadcast_in_dim3A_38 : vector<16xf32> to vector<1x16xf32>
    tpu.vector_store %arg7[%swap3A_729, %swap3A_730], %swap3A_733 {strides = array<i32>} : memref<9x256xf32, #tpu.memory_space<vmem>>, vector<1x16xf32>,
    %swap3A_734 = arith.constant 7 : i32
    %swap3A_735 = arith.index_cast %swap3A_734 : i32 to index
    %swap3A_736 = arith.constant 64 : index
    %swap3A_737 = tpu.vector_load %arg7[%swap3A_735, %swap3A_736] {strides = array<i32>} : memref<9x256xf32, #tpu.memory_space<vmem>>, vector<1x16xf32>,
    %swap3A_738 = vector.shape_cast %swap3A_737 : vector<1x16xf32> to vector<16xf32>
    %swap3A_739 = vector.shape_cast %broadcast_in_dim3A_38 : vector<16xf32> to vector<1x16xf32>
    tpu.vector_store %arg7[%swap3A_735, %swap3A_736], %swap3A_739 {strides = array<i32>} : memref<9x256xf32, #tpu.memory_space<vmem>>, vector<1x16xf32>,
    %swap3A_740 = arith.constant 7 : i32
    %swap3A_741 = arith.index_cast %swap3A_740 : i32 to index
    %swap3A_742 = arith.constant 80 : index
    %swap3A_743 = tpu.vector_load %arg7[%swap3A_741, %swap3A_742] {strides = array<i32>} : memref<9x256xf32, #tpu.memory_space<vmem>>, vector<1x16xf32>,
    %swap3A_744 = vector.shape_cast %swap3A_743 : vector<1x16xf32> to vector<16xf32>
    %swap3A_745 = vector.shape_cast %broadcast_in_dim3A_38 : vector<16xf32> to vector<1x16xf32>
    tpu.vector_store %arg7[%swap3A_741, %swap3A_742], %swap3A_745 {strides = array<i32>} : memref<9x256xf32, #tpu.memory_space<vmem>>, vector<1x16xf32>,
    %swap3A_746 = arith.constant 7 : i32
    %swap3A_747 = arith.index_cast %swap3A_746 : i32 to index
    %swap3A_748 = arith.constant 96 : index
    %swap3A_749 = tpu.vector_load %arg7[%swap3A_747, %swap3A_748] {strides = array<i32>} : memref<9x256xf32, #tpu.memory_space<vmem>>, vector<1x16xf32>,
    %swap3A_750 = vector.shape_cast %swap3A_749 : vector<1x16xf32> to vector<16xf32>
    %swap3A_751 = vector.shape_cast %broadcast_in_dim3A_38 : vector<16xf32> to vector<1x16xf32>
    tpu.vector_store %arg7[%swap3A_747, %swap3A_748], %swap3A_751 {strides = array<i32>} : memref<9x256xf32, #tpu.memory_space<vmem>>, vector<1x16xf32>,
    %swap3A_752 = arith.constant 7 : i32
    %swap3A_753 = arith.index_cast %swap3A_752 : i32 to index
    %swap3A_754 = arith.constant 112 : index
    %swap3A_755 = tpu.vector_load %arg7[%swap3A_753, %swap3A_754] {strides = array<i32>} : memref<9x256xf32, #tpu.memory_space<vmem>>, vector<1x16xf32>,
    %swap3A_756 = vector.shape_cast %swap3A_755 : vector<1x16xf32> to vector<16xf32>
    %swap3A_757 = vector.shape_cast %broadcast_in_dim3A_38 : vector<16xf32> to vector<1x16xf32>
    tpu.vector_store %arg7[%swap3A_753, %swap3A_754], %swap3A_757 {strides = array<i32>} : memref<9x256xf32, #tpu.memory_space<vmem>>, vector<1x16xf32>,
    %swap3A_758 = arith.constant 7 : i32
    %swap3A_759 = arith.index_cast %swap3A_758 : i32 to index
    %swap3A_760 = arith.constant 128 : index
    %swap3A_761 = tpu.vector_load %arg7[%swap3A_759, %swap3A_760] {strides = array<i32>} : memref<9x256xf32, #tpu.memory_space<vmem>>, vector<1x16xf32>,
    %swap3A_762 = vector.shape_cast %swap3A_761 : vector<1x16xf32> to vector<16xf32>
    %swap3A_763 = vector.shape_cast %broadcast_in_dim3A_38 : vector<16xf32> to vector<1x16xf32>
    tpu.vector_store %arg7[%swap3A_759, %swap3A_760], %swap3A_763 {strides = array<i32>} : memref<9x256xf32, #tpu.memory_space<vmem>>, vector<1x16xf32>,
    %swap3A_764 = arith.constant 7 : i32
    %swap3A_765 = arith.index_cast %swap3A_764 : i32 to index
    %swap3A_766 = arith.constant 144 : index
    %swap3A_767 = tpu.vector_load %arg7[%swap3A_765, %swap3A_766] {strides = array<i32>} : memref<9x256xf32, #tpu.memory_space<vmem>>, vector<1x16xf32>,
    %swap3A_768 = vector.shape_cast %swap3A_767 : vector<1x16xf32> to vector<16xf32>
    %swap3A_769 = vector.shape_cast %broadcast_in_dim3A_38 : vector<16xf32> to vector<1x16xf32>
    tpu.vector_store %arg7[%swap3A_765, %swap3A_766], %swap3A_769 {strides = array<i32>} : memref<9x256xf32, #tpu.memory_space<vmem>>, vector<1x16xf32>,
    %swap3A_770 = arith.constant 7 : i32
    %swap3A_771 = arith.index_cast %swap3A_770 : i32 to index
    %swap3A_772 = arith.constant 160 : index
    %swap3A_773 = tpu.vector_load %arg7[%swap3A_771, %swap3A_772] {strides = array<i32>} : memref<9x256xf32, #tpu.memory_space<vmem>>, vector<1x16xf32>,
    %swap3A_774 = vector.shape_cast %swap3A_773 : vector<1x16xf32> to vector<16xf32>
    %swap3A_775 = vector.shape_cast %broadcast_in_dim3A_38 : vector<16xf32> to vector<1x16xf32>
    tpu.vector_store %arg7[%swap3A_771, %swap3A_772], %swap3A_775 {strides = array<i32>} : memref<9x256xf32, #tpu.memory_space<vmem>>, vector<1x16xf32>,
    %swap3A_776 = arith.constant 7 : i32
    %swap3A_777 = arith.index_cast %swap3A_776 : i32 to index
    %swap3A_778 = arith.constant 176 : index
    %swap3A_779 = tpu.vector_load %arg7[%swap3A_777, %swap3A_778] {strides = array<i32>} : memref<9x256xf32, #tpu.memory_space<vmem>>, vector<1x16xf32>,
    %swap3A_780 = vector.shape_cast %swap3A_779 : vector<1x16xf32> to vector<16xf32>
    %swap3A_781 = vector.shape_cast %broadcast_in_dim3A_38 : vector<16xf32> to vector<1x16xf32>
    tpu.vector_store %arg7[%swap3A_777, %swap3A_778], %swap3A_781 {strides = array<i32>} : memref<9x256xf32, #tpu.memory_space<vmem>>, vector<1x16xf32>,
    %swap3A_782 = arith.constant 7 : i32
    %swap3A_783 = arith.index_cast %swap3A_782 : i32 to index
    %swap3A_784 = arith.constant 192 : index
    %swap3A_785 = tpu.vector_load %arg7[%swap3A_783, %swap3A_784] {strides = array<i32>} : memref<9x256xf32, #tpu.memory_space<vmem>>, vector<1x16xf32>,
    %swap3A_786 = vector.shape_cast %swap3A_785 : vector<1x16xf32> to vector<16xf32>
    %swap3A_787 = vector.shape_cast %broadcast_in_dim3A_38 : vector<16xf32> to vector<1x16xf32>
    tpu.vector_store %arg7[%swap3A_783, %swap3A_784], %swap3A_787 {strides = array<i32>} : memref<9x256xf32, #tpu.memory_space<vmem>>, vector<1x16xf32>,
    %swap3A_788 = arith.constant 7 : i32
    %swap3A_789 = arith.index_cast %swap3A_788 : i32 to index
    %swap3A_790 = arith.constant 208 : index
    %swap3A_791 = tpu.vector_load %arg7[%swap3A_789, %swap3A_790] {strides = array<i32>} : memref<9x256xf32, #tpu.memory_space<vmem>>, vector<1x16xf32>,
    %swap3A_792 = vector.shape_cast %swap3A_791 : vector<1x16xf32> to vector<16xf32>
    %swap3A_793 = vector.shape_cast %broadcast_in_dim3A_38 : vector<16xf32> to vector<1x16xf32>
    tpu.vector_store %arg7[%swap3A_789, %swap3A_790], %swap3A_793 {strides = array<i32>} : memref<9x256xf32, #tpu.memory_space<vmem>>, vector<1x16xf32>,
    %swap3A_794 = arith.constant 7 : i32
    %swap3A_795 = arith.index_cast %swap3A_794 : i32 to index
    %swap3A_796 = arith.constant 224 : index
    %swap3A_797 = tpu.vector_load %arg7[%swap3A_795, %swap3A_796] {strides = array<i32>} : memref<9x256xf32, #tpu.memory_space<vmem>>, vector<1x16xf32>,
    %swap3A_798 = vector.shape_cast %swap3A_797 : vector<1x16xf32> to vector<16xf32>
    %swap3A_799 = vector.shape_cast %broadcast_in_dim3A_38 : vector<16xf32> to vector<1x16xf32>
    tpu.vector_store %arg7[%swap3A_795, %swap3A_796], %swap3A_799 {strides = array<i32>} : memref<9x256xf32, #tpu.memory_space<vmem>>, vector<1x16xf32>,
    %swap3A_800 = arith.constant 7 : i32
    %swap3A_801 = arith.index_cast %swap3A_800 : i32 to index
    %swap3A_802 = arith.constant 240 : index
    %swap3A_803 = tpu.vector_load %arg7[%swap3A_801, %swap3A_802] {strides = array<i32>} : memref<9x256xf32, #tpu.memory_space<vmem>>, vector<1x16xf32>,
    %swap3A_804 = vector.shape_cast %swap3A_803 : vector<1x16xf32> to vector<16xf32>
    %swap3A_805 = vector.shape_cast %broadcast_in_dim3A_38 : vector<16xf32> to vector<1x16xf32>
    tpu.vector_store %arg7[%swap3A_801, %swap3A_802], %swap3A_805 {strides = array<i32>} : memref<9x256xf32, #tpu.memory_space<vmem>>, vector<1x16xf32>,
    %swap3A_806 = arith.constant 8 : i32
    %swap3A_807 = arith.index_cast %swap3A_806 : i32 to index
    %swap3A_808 = arith.constant 0 : index
    %swap3A_809 = tpu.vector_load %arg7[%swap3A_807, %swap3A_808] {strides = array<i32>} : memref<9x256xf32, #tpu.memory_space<vmem>>, vector<1x16xf32>,
    %swap3A_810 = vector.shape_cast %swap3A_809 : vector<1x16xf32> to vector<16xf32>
    %swap3A_811 = vector.shape_cast %broadcast_in_dim3A_38 : vector<16xf32> to vector<1x16xf32>
    tpu.vector_store %arg7[%swap3A_807, %swap3A_808], %swap3A_811 {strides = array<i32>} : memref<9x256xf32, #tpu.memory_space<vmem>>, vector<1x16xf32>,
    %swap3A_812 = arith.constant 8 : i32
    %swap3A_813 = arith.index_cast %swap3A_812 : i32 to index
    %swap3A_814 = arith.constant 16 : index
    %swap3A_815 = tpu.vector_load %arg7[%swap3A_813, %swap3A_814] {strides = array<i32>} : memref<9x256xf32, #tpu.memory_space<vmem>>, vector<1x16xf32>,
    %swap3A_816 = vector.shape_cast %swap3A_815 : vector<1x16xf32> to vector<16xf32>
    %swap3A_817 = vector.shape_cast %broadcast_in_dim3A_38 : vector<16xf32> to vector<1x16xf32>
    tpu.vector_store %arg7[%swap3A_813, %swap3A_814], %swap3A_817 {strides = array<i32>} : memref<9x256xf32, #tpu.memory_space<vmem>>, vector<1x16xf32>,
    %swap3A_818 = arith.constant 8 : i32
    %swap3A_819 = arith.index_cast %swap3A_818 : i32 to index
    %swap3A_820 = arith.constant 32 : index
    %swap3A_821 = tpu.vector_load %arg7[%swap3A_819, %swap3A_820] {strides = array<i32>} : memref<9x256xf32, #tpu.memory_space<vmem>>, vector<1x16xf32>,
    %swap3A_822 = vector.shape_cast %swap3A_821 : vector<1x16xf32> to vector<16xf32>
    %swap3A_823 = vector.shape_cast %broadcast_in_dim3A_38 : vector<16xf32> to vector<1x16xf32>
    tpu.vector_store %arg7[%swap3A_819, %swap3A_820], %swap3A_823 {strides = array<i32>} : memref<9x256xf32, #tpu.memory_space<vmem>>, vector<1x16xf32>,
    %swap3A_824 = arith.constant 8 : i32
    %swap3A_825 = arith.index_cast %swap3A_824 : i32 to index
    %swap3A_826 = arith.constant 48 : index
    %swap3A_827 = tpu.vector_load %arg7[%swap3A_825, %swap3A_826] {strides = array<i32>} : memref<9x256xf32, #tpu.memory_space<vmem>>, vector<1x16xf32>,
    %swap3A_828 = vector.shape_cast %swap3A_827 : vector<1x16xf32> to vector<16xf32>
    %swap3A_829 = vector.shape_cast %broadcast_in_dim3A_38 : vector<16xf32> to vector<1x16xf32>
    tpu.vector_store %arg7[%swap3A_825, %swap3A_826], %swap3A_829 {strides = array<i32>} : memref<9x256xf32, #tpu.memory_space<vmem>>, vector<1x16xf32>,
    %swap3A_830 = arith.constant 8 : i32
    %swap3A_831 = arith.index_cast %swap3A_830 : i32 to index
    %swap3A_832 = arith.constant 64 : index
    %swap3A_833 = tpu.vector_load %arg7[%swap3A_831, %swap3A_832] {strides = array<i32>} : memref<9x256xf32, #tpu.memory_space<vmem>>, vector<1x16xf32>,
    %swap3A_834 = vector.shape_cast %swap3A_833 : vector<1x16xf32> to vector<16xf32>
    %swap3A_835 = vector.shape_cast %broadcast_in_dim3A_38 : vector<16xf32> to vector<1x16xf32>
    tpu.vector_store %arg7[%swap3A_831, %swap3A_832], %swap3A_835 {strides = array<i32>} : memref<9x256xf32, #tpu.memory_space<vmem>>, vector<1x16xf32>,
    %swap3A_836 = arith.constant 8 : i32
    %swap3A_837 = arith.index_cast %swap3A_836 : i32 to index
    %swap3A_838 = arith.constant 80 : index
    %swap3A_839 = tpu.vector_load %arg7[%swap3A_837, %swap3A_838] {strides = array<i32>} : memref<9x256xf32, #tpu.memory_space<vmem>>, vector<1x16xf32>,
    %swap3A_840 = vector.shape_cast %swap3A_839 : vector<1x16xf32> to vector<16xf32>
    %swap3A_841 = vector.shape_cast %broadcast_in_dim3A_38 : vector<16xf32> to vector<1x16xf32>
    tpu.vector_store %arg7[%swap3A_837, %swap3A_838], %swap3A_841 {strides = array<i32>} : memref<9x256xf32, #tpu.memory_space<vmem>>, vector<1x16xf32>,
    %swap3A_842 = arith.constant 8 : i32
    %swap3A_843 = arith.index_cast %swap3A_842 : i32 to index
    %swap3A_844 = arith.constant 96 : index
    %swap3A_845 = tpu.vector_load %arg7[%swap3A_843, %swap3A_844] {strides = array<i32>} : memref<9x256xf32, #tpu.memory_space<vmem>>, vector<1x16xf32>,
    %swap3A_846 = vector.shape_cast %swap3A_845 : vector<1x16xf32> to vector<16xf32>
    %swap3A_847 = vector.shape_cast %broadcast_in_dim3A_38 : vector<16xf32> to vector<1x16xf32>
    tpu.vector_store %arg7[%swap3A_843, %swap3A_844], %swap3A_847 {strides = array<i32>} : memref<9x256xf32, #tpu.memory_space<vmem>>, vector<1x16xf32>,
    %swap3A_848 = arith.constant 8 : i32
    %swap3A_849 = arith.index_cast %swap3A_848 : i32 to index
    %swap3A_850 = arith.constant 112 : index
    %swap3A_851 = tpu.vector_load %arg7[%swap3A_849, %swap3A_850] {strides = array<i32>} : memref<9x256xf32, #tpu.memory_space<vmem>>, vector<1x16xf32>,
    %swap3A_852 = vector.shape_cast %swap3A_851 : vector<1x16xf32> to vector<16xf32>
    %swap3A_853 = vector.shape_cast %broadcast_in_dim3A_38 : vector<16xf32> to vector<1x16xf32>
    tpu.vector_store %arg7[%swap3A_849, %swap3A_850], %swap3A_853 {strides = array<i32>} : memref<9x256xf32, #tpu.memory_space<vmem>>, vector<1x16xf32>,
    %swap3A_854 = arith.constant 8 : i32
    %swap3A_855 = arith.index_cast %swap3A_854 : i32 to index
    %swap3A_856 = arith.constant 128 : index
    %swap3A_857 = tpu.vector_load %arg7[%swap3A_855, %swap3A_856] {strides = array<i32>} : memref<9x256xf32, #tpu.memory_space<vmem>>, vector<1x16xf32>,
    %swap3A_858 = vector.shape_cast %swap3A_857 : vector<1x16xf32> to vector<16xf32>
    %swap3A_859 = vector.shape_cast %broadcast_in_dim3A_38 : vector<16xf32> to vector<1x16xf32>
    tpu.vector_store %arg7[%swap3A_855, %swap3A_856], %swap3A_859 {strides = array<i32>} : memref<9x256xf32, #tpu.memory_space<vmem>>, vector<1x16xf32>,
    %swap3A_860 = arith.constant 8 : i32
    %swap3A_861 = arith.index_cast %swap3A_860 : i32 to index
    %swap3A_862 = arith.constant 144 : index
    %swap3A_863 = tpu.vector_load %arg7[%swap3A_861, %swap3A_862] {strides = array<i32>} : memref<9x256xf32, #tpu.memory_space<vmem>>, vector<1x16xf32>,
    %swap3A_864 = vector.shape_cast %swap3A_863 : vector<1x16xf32> to vector<16xf32>
    %swap3A_865 = vector.shape_cast %broadcast_in_dim3A_38 : vector<16xf32> to vector<1x16xf32>
    tpu.vector_store %arg7[%swap3A_861, %swap3A_862], %swap3A_865 {strides = array<i32>} : memref<9x256xf32, #tpu.memory_space<vmem>>, vector<1x16xf32>,
    %swap3A_866 = arith.constant 8 : i32
    %swap3A_867 = arith.index_cast %swap3A_866 : i32 to index
    %swap3A_868 = arith.constant 160 : index
    %swap3A_869 = tpu.vector_load %arg7[%swap3A_867, %swap3A_868] {strides = array<i32>} : memref<9x256xf32, #tpu.memory_space<vmem>>, vector<1x16xf32>,
    %swap3A_870 = vector.shape_cast %swap3A_869 : vector<1x16xf32> to vector<16xf32>
    %swap3A_871 = vector.shape_cast %broadcast_in_dim3A_38 : vector<16xf32> to vector<1x16xf32>
    tpu.vector_store %arg7[%swap3A_867, %swap3A_868], %swap3A_871 {strides = array<i32>} : memref<9x256xf32, #tpu.memory_space<vmem>>, vector<1x16xf32>,
    %swap3A_872 = arith.constant 8 : i32
    %swap3A_873 = arith.index_cast %swap3A_872 : i32 to index
    %swap3A_874 = arith.constant 176 : index
    %swap3A_875 = tpu.vector_load %arg7[%swap3A_873, %swap3A_874] {strides = array<i32>} : memref<9x256xf32, #tpu.memory_space<vmem>>, vector<1x16xf32>,
    %swap3A_876 = vector.shape_cast %swap3A_875 : vector<1x16xf32> to vector<16xf32>
    %swap3A_877 = vector.shape_cast %broadcast_in_dim3A_38 : vector<16xf32> to vector<1x16xf32>
    tpu.vector_store %arg7[%swap3A_873, %swap3A_874], %swap3A_877 {strides = array<i32>} : memref<9x256xf32, #tpu.memory_space<vmem>>, vector<1x16xf32>,
    %swap3A_878 = arith.constant 8 : i32
    %swap3A_879 = arith.index_cast %swap3A_878 : i32 to index
    %swap3A_880 = arith.constant 192 : index
    %swap3A_881 = tpu.vector_load %arg7[%swap3A_879, %swap3A_880] {strides = array<i32>} : memref<9x256xf32, #tpu.memory_space<vmem>>, vector<1x16xf32>,
    %swap3A_882 = vector.shape_cast %swap3A_881 : vector<1x16xf32> to vector<16xf32>
    %swap3A_883 = vector.shape_cast %broadcast_in_dim3A_38 : vector<16xf32> to vector<1x16xf32>
    tpu.vector_store %arg7[%swap3A_879, %swap3A_880], %swap3A_883 {strides = array<i32>} : memref<9x256xf32, #tpu.memory_space<vmem>>, vector<1x16xf32>,
    %swap3A_884 = arith.constant 8 : i32
    %swap3A_885 = arith.index_cast %swap3A_884 : i32 to index
    %swap3A_886 = arith.constant 208 : index
    %swap3A_887 = tpu.vector_load %arg7[%swap3A_885, %swap3A_886] {strides = array<i32>} : memref<9x256xf32, #tpu.memory_space<vmem>>, vector<1x16xf32>,
    %swap3A_888 = vector.shape_cast %swap3A_887 : vector<1x16xf32> to vector<16xf32>
    %swap3A_889 = vector.shape_cast %broadcast_in_dim3A_38 : vector<16xf32> to vector<1x16xf32>
    tpu.vector_store %arg7[%swap3A_885, %swap3A_886], %swap3A_889 {strides = array<i32>} : memref<9x256xf32, #tpu.memory_space<vmem>>, vector<1x16xf32>,
    %swap3A_890 = arith.constant 8 : i32
    %swap3A_891 = arith.index_cast %swap3A_890 : i32 to index
    %swap3A_892 = arith.constant 224 : index
    %swap3A_893 = tpu.vector_load %arg7[%swap3A_891, %swap3A_892] {strides = array<i32>} : memref<9x256xf32, #tpu.memory_space<vmem>>, vector<1x16xf32>,
    %swap3A_894 = vector.shape_cast %swap3A_893 : vector<1x16xf32> to vector<16xf32>
    %swap3A_895 = vector.shape_cast %broadcast_in_dim3A_38 : vector<16xf32> to vector<1x16xf32>
    tpu.vector_store %arg7[%swap3A_891, %swap3A_892], %swap3A_895 {strides = array<i32>} : memref<9x256xf32, #tpu.memory_space<vmem>>, vector<1x16xf32>,
    %swap3A_896 = arith.constant 8 : i32
    %swap3A_897 = arith.index_cast %swap3A_896 : i32 to index
    %swap3A_898 = arith.constant 240 : index
    %swap3A_899 = tpu.vector_load %arg7[%swap3A_897, %swap3A_898] {strides = array<i32>} : memref<9x256xf32, #tpu.memory_space<vmem>>, vector<1x16xf32>,
    %swap3A_900 = vector.shape_cast %swap3A_899 : vector<1x16xf32> to vector<16xf32>
    %swap3A_901 = vector.shape_cast %broadcast_in_dim3A_38 : vector<16xf32> to vector<1x16xf32>
    tpu.vector_store %arg7[%swap3A_897, %swap3A_898], %swap3A_901 {strides = array<i32>} : memref<9x256xf32, #tpu.memory_space<vmem>>, vector<1x16xf32>,
    %mul3A_902 = arith.constant 256 : i32
    %mul3A_903 = arith.muli %add3A, %mul3A_902 : i32
    %dma_start3A = arith.constant 0 : i32
    %dma_start3A_904 = arith.constant 0 : i32
    %dma_start3A_905 = arith.constant 0 : i32
    %dma_start3A_906 = tpu.memref_slice %arg6[%dma_start3A, %dma_start3A_904, %dma_start3A_905] : memref<2x128x256xf32, #tpu.memory_space<vmem>> -> memref<1x128x256xf32, #tpu.memory_space<vmem>>
    %dma_start3A_907 = tpu.memref_squeeze %dma_start3A_906 : memref<1x128x256xf32, #tpu.memory_space<vmem>> -> memref<128x256xf32, #tpu.memory_space<vmem>>
    %dma_start3A_908 = arith.constant 5120 : i32
    %dma_start3A_909 = tpu.memref_slice %arg3[%dma_start3A_908, %mul3A_903] : memref<8192x8192xf32, #tpu.memory_space<hbm>> -> memref<128x256xf32, #tpu.memory_space<hbm>>
    %dma_start3A_910 = arith.constant 0 : i32
    %dma_start3A_911 = arith.constant 0 : i32
    %dma_start3A_912 = tpu.memref_slice %arg6[%dma_start3A, %dma_start3A_910, %dma_start3A_911] : memref<2x128x256xf32, #tpu.memory_space<vmem>> -> memref<1x128x256xf32, #tpu.memory_space<vmem>>
    %dma_start3A_913 = tpu.memref_squeeze %dma_start3A_912 : memref<1x128x256xf32, #tpu.memory_space<vmem>> -> memref<128x256xf32, #tpu.memory_space<vmem>>
    %dma_start3A_914 = arith.constant 5120 : i32
    %dma_start3A_915 = tpu.memref_slice %arg3[%dma_start3A_914, %mul3A_903] : memref<8192x8192xf32, #tpu.memory_space<hbm>> -> memref<128x256xf32, #tpu.memory_space<hbm>>
    tpu.enqueue_dma source(%dma_start3A_915 : memref<128x256xf32, #tpu.memory_space<hbm>>) target(%dma_start3A_913 : memref<128x256xf32, #tpu.memory_space<vmem>>) target_semaphore(%arg8 : memref<!tpu.dma_semaphore, #tpu.memory_space<semaphore_mem>>)
    %scan3A = arith.constant 0 : i32
    %scan3A_916 = arith.constant 0 : i32
    %scan3A_917 = arith.constant 12 : i32
    %scan3A_918 = arith.addi %scan3A_916, %scan3A_917 : i32
    %scan3A_919 = arith.constant 1 : i32
    scf.for %scan3A_921 = %scan3A_916 to %scan3A_918 step %scan3A_919  : i32 {
      %mul3A_922 = arith.constant 2 : i32
      %mul3A_923 = arith.muli %scan3A_921, %mul3A_922 : i32
      %add3A_924 = arith.constant 1 : i32
      %add3A_925 = arith.addi %mul3A_923, %add3A_924 : i32
      %lt3A = arith.constant 24 : i32
      %lt3A_926 = arith.cmpi slt, %add3A_925, %lt3A : i32
      %convert_element_type3A = arith.extui %lt3A_926 : i1 to i32
      %cond3A = arith.constant 0 : i32
      %cond3A_927 = arith.cmpi ne, %convert_element_type3A, %cond3A : i32
      scf.if %cond3A_927 {
        %add3A_1155 = arith.constant 1 : i32
        %add3A_1156 = arith.addi %mul3A_923, %add3A_1155 : i32
        %mul3A_1157 = arith.constant 128 : i32
        %mul3A_1158 = arith.muli %add3A_1156, %mul3A_1157 : i32
        %add3A_1159 = arith.constant 5120 : i32
        %add3A_1160 = arith.addi %add3A_1159, %mul3A_1158 : i32
        %dma_start3A_1161 = arith.constant 1 : i32
        %dma_start3A_1162 = arith.constant 0 : i32
        %dma_start3A_1163 = arith.constant 0 : i32
        %dma_start3A_1164 = tpu.memref_slice %arg6[%dma_start3A_1161, %dma_start3A_1162, %dma_start3A_1163] : memref<2x128x256xf32, #tpu.memory_space<vmem>> -> memref<1x128x256xf32, #tpu.memory_space<vmem>>
        %dma_start3A_1165 = tpu.memref_squeeze %dma_start3A_1164 : memref<1x128x256xf32, #tpu.memory_space<vmem>> -> memref<128x256xf32, #tpu.memory_space<vmem>>
        %dma_start3A_1166 = tpu.memref_slice %arg3[%add3A_1160, %mul3A_903] : memref<8192x8192xf32, #tpu.memory_space<hbm>> -> memref<128x256xf32, #tpu.memory_space<hbm>>
        %dma_start3A_1167 = arith.constant 0 : i32
        %dma_start3A_1168 = arith.constant 0 : i32
        %dma_start3A_1169 = tpu.memref_slice %arg6[%dma_start3A_1161, %dma_start3A_1167, %dma_start3A_1168] : memref<2x128x256xf32, #tpu.memory_space<vmem>> -> memref<1x128x256xf32, #tpu.memory_space<vmem>>
        %dma_start3A_1170 = tpu.memref_squeeze %dma_start3A_1169 : memref<1x128x256xf32, #tpu.memory_space<vmem>> -> memref<128x256xf32, #tpu.memory_space<vmem>>
        %dma_start3A_1171 = tpu.memref_slice %arg3[%add3A_1160, %mul3A_903] : memref<8192x8192xf32, #tpu.memory_space<hbm>> -> memref<128x256xf32, #tpu.memory_space<hbm>>
        tpu.enqueue_dma source(%dma_start3A_1171 : memref<128x256xf32, #tpu.memory_space<hbm>>) target(%dma_start3A_1170 : memref<128x256xf32, #tpu.memory_space<vmem>>) target_semaphore(%arg9 : memref<!tpu.dma_semaphore, #tpu.memory_space<semaphore_mem>>)
      } else {
      }
      %mul3A_928 = arith.constant 128 : i32
      %mul3A_929 = arith.muli %mul3A_923, %mul3A_928 : i32
      %add3A_930 = arith.constant 5120 : i32
      %add3A_931 = arith.addi %add3A_930, %mul3A_929 : i32
      %dma_wait3A = arith.constant 0 : i32
      %dma_wait3A_932 = arith.constant 0 : i32
      %dma_wait3A_933 = arith.constant 0 : i32
      %dma_wait3A_934 = tpu.memref_slice %arg6[%dma_wait3A, %dma_wait3A_932, %dma_wait3A_933] : memref<2x128x256xf32, #tpu.memory_space<vmem>> -> memref<1x128x256xf32, #tpu.memory_space<vmem>>
      %dma_wait3A_935 = tpu.memref_squeeze %dma_wait3A_934 : memref<1x128x256xf32, #tpu.memory_space<vmem>> -> memref<128x256xf32, #tpu.memory_space<vmem>>
      %dma_wait3A_936 = tpu.memref_slice %arg3[%add3A_931, %mul3A_903] : memref<8192x8192xf32, #tpu.memory_space<hbm>> -> memref<128x256xf32, #tpu.memory_space<hbm>>
      %dma_wait3A_937 = arith.constant 0 : i32
      %dma_wait3A_938 = arith.constant 0 : i32
      %dma_wait3A_939 = tpu.memref_slice %arg6[%dma_wait3A, %dma_wait3A_937, %dma_wait3A_938] : memref<2x128x256xf32, #tpu.memory_space<vmem>> -> memref<1x128x256xf32, #tpu.memory_space<vmem>>
      %dma_wait3A_940 = tpu.memref_squeeze %dma_wait3A_939 : memref<1x128x256xf32, #tpu.memory_space<vmem>> -> memref<128x256xf32, #tpu.memory_space<vmem>>
      %dma_wait3A_941 = tpu.memref_slice %arg3[%add3A_931, %mul3A_903] : memref<8192x8192xf32, #tpu.memory_space<hbm>> -> memref<128x256xf32, #tpu.memory_space<hbm>>
      tpu.wait_dma2 semaphore(%arg8 : memref<!tpu.dma_semaphore, #tpu.memory_space<semaphore_mem>>) src(%dma_wait3A_941 : memref<128x256xf32, #tpu.memory_space<hbm>>) dst(%dma_wait3A_940 : memref<128x256xf32, #tpu.memory_space<vmem>>)
      %mul3A_942 = arith.constant 128 : i32
      %mul3A_943 = arith.muli %mul3A_923, %mul3A_942 : i32
      %add3A_944 = arith.constant 5120 : i32
      %add3A_945 = arith.addi %add3A_944, %mul3A_943 : i32
      %le3A = arith.cmpi sle, %squeeze3A, %add3A_945 : i32
      %jit3A = arith.constant 1 : i32
      %jit3A_946 = arith.constant 0 : i32
      %select_n3A = arith.select %le3A, %jit3A, %jit3A_946 : i32
      %add3A_947 = arith.constant 0 : i32
      %add3A_948 = arith.addi %add3A_947, %select_n3A : i32
      %le3A_949 = arith.cmpi sle, %squeeze3A_7, %add3A_945 : i32
      %jit3A_950 = arith.constant 1 : i32
      %jit3A_951 = arith.constant 0 : i32
      %select_n3A_952 = arith.select %le3A_949, %jit3A_950, %jit3A_951 : i32
      %add3A_953 = arith.addi %add3A_948, %select_n3A_952 : i32
      %le3A_954 = arith.cmpi sle, %squeeze3A_12, %add3A_945 : i32
      %jit3A_955 = arith.constant 1 : i32
      %jit3A_956 = arith.constant 0 : i32
      %select_n3A_957 = arith.select %le3A_954, %jit3A_955, %jit3A_956 : i32
      %add3A_958 = arith.addi %add3A_953, %select_n3A_957 : i32
      %le3A_959 = arith.cmpi sle, %squeeze3A_17, %add3A_945 : i32
      %jit3A_960 = arith.constant 1 : i32
      %jit3A_961 = arith.constant 0 : i32
      %select_n3A_962 = arith.select %le3A_959, %jit3A_960, %jit3A_961 : i32
      %add3A_963 = arith.addi %add3A_958, %select_n3A_962 : i32
      %le3A_964 = arith.cmpi sle, %squeeze3A_22, %add3A_945 : i32
      %jit3A_965 = arith.constant 1 : i32
      %jit3A_966 = arith.constant 0 : i32
      %select_n3A_967 = arith.select %le3A_964, %jit3A_965, %jit3A_966 : i32
      %add3A_968 = arith.addi %add3A_963, %select_n3A_967 : i32
      %le3A_969 = arith.cmpi sle, %squeeze3A_27, %add3A_945 : i32
      %jit3A_970 = arith.constant 1 : i32
      %jit3A_971 = arith.constant 0 : i32
      %select_n3A_972 = arith.select %le3A_969, %jit3A_970, %jit3A_971 : i32
      %add3A_973 = arith.addi %add3A_968, %select_n3A_972 : i32
      %le3A_974 = arith.cmpi sle, %squeeze3A_32, %add3A_945 : i32
      %jit3A_975 = arith.constant 1 : i32
      %jit3A_976 = arith.constant 0 : i32
      %select_n3A_977 = arith.select %le3A_974, %jit3A_975, %jit3A_976 : i32
      %add3A_978 = arith.addi %add3A_973, %select_n3A_977 : i32
      %le3A_979 = arith.cmpi sle, %squeeze3A_37, %add3A_945 : i32
      %jit3A_980 = arith.constant 1 : i32
      %jit3A_981 = arith.constant 0 : i32
      %select_n3A_982 = arith.select %le3A_979, %jit3A_980, %jit3A_981 : i32
      %add3A_983 = arith.addi %add3A_978, %select_n3A_982 : i32
      %add3A_984 = arith.constant 127 : i32
      %add3A_985 = arith.addi %add3A_945, %add3A_984 : i32
      %le3A_986 = arith.cmpi sle, %squeeze3A, %add3A_985 : i32
      %jit3A_987 = arith.constant 1 : i32
      %jit3A_988 = arith.constant 0 : i32
      %select_n3A_989 = arith.select %le3A_986, %jit3A_987, %jit3A_988 : i32
      %add3A_990 = arith.constant 0 : i32
      %add3A_991 = arith.addi %add3A_990, %select_n3A_989 : i32
      %le3A_992 = arith.cmpi sle, %squeeze3A_7, %add3A_985 : i32
      %jit3A_993 = arith.constant 1 : i32
      %jit3A_994 = arith.constant 0 : i32
      %select_n3A_995 = arith.select %le3A_992, %jit3A_993, %jit3A_994 : i32
      %add3A_996 = arith.addi %add3A_991, %select_n3A_995 : i32
      %le3A_997 = arith.cmpi sle, %squeeze3A_12, %add3A_985 : i32
      %jit3A_998 = arith.constant 1 : i32
      %jit3A_999 = arith.constant 0 : i32
      %select_n3A_1000 = arith.select %le3A_997, %jit3A_998, %jit3A_999 : i32
      %add3A_1001 = arith.addi %add3A_996, %select_n3A_1000 : i32
      %le3A_1002 = arith.cmpi sle, %squeeze3A_17, %add3A_985 : i32
      %jit3A_1003 = arith.constant 1 : i32
      %jit3A_1004 = arith.constant 0 : i32
      %select_n3A_1005 = arith.select %le3A_1002, %jit3A_1003, %jit3A_1004 : i32
      %add3A_1006 = arith.addi %add3A_1001, %select_n3A_1005 : i32
      %le3A_1007 = arith.cmpi sle, %squeeze3A_22, %add3A_985 : i32
      %jit3A_1008 = arith.constant 1 : i32
      %jit3A_1009 = arith.constant 0 : i32
      %select_n3A_1010 = arith.select %le3A_1007, %jit3A_1008, %jit3A_1009 : i32
      %add3A_1011 = arith.addi %add3A_1006, %select_n3A_1010 : i32
      %le3A_1012 = arith.cmpi sle, %squeeze3A_27, %add3A_985 : i32
      %jit3A_1013 = arith.constant 1 : i32
      %jit3A_1014 = arith.constant 0 : i32
      %select_n3A_1015 = arith.select %le3A_1012, %jit3A_1013, %jit3A_1014 : i32
      %add3A_1016 = arith.addi %add3A_1011, %select_n3A_1015 : i32
      %le3A_1017 = arith.cmpi sle, %squeeze3A_32, %add3A_985 : i32
      %jit3A_1018 = arith.constant 1 : i32
      %jit3A_1019 = arith.constant 0 : i32
      %select_n3A_1020 = arith.select %le3A_1017, %jit3A_1018, %jit3A_1019 : i32
      %add3A_1021 = arith.addi %add3A_1016, %select_n3A_1020 : i32
      %le3A_1022 = arith.cmpi sle, %squeeze3A_37, %add3A_985 : i32
      %jit3A_1023 = arith.constant 1 : i32
      %jit3A_1024 = arith.constant 0 : i32
      %select_n3A_1025 = arith.select %le3A_1022, %jit3A_1023, %jit3A_1024 : i32
      %add3A_1026 = arith.addi %add3A_1021, %select_n3A_1025 : i32
      %eq3A = arith.cmpi eq, %add3A_983, %add3A_1026 : i32
      %convert_element_type3A_1027 = arith.extui %eq3A : i1 to i32
      %cond3A_1028 = arith.constant 0 : i32
      %cond3A_1029 = arith.cmpi ne, %convert_element_type3A_1027, %cond3A_1028 : i32
      scf.if %cond3A_1029 {
        %broadcast_in_dim3A_1155 = arith.constant 0.000000e+00 : f32
        %broadcast_in_dim3A_1156 = vector.broadcast %broadcast_in_dim3A_1155 : f32 to vector<16xf32>
        %broadcast_in_dim3A_1157 = arith.constant 0.000000e+00 : f32
        %broadcast_in_dim3A_1158 = vector.broadcast %broadcast_in_dim3A_1157 : f32 to vector<16xf32>
        %broadcast_in_dim3A_1159 = arith.constant 0.000000e+00 : f32
        %broadcast_in_dim3A_1160 = vector.broadcast %broadcast_in_dim3A_1159 : f32 to vector<16xf32>
        %broadcast_in_dim3A_1161 = arith.constant 0.000000e+00 : f32
        %broadcast_in_dim3A_1162 = vector.broadcast %broadcast_in_dim3A_1161 : f32 to vector<16xf32>
        %broadcast_in_dim3A_1163 = arith.constant 0.000000e+00 : f32
        %broadcast_in_dim3A_1164 = vector.broadcast %broadcast_in_dim3A_1163 : f32 to vector<16xf32>
        %broadcast_in_dim3A_1165 = arith.constant 0.000000e+00 : f32
        %broadcast_in_dim3A_1166 = vector.broadcast %broadcast_in_dim3A_1165 : f32 to vector<16xf32>
        %broadcast_in_dim3A_1167 = arith.constant 0.000000e+00 : f32
        %broadcast_in_dim3A_1168 = vector.broadcast %broadcast_in_dim3A_1167 : f32 to vector<16xf32>
        %broadcast_in_dim3A_1169 = arith.constant 0.000000e+00 : f32
        %broadcast_in_dim3A_1170 = vector.broadcast %broadcast_in_dim3A_1169 : f32 to vector<16xf32>
        %broadcast_in_dim3A_1171 = arith.constant 0.000000e+00 : f32
        %broadcast_in_dim3A_1172 = vector.broadcast %broadcast_in_dim3A_1171 : f32 to vector<16xf32>
        %broadcast_in_dim3A_1173 = arith.constant 0.000000e+00 : f32
        %broadcast_in_dim3A_1174 = vector.broadcast %broadcast_in_dim3A_1173 : f32 to vector<16xf32>
        %broadcast_in_dim3A_1175 = arith.constant 0.000000e+00 : f32
        %broadcast_in_dim3A_1176 = vector.broadcast %broadcast_in_dim3A_1175 : f32 to vector<16xf32>
        %broadcast_in_dim3A_1177 = arith.constant 0.000000e+00 : f32
        %broadcast_in_dim3A_1178 = vector.broadcast %broadcast_in_dim3A_1177 : f32 to vector<16xf32>
        %broadcast_in_dim3A_1179 = arith.constant 0.000000e+00 : f32
        %broadcast_in_dim3A_1180 = vector.broadcast %broadcast_in_dim3A_1179 : f32 to vector<16xf32>
        %broadcast_in_dim3A_1181 = arith.constant 0.000000e+00 : f32
        %broadcast_in_dim3A_1182 = vector.broadcast %broadcast_in_dim3A_1181 : f32 to vector<16xf32>
        %broadcast_in_dim3A_1183 = arith.constant 0.000000e+00 : f32
        %broadcast_in_dim3A_1184 = vector.broadcast %broadcast_in_dim3A_1183 : f32 to vector<16xf32>
        %broadcast_in_dim3A_1185 = arith.constant 0.000000e+00 : f32
        %broadcast_in_dim3A_1186 = vector.broadcast %broadcast_in_dim3A_1185 : f32 to vector<16xf32>
        %scan3A_1187 = arith.constant 0 : i32
        %scan3A_1188 = arith.constant 32 : i32
        %scan3A_1189 = arith.addi %scan3A_1187, %scan3A_1188 : i32
        %scan3A_1190 = arith.constant 1 : i32
        %scan3A_1191:16 = scf.for %scan3A_1353 = %scan3A_1187 to %scan3A_1189 step %scan3A_1190 iter_args(%scan3A_1354 = %broadcast_in_dim3A_1156, %scan3A_1355 = %broadcast_in_dim3A_1158, %scan3A_1356 = %broadcast_in_dim3A_1160, %scan3A_1357 = %broadcast_in_dim3A_1162, %scan3A_1358 = %broadcast_in_dim3A_1164, %scan3A_1359 = %broadcast_in_dim3A_1166, %scan3A_1360 = %broadcast_in_dim3A_1168, %scan3A_1361 = %broadcast_in_dim3A_1170, %scan3A_1362 = %broadcast_in_dim3A_1172, %scan3A_1363 = %broadcast_in_dim3A_1174, %scan3A_1364 = %broadcast_in_dim3A_1176, %scan3A_1365 = %broadcast_in_dim3A_1178, %scan3A_1366 = %broadcast_in_dim3A_1180, %scan3A_1367 = %broadcast_in_dim3A_1182, %scan3A_1368 = %broadcast_in_dim3A_1184, %scan3A_1369 = %broadcast_in_dim3A_1186) -> (vector<16xf32>, vector<16xf32>, vector<16xf32>, vector<16xf32>, vector<16xf32>, vector<16xf32>, vector<16xf32>, vector<16xf32>, vector<16xf32>, vector<16xf32>, vector<16xf32>, vector<16xf32>, vector<16xf32>, vector<16xf32>, vector<16xf32>, vector<16xf32>)  : i32 {
          %mul3A_1370 = arith.constant 4 : i32
          %mul3A_1371 = arith.muli %scan3A_1353, %mul3A_1370 : i32
          %add3A_1372 = arith.constant 0 : i32
          %add3A_1373 = arith.addi %mul3A_1371, %add3A_1372 : i32
          %get3A_1374 = arith.constant 0 : i32
          %get3A_1375 = arith.index_cast %get3A_1374 : i32 to index
          %get3A_1376 = arith.index_cast %add3A_1373 : i32 to index
          %get3A_1377 = arith.constant 0 : index
          %get3A_1378 = tpu.vector_load %arg6[%get3A_1375, %get3A_1376, %get3A_1377] {strides = array<i32>} : memref<2x128x256xf32, #tpu.memory_space<vmem>>, vector<1x1x16xf32>,
          %get3A_1379 = vector.shape_cast %get3A_1378 : vector<1x1x16xf32> to vector<16xf32>
          %add3A_1380 = arith.addf %scan3A_1354, %get3A_1379 : vector<16xf32>
          %add3A_1381 = arith.constant 0 : i32
          %add3A_1382 = arith.addi %mul3A_1371, %add3A_1381 : i32
          %get3A_1383 = arith.constant 0 : i32
          %get3A_1384 = arith.index_cast %get3A_1383 : i32 to index
          %get3A_1385 = arith.index_cast %add3A_1382 : i32 to index
          %get3A_1386 = arith.constant 16 : index
          %get3A_1387 = tpu.vector_load %arg6[%get3A_1384, %get3A_1385, %get3A_1386] {strides = array<i32>} : memref<2x128x256xf32, #tpu.memory_space<vmem>>, vector<1x1x16xf32>,
          %get3A_1388 = vector.shape_cast %get3A_1387 : vector<1x1x16xf32> to vector<16xf32>
          %add3A_1389 = arith.addf %scan3A_1355, %get3A_1388 : vector<16xf32>
          %add3A_1390 = arith.constant 0 : i32
          %add3A_1391 = arith.addi %mul3A_1371, %add3A_1390 : i32
          %get3A_1392 = arith.constant 0 : i32
          %get3A_1393 = arith.index_cast %get3A_1392 : i32 to index
          %get3A_1394 = arith.index_cast %add3A_1391 : i32 to index
          %get3A_1395 = arith.constant 32 : index
          %get3A_1396 = tpu.vector_load %arg6[%get3A_1393, %get3A_1394, %get3A_1395] {strides = array<i32>} : memref<2x128x256xf32, #tpu.memory_space<vmem>>, vector<1x1x16xf32>,
          %get3A_1397 = vector.shape_cast %get3A_1396 : vector<1x1x16xf32> to vector<16xf32>
          %add3A_1398 = arith.addf %scan3A_1356, %get3A_1397 : vector<16xf32>
          %add3A_1399 = arith.constant 0 : i32
          %add3A_1400 = arith.addi %mul3A_1371, %add3A_1399 : i32
          %get3A_1401 = arith.constant 0 : i32
          %get3A_1402 = arith.index_cast %get3A_1401 : i32 to index
          %get3A_1403 = arith.index_cast %add3A_1400 : i32 to index
          %get3A_1404 = arith.constant 48 : index
          %get3A_1405 = tpu.vector_load %arg6[%get3A_1402, %get3A_1403, %get3A_1404] {strides = array<i32>} : memref<2x128x256xf32, #tpu.memory_space<vmem>>, vector<1x1x16xf32>,
          %get3A_1406 = vector.shape_cast %get3A_1405 : vector<1x1x16xf32> to vector<16xf32>
          %add3A_1407 = arith.addf %scan3A_1357, %get3A_1406 : vector<16xf32>
          %add3A_1408 = arith.constant 0 : i32
          %add3A_1409 = arith.addi %mul3A_1371, %add3A_1408 : i32
          %get3A_1410 = arith.constant 0 : i32
          %get3A_1411 = arith.index_cast %get3A_1410 : i32 to index
          %get3A_1412 = arith.index_cast %add3A_1409 : i32 to index
          %get3A_1413 = arith.constant 64 : index
          %get3A_1414 = tpu.vector_load %arg6[%get3A_1411, %get3A_1412, %get3A_1413] {strides = array<i32>} : memref<2x128x256xf32, #tpu.memory_space<vmem>>, vector<1x1x16xf32>,
          %get3A_1415 = vector.shape_cast %get3A_1414 : vector<1x1x16xf32> to vector<16xf32>
          %add3A_1416 = arith.addf %scan3A_1358, %get3A_1415 : vector<16xf32>
          %add3A_1417 = arith.constant 0 : i32
          %add3A_1418 = arith.addi %mul3A_1371, %add3A_1417 : i32
          %get3A_1419 = arith.constant 0 : i32
          %get3A_1420 = arith.index_cast %get3A_1419 : i32 to index
          %get3A_1421 = arith.index_cast %add3A_1418 : i32 to index
          %get3A_1422 = arith.constant 80 : index
          %get3A_1423 = tpu.vector_load %arg6[%get3A_1420, %get3A_1421, %get3A_1422] {strides = array<i32>} : memref<2x128x256xf32, #tpu.memory_space<vmem>>, vector<1x1x16xf32>,
          %get3A_1424 = vector.shape_cast %get3A_1423 : vector<1x1x16xf32> to vector<16xf32>
          %add3A_1425 = arith.addf %scan3A_1359, %get3A_1424 : vector<16xf32>
          %add3A_1426 = arith.constant 0 : i32
          %add3A_1427 = arith.addi %mul3A_1371, %add3A_1426 : i32
          %get3A_1428 = arith.constant 0 : i32
          %get3A_1429 = arith.index_cast %get3A_1428 : i32 to index
          %get3A_1430 = arith.index_cast %add3A_1427 : i32 to index
          %get3A_1431 = arith.constant 96 : index
          %get3A_1432 = tpu.vector_load %arg6[%get3A_1429, %get3A_1430, %get3A_1431] {strides = array<i32>} : memref<2x128x256xf32, #tpu.memory_space<vmem>>, vector<1x1x16xf32>,
          %get3A_1433 = vector.shape_cast %get3A_1432 : vector<1x1x16xf32> to vector<16xf32>
          %add3A_1434 = arith.addf %scan3A_1360, %get3A_1433 : vector<16xf32>
          %add3A_1435 = arith.constant 0 : i32
          %add3A_1436 = arith.addi %mul3A_1371, %add3A_1435 : i32
          %get3A_1437 = arith.constant 0 : i32
          %get3A_1438 = arith.index_cast %get3A_1437 : i32 to index
          %get3A_1439 = arith.index_cast %add3A_1436 : i32 to index
          %get3A_1440 = arith.constant 112 : index
          %get3A_1441 = tpu.vector_load %arg6[%get3A_1438, %get3A_1439, %get3A_1440] {strides = array<i32>} : memref<2x128x256xf32, #tpu.memory_space<vmem>>, vector<1x1x16xf32>,
          %get3A_1442 = vector.shape_cast %get3A_1441 : vector<1x1x16xf32> to vector<16xf32>
          %add3A_1443 = arith.addf %scan3A_1361, %get3A_1442 : vector<16xf32>
          %add3A_1444 = arith.constant 0 : i32
          %add3A_1445 = arith.addi %mul3A_1371, %add3A_1444 : i32
          %get3A_1446 = arith.constant 0 : i32
          %get3A_1447 = arith.index_cast %get3A_1446 : i32 to index
          %get3A_1448 = arith.index_cast %add3A_1445 : i32 to index
          %get3A_1449 = arith.constant 128 : index
          %get3A_1450 = tpu.vector_load %arg6[%get3A_1447, %get3A_1448, %get3A_1449] {strides = array<i32>} : memref<2x128x256xf32, #tpu.memory_space<vmem>>, vector<1x1x16xf32>,
          %get3A_1451 = vector.shape_cast %get3A_1450 : vector<1x1x16xf32> to vector<16xf32>
          %add3A_1452 = arith.addf %scan3A_1362, %get3A_1451 : vector<16xf32>
          %add3A_1453 = arith.constant 0 : i32
          %add3A_1454 = arith.addi %mul3A_1371, %add3A_1453 : i32
          %get3A_1455 = arith.constant 0 : i32
          %get3A_1456 = arith.index_cast %get3A_1455 : i32 to index
          %get3A_1457 = arith.index_cast %add3A_1454 : i32 to index
          %get3A_1458 = arith.constant 144 : index
          %get3A_1459 = tpu.vector_load %arg6[%get3A_1456, %get3A_1457, %get3A_1458] {strides = array<i32>} : memref<2x128x256xf32, #tpu.memory_space<vmem>>, vector<1x1x16xf32>,
          %get3A_1460 = vector.shape_cast %get3A_1459 : vector<1x1x16xf32> to vector<16xf32>
          %add3A_1461 = arith.addf %scan3A_1363, %get3A_1460 : vector<16xf32>
          %add3A_1462 = arith.constant 0 : i32
          %add3A_1463 = arith.addi %mul3A_1371, %add3A_1462 : i32
          %get3A_1464 = arith.constant 0 : i32
          %get3A_1465 = arith.index_cast %get3A_1464 : i32 to index
          %get3A_1466 = arith.index_cast %add3A_1463 : i32 to index
          %get3A_1467 = arith.constant 160 : index
          %get3A_1468 = tpu.vector_load %arg6[%get3A_1465, %get3A_1466, %get3A_1467] {strides = array<i32>} : memref<2x128x256xf32, #tpu.memory_space<vmem>>, vector<1x1x16xf32>,
          %get3A_1469 = vector.shape_cast %get3A_1468 : vector<1x1x16xf32> to vector<16xf32>
          %add3A_1470 = arith.addf %scan3A_1364, %get3A_1469 : vector<16xf32>
          %add3A_1471 = arith.constant 0 : i32
          %add3A_1472 = arith.addi %mul3A_1371, %add3A_1471 : i32
          %get3A_1473 = arith.constant 0 : i32
          %get3A_1474 = arith.index_cast %get3A_1473 : i32 to index
          %get3A_1475 = arith.index_cast %add3A_1472 : i32 to index
          %get3A_1476 = arith.constant 176 : index
          %get3A_1477 = tpu.vector_load %arg6[%get3A_1474, %get3A_1475, %get3A_1476] {strides = array<i32>} : memref<2x128x256xf32, #tpu.memory_space<vmem>>, vector<1x1x16xf32>,
          %get3A_1478 = vector.shape_cast %get3A_1477 : vector<1x1x16xf32> to vector<16xf32>
          %add3A_1479 = arith.addf %scan3A_1365, %get3A_1478 : vector<16xf32>
          %add3A_1480 = arith.constant 0 : i32
          %add3A_1481 = arith.addi %mul3A_1371, %add3A_1480 : i32
          %get3A_1482 = arith.constant 0 : i32
          %get3A_1483 = arith.index_cast %get3A_1482 : i32 to index
          %get3A_1484 = arith.index_cast %add3A_1481 : i32 to index
          %get3A_1485 = arith.constant 192 : index
          %get3A_1486 = tpu.vector_load %arg6[%get3A_1483, %get3A_1484, %get3A_1485] {strides = array<i32>} : memref<2x128x256xf32, #tpu.memory_space<vmem>>, vector<1x1x16xf32>,
          %get3A_1487 = vector.shape_cast %get3A_1486 : vector<1x1x16xf32> to vector<16xf32>
          %add3A_1488 = arith.addf %scan3A_1366, %get3A_1487 : vector<16xf32>
          %add3A_1489 = arith.constant 0 : i32
          %add3A_1490 = arith.addi %mul3A_1371, %add3A_1489 : i32
          %get3A_1491 = arith.constant 0 : i32
          %get3A_1492 = arith.index_cast %get3A_1491 : i32 to index
          %get3A_1493 = arith.index_cast %add3A_1490 : i32 to index
          %get3A_1494 = arith.constant 208 : index
          %get3A_1495 = tpu.vector_load %arg6[%get3A_1492, %get3A_1493, %get3A_1494] {strides = array<i32>} : memref<2x128x256xf32, #tpu.memory_space<vmem>>, vector<1x1x16xf32>,
          %get3A_1496 = vector.shape_cast %get3A_1495 : vector<1x1x16xf32> to vector<16xf32>
          %add3A_1497 = arith.addf %scan3A_1367, %get3A_1496 : vector<16xf32>
          %add3A_1498 = arith.constant 0 : i32
          %add3A_1499 = arith.addi %mul3A_1371, %add3A_1498 : i32
          %get3A_1500 = arith.constant 0 : i32
          %get3A_1501 = arith.index_cast %get3A_1500 : i32 to index
          %get3A_1502 = arith.index_cast %add3A_1499 : i32 to index
          %get3A_1503 = arith.constant 224 : index
          %get3A_1504 = tpu.vector_load %arg6[%get3A_1501, %get3A_1502, %get3A_1503] {strides = array<i32>} : memref<2x128x256xf32, #tpu.memory_space<vmem>>, vector<1x1x16xf32>,
          %get3A_1505 = vector.shape_cast %get3A_1504 : vector<1x1x16xf32> to vector<16xf32>
          %add3A_1506 = arith.addf %scan3A_1368, %get3A_1505 : vector<16xf32>
          %add3A_1507 = arith.constant 0 : i32
          %add3A_1508 = arith.addi %mul3A_1371, %add3A_1507 : i32
          %get3A_1509 = arith.constant 0 : i32
          %get3A_1510 = arith.index_cast %get3A_1509 : i32 to index
          %get3A_1511 = arith.index_cast %add3A_1508 : i32 to index
          %get3A_1512 = arith.constant 240 : index
          %get3A_1513 = tpu.vector_load %arg6[%get3A_1510, %get3A_1511, %get3A_1512] {strides = array<i32>} : memref<2x128x256xf32, #tpu.memory_space<vmem>>, vector<1x1x16xf32>,
          %get3A_1514 = vector.shape_cast %get3A_1513 : vector<1x1x16xf32> to vector<16xf32>
          %add3A_1515 = arith.addf %scan3A_1369, %get3A_1514 : vector<16xf32>
          %add3A_1516 = arith.constant 1 : i32
          %add3A_1517 = arith.addi %mul3A_1371, %add3A_1516 : i32
          %get3A_1518 = arith.constant 0 : i32
          %get3A_1519 = arith.index_cast %get3A_1518 : i32 to index
          %get3A_1520 = arith.index_cast %add3A_1517 : i32 to index
          %get3A_1521 = arith.constant 0 : index
          %get3A_1522 = tpu.vector_load %arg6[%get3A_1519, %get3A_1520, %get3A_1521] {strides = array<i32>} : memref<2x128x256xf32, #tpu.memory_space<vmem>>, vector<1x1x16xf32>,
          %get3A_1523 = vector.shape_cast %get3A_1522 : vector<1x1x16xf32> to vector<16xf32>
          %add3A_1524 = arith.addf %add3A_1380, %get3A_1523 : vector<16xf32>
          %add3A_1525 = arith.constant 1 : i32
          %add3A_1526 = arith.addi %mul3A_1371, %add3A_1525 : i32
          %get3A_1527 = arith.constant 0 : i32
          %get3A_1528 = arith.index_cast %get3A_1527 : i32 to index
          %get3A_1529 = arith.index_cast %add3A_1526 : i32 to index
          %get3A_1530 = arith.constant 16 : index
          %get3A_1531 = tpu.vector_load %arg6[%get3A_1528, %get3A_1529, %get3A_1530] {strides = array<i32>} : memref<2x128x256xf32, #tpu.memory_space<vmem>>, vector<1x1x16xf32>,
          %get3A_1532 = vector.shape_cast %get3A_1531 : vector<1x1x16xf32> to vector<16xf32>
          %add3A_1533 = arith.addf %add3A_1389, %get3A_1532 : vector<16xf32>
          %add3A_1534 = arith.constant 1 : i32
          %add3A_1535 = arith.addi %mul3A_1371, %add3A_1534 : i32
          %get3A_1536 = arith.constant 0 : i32
          %get3A_1537 = arith.index_cast %get3A_1536 : i32 to index
          %get3A_1538 = arith.index_cast %add3A_1535 : i32 to index
          %get3A_1539 = arith.constant 32 : index
          %get3A_1540 = tpu.vector_load %arg6[%get3A_1537, %get3A_1538, %get3A_1539] {strides = array<i32>} : memref<2x128x256xf32, #tpu.memory_space<vmem>>, vector<1x1x16xf32>,
          %get3A_1541 = vector.shape_cast %get3A_1540 : vector<1x1x16xf32> to vector<16xf32>
          %add3A_1542 = arith.addf %add3A_1398, %get3A_1541 : vector<16xf32>
          %add3A_1543 = arith.constant 1 : i32
          %add3A_1544 = arith.addi %mul3A_1371, %add3A_1543 : i32
          %get3A_1545 = arith.constant 0 : i32
          %get3A_1546 = arith.index_cast %get3A_1545 : i32 to index
          %get3A_1547 = arith.index_cast %add3A_1544 : i32 to index
          %get3A_1548 = arith.constant 48 : index
          %get3A_1549 = tpu.vector_load %arg6[%get3A_1546, %get3A_1547, %get3A_1548] {strides = array<i32>} : memref<2x128x256xf32, #tpu.memory_space<vmem>>, vector<1x1x16xf32>,
          %get3A_1550 = vector.shape_cast %get3A_1549 : vector<1x1x16xf32> to vector<16xf32>
          %add3A_1551 = arith.addf %add3A_1407, %get3A_1550 : vector<16xf32>
          %add3A_1552 = arith.constant 1 : i32
          %add3A_1553 = arith.addi %mul3A_1371, %add3A_1552 : i32
          %get3A_1554 = arith.constant 0 : i32
          %get3A_1555 = arith.index_cast %get3A_1554 : i32 to index
          %get3A_1556 = arith.index_cast %add3A_1553 : i32 to index
          %get3A_1557 = arith.constant 64 : index
          %get3A_1558 = tpu.vector_load %arg6[%get3A_1555, %get3A_1556, %get3A_1557] {strides = array<i32>} : memref<2x128x256xf32, #tpu.memory_space<vmem>>, vector<1x1x16xf32>,
          %get3A_1559 = vector.shape_cast %get3A_1558 : vector<1x1x16xf32> to vector<16xf32>
          %add3A_1560 = arith.addf %add3A_1416, %get3A_1559 : vector<16xf32>
          %add3A_1561 = arith.constant 1 : i32
          %add3A_1562 = arith.addi %mul3A_1371, %add3A_1561 : i32
          %get3A_1563 = arith.constant 0 : i32
          %get3A_1564 = arith.index_cast %get3A_1563 : i32 to index
          %get3A_1565 = arith.index_cast %add3A_1562 : i32 to index
          %get3A_1566 = arith.constant 80 : index
          %get3A_1567 = tpu.vector_load %arg6[%get3A_1564, %get3A_1565, %get3A_1566] {strides = array<i32>} : memref<2x128x256xf32, #tpu.memory_space<vmem>>, vector<1x1x16xf32>,
          %get3A_1568 = vector.shape_cast %get3A_1567 : vector<1x1x16xf32> to vector<16xf32>
          %add3A_1569 = arith.addf %add3A_1425, %get3A_1568 : vector<16xf32>
          %add3A_1570 = arith.constant 1 : i32
          %add3A_1571 = arith.addi %mul3A_1371, %add3A_1570 : i32
          %get3A_1572 = arith.constant 0 : i32
          %get3A_1573 = arith.index_cast %get3A_1572 : i32 to index
          %get3A_1574 = arith.index_cast %add3A_1571 : i32 to index
          %get3A_1575 = arith.constant 96 : index
          %get3A_1576 = tpu.vector_load %arg6[%get3A_1573, %get3A_1574, %get3A_1575] {strides = array<i32>} : memref<2x128x256xf32, #tpu.memory_space<vmem>>, vector<1x1x16xf32>,
          %get3A_1577 = vector.shape_cast %get3A_1576 : vector<1x1x16xf32> to vector<16xf32>
          %add3A_1578 = arith.addf %add3A_1434, %get3A_1577 : vector<16xf32>
          %add3A_1579 = arith.constant 1 : i32
          %add3A_1580 = arith.addi %mul3A_1371, %add3A_1579 : i32
          %get3A_1581 = arith.constant 0 : i32
          %get3A_1582 = arith.index_cast %get3A_1581 : i32 to index
          %get3A_1583 = arith.index_cast %add3A_1580 : i32 to index
          %get3A_1584 = arith.constant 112 : index
          %get3A_1585 = tpu.vector_load %arg6[%get3A_1582, %get3A_1583, %get3A_1584] {strides = array<i32>} : memref<2x128x256xf32, #tpu.memory_space<vmem>>, vector<1x1x16xf32>,
          %get3A_1586 = vector.shape_cast %get3A_1585 : vector<1x1x16xf32> to vector<16xf32>
          %add3A_1587 = arith.addf %add3A_1443, %get3A_1586 : vector<16xf32>
          %add3A_1588 = arith.constant 1 : i32
          %add3A_1589 = arith.addi %mul3A_1371, %add3A_1588 : i32
          %get3A_1590 = arith.constant 0 : i32
          %get3A_1591 = arith.index_cast %get3A_1590 : i32 to index
          %get3A_1592 = arith.index_cast %add3A_1589 : i32 to index
          %get3A_1593 = arith.constant 128 : index
          %get3A_1594 = tpu.vector_load %arg6[%get3A_1591, %get3A_1592, %get3A_1593] {strides = array<i32>} : memref<2x128x256xf32, #tpu.memory_space<vmem>>, vector<1x1x16xf32>,
          %get3A_1595 = vector.shape_cast %get3A_1594 : vector<1x1x16xf32> to vector<16xf32>
          %add3A_1596 = arith.addf %add3A_1452, %get3A_1595 : vector<16xf32>
          %add3A_1597 = arith.constant 1 : i32
          %add3A_1598 = arith.addi %mul3A_1371, %add3A_1597 : i32
          %get3A_1599 = arith.constant 0 : i32
          %get3A_1600 = arith.index_cast %get3A_1599 : i32 to index
          %get3A_1601 = arith.index_cast %add3A_1598 : i32 to index
          %get3A_1602 = arith.constant 144 : index
          %get3A_1603 = tpu.vector_load %arg6[%get3A_1600, %get3A_1601, %get3A_1602] {strides = array<i32>} : memref<2x128x256xf32, #tpu.memory_space<vmem>>, vector<1x1x16xf32>,
          %get3A_1604 = vector.shape_cast %get3A_1603 : vector<1x1x16xf32> to vector<16xf32>
          %add3A_1605 = arith.addf %add3A_1461, %get3A_1604 : vector<16xf32>
          %add3A_1606 = arith.constant 1 : i32
          %add3A_1607 = arith.addi %mul3A_1371, %add3A_1606 : i32
          %get3A_1608 = arith.constant 0 : i32
          %get3A_1609 = arith.index_cast %get3A_1608 : i32 to index
          %get3A_1610 = arith.index_cast %add3A_1607 : i32 to index
          %get3A_1611 = arith.constant 160 : index
          %get3A_1612 = tpu.vector_load %arg6[%get3A_1609, %get3A_1610, %get3A_1611] {strides = array<i32>} : memref<2x128x256xf32, #tpu.memory_space<vmem>>, vector<1x1x16xf32>,
          %get3A_1613 = vector.shape_cast %get3A_1612 : vector<1x1x16xf32> to vector<16xf32>
          %add3A_1614 = arith.addf %add3A_1470, %get3A_1613 : vector<16xf32>
          %add3A_1615 = arith.constant 1 : i32
          %add3A_1616 = arith.addi %mul3A_1371, %add3A_1615 : i32
          %get3A_1617 = arith.constant 0 : i32
          %get3A_1618 = arith.index_cast %get3A_1617 : i32 to index
          %get3A_1619 = arith.index_cast %add3A_1616 : i32 to index
          %get3A_1620 = arith.constant 176 : index
          %get3A_1621 = tpu.vector_load %arg6[%get3A_1618, %get3A_1619, %get3A_1620] {strides = array<i32>} : memref<2x128x256xf32, #tpu.memory_space<vmem>>, vector<1x1x16xf32>,
          %get3A_1622 = vector.shape_cast %get3A_1621 : vector<1x1x16xf32> to vector<16xf32>
          %add3A_1623 = arith.addf %add3A_1479, %get3A_1622 : vector<16xf32>
          %add3A_1624 = arith.constant 1 : i32
          %add3A_1625 = arith.addi %mul3A_1371, %add3A_1624 : i32
          %get3A_1626 = arith.constant 0 : i32
          %get3A_1627 = arith.index_cast %get3A_1626 : i32 to index
          %get3A_1628 = arith.index_cast %add3A_1625 : i32 to index
          %get3A_1629 = arith.constant 192 : index
          %get3A_1630 = tpu.vector_load %arg6[%get3A_1627, %get3A_1628, %get3A_1629] {strides = array<i32>} : memref<2x128x256xf32, #tpu.memory_space<vmem>>, vector<1x1x16xf32>,
          %get3A_1631 = vector.shape_cast %get3A_1630 : vector<1x1x16xf32> to vector<16xf32>
          %add3A_1632 = arith.addf %add3A_1488, %get3A_1631 : vector<16xf32>
          %add3A_1633 = arith.constant 1 : i32
          %add3A_1634 = arith.addi %mul3A_1371, %add3A_1633 : i32
          %get3A_1635 = arith.constant 0 : i32
          %get3A_1636 = arith.index_cast %get3A_1635 : i32 to index
          %get3A_1637 = arith.index_cast %add3A_1634 : i32 to index
          %get3A_1638 = arith.constant 208 : index
          %get3A_1639 = tpu.vector_load %arg6[%get3A_1636, %get3A_1637, %get3A_1638] {strides = array<i32>} : memref<2x128x256xf32, #tpu.memory_space<vmem>>, vector<1x1x16xf32>,
          %get3A_1640 = vector.shape_cast %get3A_1639 : vector<1x1x16xf32> to vector<16xf32>
          %add3A_1641 = arith.addf %add3A_1497, %get3A_1640 : vector<16xf32>
          %add3A_1642 = arith.constant 1 : i32
          %add3A_1643 = arith.addi %mul3A_1371, %add3A_1642 : i32
          %get3A_1644 = arith.constant 0 : i32
          %get3A_1645 = arith.index_cast %get3A_1644 : i32 to index
          %get3A_1646 = arith.index_cast %add3A_1643 : i32 to index
          %get3A_1647 = arith.constant 224 : index
          %get3A_1648 = tpu.vector_load %arg6[%get3A_1645, %get3A_1646, %get3A_1647] {strides = array<i32>} : memref<2x128x256xf32, #tpu.memory_space<vmem>>, vector<1x1x16xf32>,
          %get3A_1649 = vector.shape_cast %get3A_1648 : vector<1x1x16xf32> to vector<16xf32>
          %add3A_1650 = arith.addf %add3A_1506, %get3A_1649 : vector<16xf32>
          %add3A_1651 = arith.constant 1 : i32
          %add3A_1652 = arith.addi %mul3A_1371, %add3A_1651 : i32
          %get3A_1653 = arith.constant 0 : i32
          %get3A_1654 = arith.index_cast %get3A_1653 : i32 to index
          %get3A_1655 = arith.index_cast %add3A_1652 : i32 to index
          %get3A_1656 = arith.constant 240 : index
          %get3A_1657 = tpu.vector_load %arg6[%get3A_1654, %get3A_1655, %get3A_1656] {strides = array<i32>} : memref<2x128x256xf32, #tpu.memory_space<vmem>>, vector<1x1x16xf32>,
          %get3A_1658 = vector.shape_cast %get3A_1657 : vector<1x1x16xf32> to vector<16xf32>
          %add3A_1659 = arith.addf %add3A_1515, %get3A_1658 : vector<16xf32>
          %add3A_1660 = arith.constant 2 : i32
          %add3A_1661 = arith.addi %mul3A_1371, %add3A_1660 : i32
          %get3A_1662 = arith.constant 0 : i32
          %get3A_1663 = arith.index_cast %get3A_1662 : i32 to index
          %get3A_1664 = arith.index_cast %add3A_1661 : i32 to index
          %get3A_1665 = arith.constant 0 : index
          %get3A_1666 = tpu.vector_load %arg6[%get3A_1663, %get3A_1664, %get3A_1665] {strides = array<i32>} : memref<2x128x256xf32, #tpu.memory_space<vmem>>, vector<1x1x16xf32>,
          %get3A_1667 = vector.shape_cast %get3A_1666 : vector<1x1x16xf32> to vector<16xf32>
          %add3A_1668 = arith.addf %add3A_1524, %get3A_1667 : vector<16xf32>
          %add3A_1669 = arith.constant 2 : i32
          %add3A_1670 = arith.addi %mul3A_1371, %add3A_1669 : i32
          %get3A_1671 = arith.constant 0 : i32
          %get3A_1672 = arith.index_cast %get3A_1671 : i32 to index
          %get3A_1673 = arith.index_cast %add3A_1670 : i32 to index
          %get3A_1674 = arith.constant 16 : index
          %get3A_1675 = tpu.vector_load %arg6[%get3A_1672, %get3A_1673, %get3A_1674] {strides = array<i32>} : memref<2x128x256xf32, #tpu.memory_space<vmem>>, vector<1x1x16xf32>,
          %get3A_1676 = vector.shape_cast %get3A_1675 : vector<1x1x16xf32> to vector<16xf32>
          %add3A_1677 = arith.addf %add3A_1533, %get3A_1676 : vector<16xf32>
          %add3A_1678 = arith.constant 2 : i32
          %add3A_1679 = arith.addi %mul3A_1371, %add3A_1678 : i32
          %get3A_1680 = arith.constant 0 : i32
          %get3A_1681 = arith.index_cast %get3A_1680 : i32 to index
          %get3A_1682 = arith.index_cast %add3A_1679 : i32 to index
          %get3A_1683 = arith.constant 32 : index
          %get3A_1684 = tpu.vector_load %arg6[%get3A_1681, %get3A_1682, %get3A_1683] {strides = array<i32>} : memref<2x128x256xf32, #tpu.memory_space<vmem>>, vector<1x1x16xf32>,
          %get3A_1685 = vector.shape_cast %get3A_1684 : vector<1x1x16xf32> to vector<16xf32>
          %add3A_1686 = arith.addf %add3A_1542, %get3A_1685 : vector<16xf32>
          %add3A_1687 = arith.constant 2 : i32
          %add3A_1688 = arith.addi %mul3A_1371, %add3A_1687 : i32
          %get3A_1689 = arith.constant 0 : i32
          %get3A_1690 = arith.index_cast %get3A_1689 : i32 to index
          %get3A_1691 = arith.index_cast %add3A_1688 : i32 to index
          %get3A_1692 = arith.constant 48 : index
          %get3A_1693 = tpu.vector_load %arg6[%get3A_1690, %get3A_1691, %get3A_1692] {strides = array<i32>} : memref<2x128x256xf32, #tpu.memory_space<vmem>>, vector<1x1x16xf32>,
          %get3A_1694 = vector.shape_cast %get3A_1693 : vector<1x1x16xf32> to vector<16xf32>
          %add3A_1695 = arith.addf %add3A_1551, %get3A_1694 : vector<16xf32>
          %add3A_1696 = arith.constant 2 : i32
          %add3A_1697 = arith.addi %mul3A_1371, %add3A_1696 : i32
          %get3A_1698 = arith.constant 0 : i32
          %get3A_1699 = arith.index_cast %get3A_1698 : i32 to index
          %get3A_1700 = arith.index_cast %add3A_1697 : i32 to index
          %get3A_1701 = arith.constant 64 : index
          %get3A_1702 = tpu.vector_load %arg6[%get3A_1699, %get3A_1700, %get3A_1701] {strides = array<i32>} : memref<2x128x256xf32, #tpu.memory_space<vmem>>, vector<1x1x16xf32>,
          %get3A_1703 = vector.shape_cast %get3A_1702 : vector<1x1x16xf32> to vector<16xf32>
          %add3A_1704 = arith.addf %add3A_1560, %get3A_1703 : vector<16xf32>
          %add3A_1705 = arith.constant 2 : i32
          %add3A_1706 = arith.addi %mul3A_1371, %add3A_1705 : i32
          %get3A_1707 = arith.constant 0 : i32
          %get3A_1708 = arith.index_cast %get3A_1707 : i32 to index
          %get3A_1709 = arith.index_cast %add3A_1706 : i32 to index
          %get3A_1710 = arith.constant 80 : index
          %get3A_1711 = tpu.vector_load %arg6[%get3A_1708, %get3A_1709, %get3A_1710] {strides = array<i32>} : memref<2x128x256xf32, #tpu.memory_space<vmem>>, vector<1x1x16xf32>,
          %get3A_1712 = vector.shape_cast %get3A_1711 : vector<1x1x16xf32> to vector<16xf32>
          %add3A_1713 = arith.addf %add3A_1569, %get3A_1712 : vector<16xf32>
          %add3A_1714 = arith.constant 2 : i32
          %add3A_1715 = arith.addi %mul3A_1371, %add3A_1714 : i32
          %get3A_1716 = arith.constant 0 : i32
          %get3A_1717 = arith.index_cast %get3A_1716 : i32 to index
          %get3A_1718 = arith.index_cast %add3A_1715 : i32 to index
          %get3A_1719 = arith.constant 96 : index
          %get3A_1720 = tpu.vector_load %arg6[%get3A_1717, %get3A_1718, %get3A_1719] {strides = array<i32>} : memref<2x128x256xf32, #tpu.memory_space<vmem>>, vector<1x1x16xf32>,
          %get3A_1721 = vector.shape_cast %get3A_1720 : vector<1x1x16xf32> to vector<16xf32>
          %add3A_1722 = arith.addf %add3A_1578, %get3A_1721 : vector<16xf32>
          %add3A_1723 = arith.constant 2 : i32
          %add3A_1724 = arith.addi %mul3A_1371, %add3A_1723 : i32
          %get3A_1725 = arith.constant 0 : i32
          %get3A_1726 = arith.index_cast %get3A_1725 : i32 to index
          %get3A_1727 = arith.index_cast %add3A_1724 : i32 to index
          %get3A_1728 = arith.constant 112 : index
          %get3A_1729 = tpu.vector_load %arg6[%get3A_1726, %get3A_1727, %get3A_1728] {strides = array<i32>} : memref<2x128x256xf32, #tpu.memory_space<vmem>>, vector<1x1x16xf32>,
          %get3A_1730 = vector.shape_cast %get3A_1729 : vector<1x1x16xf32> to vector<16xf32>
          %add3A_1731 = arith.addf %add3A_1587, %get3A_1730 : vector<16xf32>
          %add3A_1732 = arith.constant 2 : i32
          %add3A_1733 = arith.addi %mul3A_1371, %add3A_1732 : i32
          %get3A_1734 = arith.constant 0 : i32
          %get3A_1735 = arith.index_cast %get3A_1734 : i32 to index
          %get3A_1736 = arith.index_cast %add3A_1733 : i32 to index
          %get3A_1737 = arith.constant 128 : index
          %get3A_1738 = tpu.vector_load %arg6[%get3A_1735, %get3A_1736, %get3A_1737] {strides = array<i32>} : memref<2x128x256xf32, #tpu.memory_space<vmem>>, vector<1x1x16xf32>,
          %get3A_1739 = vector.shape_cast %get3A_1738 : vector<1x1x16xf32> to vector<16xf32>
          %add3A_1740 = arith.addf %add3A_1596, %get3A_1739 : vector<16xf32>
          %add3A_1741 = arith.constant 2 : i32
          %add3A_1742 = arith.addi %mul3A_1371, %add3A_1741 : i32
          %get3A_1743 = arith.constant 0 : i32
          %get3A_1744 = arith.index_cast %get3A_1743 : i32 to index
          %get3A_1745 = arith.index_cast %add3A_1742 : i32 to index
          %get3A_1746 = arith.constant 144 : index
          %get3A_1747 = tpu.vector_load %arg6[%get3A_1744, %get3A_1745, %get3A_1746] {strides = array<i32>} : memref<2x128x256xf32, #tpu.memory_space<vmem>>, vector<1x1x16xf32>,
          %get3A_1748 = vector.shape_cast %get3A_1747 : vector<1x1x16xf32> to vector<16xf32>
          %add3A_1749 = arith.addf %add3A_1605, %get3A_1748 : vector<16xf32>
          %add3A_1750 = arith.constant 2 : i32
          %add3A_1751 = arith.addi %mul3A_1371, %add3A_1750 : i32
          %get3A_1752 = arith.constant 0 : i32
          %get3A_1753 = arith.index_cast %get3A_1752 : i32 to index
          %get3A_1754 = arith.index_cast %add3A_1751 : i32 to index
          %get3A_1755 = arith.constant 160 : index
          %get3A_1756 = tpu.vector_load %arg6[%get3A_1753, %get3A_1754, %get3A_1755] {strides = array<i32>} : memref<2x128x256xf32, #tpu.memory_space<vmem>>, vector<1x1x16xf32>,
          %get3A_1757 = vector.shape_cast %get3A_1756 : vector<1x1x16xf32> to vector<16xf32>
          %add3A_1758 = arith.addf %add3A_1614, %get3A_1757 : vector<16xf32>
          %add3A_1759 = arith.constant 2 : i32
          %add3A_1760 = arith.addi %mul3A_1371, %add3A_1759 : i32
          %get3A_1761 = arith.constant 0 : i32
          %get3A_1762 = arith.index_cast %get3A_1761 : i32 to index
          %get3A_1763 = arith.index_cast %add3A_1760 : i32 to index
          %get3A_1764 = arith.constant 176 : index
          %get3A_1765 = tpu.vector_load %arg6[%get3A_1762, %get3A_1763, %get3A_1764] {strides = array<i32>} : memref<2x128x256xf32, #tpu.memory_space<vmem>>, vector<1x1x16xf32>,
          %get3A_1766 = vector.shape_cast %get3A_1765 : vector<1x1x16xf32> to vector<16xf32>
          %add3A_1767 = arith.addf %add3A_1623, %get3A_1766 : vector<16xf32>
          %add3A_1768 = arith.constant 2 : i32
          %add3A_1769 = arith.addi %mul3A_1371, %add3A_1768 : i32
          %get3A_1770 = arith.constant 0 : i32
          %get3A_1771 = arith.index_cast %get3A_1770 : i32 to index
          %get3A_1772 = arith.index_cast %add3A_1769 : i32 to index
          %get3A_1773 = arith.constant 192 : index
          %get3A_1774 = tpu.vector_load %arg6[%get3A_1771, %get3A_1772, %get3A_1773] {strides = array<i32>} : memref<2x128x256xf32, #tpu.memory_space<vmem>>, vector<1x1x16xf32>,
          %get3A_1775 = vector.shape_cast %get3A_1774 : vector<1x1x16xf32> to vector<16xf32>
          %add3A_1776 = arith.addf %add3A_1632, %get3A_1775 : vector<16xf32>
          %add3A_1777 = arith.constant 2 : i32
          %add3A_1778 = arith.addi %mul3A_1371, %add3A_1777 : i32
          %get3A_1779 = arith.constant 0 : i32
          %get3A_1780 = arith.index_cast %get3A_1779 : i32 to index
          %get3A_1781 = arith.index_cast %add3A_1778 : i32 to index
          %get3A_1782 = arith.constant 208 : index
          %get3A_1783 = tpu.vector_load %arg6[%get3A_1780, %get3A_1781, %get3A_1782] {strides = array<i32>} : memref<2x128x256xf32, #tpu.memory_space<vmem>>, vector<1x1x16xf32>,
          %get3A_1784 = vector.shape_cast %get3A_1783 : vector<1x1x16xf32> to vector<16xf32>
          %add3A_1785 = arith.addf %add3A_1641, %get3A_1784 : vector<16xf32>
          %add3A_1786 = arith.constant 2 : i32
          %add3A_1787 = arith.addi %mul3A_1371, %add3A_1786 : i32
          %get3A_1788 = arith.constant 0 : i32
          %get3A_1789 = arith.index_cast %get3A_1788 : i32 to index
          %get3A_1790 = arith.index_cast %add3A_1787 : i32 to index
          %get3A_1791 = arith.constant 224 : index
          %get3A_1792 = tpu.vector_load %arg6[%get3A_1789, %get3A_1790, %get3A_1791] {strides = array<i32>} : memref<2x128x256xf32, #tpu.memory_space<vmem>>, vector<1x1x16xf32>,
          %get3A_1793 = vector.shape_cast %get3A_1792 : vector<1x1x16xf32> to vector<16xf32>
          %add3A_1794 = arith.addf %add3A_1650, %get3A_1793 : vector<16xf32>
          %add3A_1795 = arith.constant 2 : i32
          %add3A_1796 = arith.addi %mul3A_1371, %add3A_1795 : i32
          %get3A_1797 = arith.constant 0 : i32
          %get3A_1798 = arith.index_cast %get3A_1797 : i32 to index
          %get3A_1799 = arith.index_cast %add3A_1796 : i32 to index
          %get3A_1800 = arith.constant 240 : index
          %get3A_1801 = tpu.vector_load %arg6[%get3A_1798, %get3A_1799, %get3A_1800] {strides = array<i32>} : memref<2x128x256xf32, #tpu.memory_space<vmem>>, vector<1x1x16xf32>,
          %get3A_1802 = vector.shape_cast %get3A_1801 : vector<1x1x16xf32> to vector<16xf32>
          %add3A_1803 = arith.addf %add3A_1659, %get3A_1802 : vector<16xf32>
          %add3A_1804 = arith.constant 3 : i32
          %add3A_1805 = arith.addi %mul3A_1371, %add3A_1804 : i32
          %get3A_1806 = arith.constant 0 : i32
          %get3A_1807 = arith.index_cast %get3A_1806 : i32 to index
          %get3A_1808 = arith.index_cast %add3A_1805 : i32 to index
          %get3A_1809 = arith.constant 0 : index
          %get3A_1810 = tpu.vector_load %arg6[%get3A_1807, %get3A_1808, %get3A_1809] {strides = array<i32>} : memref<2x128x256xf32, #tpu.memory_space<vmem>>, vector<1x1x16xf32>,
          %get3A_1811 = vector.shape_cast %get3A_1810 : vector<1x1x16xf32> to vector<16xf32>
          %add3A_1812 = arith.addf %add3A_1668, %get3A_1811 : vector<16xf32>
          %add3A_1813 = arith.constant 3 : i32
          %add3A_1814 = arith.addi %mul3A_1371, %add3A_1813 : i32
          %get3A_1815 = arith.constant 0 : i32
          %get3A_1816 = arith.index_cast %get3A_1815 : i32 to index
          %get3A_1817 = arith.index_cast %add3A_1814 : i32 to index
          %get3A_1818 = arith.constant 16 : index
          %get3A_1819 = tpu.vector_load %arg6[%get3A_1816, %get3A_1817, %get3A_1818] {strides = array<i32>} : memref<2x128x256xf32, #tpu.memory_space<vmem>>, vector<1x1x16xf32>,
          %get3A_1820 = vector.shape_cast %get3A_1819 : vector<1x1x16xf32> to vector<16xf32>
          %add3A_1821 = arith.addf %add3A_1677, %get3A_1820 : vector<16xf32>
          %add3A_1822 = arith.constant 3 : i32
          %add3A_1823 = arith.addi %mul3A_1371, %add3A_1822 : i32
          %get3A_1824 = arith.constant 0 : i32
          %get3A_1825 = arith.index_cast %get3A_1824 : i32 to index
          %get3A_1826 = arith.index_cast %add3A_1823 : i32 to index
          %get3A_1827 = arith.constant 32 : index
          %get3A_1828 = tpu.vector_load %arg6[%get3A_1825, %get3A_1826, %get3A_1827] {strides = array<i32>} : memref<2x128x256xf32, #tpu.memory_space<vmem>>, vector<1x1x16xf32>,
          %get3A_1829 = vector.shape_cast %get3A_1828 : vector<1x1x16xf32> to vector<16xf32>
          %add3A_1830 = arith.addf %add3A_1686, %get3A_1829 : vector<16xf32>
          %add3A_1831 = arith.constant 3 : i32
          %add3A_1832 = arith.addi %mul3A_1371, %add3A_1831 : i32
          %get3A_1833 = arith.constant 0 : i32
          %get3A_1834 = arith.index_cast %get3A_1833 : i32 to index
          %get3A_1835 = arith.index_cast %add3A_1832 : i32 to index
          %get3A_1836 = arith.constant 48 : index
          %get3A_1837 = tpu.vector_load %arg6[%get3A_1834, %get3A_1835, %get3A_1836] {strides = array<i32>} : memref<2x128x256xf32, #tpu.memory_space<vmem>>, vector<1x1x16xf32>,
          %get3A_1838 = vector.shape_cast %get3A_1837 : vector<1x1x16xf32> to vector<16xf32>
          %add3A_1839 = arith.addf %add3A_1695, %get3A_1838 : vector<16xf32>
          %add3A_1840 = arith.constant 3 : i32
          %add3A_1841 = arith.addi %mul3A_1371, %add3A_1840 : i32
          %get3A_1842 = arith.constant 0 : i32
          %get3A_1843 = arith.index_cast %get3A_1842 : i32 to index
          %get3A_1844 = arith.index_cast %add3A_1841 : i32 to index
          %get3A_1845 = arith.constant 64 : index
          %get3A_1846 = tpu.vector_load %arg6[%get3A_1843, %get3A_1844, %get3A_1845] {strides = array<i32>} : memref<2x128x256xf32, #tpu.memory_space<vmem>>, vector<1x1x16xf32>,
          %get3A_1847 = vector.shape_cast %get3A_1846 : vector<1x1x16xf32> to vector<16xf32>
          %add3A_1848 = arith.addf %add3A_1704, %get3A_1847 : vector<16xf32>
          %add3A_1849 = arith.constant 3 : i32
          %add3A_1850 = arith.addi %mul3A_1371, %add3A_1849 : i32
          %get3A_1851 = arith.constant 0 : i32
          %get3A_1852 = arith.index_cast %get3A_1851 : i32 to index
          %get3A_1853 = arith.index_cast %add3A_1850 : i32 to index
          %get3A_1854 = arith.constant 80 : index
          %get3A_1855 = tpu.vector_load %arg6[%get3A_1852, %get3A_1853, %get3A_1854] {strides = array<i32>} : memref<2x128x256xf32, #tpu.memory_space<vmem>>, vector<1x1x16xf32>,
          %get3A_1856 = vector.shape_cast %get3A_1855 : vector<1x1x16xf32> to vector<16xf32>
          %add3A_1857 = arith.addf %add3A_1713, %get3A_1856 : vector<16xf32>
          %add3A_1858 = arith.constant 3 : i32
          %add3A_1859 = arith.addi %mul3A_1371, %add3A_1858 : i32
          %get3A_1860 = arith.constant 0 : i32
          %get3A_1861 = arith.index_cast %get3A_1860 : i32 to index
          %get3A_1862 = arith.index_cast %add3A_1859 : i32 to index
          %get3A_1863 = arith.constant 96 : index
          %get3A_1864 = tpu.vector_load %arg6[%get3A_1861, %get3A_1862, %get3A_1863] {strides = array<i32>} : memref<2x128x256xf32, #tpu.memory_space<vmem>>, vector<1x1x16xf32>,
          %get3A_1865 = vector.shape_cast %get3A_1864 : vector<1x1x16xf32> to vector<16xf32>
          %add3A_1866 = arith.addf %add3A_1722, %get3A_1865 : vector<16xf32>
          %add3A_1867 = arith.constant 3 : i32
          %add3A_1868 = arith.addi %mul3A_1371, %add3A_1867 : i32
          %get3A_1869 = arith.constant 0 : i32
          %get3A_1870 = arith.index_cast %get3A_1869 : i32 to index
          %get3A_1871 = arith.index_cast %add3A_1868 : i32 to index
          %get3A_1872 = arith.constant 112 : index
          %get3A_1873 = tpu.vector_load %arg6[%get3A_1870, %get3A_1871, %get3A_1872] {strides = array<i32>} : memref<2x128x256xf32, #tpu.memory_space<vmem>>, vector<1x1x16xf32>,
          %get3A_1874 = vector.shape_cast %get3A_1873 : vector<1x1x16xf32> to vector<16xf32>
          %add3A_1875 = arith.addf %add3A_1731, %get3A_1874 : vector<16xf32>
          %add3A_1876 = arith.constant 3 : i32
          %add3A_1877 = arith.addi %mul3A_1371, %add3A_1876 : i32
          %get3A_1878 = arith.constant 0 : i32
          %get3A_1879 = arith.index_cast %get3A_1878 : i32 to index
          %get3A_1880 = arith.index_cast %add3A_1877 : i32 to index
          %get3A_1881 = arith.constant 128 : index
          %get3A_1882 = tpu.vector_load %arg6[%get3A_1879, %get3A_1880, %get3A_1881] {strides = array<i32>} : memref<2x128x256xf32, #tpu.memory_space<vmem>>, vector<1x1x16xf32>,
          %get3A_1883 = vector.shape_cast %get3A_1882 : vector<1x1x16xf32> to vector<16xf32>
          %add3A_1884 = arith.addf %add3A_1740, %get3A_1883 : vector<16xf32>
          %add3A_1885 = arith.constant 3 : i32
          %add3A_1886 = arith.addi %mul3A_1371, %add3A_1885 : i32
          %get3A_1887 = arith.constant 0 : i32
          %get3A_1888 = arith.index_cast %get3A_1887 : i32 to index
          %get3A_1889 = arith.index_cast %add3A_1886 : i32 to index
          %get3A_1890 = arith.constant 144 : index
          %get3A_1891 = tpu.vector_load %arg6[%get3A_1888, %get3A_1889, %get3A_1890] {strides = array<i32>} : memref<2x128x256xf32, #tpu.memory_space<vmem>>, vector<1x1x16xf32>,
          %get3A_1892 = vector.shape_cast %get3A_1891 : vector<1x1x16xf32> to vector<16xf32>
          %add3A_1893 = arith.addf %add3A_1749, %get3A_1892 : vector<16xf32>
          %add3A_1894 = arith.constant 3 : i32
          %add3A_1895 = arith.addi %mul3A_1371, %add3A_1894 : i32
          %get3A_1896 = arith.constant 0 : i32
          %get3A_1897 = arith.index_cast %get3A_1896 : i32 to index
          %get3A_1898 = arith.index_cast %add3A_1895 : i32 to index
          %get3A_1899 = arith.constant 160 : index
          %get3A_1900 = tpu.vector_load %arg6[%get3A_1897, %get3A_1898, %get3A_1899] {strides = array<i32>} : memref<2x128x256xf32, #tpu.memory_space<vmem>>, vector<1x1x16xf32>,
          %get3A_1901 = vector.shape_cast %get3A_1900 : vector<1x1x16xf32> to vector<16xf32>
          %add3A_1902 = arith.addf %add3A_1758, %get3A_1901 : vector<16xf32>
          %add3A_1903 = arith.constant 3 : i32
          %add3A_1904 = arith.addi %mul3A_1371, %add3A_1903 : i32
          %get3A_1905 = arith.constant 0 : i32
          %get3A_1906 = arith.index_cast %get3A_1905 : i32 to index
          %get3A_1907 = arith.index_cast %add3A_1904 : i32 to index
          %get3A_1908 = arith.constant 176 : index
          %get3A_1909 = tpu.vector_load %arg6[%get3A_1906, %get3A_1907, %get3A_1908] {strides = array<i32>} : memref<2x128x256xf32, #tpu.memory_space<vmem>>, vector<1x1x16xf32>,
          %get3A_1910 = vector.shape_cast %get3A_1909 : vector<1x1x16xf32> to vector<16xf32>
          %add3A_1911 = arith.addf %add3A_1767, %get3A_1910 : vector<16xf32>
          %add3A_1912 = arith.constant 3 : i32
          %add3A_1913 = arith.addi %mul3A_1371, %add3A_1912 : i32
          %get3A_1914 = arith.constant 0 : i32
          %get3A_1915 = arith.index_cast %get3A_1914 : i32 to index
          %get3A_1916 = arith.index_cast %add3A_1913 : i32 to index
          %get3A_1917 = arith.constant 192 : index
          %get3A_1918 = tpu.vector_load %arg6[%get3A_1915, %get3A_1916, %get3A_1917] {strides = array<i32>} : memref<2x128x256xf32, #tpu.memory_space<vmem>>, vector<1x1x16xf32>,
          %get3A_1919 = vector.shape_cast %get3A_1918 : vector<1x1x16xf32> to vector<16xf32>
          %add3A_1920 = arith.addf %add3A_1776, %get3A_1919 : vector<16xf32>
          %add3A_1921 = arith.constant 3 : i32
          %add3A_1922 = arith.addi %mul3A_1371, %add3A_1921 : i32
          %get3A_1923 = arith.constant 0 : i32
          %get3A_1924 = arith.index_cast %get3A_1923 : i32 to index
          %get3A_1925 = arith.index_cast %add3A_1922 : i32 to index
          %get3A_1926 = arith.constant 208 : index
          %get3A_1927 = tpu.vector_load %arg6[%get3A_1924, %get3A_1925, %get3A_1926] {strides = array<i32>} : memref<2x128x256xf32, #tpu.memory_space<vmem>>, vector<1x1x16xf32>,
          %get3A_1928 = vector.shape_cast %get3A_1927 : vector<1x1x16xf32> to vector<16xf32>
          %add3A_1929 = arith.addf %add3A_1785, %get3A_1928 : vector<16xf32>
          %add3A_1930 = arith.constant 3 : i32
          %add3A_1931 = arith.addi %mul3A_1371, %add3A_1930 : i32
          %get3A_1932 = arith.constant 0 : i32
          %get3A_1933 = arith.index_cast %get3A_1932 : i32 to index
          %get3A_1934 = arith.index_cast %add3A_1931 : i32 to index
          %get3A_1935 = arith.constant 224 : index
          %get3A_1936 = tpu.vector_load %arg6[%get3A_1933, %get3A_1934, %get3A_1935] {strides = array<i32>} : memref<2x128x256xf32, #tpu.memory_space<vmem>>, vector<1x1x16xf32>,
          %get3A_1937 = vector.shape_cast %get3A_1936 : vector<1x1x16xf32> to vector<16xf32>
          %add3A_1938 = arith.addf %add3A_1794, %get3A_1937 : vector<16xf32>
          %add3A_1939 = arith.constant 3 : i32
          %add3A_1940 = arith.addi %mul3A_1371, %add3A_1939 : i32
          %get3A_1941 = arith.constant 0 : i32
          %get3A_1942 = arith.index_cast %get3A_1941 : i32 to index
          %get3A_1943 = arith.index_cast %add3A_1940 : i32 to index
          %get3A_1944 = arith.constant 240 : index
          %get3A_1945 = tpu.vector_load %arg6[%get3A_1942, %get3A_1943, %get3A_1944] {strides = array<i32>} : memref<2x128x256xf32, #tpu.memory_space<vmem>>, vector<1x1x16xf32>,
          %get3A_1946 = vector.shape_cast %get3A_1945 : vector<1x1x16xf32> to vector<16xf32>
          %add3A_1947 = arith.addf %add3A_1803, %get3A_1946 : vector<16xf32>
          scf.yield %add3A_1812, %add3A_1821, %add3A_1830, %add3A_1839, %add3A_1848, %add3A_1857, %add3A_1866, %add3A_1875, %add3A_1884, %add3A_1893, %add3A_1902, %add3A_1911, %add3A_1920, %add3A_1929, %add3A_1938, %add3A_1947 : vector<16xf32>, vector<16xf32>, vector<16xf32>, vector<16xf32>, vector<16xf32>, vector<16xf32>, vector<16xf32>, vector<16xf32>, vector<16xf32>, vector<16xf32>, vector<16xf32>, vector<16xf32>, vector<16xf32>, vector<16xf32>, vector<16xf32>, vector<16xf32>
        }
        %scan3A_1192 = arith.constant 32 : i32
        %get3A_1193 = arith.index_cast %add3A_983 : i32 to index
        %get3A_1194 = arith.constant 0 : index
        %get3A_1195 = tpu.vector_load %arg7[%get3A_1193, %get3A_1194] {strides = array<i32>} : memref<9x256xf32, #tpu.memory_space<vmem>>, vector<1x16xf32>,
        %get3A_1196 = vector.shape_cast %get3A_1195 : vector<1x16xf32> to vector<16xf32>
        %add3A_1197 = arith.addf %get3A_1196, %scan3A_1191#0 : vector<16xf32>
        %swap3A_1198 = arith.index_cast %add3A_983 : i32 to index
        %swap3A_1199 = arith.constant 0 : index
        %swap3A_1200 = tpu.vector_load %arg7[%swap3A_1198, %swap3A_1199] {strides = array<i32>} : memref<9x256xf32, #tpu.memory_space<vmem>>, vector<1x16xf32>,
        %swap3A_1201 = vector.shape_cast %swap3A_1200 : vector<1x16xf32> to vector<16xf32>
        %swap3A_1202 = vector.shape_cast %add3A_1197 : vector<16xf32> to vector<1x16xf32>
        tpu.vector_store %arg7[%swap3A_1198, %swap3A_1199], %swap3A_1202 {strides = array<i32>} : memref<9x256xf32, #tpu.memory_space<vmem>>, vector<1x16xf32>,
        %get3A_1203 = arith.index_cast %add3A_983 : i32 to index
        %get3A_1204 = arith.constant 16 : index
        %get3A_1205 = tpu.vector_load %arg7[%get3A_1203, %get3A_1204] {strides = array<i32>} : memref<9x256xf32, #tpu.memory_space<vmem>>, vector<1x16xf32>,
        %get3A_1206 = vector.shape_cast %get3A_1205 : vector<1x16xf32> to vector<16xf32>
        %add3A_1207 = arith.addf %get3A_1206, %scan3A_1191#1 : vector<16xf32>
        %swap3A_1208 = arith.index_cast %add3A_983 : i32 to index
        %swap3A_1209 = arith.constant 16 : index
        %swap3A_1210 = tpu.vector_load %arg7[%swap3A_1208, %swap3A_1209] {strides = array<i32>} : memref<9x256xf32, #tpu.memory_space<vmem>>, vector<1x16xf32>,
        %swap3A_1211 = vector.shape_cast %swap3A_1210 : vector<1x16xf32> to vector<16xf32>
        %swap3A_1212 = vector.shape_cast %add3A_1207 : vector<16xf32> to vector<1x16xf32>
        tpu.vector_store %arg7[%swap3A_1208, %swap3A_1209], %swap3A_1212 {strides = array<i32>} : memref<9x256xf32, #tpu.memory_space<vmem>>, vector<1x16xf32>,
        %get3A_1213 = arith.index_cast %add3A_983 : i32 to index
        %get3A_1214 = arith.constant 32 : index
        %get3A_1215 = tpu.vector_load %arg7[%get3A_1213, %get3A_1214] {strides = array<i32>} : memref<9x256xf32, #tpu.memory_space<vmem>>, vector<1x16xf32>,
        %get3A_1216 = vector.shape_cast %get3A_1215 : vector<1x16xf32> to vector<16xf32>
        %add3A_1217 = arith.addf %get3A_1216, %scan3A_1191#2 : vector<16xf32>
        %swap3A_1218 = arith.index_cast %add3A_983 : i32 to index
        %swap3A_1219 = arith.constant 32 : index
        %swap3A_1220 = tpu.vector_load %arg7[%swap3A_1218, %swap3A_1219] {strides = array<i32>} : memref<9x256xf32, #tpu.memory_space<vmem>>, vector<1x16xf32>,
        %swap3A_1221 = vector.shape_cast %swap3A_1220 : vector<1x16xf32> to vector<16xf32>
        %swap3A_1222 = vector.shape_cast %add3A_1217 : vector<16xf32> to vector<1x16xf32>
        tpu.vector_store %arg7[%swap3A_1218, %swap3A_1219], %swap3A_1222 {strides = array<i32>} : memref<9x256xf32, #tpu.memory_space<vmem>>, vector<1x16xf32>,
        %get3A_1223 = arith.index_cast %add3A_983 : i32 to index
        %get3A_1224 = arith.constant 48 : index
        %get3A_1225 = tpu.vector_load %arg7[%get3A_1223, %get3A_1224] {strides = array<i32>} : memref<9x256xf32, #tpu.memory_space<vmem>>, vector<1x16xf32>,
        %get3A_1226 = vector.shape_cast %get3A_1225 : vector<1x16xf32> to vector<16xf32>
        %add3A_1227 = arith.addf %get3A_1226, %scan3A_1191#3 : vector<16xf32>
        %swap3A_1228 = arith.index_cast %add3A_983 : i32 to index
        %swap3A_1229 = arith.constant 48 : index
        %swap3A_1230 = tpu.vector_load %arg7[%swap3A_1228, %swap3A_1229] {strides = array<i32>} : memref<9x256xf32, #tpu.memory_space<vmem>>, vector<1x16xf32>,
        %swap3A_1231 = vector.shape_cast %swap3A_1230 : vector<1x16xf32> to vector<16xf32>
        %swap3A_1232 = vector.shape_cast %add3A_1227 : vector<16xf32> to vector<1x16xf32>
        tpu.vector_store %arg7[%swap3A_1228, %swap3A_1229], %swap3A_1232 {strides = array<i32>} : memref<9x256xf32, #tpu.memory_space<vmem>>, vector<1x16xf32>,
        %get3A_1233 = arith.index_cast %add3A_983 : i32 to index
        %get3A_1234 = arith.constant 64 : index
        %get3A_1235 = tpu.vector_load %arg7[%get3A_1233, %get3A_1234] {strides = array<i32>} : memref<9x256xf32, #tpu.memory_space<vmem>>, vector<1x16xf32>,
        %get3A_1236 = vector.shape_cast %get3A_1235 : vector<1x16xf32> to vector<16xf32>
        %add3A_1237 = arith.addf %get3A_1236, %scan3A_1191#4 : vector<16xf32>
        %swap3A_1238 = arith.index_cast %add3A_983 : i32 to index
        %swap3A_1239 = arith.constant 64 : index
        %swap3A_1240 = tpu.vector_load %arg7[%swap3A_1238, %swap3A_1239] {strides = array<i32>} : memref<9x256xf32, #tpu.memory_space<vmem>>, vector<1x16xf32>,
        %swap3A_1241 = vector.shape_cast %swap3A_1240 : vector<1x16xf32> to vector<16xf32>
        %swap3A_1242 = vector.shape_cast %add3A_1237 : vector<16xf32> to vector<1x16xf32>
        tpu.vector_store %arg7[%swap3A_1238, %swap3A_1239], %swap3A_1242 {strides = array<i32>} : memref<9x256xf32, #tpu.memory_space<vmem>>, vector<1x16xf32>,
        %get3A_1243 = arith.index_cast %add3A_983 : i32 to index
        %get3A_1244 = arith.constant 80 : index
        %get3A_1245 = tpu.vector_load %arg7[%get3A_1243, %get3A_1244] {strides = array<i32>} : memref<9x256xf32, #tpu.memory_space<vmem>>, vector<1x16xf32>,
        %get3A_1246 = vector.shape_cast %get3A_1245 : vector<1x16xf32> to vector<16xf32>
        %add3A_1247 = arith.addf %get3A_1246, %scan3A_1191#5 : vector<16xf32>
        %swap3A_1248 = arith.index_cast %add3A_983 : i32 to index
        %swap3A_1249 = arith.constant 80 : index
        %swap3A_1250 = tpu.vector_load %arg7[%swap3A_1248, %swap3A_1249] {strides = array<i32>} : memref<9x256xf32, #tpu.memory_space<vmem>>, vector<1x16xf32>,
        %swap3A_1251 = vector.shape_cast %swap3A_1250 : vector<1x16xf32> to vector<16xf32>
        %swap3A_1252 = vector.shape_cast %add3A_1247 : vector<16xf32> to vector<1x16xf32>
        tpu.vector_store %arg7[%swap3A_1248, %swap3A_1249], %swap3A_1252 {strides = array<i32>} : memref<9x256xf32, #tpu.memory_space<vmem>>, vector<1x16xf32>,
        %get3A_1253 = arith.index_cast %add3A_983 : i32 to index
        %get3A_1254 = arith.constant 96 : index
        %get3A_1255 = tpu.vector_load %arg7[%get3A_1253, %get3A_1254] {strides = array<i32>} : memref<9x256xf32, #tpu.memory_space<vmem>>, vector<1x16xf32>,
        %get3A_1256 = vector.shape_cast %get3A_1255 : vector<1x16xf32> to vector<16xf32>
        %add3A_1257 = arith.addf %get3A_1256, %scan3A_1191#6 : vector<16xf32>
        %swap3A_1258 = arith.index_cast %add3A_983 : i32 to index
        %swap3A_1259 = arith.constant 96 : index
        %swap3A_1260 = tpu.vector_load %arg7[%swap3A_1258, %swap3A_1259] {strides = array<i32>} : memref<9x256xf32, #tpu.memory_space<vmem>>, vector<1x16xf32>,
        %swap3A_1261 = vector.shape_cast %swap3A_1260 : vector<1x16xf32> to vector<16xf32>
        %swap3A_1262 = vector.shape_cast %add3A_1257 : vector<16xf32> to vector<1x16xf32>
        tpu.vector_store %arg7[%swap3A_1258, %swap3A_1259], %swap3A_1262 {strides = array<i32>} : memref<9x256xf32, #tpu.memory_space<vmem>>, vector<1x16xf32>,
        %get3A_1263 = arith.index_cast %add3A_983 : i32 to index
        %get3A_1264 = arith.constant 112 : index
        %get3A_1265 = tpu.vector_load %arg7[%get3A_1263, %get3A_1264] {strides = array<i32>} : memref<9x256xf32, #tpu.memory_space<vmem>>, vector<1x16xf32>,
        %get3A_1266 = vector.shape_cast %get3A_1265 : vector<1x16xf32> to vector<16xf32>
        %add3A_1267 = arith.addf %get3A_1266, %scan3A_1191#7 : vector<16xf32>
        %swap3A_1268 = arith.index_cast %add3A_983 : i32 to index
        %swap3A_1269 = arith.constant 112 : index
        %swap3A_1270 = tpu.vector_load %arg7[%swap3A_1268, %swap3A_1269] {strides = array<i32>} : memref<9x256xf32, #tpu.memory_space<vmem>>, vector<1x16xf32>,
        %swap3A_1271 = vector.shape_cast %swap3A_1270 : vector<1x16xf32> to vector<16xf32>
        %swap3A_1272 = vector.shape_cast %add3A_1267 : vector<16xf32> to vector<1x16xf32>
        tpu.vector_store %arg7[%swap3A_1268, %swap3A_1269], %swap3A_1272 {strides = array<i32>} : memref<9x256xf32, #tpu.memory_space<vmem>>, vector<1x16xf32>,
        %get3A_1273 = arith.index_cast %add3A_983 : i32 to index
        %get3A_1274 = arith.constant 128 : index
        %get3A_1275 = tpu.vector_load %arg7[%get3A_1273, %get3A_1274] {strides = array<i32>} : memref<9x256xf32, #tpu.memory_space<vmem>>, vector<1x16xf32>,
        %get3A_1276 = vector.shape_cast %get3A_1275 : vector<1x16xf32> to vector<16xf32>
        %add3A_1277 = arith.addf %get3A_1276, %scan3A_1191#8 : vector<16xf32>
        %swap3A_1278 = arith.index_cast %add3A_983 : i32 to index
        %swap3A_1279 = arith.constant 128 : index
        %swap3A_1280 = tpu.vector_load %arg7[%swap3A_1278, %swap3A_1279] {strides = array<i32>} : memref<9x256xf32, #tpu.memory_space<vmem>>, vector<1x16xf32>,
        %swap3A_1281 = vector.shape_cast %swap3A_1280 : vector<1x16xf32> to vector<16xf32>
        %swap3A_1282 = vector.shape_cast %add3A_1277 : vector<16xf32> to vector<1x16xf32>
        tpu.vector_store %arg7[%swap3A_1278, %swap3A_1279], %swap3A_1282 {strides = array<i32>} : memref<9x256xf32, #tpu.memory_space<vmem>>, vector<1x16xf32>,
        %get3A_1283 = arith.index_cast %add3A_983 : i32 to index
        %get3A_1284 = arith.constant 144 : index
        %get3A_1285 = tpu.vector_load %arg7[%get3A_1283, %get3A_1284] {strides = array<i32>} : memref<9x256xf32, #tpu.memory_space<vmem>>, vector<1x16xf32>,
        %get3A_1286 = vector.shape_cast %get3A_1285 : vector<1x16xf32> to vector<16xf32>
        %add3A_1287 = arith.addf %get3A_1286, %scan3A_1191#9 : vector<16xf32>
        %swap3A_1288 = arith.index_cast %add3A_983 : i32 to index
        %swap3A_1289 = arith.constant 144 : index
        %swap3A_1290 = tpu.vector_load %arg7[%swap3A_1288, %swap3A_1289] {strides = array<i32>} : memref<9x256xf32, #tpu.memory_space<vmem>>, vector<1x16xf32>,
        %swap3A_1291 = vector.shape_cast %swap3A_1290 : vector<1x16xf32> to vector<16xf32>
        %swap3A_1292 = vector.shape_cast %add3A_1287 : vector<16xf32> to vector<1x16xf32>
        tpu.vector_store %arg7[%swap3A_1288, %swap3A_1289], %swap3A_1292 {strides = array<i32>} : memref<9x256xf32, #tpu.memory_space<vmem>>, vector<1x16xf32>,
        %get3A_1293 = arith.index_cast %add3A_983 : i32 to index
        %get3A_1294 = arith.constant 160 : index
        %get3A_1295 = tpu.vector_load %arg7[%get3A_1293, %get3A_1294] {strides = array<i32>} : memref<9x256xf32, #tpu.memory_space<vmem>>, vector<1x16xf32>,
        %get3A_1296 = vector.shape_cast %get3A_1295 : vector<1x16xf32> to vector<16xf32>
        %add3A_1297 = arith.addf %get3A_1296, %scan3A_1191#10 : vector<16xf32>
        %swap3A_1298 = arith.index_cast %add3A_983 : i32 to index
        %swap3A_1299 = arith.constant 160 : index
        %swap3A_1300 = tpu.vector_load %arg7[%swap3A_1298, %swap3A_1299] {strides = array<i32>} : memref<9x256xf32, #tpu.memory_space<vmem>>, vector<1x16xf32>,
        %swap3A_1301 = vector.shape_cast %swap3A_1300 : vector<1x16xf32> to vector<16xf32>
        %swap3A_1302 = vector.shape_cast %add3A_1297 : vector<16xf32> to vector<1x16xf32>
        tpu.vector_store %arg7[%swap3A_1298, %swap3A_1299], %swap3A_1302 {strides = array<i32>} : memref<9x256xf32, #tpu.memory_space<vmem>>, vector<1x16xf32>,
        %get3A_1303 = arith.index_cast %add3A_983 : i32 to index
        %get3A_1304 = arith.constant 176 : index
        %get3A_1305 = tpu.vector_load %arg7[%get3A_1303, %get3A_1304] {strides = array<i32>} : memref<9x256xf32, #tpu.memory_space<vmem>>, vector<1x16xf32>,
        %get3A_1306 = vector.shape_cast %get3A_1305 : vector<1x16xf32> to vector<16xf32>
        %add3A_1307 = arith.addf %get3A_1306, %scan3A_1191#11 : vector<16xf32>
        %swap3A_1308 = arith.index_cast %add3A_983 : i32 to index
        %swap3A_1309 = arith.constant 176 : index
        %swap3A_1310 = tpu.vector_load %arg7[%swap3A_1308, %swap3A_1309] {strides = array<i32>} : memref<9x256xf32, #tpu.memory_space<vmem>>, vector<1x16xf32>,
        %swap3A_1311 = vector.shape_cast %swap3A_1310 : vector<1x16xf32> to vector<16xf32>
        %swap3A_1312 = vector.shape_cast %add3A_1307 : vector<16xf32> to vector<1x16xf32>
        tpu.vector_store %arg7[%swap3A_1308, %swap3A_1309], %swap3A_1312 {strides = array<i32>} : memref<9x256xf32, #tpu.memory_space<vmem>>, vector<1x16xf32>,
        %get3A_1313 = arith.index_cast %add3A_983 : i32 to index
        %get3A_1314 = arith.constant 192 : index
        %get3A_1315 = tpu.vector_load %arg7[%get3A_1313, %get3A_1314] {strides = array<i32>} : memref<9x256xf32, #tpu.memory_space<vmem>>, vector<1x16xf32>,
        %get3A_1316 = vector.shape_cast %get3A_1315 : vector<1x16xf32> to vector<16xf32>
        %add3A_1317 = arith.addf %get3A_1316, %scan3A_1191#12 : vector<16xf32>
        %swap3A_1318 = arith.index_cast %add3A_983 : i32 to index
        %swap3A_1319 = arith.constant 192 : index
        %swap3A_1320 = tpu.vector_load %arg7[%swap3A_1318, %swap3A_1319] {strides = array<i32>} : memref<9x256xf32, #tpu.memory_space<vmem>>, vector<1x16xf32>,
        %swap3A_1321 = vector.shape_cast %swap3A_1320 : vector<1x16xf32> to vector<16xf32>
        %swap3A_1322 = vector.shape_cast %add3A_1317 : vector<16xf32> to vector<1x16xf32>
        tpu.vector_store %arg7[%swap3A_1318, %swap3A_1319], %swap3A_1322 {strides = array<i32>} : memref<9x256xf32, #tpu.memory_space<vmem>>, vector<1x16xf32>,
        %get3A_1323 = arith.index_cast %add3A_983 : i32 to index
        %get3A_1324 = arith.constant 208 : index
        %get3A_1325 = tpu.vector_load %arg7[%get3A_1323, %get3A_1324] {strides = array<i32>} : memref<9x256xf32, #tpu.memory_space<vmem>>, vector<1x16xf32>,
        %get3A_1326 = vector.shape_cast %get3A_1325 : vector<1x16xf32> to vector<16xf32>
        %add3A_1327 = arith.addf %get3A_1326, %scan3A_1191#13 : vector<16xf32>
        %swap3A_1328 = arith.index_cast %add3A_983 : i32 to index
        %swap3A_1329 = arith.constant 208 : index
        %swap3A_1330 = tpu.vector_load %arg7[%swap3A_1328, %swap3A_1329] {strides = array<i32>} : memref<9x256xf32, #tpu.memory_space<vmem>>, vector<1x16xf32>,
        %swap3A_1331 = vector.shape_cast %swap3A_1330 : vector<1x16xf32> to vector<16xf32>
        %swap3A_1332 = vector.shape_cast %add3A_1327 : vector<16xf32> to vector<1x16xf32>
        tpu.vector_store %arg7[%swap3A_1328, %swap3A_1329], %swap3A_1332 {strides = array<i32>} : memref<9x256xf32, #tpu.memory_space<vmem>>, vector<1x16xf32>,
        %get3A_1333 = arith.index_cast %add3A_983 : i32 to index
        %get3A_1334 = arith.constant 224 : index
        %get3A_1335 = tpu.vector_load %arg7[%get3A_1333, %get3A_1334] {strides = array<i32>} : memref<9x256xf32, #tpu.memory_space<vmem>>, vector<1x16xf32>,
        %get3A_1336 = vector.shape_cast %get3A_1335 : vector<1x16xf32> to vector<16xf32>
        %add3A_1337 = arith.addf %get3A_1336, %scan3A_1191#14 : vector<16xf32>
        %swap3A_1338 = arith.index_cast %add3A_983 : i32 to index
        %swap3A_1339 = arith.constant 224 : index
        %swap3A_1340 = tpu.vector_load %arg7[%swap3A_1338, %swap3A_1339] {strides = array<i32>} : memref<9x256xf32, #tpu.memory_space<vmem>>, vector<1x16xf32>,
        %swap3A_1341 = vector.shape_cast %swap3A_1340 : vector<1x16xf32> to vector<16xf32>
        %swap3A_1342 = vector.shape_cast %add3A_1337 : vector<16xf32> to vector<1x16xf32>
        tpu.vector_store %arg7[%swap3A_1338, %swap3A_1339], %swap3A_1342 {strides = array<i32>} : memref<9x256xf32, #tpu.memory_space<vmem>>, vector<1x16xf32>,
        %get3A_1343 = arith.index_cast %add3A_983 : i32 to index
        %get3A_1344 = arith.constant 240 : index
        %get3A_1345 = tpu.vector_load %arg7[%get3A_1343, %get3A_1344] {strides = array<i32>} : memref<9x256xf32, #tpu.memory_space<vmem>>, vector<1x16xf32>,
        %get3A_1346 = vector.shape_cast %get3A_1345 : vector<1x16xf32> to vector<16xf32>
        %add3A_1347 = arith.addf %get3A_1346, %scan3A_1191#15 : vector<16xf32>
        %swap3A_1348 = arith.index_cast %add3A_983 : i32 to index
        %swap3A_1349 = arith.constant 240 : index
        %swap3A_1350 = tpu.vector_load %arg7[%swap3A_1348, %swap3A_1349] {strides = array<i32>} : memref<9x256xf32, #tpu.memory_space<vmem>>, vector<1x16xf32>,
        %swap3A_1351 = vector.shape_cast %swap3A_1350 : vector<1x16xf32> to vector<16xf32>
        %swap3A_1352 = vector.shape_cast %add3A_1347 : vector<16xf32> to vector<1x16xf32>
        tpu.vector_store %arg7[%swap3A_1348, %swap3A_1349], %swap3A_1352 {strides = array<i32>} : memref<9x256xf32, #tpu.memory_space<vmem>>, vector<1x16xf32>,
      } else {
      }
      %ne3A = arith.cmpi ne, %add3A_983, %add3A_1026 : i32
      %convert_element_type3A_1030 = arith.extui %ne3A : i1 to i32
      %cond3A_1031 = arith.constant 0 : i32
      %cond3A_1032 = arith.cmpi ne, %convert_element_type3A_1030, %cond3A_1031 : i32
      scf.if %cond3A_1032 {
        %scan3A_1155 = arith.constant 0 : i32
        %scan3A_1156 = arith.constant 0 : i32
        %scan3A_1157 = arith.constant 128 : i32
        %scan3A_1158 = arith.addi %scan3A_1156, %scan3A_1157 : i32
        %scan3A_1159 = arith.constant 1 : i32
        scf.for %scan3A_1161 = %scan3A_1156 to %scan3A_1158 step %scan3A_1159  : i32 {
          %add3A_1162 = arith.addi %add3A_945, %scan3A_1161 : i32
          %le3A_1163 = arith.cmpi sle, %squeeze3A, %add3A_1162 : i32
          %jit3A_1164 = arith.constant 1 : i32
          %jit3A_1165 = arith.constant 0 : i32
          %select_n3A_1166 = arith.select %le3A_1163, %jit3A_1164, %jit3A_1165 : i32
          %add3A_1167 = arith.constant 0 : i32
          %add3A_1168 = arith.addi %add3A_1167, %select_n3A_1166 : i32
          %le3A_1169 = arith.cmpi sle, %squeeze3A_7, %add3A_1162 : i32
          %jit3A_1170 = arith.constant 1 : i32
          %jit3A_1171 = arith.constant 0 : i32
          %select_n3A_1172 = arith.select %le3A_1169, %jit3A_1170, %jit3A_1171 : i32
          %add3A_1173 = arith.addi %add3A_1168, %select_n3A_1172 : i32
          %le3A_1174 = arith.cmpi sle, %squeeze3A_12, %add3A_1162 : i32
          %jit3A_1175 = arith.constant 1 : i32
          %jit3A_1176 = arith.constant 0 : i32
          %select_n3A_1177 = arith.select %le3A_1174, %jit3A_1175, %jit3A_1176 : i32
          %add3A_1178 = arith.addi %add3A_1173, %select_n3A_1177 : i32
          %le3A_1179 = arith.cmpi sle, %squeeze3A_17, %add3A_1162 : i32
          %jit3A_1180 = arith.constant 1 : i32
          %jit3A_1181 = arith.constant 0 : i32
          %select_n3A_1182 = arith.select %le3A_1179, %jit3A_1180, %jit3A_1181 : i32
          %add3A_1183 = arith.addi %add3A_1178, %select_n3A_1182 : i32
          %le3A_1184 = arith.cmpi sle, %squeeze3A_22, %add3A_1162 : i32
          %jit3A_1185 = arith.constant 1 : i32
          %jit3A_1186 = arith.constant 0 : i32
          %select_n3A_1187 = arith.select %le3A_1184, %jit3A_1185, %jit3A_1186 : i32
          %add3A_1188 = arith.addi %add3A_1183, %select_n3A_1187 : i32
          %le3A_1189 = arith.cmpi sle, %squeeze3A_27, %add3A_1162 : i32
          %jit3A_1190 = arith.constant 1 : i32
          %jit3A_1191 = arith.constant 0 : i32
          %select_n3A_1192 = arith.select %le3A_1189, %jit3A_1190, %jit3A_1191 : i32
          %add3A_1193 = arith.addi %add3A_1188, %select_n3A_1192 : i32
          %le3A_1194 = arith.cmpi sle, %squeeze3A_32, %add3A_1162 : i32
          %jit3A_1195 = arith.constant 1 : i32
          %jit3A_1196 = arith.constant 0 : i32
          %select_n3A_1197 = arith.select %le3A_1194, %jit3A_1195, %jit3A_1196 : i32
          %add3A_1198 = arith.addi %add3A_1193, %select_n3A_1197 : i32
          %le3A_1199 = arith.cmpi sle, %squeeze3A_37, %add3A_1162 : i32
          %jit3A_1200 = arith.constant 1 : i32
          %jit3A_1201 = arith.constant 0 : i32
          %select_n3A_1202 = arith.select %le3A_1199, %jit3A_1200, %jit3A_1201 : i32
          %add3A_1203 = arith.addi %add3A_1198, %select_n3A_1202 : i32
          %get3A_1204 = arith.index_cast %add3A_1203 : i32 to index
          %get3A_1205 = arith.constant 0 : index
          %get3A_1206 = tpu.vector_load %arg7[%get3A_1204, %get3A_1205] {strides = array<i32>} : memref<9x256xf32, #tpu.memory_space<vmem>>, vector<1x16xf32>,
          %get3A_1207 = vector.shape_cast %get3A_1206 : vector<1x16xf32> to vector<16xf32>
          %get3A_1208 = arith.constant 0 : i32
          %get3A_1209 = arith.index_cast %get3A_1208 : i32 to index
          %get3A_1210 = arith.index_cast %scan3A_1161 : i32 to index
          %get3A_1211 = arith.constant 0 : index
          %get3A_1212 = tpu.vector_load %arg6[%get3A_1209, %get3A_1210, %get3A_1211] {strides = array<i32>} : memref<2x128x256xf32, #tpu.memory_space<vmem>>, vector<1x1x16xf32>,
          %get3A_1213 = vector.shape_cast %get3A_1212 : vector<1x1x16xf32> to vector<16xf32>
          %add3A_1214 = arith.addf %get3A_1207, %get3A_1213 : vector<16xf32>
          %swap3A_1215 = arith.index_cast %add3A_1203 : i32 to index
          %swap3A_1216 = arith.constant 0 : index
          %swap3A_1217 = tpu.vector_load %arg7[%swap3A_1215, %swap3A_1216] {strides = array<i32>} : memref<9x256xf32, #tpu.memory_space<vmem>>, vector<1x16xf32>,
          %swap3A_1218 = vector.shape_cast %swap3A_1217 : vector<1x16xf32> to vector<16xf32>
          %swap3A_1219 = vector.shape_cast %add3A_1214 : vector<16xf32> to vector<1x16xf32>
          tpu.vector_store %arg7[%swap3A_1215, %swap3A_1216], %swap3A_1219 {strides = array<i32>} : memref<9x256xf32, #tpu.memory_space<vmem>>, vector<1x16xf32>,
          %get3A_1220 = arith.index_cast %add3A_1203 : i32 to index
          %get3A_1221 = arith.constant 16 : index
          %get3A_1222 = tpu.vector_load %arg7[%get3A_1220, %get3A_1221] {strides = array<i32>} : memref<9x256xf32, #tpu.memory_space<vmem>>, vector<1x16xf32>,
          %get3A_1223 = vector.shape_cast %get3A_1222 : vector<1x16xf32> to vector<16xf32>
          %get3A_1224 = arith.constant 0 : i32
          %get3A_1225 = arith.index_cast %get3A_1224 : i32 to index
          %get3A_1226 = arith.index_cast %scan3A_1161 : i32 to index
          %get3A_1227 = arith.constant 16 : index
          %get3A_1228 = tpu.vector_load %arg6[%get3A_1225, %get3A_1226, %get3A_1227] {strides = array<i32>} : memref<2x128x256xf32, #tpu.memory_space<vmem>>, vector<1x1x16xf32>,
          %get3A_1229 = vector.shape_cast %get3A_1228 : vector<1x1x16xf32> to vector<16xf32>
          %add3A_1230 = arith.addf %get3A_1223, %get3A_1229 : vector<16xf32>
          %swap3A_1231 = arith.index_cast %add3A_1203 : i32 to index
          %swap3A_1232 = arith.constant 16 : index
          %swap3A_1233 = tpu.vector_load %arg7[%swap3A_1231, %swap3A_1232] {strides = array<i32>} : memref<9x256xf32, #tpu.memory_space<vmem>>, vector<1x16xf32>,
          %swap3A_1234 = vector.shape_cast %swap3A_1233 : vector<1x16xf32> to vector<16xf32>
          %swap3A_1235 = vector.shape_cast %add3A_1230 : vector<16xf32> to vector<1x16xf32>
          tpu.vector_store %arg7[%swap3A_1231, %swap3A_1232], %swap3A_1235 {strides = array<i32>} : memref<9x256xf32, #tpu.memory_space<vmem>>, vector<1x16xf32>,
          %get3A_1236 = arith.index_cast %add3A_1203 : i32 to index
          %get3A_1237 = arith.constant 32 : index
          %get3A_1238 = tpu.vector_load %arg7[%get3A_1236, %get3A_1237] {strides = array<i32>} : memref<9x256xf32, #tpu.memory_space<vmem>>, vector<1x16xf32>,
          %get3A_1239 = vector.shape_cast %get3A_1238 : vector<1x16xf32> to vector<16xf32>
          %get3A_1240 = arith.constant 0 : i32
          %get3A_1241 = arith.index_cast %get3A_1240 : i32 to index
          %get3A_1242 = arith.index_cast %scan3A_1161 : i32 to index
          %get3A_1243 = arith.constant 32 : index
          %get3A_1244 = tpu.vector_load %arg6[%get3A_1241, %get3A_1242, %get3A_1243] {strides = array<i32>} : memref<2x128x256xf32, #tpu.memory_space<vmem>>, vector<1x1x16xf32>,
          %get3A_1245 = vector.shape_cast %get3A_1244 : vector<1x1x16xf32> to vector<16xf32>
          %add3A_1246 = arith.addf %get3A_1239, %get3A_1245 : vector<16xf32>
          %swap3A_1247 = arith.index_cast %add3A_1203 : i32 to index
          %swap3A_1248 = arith.constant 32 : index
          %swap3A_1249 = tpu.vector_load %arg7[%swap3A_1247, %swap3A_1248] {strides = array<i32>} : memref<9x256xf32, #tpu.memory_space<vmem>>, vector<1x16xf32>,
          %swap3A_1250 = vector.shape_cast %swap3A_1249 : vector<1x16xf32> to vector<16xf32>
          %swap3A_1251 = vector.shape_cast %add3A_1246 : vector<16xf32> to vector<1x16xf32>
          tpu.vector_store %arg7[%swap3A_1247, %swap3A_1248], %swap3A_1251 {strides = array<i32>} : memref<9x256xf32, #tpu.memory_space<vmem>>, vector<1x16xf32>,
          %get3A_1252 = arith.index_cast %add3A_1203 : i32 to index
          %get3A_1253 = arith.constant 48 : index
          %get3A_1254 = tpu.vector_load %arg7[%get3A_1252, %get3A_1253] {strides = array<i32>} : memref<9x256xf32, #tpu.memory_space<vmem>>, vector<1x16xf32>,
          %get3A_1255 = vector.shape_cast %get3A_1254 : vector<1x16xf32> to vector<16xf32>
          %get3A_1256 = arith.constant 0 : i32
          %get3A_1257 = arith.index_cast %get3A_1256 : i32 to index
          %get3A_1258 = arith.index_cast %scan3A_1161 : i32 to index
          %get3A_1259 = arith.constant 48 : index
          %get3A_1260 = tpu.vector_load %arg6[%get3A_1257, %get3A_1258, %get3A_1259] {strides = array<i32>} : memref<2x128x256xf32, #tpu.memory_space<vmem>>, vector<1x1x16xf32>,
          %get3A_1261 = vector.shape_cast %get3A_1260 : vector<1x1x16xf32> to vector<16xf32>
          %add3A_1262 = arith.addf %get3A_1255, %get3A_1261 : vector<16xf32>
          %swap3A_1263 = arith.index_cast %add3A_1203 : i32 to index
          %swap3A_1264 = arith.constant 48 : index
          %swap3A_1265 = tpu.vector_load %arg7[%swap3A_1263, %swap3A_1264] {strides = array<i32>} : memref<9x256xf32, #tpu.memory_space<vmem>>, vector<1x16xf32>,
          %swap3A_1266 = vector.shape_cast %swap3A_1265 : vector<1x16xf32> to vector<16xf32>
          %swap3A_1267 = vector.shape_cast %add3A_1262 : vector<16xf32> to vector<1x16xf32>
          tpu.vector_store %arg7[%swap3A_1263, %swap3A_1264], %swap3A_1267 {strides = array<i32>} : memref<9x256xf32, #tpu.memory_space<vmem>>, vector<1x16xf32>,
          %get3A_1268 = arith.index_cast %add3A_1203 : i32 to index
          %get3A_1269 = arith.constant 64 : index
          %get3A_1270 = tpu.vector_load %arg7[%get3A_1268, %get3A_1269] {strides = array<i32>} : memref<9x256xf32, #tpu.memory_space<vmem>>, vector<1x16xf32>,
          %get3A_1271 = vector.shape_cast %get3A_1270 : vector<1x16xf32> to vector<16xf32>
          %get3A_1272 = arith.constant 0 : i32
          %get3A_1273 = arith.index_cast %get3A_1272 : i32 to index
          %get3A_1274 = arith.index_cast %scan3A_1161 : i32 to index
          %get3A_1275 = arith.constant 64 : index
          %get3A_1276 = tpu.vector_load %arg6[%get3A_1273, %get3A_1274, %get3A_1275] {strides = array<i32>} : memref<2x128x256xf32, #tpu.memory_space<vmem>>, vector<1x1x16xf32>,
          %get3A_1277 = vector.shape_cast %get3A_1276 : vector<1x1x16xf32> to vector<16xf32>
          %add3A_1278 = arith.addf %get3A_1271, %get3A_1277 : vector<16xf32>
          %swap3A_1279 = arith.index_cast %add3A_1203 : i32 to index
          %swap3A_1280 = arith.constant 64 : index
          %swap3A_1281 = tpu.vector_load %arg7[%swap3A_1279, %swap3A_1280] {strides = array<i32>} : memref<9x256xf32, #tpu.memory_space<vmem>>, vector<1x16xf32>,
          %swap3A_1282 = vector.shape_cast %swap3A_1281 : vector<1x16xf32> to vector<16xf32>
          %swap3A_1283 = vector.shape_cast %add3A_1278 : vector<16xf32> to vector<1x16xf32>
          tpu.vector_store %arg7[%swap3A_1279, %swap3A_1280], %swap3A_1283 {strides = array<i32>} : memref<9x256xf32, #tpu.memory_space<vmem>>, vector<1x16xf32>,
          %get3A_1284 = arith.index_cast %add3A_1203 : i32 to index
          %get3A_1285 = arith.constant 80 : index
          %get3A_1286 = tpu.vector_load %arg7[%get3A_1284, %get3A_1285] {strides = array<i32>} : memref<9x256xf32, #tpu.memory_space<vmem>>, vector<1x16xf32>,
          %get3A_1287 = vector.shape_cast %get3A_1286 : vector<1x16xf32> to vector<16xf32>
          %get3A_1288 = arith.constant 0 : i32
          %get3A_1289 = arith.index_cast %get3A_1288 : i32 to index
          %get3A_1290 = arith.index_cast %scan3A_1161 : i32 to index
          %get3A_1291 = arith.constant 80 : index
          %get3A_1292 = tpu.vector_load %arg6[%get3A_1289, %get3A_1290, %get3A_1291] {strides = array<i32>} : memref<2x128x256xf32, #tpu.memory_space<vmem>>, vector<1x1x16xf32>,
          %get3A_1293 = vector.shape_cast %get3A_1292 : vector<1x1x16xf32> to vector<16xf32>
          %add3A_1294 = arith.addf %get3A_1287, %get3A_1293 : vector<16xf32>
          %swap3A_1295 = arith.index_cast %add3A_1203 : i32 to index
          %swap3A_1296 = arith.constant 80 : index
          %swap3A_1297 = tpu.vector_load %arg7[%swap3A_1295, %swap3A_1296] {strides = array<i32>} : memref<9x256xf32, #tpu.memory_space<vmem>>, vector<1x16xf32>,
          %swap3A_1298 = vector.shape_cast %swap3A_1297 : vector<1x16xf32> to vector<16xf32>
          %swap3A_1299 = vector.shape_cast %add3A_1294 : vector<16xf32> to vector<1x16xf32>
          tpu.vector_store %arg7[%swap3A_1295, %swap3A_1296], %swap3A_1299 {strides = array<i32>} : memref<9x256xf32, #tpu.memory_space<vmem>>, vector<1x16xf32>,
          %get3A_1300 = arith.index_cast %add3A_1203 : i32 to index
          %get3A_1301 = arith.constant 96 : index
          %get3A_1302 = tpu.vector_load %arg7[%get3A_1300, %get3A_1301] {strides = array<i32>} : memref<9x256xf32, #tpu.memory_space<vmem>>, vector<1x16xf32>,
          %get3A_1303 = vector.shape_cast %get3A_1302 : vector<1x16xf32> to vector<16xf32>
          %get3A_1304 = arith.constant 0 : i32
          %get3A_1305 = arith.index_cast %get3A_1304 : i32 to index
          %get3A_1306 = arith.index_cast %scan3A_1161 : i32 to index
          %get3A_1307 = arith.constant 96 : index
          %get3A_1308 = tpu.vector_load %arg6[%get3A_1305, %get3A_1306, %get3A_1307] {strides = array<i32>} : memref<2x128x256xf32, #tpu.memory_space<vmem>>, vector<1x1x16xf32>,
          %get3A_1309 = vector.shape_cast %get3A_1308 : vector<1x1x16xf32> to vector<16xf32>
          %add3A_1310 = arith.addf %get3A_1303, %get3A_1309 : vector<16xf32>
          %swap3A_1311 = arith.index_cast %add3A_1203 : i32 to index
          %swap3A_1312 = arith.constant 96 : index
          %swap3A_1313 = tpu.vector_load %arg7[%swap3A_1311, %swap3A_1312] {strides = array<i32>} : memref<9x256xf32, #tpu.memory_space<vmem>>, vector<1x16xf32>,
          %swap3A_1314 = vector.shape_cast %swap3A_1313 : vector<1x16xf32> to vector<16xf32>
          %swap3A_1315 = vector.shape_cast %add3A_1310 : vector<16xf32> to vector<1x16xf32>
          tpu.vector_store %arg7[%swap3A_1311, %swap3A_1312], %swap3A_1315 {strides = array<i32>} : memref<9x256xf32, #tpu.memory_space<vmem>>, vector<1x16xf32>,
          %get3A_1316 = arith.index_cast %add3A_1203 : i32 to index
          %get3A_1317 = arith.constant 112 : index
          %get3A_1318 = tpu.vector_load %arg7[%get3A_1316, %get3A_1317] {strides = array<i32>} : memref<9x256xf32, #tpu.memory_space<vmem>>, vector<1x16xf32>,
          %get3A_1319 = vector.shape_cast %get3A_1318 : vector<1x16xf32> to vector<16xf32>
          %get3A_1320 = arith.constant 0 : i32
          %get3A_1321 = arith.index_cast %get3A_1320 : i32 to index
          %get3A_1322 = arith.index_cast %scan3A_1161 : i32 to index
          %get3A_1323 = arith.constant 112 : index
          %get3A_1324 = tpu.vector_load %arg6[%get3A_1321, %get3A_1322, %get3A_1323] {strides = array<i32>} : memref<2x128x256xf32, #tpu.memory_space<vmem>>, vector<1x1x16xf32>,
          %get3A_1325 = vector.shape_cast %get3A_1324 : vector<1x1x16xf32> to vector<16xf32>
          %add3A_1326 = arith.addf %get3A_1319, %get3A_1325 : vector<16xf32>
          %swap3A_1327 = arith.index_cast %add3A_1203 : i32 to index
          %swap3A_1328 = arith.constant 112 : index
          %swap3A_1329 = tpu.vector_load %arg7[%swap3A_1327, %swap3A_1328] {strides = array<i32>} : memref<9x256xf32, #tpu.memory_space<vmem>>, vector<1x16xf32>,
          %swap3A_1330 = vector.shape_cast %swap3A_1329 : vector<1x16xf32> to vector<16xf32>
          %swap3A_1331 = vector.shape_cast %add3A_1326 : vector<16xf32> to vector<1x16xf32>
          tpu.vector_store %arg7[%swap3A_1327, %swap3A_1328], %swap3A_1331 {strides = array<i32>} : memref<9x256xf32, #tpu.memory_space<vmem>>, vector<1x16xf32>,
          %get3A_1332 = arith.index_cast %add3A_1203 : i32 to index
          %get3A_1333 = arith.constant 128 : index
          %get3A_1334 = tpu.vector_load %arg7[%get3A_1332, %get3A_1333] {strides = array<i32>} : memref<9x256xf32, #tpu.memory_space<vmem>>, vector<1x16xf32>,
          %get3A_1335 = vector.shape_cast %get3A_1334 : vector<1x16xf32> to vector<16xf32>
          %get3A_1336 = arith.constant 0 : i32
          %get3A_1337 = arith.index_cast %get3A_1336 : i32 to index
          %get3A_1338 = arith.index_cast %scan3A_1161 : i32 to index
          %get3A_1339 = arith.constant 128 : index
          %get3A_1340 = tpu.vector_load %arg6[%get3A_1337, %get3A_1338, %get3A_1339] {strides = array<i32>} : memref<2x128x256xf32, #tpu.memory_space<vmem>>, vector<1x1x16xf32>,
          %get3A_1341 = vector.shape_cast %get3A_1340 : vector<1x1x16xf32> to vector<16xf32>
          %add3A_1342 = arith.addf %get3A_1335, %get3A_1341 : vector<16xf32>
          %swap3A_1343 = arith.index_cast %add3A_1203 : i32 to index
          %swap3A_1344 = arith.constant 128 : index
          %swap3A_1345 = tpu.vector_load %arg7[%swap3A_1343, %swap3A_1344] {strides = array<i32>} : memref<9x256xf32, #tpu.memory_space<vmem>>, vector<1x16xf32>,
          %swap3A_1346 = vector.shape_cast %swap3A_1345 : vector<1x16xf32> to vector<16xf32>
          %swap3A_1347 = vector.shape_cast %add3A_1342 : vector<16xf32> to vector<1x16xf32>
          tpu.vector_store %arg7[%swap3A_1343, %swap3A_1344], %swap3A_1347 {strides = array<i32>} : memref<9x256xf32, #tpu.memory_space<vmem>>, vector<1x16xf32>,
          %get3A_1348 = arith.index_cast %add3A_1203 : i32 to index
          %get3A_1349 = arith.constant 144 : index
          %get3A_1350 = tpu.vector_load %arg7[%get3A_1348, %get3A_1349] {strides = array<i32>} : memref<9x256xf32, #tpu.memory_space<vmem>>, vector<1x16xf32>,
          %get3A_1351 = vector.shape_cast %get3A_1350 : vector<1x16xf32> to vector<16xf32>
          %get3A_1352 = arith.constant 0 : i32
          %get3A_1353 = arith.index_cast %get3A_1352 : i32 to index
          %get3A_1354 = arith.index_cast %scan3A_1161 : i32 to index
          %get3A_1355 = arith.constant 144 : index
          %get3A_1356 = tpu.vector_load %arg6[%get3A_1353, %get3A_1354, %get3A_1355] {strides = array<i32>} : memref<2x128x256xf32, #tpu.memory_space<vmem>>, vector<1x1x16xf32>,
          %get3A_1357 = vector.shape_cast %get3A_1356 : vector<1x1x16xf32> to vector<16xf32>
          %add3A_1358 = arith.addf %get3A_1351, %get3A_1357 : vector<16xf32>
          %swap3A_1359 = arith.index_cast %add3A_1203 : i32 to index
          %swap3A_1360 = arith.constant 144 : index
          %swap3A_1361 = tpu.vector_load %arg7[%swap3A_1359, %swap3A_1360] {strides = array<i32>} : memref<9x256xf32, #tpu.memory_space<vmem>>, vector<1x16xf32>,
          %swap3A_1362 = vector.shape_cast %swap3A_1361 : vector<1x16xf32> to vector<16xf32>
          %swap3A_1363 = vector.shape_cast %add3A_1358 : vector<16xf32> to vector<1x16xf32>
          tpu.vector_store %arg7[%swap3A_1359, %swap3A_1360], %swap3A_1363 {strides = array<i32>} : memref<9x256xf32, #tpu.memory_space<vmem>>, vector<1x16xf32>,
          %get3A_1364 = arith.index_cast %add3A_1203 : i32 to index
          %get3A_1365 = arith.constant 160 : index
          %get3A_1366 = tpu.vector_load %arg7[%get3A_1364, %get3A_1365] {strides = array<i32>} : memref<9x256xf32, #tpu.memory_space<vmem>>, vector<1x16xf32>,
          %get3A_1367 = vector.shape_cast %get3A_1366 : vector<1x16xf32> to vector<16xf32>
          %get3A_1368 = arith.constant 0 : i32
          %get3A_1369 = arith.index_cast %get3A_1368 : i32 to index
          %get3A_1370 = arith.index_cast %scan3A_1161 : i32 to index
          %get3A_1371 = arith.constant 160 : index
          %get3A_1372 = tpu.vector_load %arg6[%get3A_1369, %get3A_1370, %get3A_1371] {strides = array<i32>} : memref<2x128x256xf32, #tpu.memory_space<vmem>>, vector<1x1x16xf32>,
          %get3A_1373 = vector.shape_cast %get3A_1372 : vector<1x1x16xf32> to vector<16xf32>
          %add3A_1374 = arith.addf %get3A_1367, %get3A_1373 : vector<16xf32>
          %swap3A_1375 = arith.index_cast %add3A_1203 : i32 to index
          %swap3A_1376 = arith.constant 160 : index
          %swap3A_1377 = tpu.vector_load %arg7[%swap3A_1375, %swap3A_1376] {strides = array<i32>} : memref<9x256xf32, #tpu.memory_space<vmem>>, vector<1x16xf32>,
          %swap3A_1378 = vector.shape_cast %swap3A_1377 : vector<1x16xf32> to vector<16xf32>
          %swap3A_1379 = vector.shape_cast %add3A_1374 : vector<16xf32> to vector<1x16xf32>
          tpu.vector_store %arg7[%swap3A_1375, %swap3A_1376], %swap3A_1379 {strides = array<i32>} : memref<9x256xf32, #tpu.memory_space<vmem>>, vector<1x16xf32>,
          %get3A_1380 = arith.index_cast %add3A_1203 : i32 to index
          %get3A_1381 = arith.constant 176 : index
          %get3A_1382 = tpu.vector_load %arg7[%get3A_1380, %get3A_1381] {strides = array<i32>} : memref<9x256xf32, #tpu.memory_space<vmem>>, vector<1x16xf32>,
          %get3A_1383 = vector.shape_cast %get3A_1382 : vector<1x16xf32> to vector<16xf32>
          %get3A_1384 = arith.constant 0 : i32
          %get3A_1385 = arith.index_cast %get3A_1384 : i32 to index
          %get3A_1386 = arith.index_cast %scan3A_1161 : i32 to index
          %get3A_1387 = arith.constant 176 : index
          %get3A_1388 = tpu.vector_load %arg6[%get3A_1385, %get3A_1386, %get3A_1387] {strides = array<i32>} : memref<2x128x256xf32, #tpu.memory_space<vmem>>, vector<1x1x16xf32>,
          %get3A_1389 = vector.shape_cast %get3A_1388 : vector<1x1x16xf32> to vector<16xf32>
          %add3A_1390 = arith.addf %get3A_1383, %get3A_1389 : vector<16xf32>
          %swap3A_1391 = arith.index_cast %add3A_1203 : i32 to index
          %swap3A_1392 = arith.constant 176 : index
          %swap3A_1393 = tpu.vector_load %arg7[%swap3A_1391, %swap3A_1392] {strides = array<i32>} : memref<9x256xf32, #tpu.memory_space<vmem>>, vector<1x16xf32>,
          %swap3A_1394 = vector.shape_cast %swap3A_1393 : vector<1x16xf32> to vector<16xf32>
          %swap3A_1395 = vector.shape_cast %add3A_1390 : vector<16xf32> to vector<1x16xf32>
          tpu.vector_store %arg7[%swap3A_1391, %swap3A_1392], %swap3A_1395 {strides = array<i32>} : memref<9x256xf32, #tpu.memory_space<vmem>>, vector<1x16xf32>,
          %get3A_1396 = arith.index_cast %add3A_1203 : i32 to index
          %get3A_1397 = arith.constant 192 : index
          %get3A_1398 = tpu.vector_load %arg7[%get3A_1396, %get3A_1397] {strides = array<i32>} : memref<9x256xf32, #tpu.memory_space<vmem>>, vector<1x16xf32>,
          %get3A_1399 = vector.shape_cast %get3A_1398 : vector<1x16xf32> to vector<16xf32>
          %get3A_1400 = arith.constant 0 : i32
          %get3A_1401 = arith.index_cast %get3A_1400 : i32 to index
          %get3A_1402 = arith.index_cast %scan3A_1161 : i32 to index
          %get3A_1403 = arith.constant 192 : index
          %get3A_1404 = tpu.vector_load %arg6[%get3A_1401, %get3A_1402, %get3A_1403] {strides = array<i32>} : memref<2x128x256xf32, #tpu.memory_space<vmem>>, vector<1x1x16xf32>,
          %get3A_1405 = vector.shape_cast %get3A_1404 : vector<1x1x16xf32> to vector<16xf32>
          %add3A_1406 = arith.addf %get3A_1399, %get3A_1405 : vector<16xf32>
          %swap3A_1407 = arith.index_cast %add3A_1203 : i32 to index
          %swap3A_1408 = arith.constant 192 : index
          %swap3A_1409 = tpu.vector_load %arg7[%swap3A_1407, %swap3A_1408] {strides = array<i32>} : memref<9x256xf32, #tpu.memory_space<vmem>>, vector<1x16xf32>,
          %swap3A_1410 = vector.shape_cast %swap3A_1409 : vector<1x16xf32> to vector<16xf32>
          %swap3A_1411 = vector.shape_cast %add3A_1406 : vector<16xf32> to vector<1x16xf32>
          tpu.vector_store %arg7[%swap3A_1407, %swap3A_1408], %swap3A_1411 {strides = array<i32>} : memref<9x256xf32, #tpu.memory_space<vmem>>, vector<1x16xf32>,
          %get3A_1412 = arith.index_cast %add3A_1203 : i32 to index
          %get3A_1413 = arith.constant 208 : index
          %get3A_1414 = tpu.vector_load %arg7[%get3A_1412, %get3A_1413] {strides = array<i32>} : memref<9x256xf32, #tpu.memory_space<vmem>>, vector<1x16xf32>,
          %get3A_1415 = vector.shape_cast %get3A_1414 : vector<1x16xf32> to vector<16xf32>
          %get3A_1416 = arith.constant 0 : i32
          %get3A_1417 = arith.index_cast %get3A_1416 : i32 to index
          %get3A_1418 = arith.index_cast %scan3A_1161 : i32 to index
          %get3A_1419 = arith.constant 208 : index
          %get3A_1420 = tpu.vector_load %arg6[%get3A_1417, %get3A_1418, %get3A_1419] {strides = array<i32>} : memref<2x128x256xf32, #tpu.memory_space<vmem>>, vector<1x1x16xf32>,
          %get3A_1421 = vector.shape_cast %get3A_1420 : vector<1x1x16xf32> to vector<16xf32>
          %add3A_1422 = arith.addf %get3A_1415, %get3A_1421 : vector<16xf32>
          %swap3A_1423 = arith.index_cast %add3A_1203 : i32 to index
          %swap3A_1424 = arith.constant 208 : index
          %swap3A_1425 = tpu.vector_load %arg7[%swap3A_1423, %swap3A_1424] {strides = array<i32>} : memref<9x256xf32, #tpu.memory_space<vmem>>, vector<1x16xf32>,
          %swap3A_1426 = vector.shape_cast %swap3A_1425 : vector<1x16xf32> to vector<16xf32>
          %swap3A_1427 = vector.shape_cast %add3A_1422 : vector<16xf32> to vector<1x16xf32>
          tpu.vector_store %arg7[%swap3A_1423, %swap3A_1424], %swap3A_1427 {strides = array<i32>} : memref<9x256xf32, #tpu.memory_space<vmem>>, vector<1x16xf32>,
          %get3A_1428 = arith.index_cast %add3A_1203 : i32 to index
          %get3A_1429 = arith.constant 224 : index
          %get3A_1430 = tpu.vector_load %arg7[%get3A_1428, %get3A_1429] {strides = array<i32>} : memref<9x256xf32, #tpu.memory_space<vmem>>, vector<1x16xf32>,
          %get3A_1431 = vector.shape_cast %get3A_1430 : vector<1x16xf32> to vector<16xf32>
          %get3A_1432 = arith.constant 0 : i32
          %get3A_1433 = arith.index_cast %get3A_1432 : i32 to index
          %get3A_1434 = arith.index_cast %scan3A_1161 : i32 to index
          %get3A_1435 = arith.constant 224 : index
          %get3A_1436 = tpu.vector_load %arg6[%get3A_1433, %get3A_1434, %get3A_1435] {strides = array<i32>} : memref<2x128x256xf32, #tpu.memory_space<vmem>>, vector<1x1x16xf32>,
          %get3A_1437 = vector.shape_cast %get3A_1436 : vector<1x1x16xf32> to vector<16xf32>
          %add3A_1438 = arith.addf %get3A_1431, %get3A_1437 : vector<16xf32>
          %swap3A_1439 = arith.index_cast %add3A_1203 : i32 to index
          %swap3A_1440 = arith.constant 224 : index
          %swap3A_1441 = tpu.vector_load %arg7[%swap3A_1439, %swap3A_1440] {strides = array<i32>} : memref<9x256xf32, #tpu.memory_space<vmem>>, vector<1x16xf32>,
          %swap3A_1442 = vector.shape_cast %swap3A_1441 : vector<1x16xf32> to vector<16xf32>
          %swap3A_1443 = vector.shape_cast %add3A_1438 : vector<16xf32> to vector<1x16xf32>
          tpu.vector_store %arg7[%swap3A_1439, %swap3A_1440], %swap3A_1443 {strides = array<i32>} : memref<9x256xf32, #tpu.memory_space<vmem>>, vector<1x16xf32>,
          %get3A_1444 = arith.index_cast %add3A_1203 : i32 to index
          %get3A_1445 = arith.constant 240 : index
          %get3A_1446 = tpu.vector_load %arg7[%get3A_1444, %get3A_1445] {strides = array<i32>} : memref<9x256xf32, #tpu.memory_space<vmem>>, vector<1x16xf32>,
          %get3A_1447 = vector.shape_cast %get3A_1446 : vector<1x16xf32> to vector<16xf32>
          %get3A_1448 = arith.constant 0 : i32
          %get3A_1449 = arith.index_cast %get3A_1448 : i32 to index
          %get3A_1450 = arith.index_cast %scan3A_1161 : i32 to index
          %get3A_1451 = arith.constant 240 : index
          %get3A_1452 = tpu.vector_load %arg6[%get3A_1449, %get3A_1450, %get3A_1451] {strides = array<i32>} : memref<2x128x256xf32, #tpu.memory_space<vmem>>, vector<1x1x16xf32>,
          %get3A_1453 = vector.shape_cast %get3A_1452 : vector<1x1x16xf32> to vector<16xf32>
          %add3A_1454 = arith.addf %get3A_1447, %get3A_1453 : vector<16xf32>
          %swap3A_1455 = arith.index_cast %add3A_1203 : i32 to index
          %swap3A_1456 = arith.constant 240 : index
          %swap3A_1457 = tpu.vector_load %arg7[%swap3A_1455, %swap3A_1456] {strides = array<i32>} : memref<9x256xf32, #tpu.memory_space<vmem>>, vector<1x16xf32>,
          %swap3A_1458 = vector.shape_cast %swap3A_1457 : vector<1x16xf32> to vector<16xf32>
          %swap3A_1459 = vector.shape_cast %add3A_1454 : vector<16xf32> to vector<1x16xf32>
          tpu.vector_store %arg7[%swap3A_1455, %swap3A_1456], %swap3A_1459 {strides = array<i32>} : memref<9x256xf32, #tpu.memory_space<vmem>>, vector<1x16xf32>,
        }
        %scan3A_1160 = arith.constant 128 : i32
      } else {
      }
      %mul3A_1033 = arith.constant 2 : i32
      %mul3A_1034 = arith.muli %scan3A_921, %mul3A_1033 : i32
      %add3A_1035 = arith.constant 1 : i32
      %add3A_1036 = arith.addi %mul3A_1034, %add3A_1035 : i32
      %add3A_1037 = arith.constant 1 : i32
      %add3A_1038 = arith.addi %add3A_1036, %add3A_1037 : i32
      %lt3A_1039 = arith.constant 24 : i32
      %lt3A_1040 = arith.cmpi slt, %add3A_1038, %lt3A_1039 : i32
      %convert_element_type3A_1041 = arith.extui %lt3A_1040 : i1 to i32
      %cond3A_1042 = arith.constant 0 : i32
      %cond3A_1043 = arith.cmpi ne, %convert_element_type3A_1041, %cond3A_1042 : i32
      scf.if %cond3A_1043 {
        %add3A_1155 = arith.constant 1 : i32
        %add3A_1156 = arith.addi %add3A_1036, %add3A_1155 : i32
        %mul3A_1157 = arith.constant 128 : i32
        %mul3A_1158 = arith.muli %add3A_1156, %mul3A_1157 : i32
        %add3A_1159 = arith.constant 5120 : i32
        %add3A_1160 = arith.addi %add3A_1159, %mul3A_1158 : i32
        %dma_start3A_1161 = arith.constant 0 : i32
        %dma_start3A_1162 = arith.constant 0 : i32
        %dma_start3A_1163 = arith.constant 0 : i32
        %dma_start3A_1164 = tpu.memref_slice %arg6[%dma_start3A_1161, %dma_start3A_1162, %dma_start3A_1163] : memref<2x128x256xf32, #tpu.memory_space<vmem>> -> memref<1x128x256xf32, #tpu.memory_space<vmem>>
        %dma_start3A_1165 = tpu.memref_squeeze %dma_start3A_1164 : memref<1x128x256xf32, #tpu.memory_space<vmem>> -> memref<128x256xf32, #tpu.memory_space<vmem>>
        %dma_start3A_1166 = tpu.memref_slice %arg3[%add3A_1160, %mul3A_903] : memref<8192x8192xf32, #tpu.memory_space<hbm>> -> memref<128x256xf32, #tpu.memory_space<hbm>>
        %dma_start3A_1167 = arith.constant 0 : i32
        %dma_start3A_1168 = arith.constant 0 : i32
        %dma_start3A_1169 = tpu.memref_slice %arg6[%dma_start3A_1161, %dma_start3A_1167, %dma_start3A_1168] : memref<2x128x256xf32, #tpu.memory_space<vmem>> -> memref<1x128x256xf32, #tpu.memory_space<vmem>>
        %dma_start3A_1170 = tpu.memref_squeeze %dma_start3A_1169 : memref<1x128x256xf32, #tpu.memory_space<vmem>> -> memref<128x256xf32, #tpu.memory_space<vmem>>
        %dma_start3A_1171 = tpu.memref_slice %arg3[%add3A_1160, %mul3A_903] : memref<8192x8192xf32, #tpu.memory_space<hbm>> -> memref<128x256xf32, #tpu.memory_space<hbm>>
        tpu.enqueue_dma source(%dma_start3A_1171 : memref<128x256xf32, #tpu.memory_space<hbm>>) target(%dma_start3A_1170 : memref<128x256xf32, #tpu.memory_space<vmem>>) target_semaphore(%arg8 : memref<!tpu.dma_semaphore, #tpu.memory_space<semaphore_mem>>)
      } else {
      }
      %mul3A_1044 = arith.constant 128 : i32
      %mul3A_1045 = arith.muli %add3A_1036, %mul3A_1044 : i32
      %add3A_1046 = arith.constant 5120 : i32
      %add3A_1047 = arith.addi %add3A_1046, %mul3A_1045 : i32
      %dma_wait3A_1048 = arith.constant 1 : i32
      %dma_wait3A_1049 = arith.constant 0 : i32
      %dma_wait3A_1050 = arith.constant 0 : i32
      %dma_wait3A_1051 = tpu.memref_slice %arg6[%dma_wait3A_1048, %dma_wait3A_1049, %dma_wait3A_1050] : memref<2x128x256xf32, #tpu.memory_space<vmem>> -> memref<1x128x256xf32, #tpu.memory_space<vmem>>
      %dma_wait3A_1052 = tpu.memref_squeeze %dma_wait3A_1051 : memref<1x128x256xf32, #tpu.memory_space<vmem>> -> memref<128x256xf32, #tpu.memory_space<vmem>>
      %dma_wait3A_1053 = tpu.memref_slice %arg3[%add3A_1047, %mul3A_903] : memref<8192x8192xf32, #tpu.memory_space<hbm>> -> memref<128x256xf32, #tpu.memory_space<hbm>>
      %dma_wait3A_1054 = arith.constant 0 : i32
      %dma_wait3A_1055 = arith.constant 0 : i32
      %dma_wait3A_1056 = tpu.memref_slice %arg6[%dma_wait3A_1048, %dma_wait3A_1054, %dma_wait3A_1055] : memref<2x128x256xf32, #tpu.memory_space<vmem>> -> memref<1x128x256xf32, #tpu.memory_space<vmem>>
      %dma_wait3A_1057 = tpu.memref_squeeze %dma_wait3A_1056 : memref<1x128x256xf32, #tpu.memory_space<vmem>> -> memref<128x256xf32, #tpu.memory_space<vmem>>
      %dma_wait3A_1058 = tpu.memref_slice %arg3[%add3A_1047, %mul3A_903] : memref<8192x8192xf32, #tpu.memory_space<hbm>> -> memref<128x256xf32, #tpu.memory_space<hbm>>
      tpu.wait_dma2 semaphore(%arg9 : memref<!tpu.dma_semaphore, #tpu.memory_space<semaphore_mem>>) src(%dma_wait3A_1058 : memref<128x256xf32, #tpu.memory_space<hbm>>) dst(%dma_wait3A_1057 : memref<128x256xf32, #tpu.memory_space<vmem>>)
      %mul3A_1059 = arith.constant 128 : i32
      %mul3A_1060 = arith.muli %add3A_1036, %mul3A_1059 : i32
      %add3A_1061 = arith.constant 5120 : i32
      %add3A_1062 = arith.addi %add3A_1061, %mul3A_1060 : i32
      %le3A_1063 = arith.cmpi sle, %squeeze3A, %add3A_1062 : i32
      %jit3A_1064 = arith.constant 1 : i32
      %jit3A_1065 = arith.constant 0 : i32
      %select_n3A_1066 = arith.select %le3A_1063, %jit3A_1064, %jit3A_1065 : i32
      %add3A_1067 = arith.constant 0 : i32
      %add3A_1068 = arith.addi %add3A_1067, %select_n3A_1066 : i32
      %le3A_1069 = arith.cmpi sle, %squeeze3A_7, %add3A_1062 : i32
      %jit3A_1070 = arith.constant 1 : i32
      %jit3A_1071 = arith.constant 0 : i32
      %select_n3A_1072 = arith.select %le3A_1069, %jit3A_1070, %jit3A_1071 : i32
      %add3A_1073 = arith.addi %add3A_1068, %select_n3A_1072 : i32
      %le3A_1074 = arith.cmpi sle, %squeeze3A_12, %add3A_1062 : i32
      %jit3A_1075 = arith.constant 1 : i32
      %jit3A_1076 = arith.constant 0 : i32
      %select_n3A_1077 = arith.select %le3A_1074, %jit3A_1075, %jit3A_1076 : i32
      %add3A_1078 = arith.addi %add3A_1073, %select_n3A_1077 : i32
      %le3A_1079 = arith.cmpi sle, %squeeze3A_17, %add3A_1062 : i32
      %jit3A_1080 = arith.constant 1 : i32
      %jit3A_1081 = arith.constant 0 : i32
      %select_n3A_1082 = arith.select %le3A_1079, %jit3A_1080, %jit3A_1081 : i32
      %add3A_1083 = arith.addi %add3A_1078, %select_n3A_1082 : i32
      %le3A_1084 = arith.cmpi sle, %squeeze3A_22, %add3A_1062 : i32
      %jit3A_1085 = arith.constant 1 : i32
      %jit3A_1086 = arith.constant 0 : i32
      %select_n3A_1087 = arith.select %le3A_1084, %jit3A_1085, %jit3A_1086 : i32
      %add3A_1088 = arith.addi %add3A_1083, %select_n3A_1087 : i32
      %le3A_1089 = arith.cmpi sle, %squeeze3A_27, %add3A_1062 : i32
      %jit3A_1090 = arith.constant 1 : i32
      %jit3A_1091 = arith.constant 0 : i32
      %select_n3A_1092 = arith.select %le3A_1089, %jit3A_1090, %jit3A_1091 : i32
      %add3A_1093 = arith.addi %add3A_1088, %select_n3A_1092 : i32
      %le3A_1094 = arith.cmpi sle, %squeeze3A_32, %add3A_1062 : i32
      %jit3A_1095 = arith.constant 1 : i32
      %jit3A_1096 = arith.constant 0 : i32
      %select_n3A_1097 = arith.select %le3A_1094, %jit3A_1095, %jit3A_1096 : i32
      %add3A_1098 = arith.addi %add3A_1093, %select_n3A_1097 : i32
      %le3A_1099 = arith.cmpi sle, %squeeze3A_37, %add3A_1062 : i32
      %jit3A_1100 = arith.constant 1 : i32
      %jit3A_1101 = arith.constant 0 : i32
      %select_n3A_1102 = arith.select %le3A_1099, %jit3A_1100, %jit3A_1101 : i32
      %add3A_1103 = arith.addi %add3A_1098, %select_n3A_1102 : i32
      %add3A_1104 = arith.constant 127 : i32
      %add3A_1105 = arith.addi %add3A_1062, %add3A_1104 : i32
      %le3A_1106 = arith.cmpi sle, %squeeze3A, %add3A_1105 : i32
      %jit3A_1107 = arith.constant 1 : i32
      %jit3A_1108 = arith.constant 0 : i32
      %select_n3A_1109 = arith.select %le3A_1106, %jit3A_1107, %jit3A_1108 : i32
      %add3A_1110 = arith.constant 0 : i32
      %add3A_1111 = arith.addi %add3A_1110, %select_n3A_1109 : i32
      %le3A_1112 = arith.cmpi sle, %squeeze3A_7, %add3A_1105 : i32
      %jit3A_1113 = arith.constant 1 : i32
      %jit3A_1114 = arith.constant 0 : i32
      %select_n3A_1115 = arith.select %le3A_1112, %jit3A_1113, %jit3A_1114 : i32
      %add3A_1116 = arith.addi %add3A_1111, %select_n3A_1115 : i32
      %le3A_1117 = arith.cmpi sle, %squeeze3A_12, %add3A_1105 : i32
      %jit3A_1118 = arith.constant 1 : i32
      %jit3A_1119 = arith.constant 0 : i32
      %select_n3A_1120 = arith.select %le3A_1117, %jit3A_1118, %jit3A_1119 : i32
      %add3A_1121 = arith.addi %add3A_1116, %select_n3A_1120 : i32
      %le3A_1122 = arith.cmpi sle, %squeeze3A_17, %add3A_1105 : i32
      %jit3A_1123 = arith.constant 1 : i32
      %jit3A_1124 = arith.constant 0 : i32
      %select_n3A_1125 = arith.select %le3A_1122, %jit3A_1123, %jit3A_1124 : i32
      %add3A_1126 = arith.addi %add3A_1121, %select_n3A_1125 : i32
      %le3A_1127 = arith.cmpi sle, %squeeze3A_22, %add3A_1105 : i32
      %jit3A_1128 = arith.constant 1 : i32
      %jit3A_1129 = arith.constant 0 : i32
      %select_n3A_1130 = arith.select %le3A_1127, %jit3A_1128, %jit3A_1129 : i32
      %add3A_1131 = arith.addi %add3A_1126, %select_n3A_1130 : i32
      %le3A_1132 = arith.cmpi sle, %squeeze3A_27, %add3A_1105 : i32
      %jit3A_1133 = arith.constant 1 : i32
      %jit3A_1134 = arith.constant 0 : i32
      %select_n3A_1135 = arith.select %le3A_1132, %jit3A_1133, %jit3A_1134 : i32
      %add3A_1136 = arith.addi %add3A_1131, %select_n3A_1135 : i32
      %le3A_1137 = arith.cmpi sle, %squeeze3A_32, %add3A_1105 : i32
      %jit3A_1138 = arith.constant 1 : i32
      %jit3A_1139 = arith.constant 0 : i32
      %select_n3A_1140 = arith.select %le3A_1137, %jit3A_1138, %jit3A_1139 : i32
      %add3A_1141 = arith.addi %add3A_1136, %select_n3A_1140 : i32
      %le3A_1142 = arith.cmpi sle, %squeeze3A_37, %add3A_1105 : i32
      %jit3A_1143 = arith.constant 1 : i32
      %jit3A_1144 = arith.constant 0 : i32
      %select_n3A_1145 = arith.select %le3A_1142, %jit3A_1143, %jit3A_1144 : i32
      %add3A_1146 = arith.addi %add3A_1141, %select_n3A_1145 : i32
      %eq3A_1147 = arith.cmpi eq, %add3A_1103, %add3A_1146 : i32
      %convert_element_type3A_1148 = arith.extui %eq3A_1147 : i1 to i32
      %cond3A_1149 = arith.constant 0 : i32
      %cond3A_1150 = arith.cmpi ne, %convert_element_type3A_1148, %cond3A_1149 : i32
      scf.if %cond3A_1150 {
        %broadcast_in_dim3A_1155 = arith.constant 0.000000e+00 : f32
        %broadcast_in_dim3A_1156 = vector.broadcast %broadcast_in_dim3A_1155 : f32 to vector<16xf32>
        %broadcast_in_dim3A_1157 = arith.constant 0.000000e+00 : f32
        %broadcast_in_dim3A_1158 = vector.broadcast %broadcast_in_dim3A_1157 : f32 to vector<16xf32>
        %broadcast_in_dim3A_1159 = arith.constant 0.000000e+00 : f32
        %broadcast_in_dim3A_1160 = vector.broadcast %broadcast_in_dim3A_1159 : f32 to vector<16xf32>
        %broadcast_in_dim3A_1161 = arith.constant 0.000000e+00 : f32
        %broadcast_in_dim3A_1162 = vector.broadcast %broadcast_in_dim3A_1161 : f32 to vector<16xf32>
        %broadcast_in_dim3A_1163 = arith.constant 0.000000e+00 : f32
        %broadcast_in_dim3A_1164 = vector.broadcast %broadcast_in_dim3A_1163 : f32 to vector<16xf32>
        %broadcast_in_dim3A_1165 = arith.constant 0.000000e+00 : f32
        %broadcast_in_dim3A_1166 = vector.broadcast %broadcast_in_dim3A_1165 : f32 to vector<16xf32>
        %broadcast_in_dim3A_1167 = arith.constant 0.000000e+00 : f32
        %broadcast_in_dim3A_1168 = vector.broadcast %broadcast_in_dim3A_1167 : f32 to vector<16xf32>
        %broadcast_in_dim3A_1169 = arith.constant 0.000000e+00 : f32
        %broadcast_in_dim3A_1170 = vector.broadcast %broadcast_in_dim3A_1169 : f32 to vector<16xf32>
        %broadcast_in_dim3A_1171 = arith.constant 0.000000e+00 : f32
        %broadcast_in_dim3A_1172 = vector.broadcast %broadcast_in_dim3A_1171 : f32 to vector<16xf32>
        %broadcast_in_dim3A_1173 = arith.constant 0.000000e+00 : f32
        %broadcast_in_dim3A_1174 = vector.broadcast %broadcast_in_dim3A_1173 : f32 to vector<16xf32>
        %broadcast_in_dim3A_1175 = arith.constant 0.000000e+00 : f32
        %broadcast_in_dim3A_1176 = vector.broadcast %broadcast_in_dim3A_1175 : f32 to vector<16xf32>
        %broadcast_in_dim3A_1177 = arith.constant 0.000000e+00 : f32
        %broadcast_in_dim3A_1178 = vector.broadcast %broadcast_in_dim3A_1177 : f32 to vector<16xf32>
        %broadcast_in_dim3A_1179 = arith.constant 0.000000e+00 : f32
        %broadcast_in_dim3A_1180 = vector.broadcast %broadcast_in_dim3A_1179 : f32 to vector<16xf32>
        %broadcast_in_dim3A_1181 = arith.constant 0.000000e+00 : f32
        %broadcast_in_dim3A_1182 = vector.broadcast %broadcast_in_dim3A_1181 : f32 to vector<16xf32>
        %broadcast_in_dim3A_1183 = arith.constant 0.000000e+00 : f32
        %broadcast_in_dim3A_1184 = vector.broadcast %broadcast_in_dim3A_1183 : f32 to vector<16xf32>
        %broadcast_in_dim3A_1185 = arith.constant 0.000000e+00 : f32
        %broadcast_in_dim3A_1186 = vector.broadcast %broadcast_in_dim3A_1185 : f32 to vector<16xf32>
        %scan3A_1187 = arith.constant 0 : i32
        %scan3A_1188 = arith.constant 32 : i32
        %scan3A_1189 = arith.addi %scan3A_1187, %scan3A_1188 : i32
        %scan3A_1190 = arith.constant 1 : i32
        %scan3A_1191:16 = scf.for %scan3A_1353 = %scan3A_1187 to %scan3A_1189 step %scan3A_1190 iter_args(%scan3A_1354 = %broadcast_in_dim3A_1156, %scan3A_1355 = %broadcast_in_dim3A_1158, %scan3A_1356 = %broadcast_in_dim3A_1160, %scan3A_1357 = %broadcast_in_dim3A_1162, %scan3A_1358 = %broadcast_in_dim3A_1164, %scan3A_1359 = %broadcast_in_dim3A_1166, %scan3A_1360 = %broadcast_in_dim3A_1168, %scan3A_1361 = %broadcast_in_dim3A_1170, %scan3A_1362 = %broadcast_in_dim3A_1172, %scan3A_1363 = %broadcast_in_dim3A_1174, %scan3A_1364 = %broadcast_in_dim3A_1176, %scan3A_1365 = %broadcast_in_dim3A_1178, %scan3A_1366 = %broadcast_in_dim3A_1180, %scan3A_1367 = %broadcast_in_dim3A_1182, %scan3A_1368 = %broadcast_in_dim3A_1184, %scan3A_1369 = %broadcast_in_dim3A_1186) -> (vector<16xf32>, vector<16xf32>, vector<16xf32>, vector<16xf32>, vector<16xf32>, vector<16xf32>, vector<16xf32>, vector<16xf32>, vector<16xf32>, vector<16xf32>, vector<16xf32>, vector<16xf32>, vector<16xf32>, vector<16xf32>, vector<16xf32>, vector<16xf32>)  : i32 {
          %mul3A_1370 = arith.constant 4 : i32
          %mul3A_1371 = arith.muli %scan3A_1353, %mul3A_1370 : i32
          %add3A_1372 = arith.constant 0 : i32
          %add3A_1373 = arith.addi %mul3A_1371, %add3A_1372 : i32
          %get3A_1374 = arith.constant 1 : i32
          %get3A_1375 = arith.index_cast %get3A_1374 : i32 to index
          %get3A_1376 = arith.index_cast %add3A_1373 : i32 to index
          %get3A_1377 = arith.constant 0 : index
          %get3A_1378 = tpu.vector_load %arg6[%get3A_1375, %get3A_1376, %get3A_1377] {strides = array<i32>} : memref<2x128x256xf32, #tpu.memory_space<vmem>>, vector<1x1x16xf32>,
          %get3A_1379 = vector.shape_cast %get3A_1378 : vector<1x1x16xf32> to vector<16xf32>
          %add3A_1380 = arith.addf %scan3A_1354, %get3A_1379 : vector<16xf32>
          %add3A_1381 = arith.constant 0 : i32
          %add3A_1382 = arith.addi %mul3A_1371, %add3A_1381 : i32
          %get3A_1383 = arith.constant 1 : i32
          %get3A_1384 = arith.index_cast %get3A_1383 : i32 to index
          %get3A_1385 = arith.index_cast %add3A_1382 : i32 to index
          %get3A_1386 = arith.constant 16 : index
          %get3A_1387 = tpu.vector_load %arg6[%get3A_1384, %get3A_1385, %get3A_1386] {strides = array<i32>} : memref<2x128x256xf32, #tpu.memory_space<vmem>>, vector<1x1x16xf32>,
          %get3A_1388 = vector.shape_cast %get3A_1387 : vector<1x1x16xf32> to vector<16xf32>
          %add3A_1389 = arith.addf %scan3A_1355, %get3A_1388 : vector<16xf32>
          %add3A_1390 = arith.constant 0 : i32
          %add3A_1391 = arith.addi %mul3A_1371, %add3A_1390 : i32
          %get3A_1392 = arith.constant 1 : i32
          %get3A_1393 = arith.index_cast %get3A_1392 : i32 to index
          %get3A_1394 = arith.index_cast %add3A_1391 : i32 to index
          %get3A_1395 = arith.constant 32 : index
          %get3A_1396 = tpu.vector_load %arg6[%get3A_1393, %get3A_1394, %get3A_1395] {strides = array<i32>} : memref<2x128x256xf32, #tpu.memory_space<vmem>>, vector<1x1x16xf32>,
          %get3A_1397 = vector.shape_cast %get3A_1396 : vector<1x1x16xf32> to vector<16xf32>
          %add3A_1398 = arith.addf %scan3A_1356, %get3A_1397 : vector<16xf32>
          %add3A_1399 = arith.constant 0 : i32
          %add3A_1400 = arith.addi %mul3A_1371, %add3A_1399 : i32
          %get3A_1401 = arith.constant 1 : i32
          %get3A_1402 = arith.index_cast %get3A_1401 : i32 to index
          %get3A_1403 = arith.index_cast %add3A_1400 : i32 to index
          %get3A_1404 = arith.constant 48 : index
          %get3A_1405 = tpu.vector_load %arg6[%get3A_1402, %get3A_1403, %get3A_1404] {strides = array<i32>} : memref<2x128x256xf32, #tpu.memory_space<vmem>>, vector<1x1x16xf32>,
          %get3A_1406 = vector.shape_cast %get3A_1405 : vector<1x1x16xf32> to vector<16xf32>
          %add3A_1407 = arith.addf %scan3A_1357, %get3A_1406 : vector<16xf32>
          %add3A_1408 = arith.constant 0 : i32
          %add3A_1409 = arith.addi %mul3A_1371, %add3A_1408 : i32
          %get3A_1410 = arith.constant 1 : i32
          %get3A_1411 = arith.index_cast %get3A_1410 : i32 to index
          %get3A_1412 = arith.index_cast %add3A_1409 : i32 to index
          %get3A_1413 = arith.constant 64 : index
          %get3A_1414 = tpu.vector_load %arg6[%get3A_1411, %get3A_1412, %get3A_1413] {strides = array<i32>} : memref<2x128x256xf32, #tpu.memory_space<vmem>>, vector<1x1x16xf32>,
          %get3A_1415 = vector.shape_cast %get3A_1414 : vector<1x1x16xf32> to vector<16xf32>
          %add3A_1416 = arith.addf %scan3A_1358, %get3A_1415 : vector<16xf32>
          %add3A_1417 = arith.constant 0 : i32
          %add3A_1418 = arith.addi %mul3A_1371, %add3A_1417 : i32
          %get3A_1419 = arith.constant 1 : i32
          %get3A_1420 = arith.index_cast %get3A_1419 : i32 to index
          %get3A_1421 = arith.index_cast %add3A_1418 : i32 to index
          %get3A_1422 = arith.constant 80 : index
          %get3A_1423 = tpu.vector_load %arg6[%get3A_1420, %get3A_1421, %get3A_1422] {strides = array<i32>} : memref<2x128x256xf32, #tpu.memory_space<vmem>>, vector<1x1x16xf32>,
          %get3A_1424 = vector.shape_cast %get3A_1423 : vector<1x1x16xf32> to vector<16xf32>
          %add3A_1425 = arith.addf %scan3A_1359, %get3A_1424 : vector<16xf32>
          %add3A_1426 = arith.constant 0 : i32
          %add3A_1427 = arith.addi %mul3A_1371, %add3A_1426 : i32
          %get3A_1428 = arith.constant 1 : i32
          %get3A_1429 = arith.index_cast %get3A_1428 : i32 to index
          %get3A_1430 = arith.index_cast %add3A_1427 : i32 to index
          %get3A_1431 = arith.constant 96 : index
          %get3A_1432 = tpu.vector_load %arg6[%get3A_1429, %get3A_1430, %get3A_1431] {strides = array<i32>} : memref<2x128x256xf32, #tpu.memory_space<vmem>>, vector<1x1x16xf32>,
          %get3A_1433 = vector.shape_cast %get3A_1432 : vector<1x1x16xf32> to vector<16xf32>
          %add3A_1434 = arith.addf %scan3A_1360, %get3A_1433 : vector<16xf32>
          %add3A_1435 = arith.constant 0 : i32
          %add3A_1436 = arith.addi %mul3A_1371, %add3A_1435 : i32
          %get3A_1437 = arith.constant 1 : i32
          %get3A_1438 = arith.index_cast %get3A_1437 : i32 to index
          %get3A_1439 = arith.index_cast %add3A_1436 : i32 to index
          %get3A_1440 = arith.constant 112 : index
          %get3A_1441 = tpu.vector_load %arg6[%get3A_1438, %get3A_1439, %get3A_1440] {strides = array<i32>} : memref<2x128x256xf32, #tpu.memory_space<vmem>>, vector<1x1x16xf32>,
          %get3A_1442 = vector.shape_cast %get3A_1441 : vector<1x1x16xf32> to vector<16xf32>
          %add3A_1443 = arith.addf %scan3A_1361, %get3A_1442 : vector<16xf32>
          %add3A_1444 = arith.constant 0 : i32
          %add3A_1445 = arith.addi %mul3A_1371, %add3A_1444 : i32
          %get3A_1446 = arith.constant 1 : i32
          %get3A_1447 = arith.index_cast %get3A_1446 : i32 to index
          %get3A_1448 = arith.index_cast %add3A_1445 : i32 to index
          %get3A_1449 = arith.constant 128 : index
          %get3A_1450 = tpu.vector_load %arg6[%get3A_1447, %get3A_1448, %get3A_1449] {strides = array<i32>} : memref<2x128x256xf32, #tpu.memory_space<vmem>>, vector<1x1x16xf32>,
          %get3A_1451 = vector.shape_cast %get3A_1450 : vector<1x1x16xf32> to vector<16xf32>
          %add3A_1452 = arith.addf %scan3A_1362, %get3A_1451 : vector<16xf32>
          %add3A_1453 = arith.constant 0 : i32
          %add3A_1454 = arith.addi %mul3A_1371, %add3A_1453 : i32
          %get3A_1455 = arith.constant 1 : i32
          %get3A_1456 = arith.index_cast %get3A_1455 : i32 to index
          %get3A_1457 = arith.index_cast %add3A_1454 : i32 to index
          %get3A_1458 = arith.constant 144 : index
          %get3A_1459 = tpu.vector_load %arg6[%get3A_1456, %get3A_1457, %get3A_1458] {strides = array<i32>} : memref<2x128x256xf32, #tpu.memory_space<vmem>>, vector<1x1x16xf32>,
          %get3A_1460 = vector.shape_cast %get3A_1459 : vector<1x1x16xf32> to vector<16xf32>
          %add3A_1461 = arith.addf %scan3A_1363, %get3A_1460 : vector<16xf32>
          %add3A_1462 = arith.constant 0 : i32
          %add3A_1463 = arith.addi %mul3A_1371, %add3A_1462 : i32
          %get3A_1464 = arith.constant 1 : i32
          %get3A_1465 = arith.index_cast %get3A_1464 : i32 to index
          %get3A_1466 = arith.index_cast %add3A_1463 : i32 to index
          %get3A_1467 = arith.constant 160 : index
          %get3A_1468 = tpu.vector_load %arg6[%get3A_1465, %get3A_1466, %get3A_1467] {strides = array<i32>} : memref<2x128x256xf32, #tpu.memory_space<vmem>>, vector<1x1x16xf32>,
          %get3A_1469 = vector.shape_cast %get3A_1468 : vector<1x1x16xf32> to vector<16xf32>
          %add3A_1470 = arith.addf %scan3A_1364, %get3A_1469 : vector<16xf32>
          %add3A_1471 = arith.constant 0 : i32
          %add3A_1472 = arith.addi %mul3A_1371, %add3A_1471 : i32
          %get3A_1473 = arith.constant 1 : i32
          %get3A_1474 = arith.index_cast %get3A_1473 : i32 to index
          %get3A_1475 = arith.index_cast %add3A_1472 : i32 to index
          %get3A_1476 = arith.constant 176 : index
          %get3A_1477 = tpu.vector_load %arg6[%get3A_1474, %get3A_1475, %get3A_1476] {strides = array<i32>} : memref<2x128x256xf32, #tpu.memory_space<vmem>>, vector<1x1x16xf32>,
          %get3A_1478 = vector.shape_cast %get3A_1477 : vector<1x1x16xf32> to vector<16xf32>
          %add3A_1479 = arith.addf %scan3A_1365, %get3A_1478 : vector<16xf32>
          %add3A_1480 = arith.constant 0 : i32
          %add3A_1481 = arith.addi %mul3A_1371, %add3A_1480 : i32
          %get3A_1482 = arith.constant 1 : i32
          %get3A_1483 = arith.index_cast %get3A_1482 : i32 to index
          %get3A_1484 = arith.index_cast %add3A_1481 : i32 to index
          %get3A_1485 = arith.constant 192 : index
          %get3A_1486 = tpu.vector_load %arg6[%get3A_1483, %get3A_1484, %get3A_1485] {strides = array<i32>} : memref<2x128x256xf32, #tpu.memory_space<vmem>>, vector<1x1x16xf32>,
          %get3A_1487 = vector.shape_cast %get3A_1486 : vector<1x1x16xf32> to vector<16xf32>
          %add3A_1488 = arith.addf %scan3A_1366, %get3A_1487 : vector<16xf32>
          %add3A_1489 = arith.constant 0 : i32
          %add3A_1490 = arith.addi %mul3A_1371, %add3A_1489 : i32
          %get3A_1491 = arith.constant 1 : i32
          %get3A_1492 = arith.index_cast %get3A_1491 : i32 to index
          %get3A_1493 = arith.index_cast %add3A_1490 : i32 to index
          %get3A_1494 = arith.constant 208 : index
          %get3A_1495 = tpu.vector_load %arg6[%get3A_1492, %get3A_1493, %get3A_1494] {strides = array<i32>} : memref<2x128x256xf32, #tpu.memory_space<vmem>>, vector<1x1x16xf32>,
          %get3A_1496 = vector.shape_cast %get3A_1495 : vector<1x1x16xf32> to vector<16xf32>
          %add3A_1497 = arith.addf %scan3A_1367, %get3A_1496 : vector<16xf32>
          %add3A_1498 = arith.constant 0 : i32
          %add3A_1499 = arith.addi %mul3A_1371, %add3A_1498 : i32
          %get3A_1500 = arith.constant 1 : i32
          %get3A_1501 = arith.index_cast %get3A_1500 : i32 to index
          %get3A_1502 = arith.index_cast %add3A_1499 : i32 to index
          %get3A_1503 = arith.constant 224 : index
          %get3A_1504 = tpu.vector_load %arg6[%get3A_1501, %get3A_1502, %get3A_1503] {strides = array<i32>} : memref<2x128x256xf32, #tpu.memory_space<vmem>>, vector<1x1x16xf32>,
          %get3A_1505 = vector.shape_cast %get3A_1504 : vector<1x1x16xf32> to vector<16xf32>
          %add3A_1506 = arith.addf %scan3A_1368, %get3A_1505 : vector<16xf32>
          %add3A_1507 = arith.constant 0 : i32
          %add3A_1508 = arith.addi %mul3A_1371, %add3A_1507 : i32
          %get3A_1509 = arith.constant 1 : i32
          %get3A_1510 = arith.index_cast %get3A_1509 : i32 to index
          %get3A_1511 = arith.index_cast %add3A_1508 : i32 to index
          %get3A_1512 = arith.constant 240 : index
          %get3A_1513 = tpu.vector_load %arg6[%get3A_1510, %get3A_1511, %get3A_1512] {strides = array<i32>} : memref<2x128x256xf32, #tpu.memory_space<vmem>>, vector<1x1x16xf32>,
          %get3A_1514 = vector.shape_cast %get3A_1513 : vector<1x1x16xf32> to vector<16xf32>
          %add3A_1515 = arith.addf %scan3A_1369, %get3A_1514 : vector<16xf32>
          %add3A_1516 = arith.constant 1 : i32
          %add3A_1517 = arith.addi %mul3A_1371, %add3A_1516 : i32
          %get3A_1518 = arith.constant 1 : i32
          %get3A_1519 = arith.index_cast %get3A_1518 : i32 to index
          %get3A_1520 = arith.index_cast %add3A_1517 : i32 to index
          %get3A_1521 = arith.constant 0 : index
          %get3A_1522 = tpu.vector_load %arg6[%get3A_1519, %get3A_1520, %get3A_1521] {strides = array<i32>} : memref<2x128x256xf32, #tpu.memory_space<vmem>>, vector<1x1x16xf32>,
          %get3A_1523 = vector.shape_cast %get3A_1522 : vector<1x1x16xf32> to vector<16xf32>
          %add3A_1524 = arith.addf %add3A_1380, %get3A_1523 : vector<16xf32>
          %add3A_1525 = arith.constant 1 : i32
          %add3A_1526 = arith.addi %mul3A_1371, %add3A_1525 : i32
          %get3A_1527 = arith.constant 1 : i32
          %get3A_1528 = arith.index_cast %get3A_1527 : i32 to index
          %get3A_1529 = arith.index_cast %add3A_1526 : i32 to index
          %get3A_1530 = arith.constant 16 : index
          %get3A_1531 = tpu.vector_load %arg6[%get3A_1528, %get3A_1529, %get3A_1530] {strides = array<i32>} : memref<2x128x256xf32, #tpu.memory_space<vmem>>, vector<1x1x16xf32>,
          %get3A_1532 = vector.shape_cast %get3A_1531 : vector<1x1x16xf32> to vector<16xf32>
          %add3A_1533 = arith.addf %add3A_1389, %get3A_1532 : vector<16xf32>
          %add3A_1534 = arith.constant 1 : i32
          %add3A_1535 = arith.addi %mul3A_1371, %add3A_1534 : i32
          %get3A_1536 = arith.constant 1 : i32
          %get3A_1537 = arith.index_cast %get3A_1536 : i32 to index
          %get3A_1538 = arith.index_cast %add3A_1535 : i32 to index
          %get3A_1539 = arith.constant 32 : index
          %get3A_1540 = tpu.vector_load %arg6[%get3A_1537, %get3A_1538, %get3A_1539] {strides = array<i32>} : memref<2x128x256xf32, #tpu.memory_space<vmem>>, vector<1x1x16xf32>,
          %get3A_1541 = vector.shape_cast %get3A_1540 : vector<1x1x16xf32> to vector<16xf32>
          %add3A_1542 = arith.addf %add3A_1398, %get3A_1541 : vector<16xf32>
          %add3A_1543 = arith.constant 1 : i32
          %add3A_1544 = arith.addi %mul3A_1371, %add3A_1543 : i32
          %get3A_1545 = arith.constant 1 : i32
          %get3A_1546 = arith.index_cast %get3A_1545 : i32 to index
          %get3A_1547 = arith.index_cast %add3A_1544 : i32 to index
          %get3A_1548 = arith.constant 48 : index
          %get3A_1549 = tpu.vector_load %arg6[%get3A_1546, %get3A_1547, %get3A_1548] {strides = array<i32>} : memref<2x128x256xf32, #tpu.memory_space<vmem>>, vector<1x1x16xf32>,
          %get3A_1550 = vector.shape_cast %get3A_1549 : vector<1x1x16xf32> to vector<16xf32>
          %add3A_1551 = arith.addf %add3A_1407, %get3A_1550 : vector<16xf32>
          %add3A_1552 = arith.constant 1 : i32
          %add3A_1553 = arith.addi %mul3A_1371, %add3A_1552 : i32
          %get3A_1554 = arith.constant 1 : i32
          %get3A_1555 = arith.index_cast %get3A_1554 : i32 to index
          %get3A_1556 = arith.index_cast %add3A_1553 : i32 to index
          %get3A_1557 = arith.constant 64 : index
          %get3A_1558 = tpu.vector_load %arg6[%get3A_1555, %get3A_1556, %get3A_1557] {strides = array<i32>} : memref<2x128x256xf32, #tpu.memory_space<vmem>>, vector<1x1x16xf32>,
          %get3A_1559 = vector.shape_cast %get3A_1558 : vector<1x1x16xf32> to vector<16xf32>
          %add3A_1560 = arith.addf %add3A_1416, %get3A_1559 : vector<16xf32>
          %add3A_1561 = arith.constant 1 : i32
          %add3A_1562 = arith.addi %mul3A_1371, %add3A_1561 : i32
          %get3A_1563 = arith.constant 1 : i32
          %get3A_1564 = arith.index_cast %get3A_1563 : i32 to index
          %get3A_1565 = arith.index_cast %add3A_1562 : i32 to index
          %get3A_1566 = arith.constant 80 : index
          %get3A_1567 = tpu.vector_load %arg6[%get3A_1564, %get3A_1565, %get3A_1566] {strides = array<i32>} : memref<2x128x256xf32, #tpu.memory_space<vmem>>, vector<1x1x16xf32>,
          %get3A_1568 = vector.shape_cast %get3A_1567 : vector<1x1x16xf32> to vector<16xf32>
          %add3A_1569 = arith.addf %add3A_1425, %get3A_1568 : vector<16xf32>
          %add3A_1570 = arith.constant 1 : i32
          %add3A_1571 = arith.addi %mul3A_1371, %add3A_1570 : i32
          %get3A_1572 = arith.constant 1 : i32
          %get3A_1573 = arith.index_cast %get3A_1572 : i32 to index
          %get3A_1574 = arith.index_cast %add3A_1571 : i32 to index
          %get3A_1575 = arith.constant 96 : index
          %get3A_1576 = tpu.vector_load %arg6[%get3A_1573, %get3A_1574, %get3A_1575] {strides = array<i32>} : memref<2x128x256xf32, #tpu.memory_space<vmem>>, vector<1x1x16xf32>,
          %get3A_1577 = vector.shape_cast %get3A_1576 : vector<1x1x16xf32> to vector<16xf32>
          %add3A_1578 = arith.addf %add3A_1434, %get3A_1577 : vector<16xf32>
          %add3A_1579 = arith.constant 1 : i32
          %add3A_1580 = arith.addi %mul3A_1371, %add3A_1579 : i32
          %get3A_1581 = arith.constant 1 : i32
          %get3A_1582 = arith.index_cast %get3A_1581 : i32 to index
          %get3A_1583 = arith.index_cast %add3A_1580 : i32 to index
          %get3A_1584 = arith.constant 112 : index
          %get3A_1585 = tpu.vector_load %arg6[%get3A_1582, %get3A_1583, %get3A_1584] {strides = array<i32>} : memref<2x128x256xf32, #tpu.memory_space<vmem>>, vector<1x1x16xf32>,
          %get3A_1586 = vector.shape_cast %get3A_1585 : vector<1x1x16xf32> to vector<16xf32>
          %add3A_1587 = arith.addf %add3A_1443, %get3A_1586 : vector<16xf32>
          %add3A_1588 = arith.constant 1 : i32
          %add3A_1589 = arith.addi %mul3A_1371, %add3A_1588 : i32
          %get3A_1590 = arith.constant 1 : i32
          %get3A_1591 = arith.index_cast %get3A_1590 : i32 to index
          %get3A_1592 = arith.index_cast %add3A_1589 : i32 to index
          %get3A_1593 = arith.constant 128 : index
          %get3A_1594 = tpu.vector_load %arg6[%get3A_1591, %get3A_1592, %get3A_1593] {strides = array<i32>} : memref<2x128x256xf32, #tpu.memory_space<vmem>>, vector<1x1x16xf32>,
          %get3A_1595 = vector.shape_cast %get3A_1594 : vector<1x1x16xf32> to vector<16xf32>
          %add3A_1596 = arith.addf %add3A_1452, %get3A_1595 : vector<16xf32>
          %add3A_1597 = arith.constant 1 : i32
          %add3A_1598 = arith.addi %mul3A_1371, %add3A_1597 : i32
          %get3A_1599 = arith.constant 1 : i32
          %get3A_1600 = arith.index_cast %get3A_1599 : i32 to index
          %get3A_1601 = arith.index_cast %add3A_1598 : i32 to index
          %get3A_1602 = arith.constant 144 : index
          %get3A_1603 = tpu.vector_load %arg6[%get3A_1600, %get3A_1601, %get3A_1602] {strides = array<i32>} : memref<2x128x256xf32, #tpu.memory_space<vmem>>, vector<1x1x16xf32>,
          %get3A_1604 = vector.shape_cast %get3A_1603 : vector<1x1x16xf32> to vector<16xf32>
          %add3A_1605 = arith.addf %add3A_1461, %get3A_1604 : vector<16xf32>
          %add3A_1606 = arith.constant 1 : i32
          %add3A_1607 = arith.addi %mul3A_1371, %add3A_1606 : i32
          %get3A_1608 = arith.constant 1 : i32
          %get3A_1609 = arith.index_cast %get3A_1608 : i32 to index
          %get3A_1610 = arith.index_cast %add3A_1607 : i32 to index
          %get3A_1611 = arith.constant 160 : index
          %get3A_1612 = tpu.vector_load %arg6[%get3A_1609, %get3A_1610, %get3A_1611] {strides = array<i32>} : memref<2x128x256xf32, #tpu.memory_space<vmem>>, vector<1x1x16xf32>,
          %get3A_1613 = vector.shape_cast %get3A_1612 : vector<1x1x16xf32> to vector<16xf32>
          %add3A_1614 = arith.addf %add3A_1470, %get3A_1613 : vector<16xf32>
          %add3A_1615 = arith.constant 1 : i32
          %add3A_1616 = arith.addi %mul3A_1371, %add3A_1615 : i32
          %get3A_1617 = arith.constant 1 : i32
          %get3A_1618 = arith.index_cast %get3A_1617 : i32 to index
          %get3A_1619 = arith.index_cast %add3A_1616 : i32 to index
          %get3A_1620 = arith.constant 176 : index
          %get3A_1621 = tpu.vector_load %arg6[%get3A_1618, %get3A_1619, %get3A_1620] {strides = array<i32>} : memref<2x128x256xf32, #tpu.memory_space<vmem>>, vector<1x1x16xf32>,
          %get3A_1622 = vector.shape_cast %get3A_1621 : vector<1x1x16xf32> to vector<16xf32>
          %add3A_1623 = arith.addf %add3A_1479, %get3A_1622 : vector<16xf32>
          %add3A_1624 = arith.constant 1 : i32
          %add3A_1625 = arith.addi %mul3A_1371, %add3A_1624 : i32
          %get3A_1626 = arith.constant 1 : i32
          %get3A_1627 = arith.index_cast %get3A_1626 : i32 to index
          %get3A_1628 = arith.index_cast %add3A_1625 : i32 to index
          %get3A_1629 = arith.constant 192 : index
          %get3A_1630 = tpu.vector_load %arg6[%get3A_1627, %get3A_1628, %get3A_1629] {strides = array<i32>} : memref<2x128x256xf32, #tpu.memory_space<vmem>>, vector<1x1x16xf32>,
          %get3A_1631 = vector.shape_cast %get3A_1630 : vector<1x1x16xf32> to vector<16xf32>
          %add3A_1632 = arith.addf %add3A_1488, %get3A_1631 : vector<16xf32>
          %add3A_1633 = arith.constant 1 : i32
          %add3A_1634 = arith.addi %mul3A_1371, %add3A_1633 : i32
          %get3A_1635 = arith.constant 1 : i32
          %get3A_1636 = arith.index_cast %get3A_1635 : i32 to index
          %get3A_1637 = arith.index_cast %add3A_1634 : i32 to index
          %get3A_1638 = arith.constant 208 : index
          %get3A_1639 = tpu.vector_load %arg6[%get3A_1636, %get3A_1637, %get3A_1638] {strides = array<i32>} : memref<2x128x256xf32, #tpu.memory_space<vmem>>, vector<1x1x16xf32>,
          %get3A_1640 = vector.shape_cast %get3A_1639 : vector<1x1x16xf32> to vector<16xf32>
          %add3A_1641 = arith.addf %add3A_1497, %get3A_1640 : vector<16xf32>
          %add3A_1642 = arith.constant 1 : i32
          %add3A_1643 = arith.addi %mul3A_1371, %add3A_1642 : i32
          %get3A_1644 = arith.constant 1 : i32
          %get3A_1645 = arith.index_cast %get3A_1644 : i32 to index
          %get3A_1646 = arith.index_cast %add3A_1643 : i32 to index
          %get3A_1647 = arith.constant 224 : index
          %get3A_1648 = tpu.vector_load %arg6[%get3A_1645, %get3A_1646, %get3A_1647] {strides = array<i32>} : memref<2x128x256xf32, #tpu.memory_space<vmem>>, vector<1x1x16xf32>,
          %get3A_1649 = vector.shape_cast %get3A_1648 : vector<1x1x16xf32> to vector<16xf32>
          %add3A_1650 = arith.addf %add3A_1506, %get3A_1649 : vector<16xf32>
          %add3A_1651 = arith.constant 1 : i32
          %add3A_1652 = arith.addi %mul3A_1371, %add3A_1651 : i32
          %get3A_1653 = arith.constant 1 : i32
          %get3A_1654 = arith.index_cast %get3A_1653 : i32 to index
          %get3A_1655 = arith.index_cast %add3A_1652 : i32 to index
          %get3A_1656 = arith.constant 240 : index
          %get3A_1657 = tpu.vector_load %arg6[%get3A_1654, %get3A_1655, %get3A_1656] {strides = array<i32>} : memref<2x128x256xf32, #tpu.memory_space<vmem>>, vector<1x1x16xf32>,
          %get3A_1658 = vector.shape_cast %get3A_1657 : vector<1x1x16xf32> to vector<16xf32>
          %add3A_1659 = arith.addf %add3A_1515, %get3A_1658 : vector<16xf32>
          %add3A_1660 = arith.constant 2 : i32
          %add3A_1661 = arith.addi %mul3A_1371, %add3A_1660 : i32
          %get3A_1662 = arith.constant 1 : i32
          %get3A_1663 = arith.index_cast %get3A_1662 : i32 to index
          %get3A_1664 = arith.index_cast %add3A_1661 : i32 to index
          %get3A_1665 = arith.constant 0 : index
          %get3A_1666 = tpu.vector_load %arg6[%get3A_1663, %get3A_1664, %get3A_1665] {strides = array<i32>} : memref<2x128x256xf32, #tpu.memory_space<vmem>>, vector<1x1x16xf32>,
          %get3A_1667 = vector.shape_cast %get3A_1666 : vector<1x1x16xf32> to vector<16xf32>
          %add3A_1668 = arith.addf %add3A_1524, %get3A_1667 : vector<16xf32>
          %add3A_1669 = arith.constant 2 : i32
          %add3A_1670 = arith.addi %mul3A_1371, %add3A_1669 : i32
          %get3A_1671 = arith.constant 1 : i32
          %get3A_1672 = arith.index_cast %get3A_1671 : i32 to index
          %get3A_1673 = arith.index_cast %add3A_1670 : i32 to index
          %get3A_1674 = arith.constant 16 : index
          %get3A_1675 = tpu.vector_load %arg6[%get3A_1672, %get3A_1673, %get3A_1674] {strides = array<i32>} : memref<2x128x256xf32, #tpu.memory_space<vmem>>, vector<1x1x16xf32>,
          %get3A_1676 = vector.shape_cast %get3A_1675 : vector<1x1x16xf32> to vector<16xf32>
          %add3A_1677 = arith.addf %add3A_1533, %get3A_1676 : vector<16xf32>
          %add3A_1678 = arith.constant 2 : i32
          %add3A_1679 = arith.addi %mul3A_1371, %add3A_1678 : i32
          %get3A_1680 = arith.constant 1 : i32
          %get3A_1681 = arith.index_cast %get3A_1680 : i32 to index
          %get3A_1682 = arith.index_cast %add3A_1679 : i32 to index
          %get3A_1683 = arith.constant 32 : index
          %get3A_1684 = tpu.vector_load %arg6[%get3A_1681, %get3A_1682, %get3A_1683] {strides = array<i32>} : memref<2x128x256xf32, #tpu.memory_space<vmem>>, vector<1x1x16xf32>,
          %get3A_1685 = vector.shape_cast %get3A_1684 : vector<1x1x16xf32> to vector<16xf32>
          %add3A_1686 = arith.addf %add3A_1542, %get3A_1685 : vector<16xf32>
          %add3A_1687 = arith.constant 2 : i32
          %add3A_1688 = arith.addi %mul3A_1371, %add3A_1687 : i32
          %get3A_1689 = arith.constant 1 : i32
          %get3A_1690 = arith.index_cast %get3A_1689 : i32 to index
          %get3A_1691 = arith.index_cast %add3A_1688 : i32 to index
          %get3A_1692 = arith.constant 48 : index
          %get3A_1693 = tpu.vector_load %arg6[%get3A_1690, %get3A_1691, %get3A_1692] {strides = array<i32>} : memref<2x128x256xf32, #tpu.memory_space<vmem>>, vector<1x1x16xf32>,
          %get3A_1694 = vector.shape_cast %get3A_1693 : vector<1x1x16xf32> to vector<16xf32>
          %add3A_1695 = arith.addf %add3A_1551, %get3A_1694 : vector<16xf32>
          %add3A_1696 = arith.constant 2 : i32
          %add3A_1697 = arith.addi %mul3A_1371, %add3A_1696 : i32
          %get3A_1698 = arith.constant 1 : i32
          %get3A_1699 = arith.index_cast %get3A_1698 : i32 to index
          %get3A_1700 = arith.index_cast %add3A_1697 : i32 to index
          %get3A_1701 = arith.constant 64 : index
          %get3A_1702 = tpu.vector_load %arg6[%get3A_1699, %get3A_1700, %get3A_1701] {strides = array<i32>} : memref<2x128x256xf32, #tpu.memory_space<vmem>>, vector<1x1x16xf32>,
          %get3A_1703 = vector.shape_cast %get3A_1702 : vector<1x1x16xf32> to vector<16xf32>
          %add3A_1704 = arith.addf %add3A_1560, %get3A_1703 : vector<16xf32>
          %add3A_1705 = arith.constant 2 : i32
          %add3A_1706 = arith.addi %mul3A_1371, %add3A_1705 : i32
          %get3A_1707 = arith.constant 1 : i32
          %get3A_1708 = arith.index_cast %get3A_1707 : i32 to index
          %get3A_1709 = arith.index_cast %add3A_1706 : i32 to index
          %get3A_1710 = arith.constant 80 : index
          %get3A_1711 = tpu.vector_load %arg6[%get3A_1708, %get3A_1709, %get3A_1710] {strides = array<i32>} : memref<2x128x256xf32, #tpu.memory_space<vmem>>, vector<1x1x16xf32>,
          %get3A_1712 = vector.shape_cast %get3A_1711 : vector<1x1x16xf32> to vector<16xf32>
          %add3A_1713 = arith.addf %add3A_1569, %get3A_1712 : vector<16xf32>
          %add3A_1714 = arith.constant 2 : i32
          %add3A_1715 = arith.addi %mul3A_1371, %add3A_1714 : i32
          %get3A_1716 = arith.constant 1 : i32
          %get3A_1717 = arith.index_cast %get3A_1716 : i32 to index
          %get3A_1718 = arith.index_cast %add3A_1715 : i32 to index
          %get3A_1719 = arith.constant 96 : index
          %get3A_1720 = tpu.vector_load %arg6[%get3A_1717, %get3A_1718, %get3A_1719] {strides = array<i32>} : memref<2x128x256xf32, #tpu.memory_space<vmem>>, vector<1x1x16xf32>,
          %get3A_1721 = vector.shape_cast %get3A_1720 : vector<1x1x16xf32> to vector<16xf32>
          %add3A_1722 = arith.addf %add3A_1578, %get3A_1721 : vector<16xf32>
          %add3A_1723 = arith.constant 2 : i32
          %add3A_1724 = arith.addi %mul3A_1371, %add3A_1723 : i32
          %get3A_1725 = arith.constant 1 : i32
          %get3A_1726 = arith.index_cast %get3A_1725 : i32 to index
          %get3A_1727 = arith.index_cast %add3A_1724 : i32 to index
          %get3A_1728 = arith.constant 112 : index
          %get3A_1729 = tpu.vector_load %arg6[%get3A_1726, %get3A_1727, %get3A_1728] {strides = array<i32>} : memref<2x128x256xf32, #tpu.memory_space<vmem>>, vector<1x1x16xf32>,
          %get3A_1730 = vector.shape_cast %get3A_1729 : vector<1x1x16xf32> to vector<16xf32>
          %add3A_1731 = arith.addf %add3A_1587, %get3A_1730 : vector<16xf32>
          %add3A_1732 = arith.constant 2 : i32
          %add3A_1733 = arith.addi %mul3A_1371, %add3A_1732 : i32
          %get3A_1734 = arith.constant 1 : i32
          %get3A_1735 = arith.index_cast %get3A_1734 : i32 to index
          %get3A_1736 = arith.index_cast %add3A_1733 : i32 to index
          %get3A_1737 = arith.constant 128 : index
          %get3A_1738 = tpu.vector_load %arg6[%get3A_1735, %get3A_1736, %get3A_1737] {strides = array<i32>} : memref<2x128x256xf32, #tpu.memory_space<vmem>>, vector<1x1x16xf32>,
          %get3A_1739 = vector.shape_cast %get3A_1738 : vector<1x1x16xf32> to vector<16xf32>
          %add3A_1740 = arith.addf %add3A_1596, %get3A_1739 : vector<16xf32>
          %add3A_1741 = arith.constant 2 : i32
          %add3A_1742 = arith.addi %mul3A_1371, %add3A_1741 : i32
          %get3A_1743 = arith.constant 1 : i32
          %get3A_1744 = arith.index_cast %get3A_1743 : i32 to index
          %get3A_1745 = arith.index_cast %add3A_1742 : i32 to index
          %get3A_1746 = arith.constant 144 : index
          %get3A_1747 = tpu.vector_load %arg6[%get3A_1744, %get3A_1745, %get3A_1746] {strides = array<i32>} : memref<2x128x256xf32, #tpu.memory_space<vmem>>, vector<1x1x16xf32>,
          %get3A_1748 = vector.shape_cast %get3A_1747 : vector<1x1x16xf32> to vector<16xf32>
          %add3A_1749 = arith.addf %add3A_1605, %get3A_1748 : vector<16xf32>
          %add3A_1750 = arith.constant 2 : i32
          %add3A_1751 = arith.addi %mul3A_1371, %add3A_1750 : i32
          %get3A_1752 = arith.constant 1 : i32
          %get3A_1753 = arith.index_cast %get3A_1752 : i32 to index
          %get3A_1754 = arith.index_cast %add3A_1751 : i32 to index
          %get3A_1755 = arith.constant 160 : index
          %get3A_1756 = tpu.vector_load %arg6[%get3A_1753, %get3A_1754, %get3A_1755] {strides = array<i32>} : memref<2x128x256xf32, #tpu.memory_space<vmem>>, vector<1x1x16xf32>,
          %get3A_1757 = vector.shape_cast %get3A_1756 : vector<1x1x16xf32> to vector<16xf32>
          %add3A_1758 = arith.addf %add3A_1614, %get3A_1757 : vector<16xf32>
          %add3A_1759 = arith.constant 2 : i32
          %add3A_1760 = arith.addi %mul3A_1371, %add3A_1759 : i32
          %get3A_1761 = arith.constant 1 : i32
          %get3A_1762 = arith.index_cast %get3A_1761 : i32 to index
          %get3A_1763 = arith.index_cast %add3A_1760 : i32 to index
          %get3A_1764 = arith.constant 176 : index
          %get3A_1765 = tpu.vector_load %arg6[%get3A_1762, %get3A_1763, %get3A_1764] {strides = array<i32>} : memref<2x128x256xf32, #tpu.memory_space<vmem>>, vector<1x1x16xf32>,
          %get3A_1766 = vector.shape_cast %get3A_1765 : vector<1x1x16xf32> to vector<16xf32>
          %add3A_1767 = arith.addf %add3A_1623, %get3A_1766 : vector<16xf32>
          %add3A_1768 = arith.constant 2 : i32
          %add3A_1769 = arith.addi %mul3A_1371, %add3A_1768 : i32
          %get3A_1770 = arith.constant 1 : i32
          %get3A_1771 = arith.index_cast %get3A_1770 : i32 to index
          %get3A_1772 = arith.index_cast %add3A_1769 : i32 to index
          %get3A_1773 = arith.constant 192 : index
          %get3A_1774 = tpu.vector_load %arg6[%get3A_1771, %get3A_1772, %get3A_1773] {strides = array<i32>} : memref<2x128x256xf32, #tpu.memory_space<vmem>>, vector<1x1x16xf32>,
          %get3A_1775 = vector.shape_cast %get3A_1774 : vector<1x1x16xf32> to vector<16xf32>
          %add3A_1776 = arith.addf %add3A_1632, %get3A_1775 : vector<16xf32>
          %add3A_1777 = arith.constant 2 : i32
          %add3A_1778 = arith.addi %mul3A_1371, %add3A_1777 : i32
          %get3A_1779 = arith.constant 1 : i32
          %get3A_1780 = arith.index_cast %get3A_1779 : i32 to index
          %get3A_1781 = arith.index_cast %add3A_1778 : i32 to index
          %get3A_1782 = arith.constant 208 : index
          %get3A_1783 = tpu.vector_load %arg6[%get3A_1780, %get3A_1781, %get3A_1782] {strides = array<i32>} : memref<2x128x256xf32, #tpu.memory_space<vmem>>, vector<1x1x16xf32>,
          %get3A_1784 = vector.shape_cast %get3A_1783 : vector<1x1x16xf32> to vector<16xf32>
          %add3A_1785 = arith.addf %add3A_1641, %get3A_1784 : vector<16xf32>
          %add3A_1786 = arith.constant 2 : i32
          %add3A_1787 = arith.addi %mul3A_1371, %add3A_1786 : i32
          %get3A_1788 = arith.constant 1 : i32
          %get3A_1789 = arith.index_cast %get3A_1788 : i32 to index
          %get3A_1790 = arith.index_cast %add3A_1787 : i32 to index
          %get3A_1791 = arith.constant 224 : index
          %get3A_1792 = tpu.vector_load %arg6[%get3A_1789, %get3A_1790, %get3A_1791] {strides = array<i32>} : memref<2x128x256xf32, #tpu.memory_space<vmem>>, vector<1x1x16xf32>,
          %get3A_1793 = vector.shape_cast %get3A_1792 : vector<1x1x16xf32> to vector<16xf32>
          %add3A_1794 = arith.addf %add3A_1650, %get3A_1793 : vector<16xf32>
          %add3A_1795 = arith.constant 2 : i32
          %add3A_1796 = arith.addi %mul3A_1371, %add3A_1795 : i32
          %get3A_1797 = arith.constant 1 : i32
          %get3A_1798 = arith.index_cast %get3A_1797 : i32 to index
          %get3A_1799 = arith.index_cast %add3A_1796 : i32 to index
          %get3A_1800 = arith.constant 240 : index
          %get3A_1801 = tpu.vector_load %arg6[%get3A_1798, %get3A_1799, %get3A_1800] {strides = array<i32>} : memref<2x128x256xf32, #tpu.memory_space<vmem>>, vector<1x1x16xf32>,
          %get3A_1802 = vector.shape_cast %get3A_1801 : vector<1x1x16xf32> to vector<16xf32>
          %add3A_1803 = arith.addf %add3A_1659, %get3A_1802 : vector<16xf32>
          %add3A_1804 = arith.constant 3 : i32
          %add3A_1805 = arith.addi %mul3A_1371, %add3A_1804 : i32
          %get3A_1806 = arith.constant 1 : i32
          %get3A_1807 = arith.index_cast %get3A_1806 : i32 to index
          %get3A_1808 = arith.index_cast %add3A_1805 : i32 to index
          %get3A_1809 = arith.constant 0 : index
          %get3A_1810 = tpu.vector_load %arg6[%get3A_1807, %get3A_1808, %get3A_1809] {strides = array<i32>} : memref<2x128x256xf32, #tpu.memory_space<vmem>>, vector<1x1x16xf32>,
          %get3A_1811 = vector.shape_cast %get3A_1810 : vector<1x1x16xf32> to vector<16xf32>
          %add3A_1812 = arith.addf %add3A_1668, %get3A_1811 : vector<16xf32>
          %add3A_1813 = arith.constant 3 : i32
          %add3A_1814 = arith.addi %mul3A_1371, %add3A_1813 : i32
          %get3A_1815 = arith.constant 1 : i32
          %get3A_1816 = arith.index_cast %get3A_1815 : i32 to index
          %get3A_1817 = arith.index_cast %add3A_1814 : i32 to index
          %get3A_1818 = arith.constant 16 : index
          %get3A_1819 = tpu.vector_load %arg6[%get3A_1816, %get3A_1817, %get3A_1818] {strides = array<i32>} : memref<2x128x256xf32, #tpu.memory_space<vmem>>, vector<1x1x16xf32>,
          %get3A_1820 = vector.shape_cast %get3A_1819 : vector<1x1x16xf32> to vector<16xf32>
          %add3A_1821 = arith.addf %add3A_1677, %get3A_1820 : vector<16xf32>
          %add3A_1822 = arith.constant 3 : i32
          %add3A_1823 = arith.addi %mul3A_1371, %add3A_1822 : i32
          %get3A_1824 = arith.constant 1 : i32
          %get3A_1825 = arith.index_cast %get3A_1824 : i32 to index
          %get3A_1826 = arith.index_cast %add3A_1823 : i32 to index
          %get3A_1827 = arith.constant 32 : index
          %get3A_1828 = tpu.vector_load %arg6[%get3A_1825, %get3A_1826, %get3A_1827] {strides = array<i32>} : memref<2x128x256xf32, #tpu.memory_space<vmem>>, vector<1x1x16xf32>,
          %get3A_1829 = vector.shape_cast %get3A_1828 : vector<1x1x16xf32> to vector<16xf32>
          %add3A_1830 = arith.addf %add3A_1686, %get3A_1829 : vector<16xf32>
          %add3A_1831 = arith.constant 3 : i32
          %add3A_1832 = arith.addi %mul3A_1371, %add3A_1831 : i32
          %get3A_1833 = arith.constant 1 : i32
          %get3A_1834 = arith.index_cast %get3A_1833 : i32 to index
          %get3A_1835 = arith.index_cast %add3A_1832 : i32 to index
          %get3A_1836 = arith.constant 48 : index
          %get3A_1837 = tpu.vector_load %arg6[%get3A_1834, %get3A_1835, %get3A_1836] {strides = array<i32>} : memref<2x128x256xf32, #tpu.memory_space<vmem>>, vector<1x1x16xf32>,
          %get3A_1838 = vector.shape_cast %get3A_1837 : vector<1x1x16xf32> to vector<16xf32>
          %add3A_1839 = arith.addf %add3A_1695, %get3A_1838 : vector<16xf32>
          %add3A_1840 = arith.constant 3 : i32
          %add3A_1841 = arith.addi %mul3A_1371, %add3A_1840 : i32
          %get3A_1842 = arith.constant 1 : i32
          %get3A_1843 = arith.index_cast %get3A_1842 : i32 to index
          %get3A_1844 = arith.index_cast %add3A_1841 : i32 to index
          %get3A_1845 = arith.constant 64 : index
          %get3A_1846 = tpu.vector_load %arg6[%get3A_1843, %get3A_1844, %get3A_1845] {strides = array<i32>} : memref<2x128x256xf32, #tpu.memory_space<vmem>>, vector<1x1x16xf32>,
          %get3A_1847 = vector.shape_cast %get3A_1846 : vector<1x1x16xf32> to vector<16xf32>
          %add3A_1848 = arith.addf %add3A_1704, %get3A_1847 : vector<16xf32>
          %add3A_1849 = arith.constant 3 : i32
          %add3A_1850 = arith.addi %mul3A_1371, %add3A_1849 : i32
          %get3A_1851 = arith.constant 1 : i32
          %get3A_1852 = arith.index_cast %get3A_1851 : i32 to index
          %get3A_1853 = arith.index_cast %add3A_1850 : i32 to index
          %get3A_1854 = arith.constant 80 : index
          %get3A_1855 = tpu.vector_load %arg6[%get3A_1852, %get3A_1853, %get3A_1854] {strides = array<i32>} : memref<2x128x256xf32, #tpu.memory_space<vmem>>, vector<1x1x16xf32>,
          %get3A_1856 = vector.shape_cast %get3A_1855 : vector<1x1x16xf32> to vector<16xf32>
          %add3A_1857 = arith.addf %add3A_1713, %get3A_1856 : vector<16xf32>
          %add3A_1858 = arith.constant 3 : i32
          %add3A_1859 = arith.addi %mul3A_1371, %add3A_1858 : i32
          %get3A_1860 = arith.constant 1 : i32
          %get3A_1861 = arith.index_cast %get3A_1860 : i32 to index
          %get3A_1862 = arith.index_cast %add3A_1859 : i32 to index
          %get3A_1863 = arith.constant 96 : index
          %get3A_1864 = tpu.vector_load %arg6[%get3A_1861, %get3A_1862, %get3A_1863] {strides = array<i32>} : memref<2x128x256xf32, #tpu.memory_space<vmem>>, vector<1x1x16xf32>,
          %get3A_1865 = vector.shape_cast %get3A_1864 : vector<1x1x16xf32> to vector<16xf32>
          %add3A_1866 = arith.addf %add3A_1722, %get3A_1865 : vector<16xf32>
          %add3A_1867 = arith.constant 3 : i32
          %add3A_1868 = arith.addi %mul3A_1371, %add3A_1867 : i32
          %get3A_1869 = arith.constant 1 : i32
          %get3A_1870 = arith.index_cast %get3A_1869 : i32 to index
          %get3A_1871 = arith.index_cast %add3A_1868 : i32 to index
          %get3A_1872 = arith.constant 112 : index
          %get3A_1873 = tpu.vector_load %arg6[%get3A_1870, %get3A_1871, %get3A_1872] {strides = array<i32>} : memref<2x128x256xf32, #tpu.memory_space<vmem>>, vector<1x1x16xf32>,
          %get3A_1874 = vector.shape_cast %get3A_1873 : vector<1x1x16xf32> to vector<16xf32>
          %add3A_1875 = arith.addf %add3A_1731, %get3A_1874 : vector<16xf32>
          %add3A_1876 = arith.constant 3 : i32
          %add3A_1877 = arith.addi %mul3A_1371, %add3A_1876 : i32
          %get3A_1878 = arith.constant 1 : i32
          %get3A_1879 = arith.index_cast %get3A_1878 : i32 to index
          %get3A_1880 = arith.index_cast %add3A_1877 : i32 to index
          %get3A_1881 = arith.constant 128 : index
          %get3A_1882 = tpu.vector_load %arg6[%get3A_1879, %get3A_1880, %get3A_1881] {strides = array<i32>} : memref<2x128x256xf32, #tpu.memory_space<vmem>>, vector<1x1x16xf32>,
          %get3A_1883 = vector.shape_cast %get3A_1882 : vector<1x1x16xf32> to vector<16xf32>
          %add3A_1884 = arith.addf %add3A_1740, %get3A_1883 : vector<16xf32>
          %add3A_1885 = arith.constant 3 : i32
          %add3A_1886 = arith.addi %mul3A_1371, %add3A_1885 : i32
          %get3A_1887 = arith.constant 1 : i32
          %get3A_1888 = arith.index_cast %get3A_1887 : i32 to index
          %get3A_1889 = arith.index_cast %add3A_1886 : i32 to index
          %get3A_1890 = arith.constant 144 : index
          %get3A_1891 = tpu.vector_load %arg6[%get3A_1888, %get3A_1889, %get3A_1890] {strides = array<i32>} : memref<2x128x256xf32, #tpu.memory_space<vmem>>, vector<1x1x16xf32>,
          %get3A_1892 = vector.shape_cast %get3A_1891 : vector<1x1x16xf32> to vector<16xf32>
          %add3A_1893 = arith.addf %add3A_1749, %get3A_1892 : vector<16xf32>
          %add3A_1894 = arith.constant 3 : i32
          %add3A_1895 = arith.addi %mul3A_1371, %add3A_1894 : i32
          %get3A_1896 = arith.constant 1 : i32
          %get3A_1897 = arith.index_cast %get3A_1896 : i32 to index
          %get3A_1898 = arith.index_cast %add3A_1895 : i32 to index
          %get3A_1899 = arith.constant 160 : index
          %get3A_1900 = tpu.vector_load %arg6[%get3A_1897, %get3A_1898, %get3A_1899] {strides = array<i32>} : memref<2x128x256xf32, #tpu.memory_space<vmem>>, vector<1x1x16xf32>,
          %get3A_1901 = vector.shape_cast %get3A_1900 : vector<1x1x16xf32> to vector<16xf32>
          %add3A_1902 = arith.addf %add3A_1758, %get3A_1901 : vector<16xf32>
          %add3A_1903 = arith.constant 3 : i32
          %add3A_1904 = arith.addi %mul3A_1371, %add3A_1903 : i32
          %get3A_1905 = arith.constant 1 : i32
          %get3A_1906 = arith.index_cast %get3A_1905 : i32 to index
          %get3A_1907 = arith.index_cast %add3A_1904 : i32 to index
          %get3A_1908 = arith.constant 176 : index
          %get3A_1909 = tpu.vector_load %arg6[%get3A_1906, %get3A_1907, %get3A_1908] {strides = array<i32>} : memref<2x128x256xf32, #tpu.memory_space<vmem>>, vector<1x1x16xf32>,
          %get3A_1910 = vector.shape_cast %get3A_1909 : vector<1x1x16xf32> to vector<16xf32>
          %add3A_1911 = arith.addf %add3A_1767, %get3A_1910 : vector<16xf32>
          %add3A_1912 = arith.constant 3 : i32
          %add3A_1913 = arith.addi %mul3A_1371, %add3A_1912 : i32
          %get3A_1914 = arith.constant 1 : i32
          %get3A_1915 = arith.index_cast %get3A_1914 : i32 to index
          %get3A_1916 = arith.index_cast %add3A_1913 : i32 to index
          %get3A_1917 = arith.constant 192 : index
          %get3A_1918 = tpu.vector_load %arg6[%get3A_1915, %get3A_1916, %get3A_1917] {strides = array<i32>} : memref<2x128x256xf32, #tpu.memory_space<vmem>>, vector<1x1x16xf32>,
          %get3A_1919 = vector.shape_cast %get3A_1918 : vector<1x1x16xf32> to vector<16xf32>
          %add3A_1920 = arith.addf %add3A_1776, %get3A_1919 : vector<16xf32>
          %add3A_1921 = arith.constant 3 : i32
          %add3A_1922 = arith.addi %mul3A_1371, %add3A_1921 : i32
          %get3A_1923 = arith.constant 1 : i32
          %get3A_1924 = arith.index_cast %get3A_1923 : i32 to index
          %get3A_1925 = arith.index_cast %add3A_1922 : i32 to index
          %get3A_1926 = arith.constant 208 : index
          %get3A_1927 = tpu.vector_load %arg6[%get3A_1924, %get3A_1925, %get3A_1926] {strides = array<i32>} : memref<2x128x256xf32, #tpu.memory_space<vmem>>, vector<1x1x16xf32>,
          %get3A_1928 = vector.shape_cast %get3A_1927 : vector<1x1x16xf32> to vector<16xf32>
          %add3A_1929 = arith.addf %add3A_1785, %get3A_1928 : vector<16xf32>
          %add3A_1930 = arith.constant 3 : i32
          %add3A_1931 = arith.addi %mul3A_1371, %add3A_1930 : i32
          %get3A_1932 = arith.constant 1 : i32
          %get3A_1933 = arith.index_cast %get3A_1932 : i32 to index
          %get3A_1934 = arith.index_cast %add3A_1931 : i32 to index
          %get3A_1935 = arith.constant 224 : index
          %get3A_1936 = tpu.vector_load %arg6[%get3A_1933, %get3A_1934, %get3A_1935] {strides = array<i32>} : memref<2x128x256xf32, #tpu.memory_space<vmem>>, vector<1x1x16xf32>,
          %get3A_1937 = vector.shape_cast %get3A_1936 : vector<1x1x16xf32> to vector<16xf32>
          %add3A_1938 = arith.addf %add3A_1794, %get3A_1937 : vector<16xf32>
          %add3A_1939 = arith.constant 3 : i32
          %add3A_1940 = arith.addi %mul3A_1371, %add3A_1939 : i32
          %get3A_1941 = arith.constant 1 : i32
          %get3A_1942 = arith.index_cast %get3A_1941 : i32 to index
          %get3A_1943 = arith.index_cast %add3A_1940 : i32 to index
          %get3A_1944 = arith.constant 240 : index
          %get3A_1945 = tpu.vector_load %arg6[%get3A_1942, %get3A_1943, %get3A_1944] {strides = array<i32>} : memref<2x128x256xf32, #tpu.memory_space<vmem>>, vector<1x1x16xf32>,
          %get3A_1946 = vector.shape_cast %get3A_1945 : vector<1x1x16xf32> to vector<16xf32>
          %add3A_1947 = arith.addf %add3A_1803, %get3A_1946 : vector<16xf32>
          scf.yield %add3A_1812, %add3A_1821, %add3A_1830, %add3A_1839, %add3A_1848, %add3A_1857, %add3A_1866, %add3A_1875, %add3A_1884, %add3A_1893, %add3A_1902, %add3A_1911, %add3A_1920, %add3A_1929, %add3A_1938, %add3A_1947 : vector<16xf32>, vector<16xf32>, vector<16xf32>, vector<16xf32>, vector<16xf32>, vector<16xf32>, vector<16xf32>, vector<16xf32>, vector<16xf32>, vector<16xf32>, vector<16xf32>, vector<16xf32>, vector<16xf32>, vector<16xf32>, vector<16xf32>, vector<16xf32>
        }
        %scan3A_1192 = arith.constant 32 : i32
        %get3A_1193 = arith.index_cast %add3A_1103 : i32 to index
        %get3A_1194 = arith.constant 0 : index
        %get3A_1195 = tpu.vector_load %arg7[%get3A_1193, %get3A_1194] {strides = array<i32>} : memref<9x256xf32, #tpu.memory_space<vmem>>, vector<1x16xf32>,
        %get3A_1196 = vector.shape_cast %get3A_1195 : vector<1x16xf32> to vector<16xf32>
        %add3A_1197 = arith.addf %get3A_1196, %scan3A_1191#0 : vector<16xf32>
        %swap3A_1198 = arith.index_cast %add3A_1103 : i32 to index
        %swap3A_1199 = arith.constant 0 : index
        %swap3A_1200 = tpu.vector_load %arg7[%swap3A_1198, %swap3A_1199] {strides = array<i32>} : memref<9x256xf32, #tpu.memory_space<vmem>>, vector<1x16xf32>,
        %swap3A_1201 = vector.shape_cast %swap3A_1200 : vector<1x16xf32> to vector<16xf32>
        %swap3A_1202 = vector.shape_cast %add3A_1197 : vector<16xf32> to vector<1x16xf32>
        tpu.vector_store %arg7[%swap3A_1198, %swap3A_1199], %swap3A_1202 {strides = array<i32>} : memref<9x256xf32, #tpu.memory_space<vmem>>, vector<1x16xf32>,
        %get3A_1203 = arith.index_cast %add3A_1103 : i32 to index
        %get3A_1204 = arith.constant 16 : index
        %get3A_1205 = tpu.vector_load %arg7[%get3A_1203, %get3A_1204] {strides = array<i32>} : memref<9x256xf32, #tpu.memory_space<vmem>>, vector<1x16xf32>,
        %get3A_1206 = vector.shape_cast %get3A_1205 : vector<1x16xf32> to vector<16xf32>
        %add3A_1207 = arith.addf %get3A_1206, %scan3A_1191#1 : vector<16xf32>
        %swap3A_1208 = arith.index_cast %add3A_1103 : i32 to index
        %swap3A_1209 = arith.constant 16 : index
        %swap3A_1210 = tpu.vector_load %arg7[%swap3A_1208, %swap3A_1209] {strides = array<i32>} : memref<9x256xf32, #tpu.memory_space<vmem>>, vector<1x16xf32>,
        %swap3A_1211 = vector.shape_cast %swap3A_1210 : vector<1x16xf32> to vector<16xf32>
        %swap3A_1212 = vector.shape_cast %add3A_1207 : vector<16xf32> to vector<1x16xf32>
        tpu.vector_store %arg7[%swap3A_1208, %swap3A_1209], %swap3A_1212 {strides = array<i32>} : memref<9x256xf32, #tpu.memory_space<vmem>>, vector<1x16xf32>,
        %get3A_1213 = arith.index_cast %add3A_1103 : i32 to index
        %get3A_1214 = arith.constant 32 : index
        %get3A_1215 = tpu.vector_load %arg7[%get3A_1213, %get3A_1214] {strides = array<i32>} : memref<9x256xf32, #tpu.memory_space<vmem>>, vector<1x16xf32>,
        %get3A_1216 = vector.shape_cast %get3A_1215 : vector<1x16xf32> to vector<16xf32>
        %add3A_1217 = arith.addf %get3A_1216, %scan3A_1191#2 : vector<16xf32>
        %swap3A_1218 = arith.index_cast %add3A_1103 : i32 to index
        %swap3A_1219 = arith.constant 32 : index
        %swap3A_1220 = tpu.vector_load %arg7[%swap3A_1218, %swap3A_1219] {strides = array<i32>} : memref<9x256xf32, #tpu.memory_space<vmem>>, vector<1x16xf32>,
        %swap3A_1221 = vector.shape_cast %swap3A_1220 : vector<1x16xf32> to vector<16xf32>
        %swap3A_1222 = vector.shape_cast %add3A_1217 : vector<16xf32> to vector<1x16xf32>
        tpu.vector_store %arg7[%swap3A_1218, %swap3A_1219], %swap3A_1222 {strides = array<i32>} : memref<9x256xf32, #tpu.memory_space<vmem>>, vector<1x16xf32>,
        %get3A_1223 = arith.index_cast %add3A_1103 : i32 to index
        %get3A_1224 = arith.constant 48 : index
        %get3A_1225 = tpu.vector_load %arg7[%get3A_1223, %get3A_1224] {strides = array<i32>} : memref<9x256xf32, #tpu.memory_space<vmem>>, vector<1x16xf32>,
        %get3A_1226 = vector.shape_cast %get3A_1225 : vector<1x16xf32> to vector<16xf32>
        %add3A_1227 = arith.addf %get3A_1226, %scan3A_1191#3 : vector<16xf32>
        %swap3A_1228 = arith.index_cast %add3A_1103 : i32 to index
        %swap3A_1229 = arith.constant 48 : index
        %swap3A_1230 = tpu.vector_load %arg7[%swap3A_1228, %swap3A_1229] {strides = array<i32>} : memref<9x256xf32, #tpu.memory_space<vmem>>, vector<1x16xf32>,
        %swap3A_1231 = vector.shape_cast %swap3A_1230 : vector<1x16xf32> to vector<16xf32>
        %swap3A_1232 = vector.shape_cast %add3A_1227 : vector<16xf32> to vector<1x16xf32>
        tpu.vector_store %arg7[%swap3A_1228, %swap3A_1229], %swap3A_1232 {strides = array<i32>} : memref<9x256xf32, #tpu.memory_space<vmem>>, vector<1x16xf32>,
        %get3A_1233 = arith.index_cast %add3A_1103 : i32 to index
        %get3A_1234 = arith.constant 64 : index
        %get3A_1235 = tpu.vector_load %arg7[%get3A_1233, %get3A_1234] {strides = array<i32>} : memref<9x256xf32, #tpu.memory_space<vmem>>, vector<1x16xf32>,
        %get3A_1236 = vector.shape_cast %get3A_1235 : vector<1x16xf32> to vector<16xf32>
        %add3A_1237 = arith.addf %get3A_1236, %scan3A_1191#4 : vector<16xf32>
        %swap3A_1238 = arith.index_cast %add3A_1103 : i32 to index
        %swap3A_1239 = arith.constant 64 : index
        %swap3A_1240 = tpu.vector_load %arg7[%swap3A_1238, %swap3A_1239] {strides = array<i32>} : memref<9x256xf32, #tpu.memory_space<vmem>>, vector<1x16xf32>,
        %swap3A_1241 = vector.shape_cast %swap3A_1240 : vector<1x16xf32> to vector<16xf32>
        %swap3A_1242 = vector.shape_cast %add3A_1237 : vector<16xf32> to vector<1x16xf32>
        tpu.vector_store %arg7[%swap3A_1238, %swap3A_1239], %swap3A_1242 {strides = array<i32>} : memref<9x256xf32, #tpu.memory_space<vmem>>, vector<1x16xf32>,
        %get3A_1243 = arith.index_cast %add3A_1103 : i32 to index
        %get3A_1244 = arith.constant 80 : index
        %get3A_1245 = tpu.vector_load %arg7[%get3A_1243, %get3A_1244] {strides = array<i32>} : memref<9x256xf32, #tpu.memory_space<vmem>>, vector<1x16xf32>,
        %get3A_1246 = vector.shape_cast %get3A_1245 : vector<1x16xf32> to vector<16xf32>
        %add3A_1247 = arith.addf %get3A_1246, %scan3A_1191#5 : vector<16xf32>
        %swap3A_1248 = arith.index_cast %add3A_1103 : i32 to index
        %swap3A_1249 = arith.constant 80 : index
        %swap3A_1250 = tpu.vector_load %arg7[%swap3A_1248, %swap3A_1249] {strides = array<i32>} : memref<9x256xf32, #tpu.memory_space<vmem>>, vector<1x16xf32>,
        %swap3A_1251 = vector.shape_cast %swap3A_1250 : vector<1x16xf32> to vector<16xf32>
        %swap3A_1252 = vector.shape_cast %add3A_1247 : vector<16xf32> to vector<1x16xf32>
        tpu.vector_store %arg7[%swap3A_1248, %swap3A_1249], %swap3A_1252 {strides = array<i32>} : memref<9x256xf32, #tpu.memory_space<vmem>>, vector<1x16xf32>,
        %get3A_1253 = arith.index_cast %add3A_1103 : i32 to index
        %get3A_1254 = arith.constant 96 : index
        %get3A_1255 = tpu.vector_load %arg7[%get3A_1253, %get3A_1254] {strides = array<i32>} : memref<9x256xf32, #tpu.memory_space<vmem>>, vector<1x16xf32>,
        %get3A_1256 = vector.shape_cast %get3A_1255 : vector<1x16xf32> to vector<16xf32>
        %add3A_1257 = arith.addf %get3A_1256, %scan3A_1191#6 : vector<16xf32>
        %swap3A_1258 = arith.index_cast %add3A_1103 : i32 to index
        %swap3A_1259 = arith.constant 96 : index
        %swap3A_1260 = tpu.vector_load %arg7[%swap3A_1258, %swap3A_1259] {strides = array<i32>} : memref<9x256xf32, #tpu.memory_space<vmem>>, vector<1x16xf32>,
        %swap3A_1261 = vector.shape_cast %swap3A_1260 : vector<1x16xf32> to vector<16xf32>
        %swap3A_1262 = vector.shape_cast %add3A_1257 : vector<16xf32> to vector<1x16xf32>
        tpu.vector_store %arg7[%swap3A_1258, %swap3A_1259], %swap3A_1262 {strides = array<i32>} : memref<9x256xf32, #tpu.memory_space<vmem>>, vector<1x16xf32>,
        %get3A_1263 = arith.index_cast %add3A_1103 : i32 to index
        %get3A_1264 = arith.constant 112 : index
        %get3A_1265 = tpu.vector_load %arg7[%get3A_1263, %get3A_1264] {strides = array<i32>} : memref<9x256xf32, #tpu.memory_space<vmem>>, vector<1x16xf32>,
        %get3A_1266 = vector.shape_cast %get3A_1265 : vector<1x16xf32> to vector<16xf32>
        %add3A_1267 = arith.addf %get3A_1266, %scan3A_1191#7 : vector<16xf32>
        %swap3A_1268 = arith.index_cast %add3A_1103 : i32 to index
        %swap3A_1269 = arith.constant 112 : index
        %swap3A_1270 = tpu.vector_load %arg7[%swap3A_1268, %swap3A_1269] {strides = array<i32>} : memref<9x256xf32, #tpu.memory_space<vmem>>, vector<1x16xf32>,
        %swap3A_1271 = vector.shape_cast %swap3A_1270 : vector<1x16xf32> to vector<16xf32>
        %swap3A_1272 = vector.shape_cast %add3A_1267 : vector<16xf32> to vector<1x16xf32>
        tpu.vector_store %arg7[%swap3A_1268, %swap3A_1269], %swap3A_1272 {strides = array<i32>} : memref<9x256xf32, #tpu.memory_space<vmem>>, vector<1x16xf32>,
        %get3A_1273 = arith.index_cast %add3A_1103 : i32 to index
        %get3A_1274 = arith.constant 128 : index
        %get3A_1275 = tpu.vector_load %arg7[%get3A_1273, %get3A_1274] {strides = array<i32>} : memref<9x256xf32, #tpu.memory_space<vmem>>, vector<1x16xf32>,
        %get3A_1276 = vector.shape_cast %get3A_1275 : vector<1x16xf32> to vector<16xf32>
        %add3A_1277 = arith.addf %get3A_1276, %scan3A_1191#8 : vector<16xf32>
        %swap3A_1278 = arith.index_cast %add3A_1103 : i32 to index
        %swap3A_1279 = arith.constant 128 : index
        %swap3A_1280 = tpu.vector_load %arg7[%swap3A_1278, %swap3A_1279] {strides = array<i32>} : memref<9x256xf32, #tpu.memory_space<vmem>>, vector<1x16xf32>,
        %swap3A_1281 = vector.shape_cast %swap3A_1280 : vector<1x16xf32> to vector<16xf32>
        %swap3A_1282 = vector.shape_cast %add3A_1277 : vector<16xf32> to vector<1x16xf32>
        tpu.vector_store %arg7[%swap3A_1278, %swap3A_1279], %swap3A_1282 {strides = array<i32>} : memref<9x256xf32, #tpu.memory_space<vmem>>, vector<1x16xf32>,
        %get3A_1283 = arith.index_cast %add3A_1103 : i32 to index
        %get3A_1284 = arith.constant 144 : index
        %get3A_1285 = tpu.vector_load %arg7[%get3A_1283, %get3A_1284] {strides = array<i32>} : memref<9x256xf32, #tpu.memory_space<vmem>>, vector<1x16xf32>,
        %get3A_1286 = vector.shape_cast %get3A_1285 : vector<1x16xf32> to vector<16xf32>
        %add3A_1287 = arith.addf %get3A_1286, %scan3A_1191#9 : vector<16xf32>
        %swap3A_1288 = arith.index_cast %add3A_1103 : i32 to index
        %swap3A_1289 = arith.constant 144 : index
        %swap3A_1290 = tpu.vector_load %arg7[%swap3A_1288, %swap3A_1289] {strides = array<i32>} : memref<9x256xf32, #tpu.memory_space<vmem>>, vector<1x16xf32>,
        %swap3A_1291 = vector.shape_cast %swap3A_1290 : vector<1x16xf32> to vector<16xf32>
        %swap3A_1292 = vector.shape_cast %add3A_1287 : vector<16xf32> to vector<1x16xf32>
        tpu.vector_store %arg7[%swap3A_1288, %swap3A_1289], %swap3A_1292 {strides = array<i32>} : memref<9x256xf32, #tpu.memory_space<vmem>>, vector<1x16xf32>,
        %get3A_1293 = arith.index_cast %add3A_1103 : i32 to index
        %get3A_1294 = arith.constant 160 : index
        %get3A_1295 = tpu.vector_load %arg7[%get3A_1293, %get3A_1294] {strides = array<i32>} : memref<9x256xf32, #tpu.memory_space<vmem>>, vector<1x16xf32>,
        %get3A_1296 = vector.shape_cast %get3A_1295 : vector<1x16xf32> to vector<16xf32>
        %add3A_1297 = arith.addf %get3A_1296, %scan3A_1191#10 : vector<16xf32>
        %swap3A_1298 = arith.index_cast %add3A_1103 : i32 to index
        %swap3A_1299 = arith.constant 160 : index
        %swap3A_1300 = tpu.vector_load %arg7[%swap3A_1298, %swap3A_1299] {strides = array<i32>} : memref<9x256xf32, #tpu.memory_space<vmem>>, vector<1x16xf32>,
        %swap3A_1301 = vector.shape_cast %swap3A_1300 : vector<1x16xf32> to vector<16xf32>
        %swap3A_1302 = vector.shape_cast %add3A_1297 : vector<16xf32> to vector<1x16xf32>
        tpu.vector_store %arg7[%swap3A_1298, %swap3A_1299], %swap3A_1302 {strides = array<i32>} : memref<9x256xf32, #tpu.memory_space<vmem>>, vector<1x16xf32>,
        %get3A_1303 = arith.index_cast %add3A_1103 : i32 to index
        %get3A_1304 = arith.constant 176 : index
        %get3A_1305 = tpu.vector_load %arg7[%get3A_1303, %get3A_1304] {strides = array<i32>} : memref<9x256xf32, #tpu.memory_space<vmem>>, vector<1x16xf32>,
        %get3A_1306 = vector.shape_cast %get3A_1305 : vector<1x16xf32> to vector<16xf32>
        %add3A_1307 = arith.addf %get3A_1306, %scan3A_1191#11 : vector<16xf32>
        %swap3A_1308 = arith.index_cast %add3A_1103 : i32 to index
        %swap3A_1309 = arith.constant 176 : index
        %swap3A_1310 = tpu.vector_load %arg7[%swap3A_1308, %swap3A_1309] {strides = array<i32>} : memref<9x256xf32, #tpu.memory_space<vmem>>, vector<1x16xf32>,
        %swap3A_1311 = vector.shape_cast %swap3A_1310 : vector<1x16xf32> to vector<16xf32>
        %swap3A_1312 = vector.shape_cast %add3A_1307 : vector<16xf32> to vector<1x16xf32>
        tpu.vector_store %arg7[%swap3A_1308, %swap3A_1309], %swap3A_1312 {strides = array<i32>} : memref<9x256xf32, #tpu.memory_space<vmem>>, vector<1x16xf32>,
        %get3A_1313 = arith.index_cast %add3A_1103 : i32 to index
        %get3A_1314 = arith.constant 192 : index
        %get3A_1315 = tpu.vector_load %arg7[%get3A_1313, %get3A_1314] {strides = array<i32>} : memref<9x256xf32, #tpu.memory_space<vmem>>, vector<1x16xf32>,
        %get3A_1316 = vector.shape_cast %get3A_1315 : vector<1x16xf32> to vector<16xf32>
        %add3A_1317 = arith.addf %get3A_1316, %scan3A_1191#12 : vector<16xf32>
        %swap3A_1318 = arith.index_cast %add3A_1103 : i32 to index
        %swap3A_1319 = arith.constant 192 : index
        %swap3A_1320 = tpu.vector_load %arg7[%swap3A_1318, %swap3A_1319] {strides = array<i32>} : memref<9x256xf32, #tpu.memory_space<vmem>>, vector<1x16xf32>,
        %swap3A_1321 = vector.shape_cast %swap3A_1320 : vector<1x16xf32> to vector<16xf32>
        %swap3A_1322 = vector.shape_cast %add3A_1317 : vector<16xf32> to vector<1x16xf32>
        tpu.vector_store %arg7[%swap3A_1318, %swap3A_1319], %swap3A_1322 {strides = array<i32>} : memref<9x256xf32, #tpu.memory_space<vmem>>, vector<1x16xf32>,
        %get3A_1323 = arith.index_cast %add3A_1103 : i32 to index
        %get3A_1324 = arith.constant 208 : index
        %get3A_1325 = tpu.vector_load %arg7[%get3A_1323, %get3A_1324] {strides = array<i32>} : memref<9x256xf32, #tpu.memory_space<vmem>>, vector<1x16xf32>,
        %get3A_1326 = vector.shape_cast %get3A_1325 : vector<1x16xf32> to vector<16xf32>
        %add3A_1327 = arith.addf %get3A_1326, %scan3A_1191#13 : vector<16xf32>
        %swap3A_1328 = arith.index_cast %add3A_1103 : i32 to index
        %swap3A_1329 = arith.constant 208 : index
        %swap3A_1330 = tpu.vector_load %arg7[%swap3A_1328, %swap3A_1329] {strides = array<i32>} : memref<9x256xf32, #tpu.memory_space<vmem>>, vector<1x16xf32>,
        %swap3A_1331 = vector.shape_cast %swap3A_1330 : vector<1x16xf32> to vector<16xf32>
        %swap3A_1332 = vector.shape_cast %add3A_1327 : vector<16xf32> to vector<1x16xf32>
        tpu.vector_store %arg7[%swap3A_1328, %swap3A_1329], %swap3A_1332 {strides = array<i32>} : memref<9x256xf32, #tpu.memory_space<vmem>>, vector<1x16xf32>,
        %get3A_1333 = arith.index_cast %add3A_1103 : i32 to index
        %get3A_1334 = arith.constant 224 : index
        %get3A_1335 = tpu.vector_load %arg7[%get3A_1333, %get3A_1334] {strides = array<i32>} : memref<9x256xf32, #tpu.memory_space<vmem>>, vector<1x16xf32>,
        %get3A_1336 = vector.shape_cast %get3A_1335 : vector<1x16xf32> to vector<16xf32>
        %add3A_1337 = arith.addf %get3A_1336, %scan3A_1191#14 : vector<16xf32>
        %swap3A_1338 = arith.index_cast %add3A_1103 : i32 to index
        %swap3A_1339 = arith.constant 224 : index
        %swap3A_1340 = tpu.vector_load %arg7[%swap3A_1338, %swap3A_1339] {strides = array<i32>} : memref<9x256xf32, #tpu.memory_space<vmem>>, vector<1x16xf32>,
        %swap3A_1341 = vector.shape_cast %swap3A_1340 : vector<1x16xf32> to vector<16xf32>
        %swap3A_1342 = vector.shape_cast %add3A_1337 : vector<16xf32> to vector<1x16xf32>
        tpu.vector_store %arg7[%swap3A_1338, %swap3A_1339], %swap3A_1342 {strides = array<i32>} : memref<9x256xf32, #tpu.memory_space<vmem>>, vector<1x16xf32>,
        %get3A_1343 = arith.index_cast %add3A_1103 : i32 to index
        %get3A_1344 = arith.constant 240 : index
        %get3A_1345 = tpu.vector_load %arg7[%get3A_1343, %get3A_1344] {strides = array<i32>} : memref<9x256xf32, #tpu.memory_space<vmem>>, vector<1x16xf32>,
        %get3A_1346 = vector.shape_cast %get3A_1345 : vector<1x16xf32> to vector<16xf32>
        %add3A_1347 = arith.addf %get3A_1346, %scan3A_1191#15 : vector<16xf32>
        %swap3A_1348 = arith.index_cast %add3A_1103 : i32 to index
        %swap3A_1349 = arith.constant 240 : index
        %swap3A_1350 = tpu.vector_load %arg7[%swap3A_1348, %swap3A_1349] {strides = array<i32>} : memref<9x256xf32, #tpu.memory_space<vmem>>, vector<1x16xf32>,
        %swap3A_1351 = vector.shape_cast %swap3A_1350 : vector<1x16xf32> to vector<16xf32>
        %swap3A_1352 = vector.shape_cast %add3A_1347 : vector<16xf32> to vector<1x16xf32>
        tpu.vector_store %arg7[%swap3A_1348, %swap3A_1349], %swap3A_1352 {strides = array<i32>} : memref<9x256xf32, #tpu.memory_space<vmem>>, vector<1x16xf32>,
      } else {
      }
      %ne3A_1151 = arith.cmpi ne, %add3A_1103, %add3A_1146 : i32
      %convert_element_type3A_1152 = arith.extui %ne3A_1151 : i1 to i32
      %cond3A_1153 = arith.constant 0 : i32
      %cond3A_1154 = arith.cmpi ne, %convert_element_type3A_1152, %cond3A_1153 : i32
      scf.if %cond3A_1154 {
        %scan3A_1155 = arith.constant 0 : i32
        %scan3A_1156 = arith.constant 0 : i32
        %scan3A_1157 = arith.constant 128 : i32
        %scan3A_1158 = arith.addi %scan3A_1156, %scan3A_1157 : i32
        %scan3A_1159 = arith.constant 1 : i32
        scf.for %scan3A_1161 = %scan3A_1156 to %scan3A_1158 step %scan3A_1159  : i32 {
          %add3A_1162 = arith.addi %add3A_1062, %scan3A_1161 : i32
          %le3A_1163 = arith.cmpi sle, %squeeze3A, %add3A_1162 : i32
          %jit3A_1164 = arith.constant 1 : i32
          %jit3A_1165 = arith.constant 0 : i32
          %select_n3A_1166 = arith.select %le3A_1163, %jit3A_1164, %jit3A_1165 : i32
          %add3A_1167 = arith.constant 0 : i32
          %add3A_1168 = arith.addi %add3A_1167, %select_n3A_1166 : i32
          %le3A_1169 = arith.cmpi sle, %squeeze3A_7, %add3A_1162 : i32
          %jit3A_1170 = arith.constant 1 : i32
          %jit3A_1171 = arith.constant 0 : i32
          %select_n3A_1172 = arith.select %le3A_1169, %jit3A_1170, %jit3A_1171 : i32
          %add3A_1173 = arith.addi %add3A_1168, %select_n3A_1172 : i32
          %le3A_1174 = arith.cmpi sle, %squeeze3A_12, %add3A_1162 : i32
          %jit3A_1175 = arith.constant 1 : i32
          %jit3A_1176 = arith.constant 0 : i32
          %select_n3A_1177 = arith.select %le3A_1174, %jit3A_1175, %jit3A_1176 : i32
          %add3A_1178 = arith.addi %add3A_1173, %select_n3A_1177 : i32
          %le3A_1179 = arith.cmpi sle, %squeeze3A_17, %add3A_1162 : i32
          %jit3A_1180 = arith.constant 1 : i32
          %jit3A_1181 = arith.constant 0 : i32
          %select_n3A_1182 = arith.select %le3A_1179, %jit3A_1180, %jit3A_1181 : i32
          %add3A_1183 = arith.addi %add3A_1178, %select_n3A_1182 : i32
          %le3A_1184 = arith.cmpi sle, %squeeze3A_22, %add3A_1162 : i32
          %jit3A_1185 = arith.constant 1 : i32
          %jit3A_1186 = arith.constant 0 : i32
          %select_n3A_1187 = arith.select %le3A_1184, %jit3A_1185, %jit3A_1186 : i32
          %add3A_1188 = arith.addi %add3A_1183, %select_n3A_1187 : i32
          %le3A_1189 = arith.cmpi sle, %squeeze3A_27, %add3A_1162 : i32
          %jit3A_1190 = arith.constant 1 : i32
          %jit3A_1191 = arith.constant 0 : i32
          %select_n3A_1192 = arith.select %le3A_1189, %jit3A_1190, %jit3A_1191 : i32
          %add3A_1193 = arith.addi %add3A_1188, %select_n3A_1192 : i32
          %le3A_1194 = arith.cmpi sle, %squeeze3A_32, %add3A_1162 : i32
          %jit3A_1195 = arith.constant 1 : i32
          %jit3A_1196 = arith.constant 0 : i32
          %select_n3A_1197 = arith.select %le3A_1194, %jit3A_1195, %jit3A_1196 : i32
          %add3A_1198 = arith.addi %add3A_1193, %select_n3A_1197 : i32
          %le3A_1199 = arith.cmpi sle, %squeeze3A_37, %add3A_1162 : i32
          %jit3A_1200 = arith.constant 1 : i32
          %jit3A_1201 = arith.constant 0 : i32
          %select_n3A_1202 = arith.select %le3A_1199, %jit3A_1200, %jit3A_1201 : i32
          %add3A_1203 = arith.addi %add3A_1198, %select_n3A_1202 : i32
          %get3A_1204 = arith.index_cast %add3A_1203 : i32 to index
          %get3A_1205 = arith.constant 0 : index
          %get3A_1206 = tpu.vector_load %arg7[%get3A_1204, %get3A_1205] {strides = array<i32>} : memref<9x256xf32, #tpu.memory_space<vmem>>, vector<1x16xf32>,
          %get3A_1207 = vector.shape_cast %get3A_1206 : vector<1x16xf32> to vector<16xf32>
          %get3A_1208 = arith.constant 1 : i32
          %get3A_1209 = arith.index_cast %get3A_1208 : i32 to index
          %get3A_1210 = arith.index_cast %scan3A_1161 : i32 to index
          %get3A_1211 = arith.constant 0 : index
          %get3A_1212 = tpu.vector_load %arg6[%get3A_1209, %get3A_1210, %get3A_1211] {strides = array<i32>} : memref<2x128x256xf32, #tpu.memory_space<vmem>>, vector<1x1x16xf32>,
          %get3A_1213 = vector.shape_cast %get3A_1212 : vector<1x1x16xf32> to vector<16xf32>
          %add3A_1214 = arith.addf %get3A_1207, %get3A_1213 : vector<16xf32>
          %swap3A_1215 = arith.index_cast %add3A_1203 : i32 to index
          %swap3A_1216 = arith.constant 0 : index
          %swap3A_1217 = tpu.vector_load %arg7[%swap3A_1215, %swap3A_1216] {strides = array<i32>} : memref<9x256xf32, #tpu.memory_space<vmem>>, vector<1x16xf32>,
          %swap3A_1218 = vector.shape_cast %swap3A_1217 : vector<1x16xf32> to vector<16xf32>
          %swap3A_1219 = vector.shape_cast %add3A_1214 : vector<16xf32> to vector<1x16xf32>
          tpu.vector_store %arg7[%swap3A_1215, %swap3A_1216], %swap3A_1219 {strides = array<i32>} : memref<9x256xf32, #tpu.memory_space<vmem>>, vector<1x16xf32>,
          %get3A_1220 = arith.index_cast %add3A_1203 : i32 to index
          %get3A_1221 = arith.constant 16 : index
          %get3A_1222 = tpu.vector_load %arg7[%get3A_1220, %get3A_1221] {strides = array<i32>} : memref<9x256xf32, #tpu.memory_space<vmem>>, vector<1x16xf32>,
          %get3A_1223 = vector.shape_cast %get3A_1222 : vector<1x16xf32> to vector<16xf32>
          %get3A_1224 = arith.constant 1 : i32
          %get3A_1225 = arith.index_cast %get3A_1224 : i32 to index
          %get3A_1226 = arith.index_cast %scan3A_1161 : i32 to index
          %get3A_1227 = arith.constant 16 : index
          %get3A_1228 = tpu.vector_load %arg6[%get3A_1225, %get3A_1226, %get3A_1227] {strides = array<i32>} : memref<2x128x256xf32, #tpu.memory_space<vmem>>, vector<1x1x16xf32>,
          %get3A_1229 = vector.shape_cast %get3A_1228 : vector<1x1x16xf32> to vector<16xf32>
          %add3A_1230 = arith.addf %get3A_1223, %get3A_1229 : vector<16xf32>
          %swap3A_1231 = arith.index_cast %add3A_1203 : i32 to index
          %swap3A_1232 = arith.constant 16 : index
          %swap3A_1233 = tpu.vector_load %arg7[%swap3A_1231, %swap3A_1232] {strides = array<i32>} : memref<9x256xf32, #tpu.memory_space<vmem>>, vector<1x16xf32>,
          %swap3A_1234 = vector.shape_cast %swap3A_1233 : vector<1x16xf32> to vector<16xf32>
          %swap3A_1235 = vector.shape_cast %add3A_1230 : vector<16xf32> to vector<1x16xf32>
          tpu.vector_store %arg7[%swap3A_1231, %swap3A_1232], %swap3A_1235 {strides = array<i32>} : memref<9x256xf32, #tpu.memory_space<vmem>>, vector<1x16xf32>,
          %get3A_1236 = arith.index_cast %add3A_1203 : i32 to index
          %get3A_1237 = arith.constant 32 : index
          %get3A_1238 = tpu.vector_load %arg7[%get3A_1236, %get3A_1237] {strides = array<i32>} : memref<9x256xf32, #tpu.memory_space<vmem>>, vector<1x16xf32>,
          %get3A_1239 = vector.shape_cast %get3A_1238 : vector<1x16xf32> to vector<16xf32>
          %get3A_1240 = arith.constant 1 : i32
          %get3A_1241 = arith.index_cast %get3A_1240 : i32 to index
          %get3A_1242 = arith.index_cast %scan3A_1161 : i32 to index
          %get3A_1243 = arith.constant 32 : index
          %get3A_1244 = tpu.vector_load %arg6[%get3A_1241, %get3A_1242, %get3A_1243] {strides = array<i32>} : memref<2x128x256xf32, #tpu.memory_space<vmem>>, vector<1x1x16xf32>,
          %get3A_1245 = vector.shape_cast %get3A_1244 : vector<1x1x16xf32> to vector<16xf32>
          %add3A_1246 = arith.addf %get3A_1239, %get3A_1245 : vector<16xf32>
          %swap3A_1247 = arith.index_cast %add3A_1203 : i32 to index
          %swap3A_1248 = arith.constant 32 : index
          %swap3A_1249 = tpu.vector_load %arg7[%swap3A_1247, %swap3A_1248] {strides = array<i32>} : memref<9x256xf32, #tpu.memory_space<vmem>>, vector<1x16xf32>,
          %swap3A_1250 = vector.shape_cast %swap3A_1249 : vector<1x16xf32> to vector<16xf32>
          %swap3A_1251 = vector.shape_cast %add3A_1246 : vector<16xf32> to vector<1x16xf32>
          tpu.vector_store %arg7[%swap3A_1247, %swap3A_1248], %swap3A_1251 {strides = array<i32>} : memref<9x256xf32, #tpu.memory_space<vmem>>, vector<1x16xf32>,
          %get3A_1252 = arith.index_cast %add3A_1203 : i32 to index
          %get3A_1253 = arith.constant 48 : index
          %get3A_1254 = tpu.vector_load %arg7[%get3A_1252, %get3A_1253] {strides = array<i32>} : memref<9x256xf32, #tpu.memory_space<vmem>>, vector<1x16xf32>,
          %get3A_1255 = vector.shape_cast %get3A_1254 : vector<1x16xf32> to vector<16xf32>
          %get3A_1256 = arith.constant 1 : i32
          %get3A_1257 = arith.index_cast %get3A_1256 : i32 to index
          %get3A_1258 = arith.index_cast %scan3A_1161 : i32 to index
          %get3A_1259 = arith.constant 48 : index
          %get3A_1260 = tpu.vector_load %arg6[%get3A_1257, %get3A_1258, %get3A_1259] {strides = array<i32>} : memref<2x128x256xf32, #tpu.memory_space<vmem>>, vector<1x1x16xf32>,
          %get3A_1261 = vector.shape_cast %get3A_1260 : vector<1x1x16xf32> to vector<16xf32>
          %add3A_1262 = arith.addf %get3A_1255, %get3A_1261 : vector<16xf32>
          %swap3A_1263 = arith.index_cast %add3A_1203 : i32 to index
          %swap3A_1264 = arith.constant 48 : index
          %swap3A_1265 = tpu.vector_load %arg7[%swap3A_1263, %swap3A_1264] {strides = array<i32>} : memref<9x256xf32, #tpu.memory_space<vmem>>, vector<1x16xf32>,
          %swap3A_1266 = vector.shape_cast %swap3A_1265 : vector<1x16xf32> to vector<16xf32>
          %swap3A_1267 = vector.shape_cast %add3A_1262 : vector<16xf32> to vector<1x16xf32>
          tpu.vector_store %arg7[%swap3A_1263, %swap3A_1264], %swap3A_1267 {strides = array<i32>} : memref<9x256xf32, #tpu.memory_space<vmem>>, vector<1x16xf32>,
          %get3A_1268 = arith.index_cast %add3A_1203 : i32 to index
          %get3A_1269 = arith.constant 64 : index
          %get3A_1270 = tpu.vector_load %arg7[%get3A_1268, %get3A_1269] {strides = array<i32>} : memref<9x256xf32, #tpu.memory_space<vmem>>, vector<1x16xf32>,
          %get3A_1271 = vector.shape_cast %get3A_1270 : vector<1x16xf32> to vector<16xf32>
          %get3A_1272 = arith.constant 1 : i32
          %get3A_1273 = arith.index_cast %get3A_1272 : i32 to index
          %get3A_1274 = arith.index_cast %scan3A_1161 : i32 to index
          %get3A_1275 = arith.constant 64 : index
          %get3A_1276 = tpu.vector_load %arg6[%get3A_1273, %get3A_1274, %get3A_1275] {strides = array<i32>} : memref<2x128x256xf32, #tpu.memory_space<vmem>>, vector<1x1x16xf32>,
          %get3A_1277 = vector.shape_cast %get3A_1276 : vector<1x1x16xf32> to vector<16xf32>
          %add3A_1278 = arith.addf %get3A_1271, %get3A_1277 : vector<16xf32>
          %swap3A_1279 = arith.index_cast %add3A_1203 : i32 to index
          %swap3A_1280 = arith.constant 64 : index
          %swap3A_1281 = tpu.vector_load %arg7[%swap3A_1279, %swap3A_1280] {strides = array<i32>} : memref<9x256xf32, #tpu.memory_space<vmem>>, vector<1x16xf32>,
          %swap3A_1282 = vector.shape_cast %swap3A_1281 : vector<1x16xf32> to vector<16xf32>
          %swap3A_1283 = vector.shape_cast %add3A_1278 : vector<16xf32> to vector<1x16xf32>
          tpu.vector_store %arg7[%swap3A_1279, %swap3A_1280], %swap3A_1283 {strides = array<i32>} : memref<9x256xf32, #tpu.memory_space<vmem>>, vector<1x16xf32>,
          %get3A_1284 = arith.index_cast %add3A_1203 : i32 to index
          %get3A_1285 = arith.constant 80 : index
          %get3A_1286 = tpu.vector_load %arg7[%get3A_1284, %get3A_1285] {strides = array<i32>} : memref<9x256xf32, #tpu.memory_space<vmem>>, vector<1x16xf32>,
          %get3A_1287 = vector.shape_cast %get3A_1286 : vector<1x16xf32> to vector<16xf32>
          %get3A_1288 = arith.constant 1 : i32
          %get3A_1289 = arith.index_cast %get3A_1288 : i32 to index
          %get3A_1290 = arith.index_cast %scan3A_1161 : i32 to index
          %get3A_1291 = arith.constant 80 : index
          %get3A_1292 = tpu.vector_load %arg6[%get3A_1289, %get3A_1290, %get3A_1291] {strides = array<i32>} : memref<2x128x256xf32, #tpu.memory_space<vmem>>, vector<1x1x16xf32>,
          %get3A_1293 = vector.shape_cast %get3A_1292 : vector<1x1x16xf32> to vector<16xf32>
          %add3A_1294 = arith.addf %get3A_1287, %get3A_1293 : vector<16xf32>
          %swap3A_1295 = arith.index_cast %add3A_1203 : i32 to index
          %swap3A_1296 = arith.constant 80 : index
          %swap3A_1297 = tpu.vector_load %arg7[%swap3A_1295, %swap3A_1296] {strides = array<i32>} : memref<9x256xf32, #tpu.memory_space<vmem>>, vector<1x16xf32>,
          %swap3A_1298 = vector.shape_cast %swap3A_1297 : vector<1x16xf32> to vector<16xf32>
          %swap3A_1299 = vector.shape_cast %add3A_1294 : vector<16xf32> to vector<1x16xf32>
          tpu.vector_store %arg7[%swap3A_1295, %swap3A_1296], %swap3A_1299 {strides = array<i32>} : memref<9x256xf32, #tpu.memory_space<vmem>>, vector<1x16xf32>,
          %get3A_1300 = arith.index_cast %add3A_1203 : i32 to index
          %get3A_1301 = arith.constant 96 : index
          %get3A_1302 = tpu.vector_load %arg7[%get3A_1300, %get3A_1301] {strides = array<i32>} : memref<9x256xf32, #tpu.memory_space<vmem>>, vector<1x16xf32>,
          %get3A_1303 = vector.shape_cast %get3A_1302 : vector<1x16xf32> to vector<16xf32>
          %get3A_1304 = arith.constant 1 : i32
          %get3A_1305 = arith.index_cast %get3A_1304 : i32 to index
          %get3A_1306 = arith.index_cast %scan3A_1161 : i32 to index
          %get3A_1307 = arith.constant 96 : index
          %get3A_1308 = tpu.vector_load %arg6[%get3A_1305, %get3A_1306, %get3A_1307] {strides = array<i32>} : memref<2x128x256xf32, #tpu.memory_space<vmem>>, vector<1x1x16xf32>,
          %get3A_1309 = vector.shape_cast %get3A_1308 : vector<1x1x16xf32> to vector<16xf32>
          %add3A_1310 = arith.addf %get3A_1303, %get3A_1309 : vector<16xf32>
          %swap3A_1311 = arith.index_cast %add3A_1203 : i32 to index
          %swap3A_1312 = arith.constant 96 : index
          %swap3A_1313 = tpu.vector_load %arg7[%swap3A_1311, %swap3A_1312] {strides = array<i32>} : memref<9x256xf32, #tpu.memory_space<vmem>>, vector<1x16xf32>,
          %swap3A_1314 = vector.shape_cast %swap3A_1313 : vector<1x16xf32> to vector<16xf32>
          %swap3A_1315 = vector.shape_cast %add3A_1310 : vector<16xf32> to vector<1x16xf32>
          tpu.vector_store %arg7[%swap3A_1311, %swap3A_1312], %swap3A_1315 {strides = array<i32>} : memref<9x256xf32, #tpu.memory_space<vmem>>, vector<1x16xf32>,
          %get3A_1316 = arith.index_cast %add3A_1203 : i32 to index
          %get3A_1317 = arith.constant 112 : index
          %get3A_1318 = tpu.vector_load %arg7[%get3A_1316, %get3A_1317] {strides = array<i32>} : memref<9x256xf32, #tpu.memory_space<vmem>>, vector<1x16xf32>,
          %get3A_1319 = vector.shape_cast %get3A_1318 : vector<1x16xf32> to vector<16xf32>
          %get3A_1320 = arith.constant 1 : i32
          %get3A_1321 = arith.index_cast %get3A_1320 : i32 to index
          %get3A_1322 = arith.index_cast %scan3A_1161 : i32 to index
          %get3A_1323 = arith.constant 112 : index
          %get3A_1324 = tpu.vector_load %arg6[%get3A_1321, %get3A_1322, %get3A_1323] {strides = array<i32>} : memref<2x128x256xf32, #tpu.memory_space<vmem>>, vector<1x1x16xf32>,
          %get3A_1325 = vector.shape_cast %get3A_1324 : vector<1x1x16xf32> to vector<16xf32>
          %add3A_1326 = arith.addf %get3A_1319, %get3A_1325 : vector<16xf32>
          %swap3A_1327 = arith.index_cast %add3A_1203 : i32 to index
          %swap3A_1328 = arith.constant 112 : index
          %swap3A_1329 = tpu.vector_load %arg7[%swap3A_1327, %swap3A_1328] {strides = array<i32>} : memref<9x256xf32, #tpu.memory_space<vmem>>, vector<1x16xf32>,
          %swap3A_1330 = vector.shape_cast %swap3A_1329 : vector<1x16xf32> to vector<16xf32>
          %swap3A_1331 = vector.shape_cast %add3A_1326 : vector<16xf32> to vector<1x16xf32>
          tpu.vector_store %arg7[%swap3A_1327, %swap3A_1328], %swap3A_1331 {strides = array<i32>} : memref<9x256xf32, #tpu.memory_space<vmem>>, vector<1x16xf32>,
          %get3A_1332 = arith.index_cast %add3A_1203 : i32 to index
          %get3A_1333 = arith.constant 128 : index
          %get3A_1334 = tpu.vector_load %arg7[%get3A_1332, %get3A_1333] {strides = array<i32>} : memref<9x256xf32, #tpu.memory_space<vmem>>, vector<1x16xf32>,
          %get3A_1335 = vector.shape_cast %get3A_1334 : vector<1x16xf32> to vector<16xf32>
          %get3A_1336 = arith.constant 1 : i32
          %get3A_1337 = arith.index_cast %get3A_1336 : i32 to index
          %get3A_1338 = arith.index_cast %scan3A_1161 : i32 to index
          %get3A_1339 = arith.constant 128 : index
          %get3A_1340 = tpu.vector_load %arg6[%get3A_1337, %get3A_1338, %get3A_1339] {strides = array<i32>} : memref<2x128x256xf32, #tpu.memory_space<vmem>>, vector<1x1x16xf32>,
          %get3A_1341 = vector.shape_cast %get3A_1340 : vector<1x1x16xf32> to vector<16xf32>
          %add3A_1342 = arith.addf %get3A_1335, %get3A_1341 : vector<16xf32>
          %swap3A_1343 = arith.index_cast %add3A_1203 : i32 to index
          %swap3A_1344 = arith.constant 128 : index
          %swap3A_1345 = tpu.vector_load %arg7[%swap3A_1343, %swap3A_1344] {strides = array<i32>} : memref<9x256xf32, #tpu.memory_space<vmem>>, vector<1x16xf32>,
          %swap3A_1346 = vector.shape_cast %swap3A_1345 : vector<1x16xf32> to vector<16xf32>
          %swap3A_1347 = vector.shape_cast %add3A_1342 : vector<16xf32> to vector<1x16xf32>
          tpu.vector_store %arg7[%swap3A_1343, %swap3A_1344], %swap3A_1347 {strides = array<i32>} : memref<9x256xf32, #tpu.memory_space<vmem>>, vector<1x16xf32>,
          %get3A_1348 = arith.index_cast %add3A_1203 : i32 to index
          %get3A_1349 = arith.constant 144 : index
          %get3A_1350 = tpu.vector_load %arg7[%get3A_1348, %get3A_1349] {strides = array<i32>} : memref<9x256xf32, #tpu.memory_space<vmem>>, vector<1x16xf32>,
          %get3A_1351 = vector.shape_cast %get3A_1350 : vector<1x16xf32> to vector<16xf32>
          %get3A_1352 = arith.constant 1 : i32
          %get3A_1353 = arith.index_cast %get3A_1352 : i32 to index
          %get3A_1354 = arith.index_cast %scan3A_1161 : i32 to index
          %get3A_1355 = arith.constant 144 : index
          %get3A_1356 = tpu.vector_load %arg6[%get3A_1353, %get3A_1354, %get3A_1355] {strides = array<i32>} : memref<2x128x256xf32, #tpu.memory_space<vmem>>, vector<1x1x16xf32>,
          %get3A_1357 = vector.shape_cast %get3A_1356 : vector<1x1x16xf32> to vector<16xf32>
          %add3A_1358 = arith.addf %get3A_1351, %get3A_1357 : vector<16xf32>
          %swap3A_1359 = arith.index_cast %add3A_1203 : i32 to index
          %swap3A_1360 = arith.constant 144 : index
          %swap3A_1361 = tpu.vector_load %arg7[%swap3A_1359, %swap3A_1360] {strides = array<i32>} : memref<9x256xf32, #tpu.memory_space<vmem>>, vector<1x16xf32>,
          %swap3A_1362 = vector.shape_cast %swap3A_1361 : vector<1x16xf32> to vector<16xf32>
          %swap3A_1363 = vector.shape_cast %add3A_1358 : vector<16xf32> to vector<1x16xf32>
          tpu.vector_store %arg7[%swap3A_1359, %swap3A_1360], %swap3A_1363 {strides = array<i32>} : memref<9x256xf32, #tpu.memory_space<vmem>>, vector<1x16xf32>,
          %get3A_1364 = arith.index_cast %add3A_1203 : i32 to index
          %get3A_1365 = arith.constant 160 : index
          %get3A_1366 = tpu.vector_load %arg7[%get3A_1364, %get3A_1365] {strides = array<i32>} : memref<9x256xf32, #tpu.memory_space<vmem>>, vector<1x16xf32>,
          %get3A_1367 = vector.shape_cast %get3A_1366 : vector<1x16xf32> to vector<16xf32>
          %get3A_1368 = arith.constant 1 : i32
          %get3A_1369 = arith.index_cast %get3A_1368 : i32 to index
          %get3A_1370 = arith.index_cast %scan3A_1161 : i32 to index
          %get3A_1371 = arith.constant 160 : index
          %get3A_1372 = tpu.vector_load %arg6[%get3A_1369, %get3A_1370, %get3A_1371] {strides = array<i32>} : memref<2x128x256xf32, #tpu.memory_space<vmem>>, vector<1x1x16xf32>,
          %get3A_1373 = vector.shape_cast %get3A_1372 : vector<1x1x16xf32> to vector<16xf32>
          %add3A_1374 = arith.addf %get3A_1367, %get3A_1373 : vector<16xf32>
          %swap3A_1375 = arith.index_cast %add3A_1203 : i32 to index
          %swap3A_1376 = arith.constant 160 : index
          %swap3A_1377 = tpu.vector_load %arg7[%swap3A_1375, %swap3A_1376] {strides = array<i32>} : memref<9x256xf32, #tpu.memory_space<vmem>>, vector<1x16xf32>,
          %swap3A_1378 = vector.shape_cast %swap3A_1377 : vector<1x16xf32> to vector<16xf32>
          %swap3A_1379 = vector.shape_cast %add3A_1374 : vector<16xf32> to vector<1x16xf32>
          tpu.vector_store %arg7[%swap3A_1375, %swap3A_1376], %swap3A_1379 {strides = array<i32>} : memref<9x256xf32, #tpu.memory_space<vmem>>, vector<1x16xf32>,
          %get3A_1380 = arith.index_cast %add3A_1203 : i32 to index
          %get3A_1381 = arith.constant 176 : index
          %get3A_1382 = tpu.vector_load %arg7[%get3A_1380, %get3A_1381] {strides = array<i32>} : memref<9x256xf32, #tpu.memory_space<vmem>>, vector<1x16xf32>,
          %get3A_1383 = vector.shape_cast %get3A_1382 : vector<1x16xf32> to vector<16xf32>
          %get3A_1384 = arith.constant 1 : i32
          %get3A_1385 = arith.index_cast %get3A_1384 : i32 to index
          %get3A_1386 = arith.index_cast %scan3A_1161 : i32 to index
          %get3A_1387 = arith.constant 176 : index
          %get3A_1388 = tpu.vector_load %arg6[%get3A_1385, %get3A_1386, %get3A_1387] {strides = array<i32>} : memref<2x128x256xf32, #tpu.memory_space<vmem>>, vector<1x1x16xf32>,
          %get3A_1389 = vector.shape_cast %get3A_1388 : vector<1x1x16xf32> to vector<16xf32>
          %add3A_1390 = arith.addf %get3A_1383, %get3A_1389 : vector<16xf32>
          %swap3A_1391 = arith.index_cast %add3A_1203 : i32 to index
          %swap3A_1392 = arith.constant 176 : index
          %swap3A_1393 = tpu.vector_load %arg7[%swap3A_1391, %swap3A_1392] {strides = array<i32>} : memref<9x256xf32, #tpu.memory_space<vmem>>, vector<1x16xf32>,
          %swap3A_1394 = vector.shape_cast %swap3A_1393 : vector<1x16xf32> to vector<16xf32>
          %swap3A_1395 = vector.shape_cast %add3A_1390 : vector<16xf32> to vector<1x16xf32>
          tpu.vector_store %arg7[%swap3A_1391, %swap3A_1392], %swap3A_1395 {strides = array<i32>} : memref<9x256xf32, #tpu.memory_space<vmem>>, vector<1x16xf32>,
          %get3A_1396 = arith.index_cast %add3A_1203 : i32 to index
          %get3A_1397 = arith.constant 192 : index
          %get3A_1398 = tpu.vector_load %arg7[%get3A_1396, %get3A_1397] {strides = array<i32>} : memref<9x256xf32, #tpu.memory_space<vmem>>, vector<1x16xf32>,
          %get3A_1399 = vector.shape_cast %get3A_1398 : vector<1x16xf32> to vector<16xf32>
          %get3A_1400 = arith.constant 1 : i32
          %get3A_1401 = arith.index_cast %get3A_1400 : i32 to index
          %get3A_1402 = arith.index_cast %scan3A_1161 : i32 to index
          %get3A_1403 = arith.constant 192 : index
          %get3A_1404 = tpu.vector_load %arg6[%get3A_1401, %get3A_1402, %get3A_1403] {strides = array<i32>} : memref<2x128x256xf32, #tpu.memory_space<vmem>>, vector<1x1x16xf32>,
          %get3A_1405 = vector.shape_cast %get3A_1404 : vector<1x1x16xf32> to vector<16xf32>
          %add3A_1406 = arith.addf %get3A_1399, %get3A_1405 : vector<16xf32>
          %swap3A_1407 = arith.index_cast %add3A_1203 : i32 to index
          %swap3A_1408 = arith.constant 192 : index
          %swap3A_1409 = tpu.vector_load %arg7[%swap3A_1407, %swap3A_1408] {strides = array<i32>} : memref<9x256xf32, #tpu.memory_space<vmem>>, vector<1x16xf32>,
          %swap3A_1410 = vector.shape_cast %swap3A_1409 : vector<1x16xf32> to vector<16xf32>
          %swap3A_1411 = vector.shape_cast %add3A_1406 : vector<16xf32> to vector<1x16xf32>
          tpu.vector_store %arg7[%swap3A_1407, %swap3A_1408], %swap3A_1411 {strides = array<i32>} : memref<9x256xf32, #tpu.memory_space<vmem>>, vector<1x16xf32>,
          %get3A_1412 = arith.index_cast %add3A_1203 : i32 to index
          %get3A_1413 = arith.constant 208 : index
          %get3A_1414 = tpu.vector_load %arg7[%get3A_1412, %get3A_1413] {strides = array<i32>} : memref<9x256xf32, #tpu.memory_space<vmem>>, vector<1x16xf32>,
          %get3A_1415 = vector.shape_cast %get3A_1414 : vector<1x16xf32> to vector<16xf32>
          %get3A_1416 = arith.constant 1 : i32
          %get3A_1417 = arith.index_cast %get3A_1416 : i32 to index
          %get3A_1418 = arith.index_cast %scan3A_1161 : i32 to index
          %get3A_1419 = arith.constant 208 : index
          %get3A_1420 = tpu.vector_load %arg6[%get3A_1417, %get3A_1418, %get3A_1419] {strides = array<i32>} : memref<2x128x256xf32, #tpu.memory_space<vmem>>, vector<1x1x16xf32>,
          %get3A_1421 = vector.shape_cast %get3A_1420 : vector<1x1x16xf32> to vector<16xf32>
          %add3A_1422 = arith.addf %get3A_1415, %get3A_1421 : vector<16xf32>
          %swap3A_1423 = arith.index_cast %add3A_1203 : i32 to index
          %swap3A_1424 = arith.constant 208 : index
          %swap3A_1425 = tpu.vector_load %arg7[%swap3A_1423, %swap3A_1424] {strides = array<i32>} : memref<9x256xf32, #tpu.memory_space<vmem>>, vector<1x16xf32>,
          %swap3A_1426 = vector.shape_cast %swap3A_1425 : vector<1x16xf32> to vector<16xf32>
          %swap3A_1427 = vector.shape_cast %add3A_1422 : vector<16xf32> to vector<1x16xf32>
          tpu.vector_store %arg7[%swap3A_1423, %swap3A_1424], %swap3A_1427 {strides = array<i32>} : memref<9x256xf32, #tpu.memory_space<vmem>>, vector<1x16xf32>,
          %get3A_1428 = arith.index_cast %add3A_1203 : i32 to index
          %get3A_1429 = arith.constant 224 : index
          %get3A_1430 = tpu.vector_load %arg7[%get3A_1428, %get3A_1429] {strides = array<i32>} : memref<9x256xf32, #tpu.memory_space<vmem>>, vector<1x16xf32>,
          %get3A_1431 = vector.shape_cast %get3A_1430 : vector<1x16xf32> to vector<16xf32>
          %get3A_1432 = arith.constant 1 : i32
          %get3A_1433 = arith.index_cast %get3A_1432 : i32 to index
          %get3A_1434 = arith.index_cast %scan3A_1161 : i32 to index
          %get3A_1435 = arith.constant 224 : index
          %get3A_1436 = tpu.vector_load %arg6[%get3A_1433, %get3A_1434, %get3A_1435] {strides = array<i32>} : memref<2x128x256xf32, #tpu.memory_space<vmem>>, vector<1x1x16xf32>,
          %get3A_1437 = vector.shape_cast %get3A_1436 : vector<1x1x16xf32> to vector<16xf32>
          %add3A_1438 = arith.addf %get3A_1431, %get3A_1437 : vector<16xf32>
          %swap3A_1439 = arith.index_cast %add3A_1203 : i32 to index
          %swap3A_1440 = arith.constant 224 : index
          %swap3A_1441 = tpu.vector_load %arg7[%swap3A_1439, %swap3A_1440] {strides = array<i32>} : memref<9x256xf32, #tpu.memory_space<vmem>>, vector<1x16xf32>,
          %swap3A_1442 = vector.shape_cast %swap3A_1441 : vector<1x16xf32> to vector<16xf32>
          %swap3A_1443 = vector.shape_cast %add3A_1438 : vector<16xf32> to vector<1x16xf32>
          tpu.vector_store %arg7[%swap3A_1439, %swap3A_1440], %swap3A_1443 {strides = array<i32>} : memref<9x256xf32, #tpu.memory_space<vmem>>, vector<1x16xf32>,
          %get3A_1444 = arith.index_cast %add3A_1203 : i32 to index
          %get3A_1445 = arith.constant 240 : index
          %get3A_1446 = tpu.vector_load %arg7[%get3A_1444, %get3A_1445] {strides = array<i32>} : memref<9x256xf32, #tpu.memory_space<vmem>>, vector<1x16xf32>,
          %get3A_1447 = vector.shape_cast %get3A_1446 : vector<1x16xf32> to vector<16xf32>
          %get3A_1448 = arith.constant 1 : i32
          %get3A_1449 = arith.index_cast %get3A_1448 : i32 to index
          %get3A_1450 = arith.index_cast %scan3A_1161 : i32 to index
          %get3A_1451 = arith.constant 240 : index
          %get3A_1452 = tpu.vector_load %arg6[%get3A_1449, %get3A_1450, %get3A_1451] {strides = array<i32>} : memref<2x128x256xf32, #tpu.memory_space<vmem>>, vector<1x1x16xf32>,
          %get3A_1453 = vector.shape_cast %get3A_1452 : vector<1x1x16xf32> to vector<16xf32>
          %add3A_1454 = arith.addf %get3A_1447, %get3A_1453 : vector<16xf32>
          %swap3A_1455 = arith.index_cast %add3A_1203 : i32 to index
          %swap3A_1456 = arith.constant 240 : index
          %swap3A_1457 = tpu.vector_load %arg7[%swap3A_1455, %swap3A_1456] {strides = array<i32>} : memref<9x256xf32, #tpu.memory_space<vmem>>, vector<1x16xf32>,
          %swap3A_1458 = vector.shape_cast %swap3A_1457 : vector<1x16xf32> to vector<16xf32>
          %swap3A_1459 = vector.shape_cast %add3A_1454 : vector<16xf32> to vector<1x16xf32>
          tpu.vector_store %arg7[%swap3A_1455, %swap3A_1456], %swap3A_1459 {strides = array<i32>} : memref<9x256xf32, #tpu.memory_space<vmem>>, vector<1x16xf32>,
        }
        %scan3A_1160 = arith.constant 128 : i32
      } else {
      }
    }
    %scan3A_920 = arith.constant 12 : i32
    "tpu.region"() ({
      %run_scoped3A = tpu.sem_alloc : memref<!tpu.dma_semaphore, #tpu.memory_space<semaphore_mem>>
      %dma_start3A_921 = arith.constant 0 : i32
      %dma_start3A_922 = arith.constant 0 : i32
      %dma_start3A_923 = tpu.memref_slice %arg4[%add3A, %dma_start3A_921, %dma_start3A_922] : memref<32x9x256xf32, #tpu.memory_space<hbm>> -> memref<1x9x256xf32, #tpu.memory_space<hbm>>
      %dma_start3A_924 = tpu.memref_squeeze %dma_start3A_923 : memref<1x9x256xf32, #tpu.memory_space<hbm>> -> memref<9x256xf32, #tpu.memory_space<hbm>>
      %dma_start3A_925 = arith.constant 0 : i32
      %dma_start3A_926 = arith.constant 0 : i32
      %dma_start3A_927 = tpu.memref_slice %arg4[%add3A, %dma_start3A_925, %dma_start3A_926] : memref<32x9x256xf32, #tpu.memory_space<hbm>> -> memref<1x9x256xf32, #tpu.memory_space<hbm>>
      %dma_start3A_928 = tpu.memref_squeeze %dma_start3A_927 : memref<1x9x256xf32, #tpu.memory_space<hbm>> -> memref<9x256xf32, #tpu.memory_space<hbm>>
      tpu.enqueue_dma source(%arg7 : memref<9x256xf32, #tpu.memory_space<vmem>>) target(%dma_start3A_928 : memref<9x256xf32, #tpu.memory_space<hbm>>) target_semaphore(%run_scoped3A : memref<!tpu.dma_semaphore, #tpu.memory_space<semaphore_mem>>)
      %dma_wait3A = arith.constant 0 : i32
      %dma_wait3A_929 = arith.constant 0 : i32
      %dma_wait3A_930 = tpu.memref_slice %arg4[%add3A, %dma_wait3A, %dma_wait3A_929] : memref<32x9x256xf32, #tpu.memory_space<hbm>> -> memref<1x9x256xf32, #tpu.memory_space<hbm>>
      %dma_wait3A_931 = tpu.memref_squeeze %dma_wait3A_930 : memref<1x9x256xf32, #tpu.memory_space<hbm>> -> memref<9x256xf32, #tpu.memory_space<hbm>>
      %dma_wait3A_932 = arith.constant 0 : i32
      %dma_wait3A_933 = arith.constant 0 : i32
      %dma_wait3A_934 = tpu.memref_slice %arg4[%add3A, %dma_wait3A_932, %dma_wait3A_933] : memref<32x9x256xf32, #tpu.memory_space<hbm>> -> memref<1x9x256xf32, #tpu.memory_space<hbm>>
      %dma_wait3A_935 = tpu.memref_squeeze %dma_wait3A_934 : memref<1x9x256xf32, #tpu.memory_space<hbm>> -> memref<9x256xf32, #tpu.memory_space<hbm>>
      tpu.wait_dma2 semaphore(%run_scoped3A : memref<!tpu.dma_semaphore, #tpu.memory_space<semaphore_mem>>) src(%arg7 : memref<9x256xf32, #tpu.memory_space<vmem>>) dst(%dma_wait3A_935 : memref<9x256xf32, #tpu.memory_space<hbm>>)
      tpu.yield
    }) : () -> ()
    return
  }
}

module attributes {stable_mosaic.version = 14 : i64} {
  func.func @_tc_finish(%arg0: memref<32x9x256xf32, #tpu.memory_space<vmem>>, %arg1: memref<8x8xf32, #tpu.memory_space<vmem>>, %arg2: memref<8192x8xf32, #tpu.memory_space<vmem>>, %arg3: memref<8x8xf32, #tpu.memory_space<vmem>>) attributes {dimension_semantics = [], scalar_prefetch = 0 : i64, scratch_operands = 0 : i64, tpu.core_type = #tpu.core_type<tc>} {
    %get3A = arith.constant 0 : index
    %get3A_0 = arith.constant 0 : index
    %get3A_1 = vector.load %arg1[%get3A, %get3A_0] : memref<8x8xf32, #tpu.memory_space<vmem>>, vector<8x8xf32>
    %get3A_2 = arith.constant 0 : index
    %get3A_3 = arith.constant 0 : index
    %get3A_4 = arith.constant 0 : index
    %get3A_5 = vector.load %arg0[%get3A_2, %get3A_3, %get3A_4] : memref<32x9x256xf32, #tpu.memory_space<vmem>>, vector<1x8x256xf32>
    %get3A_6 = vector.shape_cast %get3A_5 : vector<1x8x256xf32> to vector<8x256xf32>
    %get3A_7 = arith.constant 0 : index
    %get3A_8 = arith.constant 0 : index
    %get3A_9 = vector.load %arg2[%get3A_7, %get3A_8] : memref<8192x8xf32, #tpu.memory_space<vmem>>, vector<256x8xf32>
    %dot_general3A = arith.constant dense<0.000000e+00> : vector<8x8xf32>
    %dot_general3A_10 = tpu.matmul %get3A_6, %get3A_9, %dot_general3A {dimension_numbers = #tpu.dot_dimension_numbers<[1], [0], [0], [1], [0, 0, 1, 1], [], []>, transpose_lhs_hint = false} : vector<8x256xf32>, vector<256x8xf32>, vector<8x8xf32> -> vector<8x8xf32>
    %add3A = arith.addf %get3A_1, %dot_general3A_10 : vector<8x8xf32>
    %get3A_11 = arith.constant 1 : index
    %get3A_12 = arith.constant 0 : index
    %get3A_13 = arith.constant 0 : index
    %get3A_14 = vector.load %arg0[%get3A_11, %get3A_12, %get3A_13] : memref<32x9x256xf32, #tpu.memory_space<vmem>>, vector<1x8x256xf32>
    %get3A_15 = vector.shape_cast %get3A_14 : vector<1x8x256xf32> to vector<8x256xf32>
    %get3A_16 = arith.constant 256 : index
    %get3A_17 = arith.constant 0 : index
    %get3A_18 = vector.load %arg2[%get3A_16, %get3A_17] : memref<8192x8xf32, #tpu.memory_space<vmem>>, vector<256x8xf32>
    %dot_general3A_19 = arith.constant dense<0.000000e+00> : vector<8x8xf32>
    %dot_general3A_20 = tpu.matmul %get3A_15, %get3A_18, %dot_general3A_19 {dimension_numbers = #tpu.dot_dimension_numbers<[1], [0], [0], [1], [0, 0, 1, 1], [], []>, transpose_lhs_hint = false} : vector<8x256xf32>, vector<256x8xf32>, vector<8x8xf32> -> vector<8x8xf32>
    %add3A_21 = arith.addf %add3A, %dot_general3A_20 : vector<8x8xf32>
    %get3A_22 = arith.constant 2 : index
    %get3A_23 = arith.constant 0 : index
    %get3A_24 = arith.constant 0 : index
    %get3A_25 = vector.load %arg0[%get3A_22, %get3A_23, %get3A_24] : memref<32x9x256xf32, #tpu.memory_space<vmem>>, vector<1x8x256xf32>
    %get3A_26 = vector.shape_cast %get3A_25 : vector<1x8x256xf32> to vector<8x256xf32>
    %get3A_27 = arith.constant 512 : index
    %get3A_28 = arith.constant 0 : index
    %get3A_29 = vector.load %arg2[%get3A_27, %get3A_28] : memref<8192x8xf32, #tpu.memory_space<vmem>>, vector<256x8xf32>
    %dot_general3A_30 = arith.constant dense<0.000000e+00> : vector<8x8xf32>
    %dot_general3A_31 = tpu.matmul %get3A_26, %get3A_29, %dot_general3A_30 {dimension_numbers = #tpu.dot_dimension_numbers<[1], [0], [0], [1], [0, 0, 1, 1], [], []>, transpose_lhs_hint = false} : vector<8x256xf32>, vector<256x8xf32>, vector<8x8xf32> -> vector<8x8xf32>
    %add3A_32 = arith.addf %add3A_21, %dot_general3A_31 : vector<8x8xf32>
    %get3A_33 = arith.constant 3 : index
    %get3A_34 = arith.constant 0 : index
    %get3A_35 = arith.constant 0 : index
    %get3A_36 = vector.load %arg0[%get3A_33, %get3A_34, %get3A_35] : memref<32x9x256xf32, #tpu.memory_space<vmem>>, vector<1x8x256xf32>
    %get3A_37 = vector.shape_cast %get3A_36 : vector<1x8x256xf32> to vector<8x256xf32>
    %get3A_38 = arith.constant 768 : index
    %get3A_39 = arith.constant 0 : index
    %get3A_40 = vector.load %arg2[%get3A_38, %get3A_39] : memref<8192x8xf32, #tpu.memory_space<vmem>>, vector<256x8xf32>
    %dot_general3A_41 = arith.constant dense<0.000000e+00> : vector<8x8xf32>
    %dot_general3A_42 = tpu.matmul %get3A_37, %get3A_40, %dot_general3A_41 {dimension_numbers = #tpu.dot_dimension_numbers<[1], [0], [0], [1], [0, 0, 1, 1], [], []>, transpose_lhs_hint = false} : vector<8x256xf32>, vector<256x8xf32>, vector<8x8xf32> -> vector<8x8xf32>
    %add3A_43 = arith.addf %add3A_32, %dot_general3A_42 : vector<8x8xf32>
    %get3A_44 = arith.constant 4 : index
    %get3A_45 = arith.constant 0 : index
    %get3A_46 = arith.constant 0 : index
    %get3A_47 = vector.load %arg0[%get3A_44, %get3A_45, %get3A_46] : memref<32x9x256xf32, #tpu.memory_space<vmem>>, vector<1x8x256xf32>
    %get3A_48 = vector.shape_cast %get3A_47 : vector<1x8x256xf32> to vector<8x256xf32>
    %get3A_49 = arith.constant 1024 : index
    %get3A_50 = arith.constant 0 : index
    %get3A_51 = vector.load %arg2[%get3A_49, %get3A_50] : memref<8192x8xf32, #tpu.memory_space<vmem>>, vector<256x8xf32>
    %dot_general3A_52 = arith.constant dense<0.000000e+00> : vector<8x8xf32>
    %dot_general3A_53 = tpu.matmul %get3A_48, %get3A_51, %dot_general3A_52 {dimension_numbers = #tpu.dot_dimension_numbers<[1], [0], [0], [1], [0, 0, 1, 1], [], []>, transpose_lhs_hint = false} : vector<8x256xf32>, vector<256x8xf32>, vector<8x8xf32> -> vector<8x8xf32>
    %add3A_54 = arith.addf %add3A_43, %dot_general3A_53 : vector<8x8xf32>
    %get3A_55 = arith.constant 5 : index
    %get3A_56 = arith.constant 0 : index
    %get3A_57 = arith.constant 0 : index
    %get3A_58 = vector.load %arg0[%get3A_55, %get3A_56, %get3A_57] : memref<32x9x256xf32, #tpu.memory_space<vmem>>, vector<1x8x256xf32>
    %get3A_59 = vector.shape_cast %get3A_58 : vector<1x8x256xf32> to vector<8x256xf32>
    %get3A_60 = arith.constant 1280 : index
    %get3A_61 = arith.constant 0 : index
    %get3A_62 = vector.load %arg2[%get3A_60, %get3A_61] : memref<8192x8xf32, #tpu.memory_space<vmem>>, vector<256x8xf32>
    %dot_general3A_63 = arith.constant dense<0.000000e+00> : vector<8x8xf32>
    %dot_general3A_64 = tpu.matmul %get3A_59, %get3A_62, %dot_general3A_63 {dimension_numbers = #tpu.dot_dimension_numbers<[1], [0], [0], [1], [0, 0, 1, 1], [], []>, transpose_lhs_hint = false} : vector<8x256xf32>, vector<256x8xf32>, vector<8x8xf32> -> vector<8x8xf32>
    %add3A_65 = arith.addf %add3A_54, %dot_general3A_64 : vector<8x8xf32>
    %get3A_66 = arith.constant 6 : index
    %get3A_67 = arith.constant 0 : index
    %get3A_68 = arith.constant 0 : index
    %get3A_69 = vector.load %arg0[%get3A_66, %get3A_67, %get3A_68] : memref<32x9x256xf32, #tpu.memory_space<vmem>>, vector<1x8x256xf32>
    %get3A_70 = vector.shape_cast %get3A_69 : vector<1x8x256xf32> to vector<8x256xf32>
    %get3A_71 = arith.constant 1536 : index
    %get3A_72 = arith.constant 0 : index
    %get3A_73 = vector.load %arg2[%get3A_71, %get3A_72] : memref<8192x8xf32, #tpu.memory_space<vmem>>, vector<256x8xf32>
    %dot_general3A_74 = arith.constant dense<0.000000e+00> : vector<8x8xf32>
    %dot_general3A_75 = tpu.matmul %get3A_70, %get3A_73, %dot_general3A_74 {dimension_numbers = #tpu.dot_dimension_numbers<[1], [0], [0], [1], [0, 0, 1, 1], [], []>, transpose_lhs_hint = false} : vector<8x256xf32>, vector<256x8xf32>, vector<8x8xf32> -> vector<8x8xf32>
    %add3A_76 = arith.addf %add3A_65, %dot_general3A_75 : vector<8x8xf32>
    %get3A_77 = arith.constant 7 : index
    %get3A_78 = arith.constant 0 : index
    %get3A_79 = arith.constant 0 : index
    %get3A_80 = vector.load %arg0[%get3A_77, %get3A_78, %get3A_79] : memref<32x9x256xf32, #tpu.memory_space<vmem>>, vector<1x8x256xf32>
    %get3A_81 = vector.shape_cast %get3A_80 : vector<1x8x256xf32> to vector<8x256xf32>
    %get3A_82 = arith.constant 1792 : index
    %get3A_83 = arith.constant 0 : index
    %get3A_84 = vector.load %arg2[%get3A_82, %get3A_83] : memref<8192x8xf32, #tpu.memory_space<vmem>>, vector<256x8xf32>
    %dot_general3A_85 = arith.constant dense<0.000000e+00> : vector<8x8xf32>
    %dot_general3A_86 = tpu.matmul %get3A_81, %get3A_84, %dot_general3A_85 {dimension_numbers = #tpu.dot_dimension_numbers<[1], [0], [0], [1], [0, 0, 1, 1], [], []>, transpose_lhs_hint = false} : vector<8x256xf32>, vector<256x8xf32>, vector<8x8xf32> -> vector<8x8xf32>
    %add3A_87 = arith.addf %add3A_76, %dot_general3A_86 : vector<8x8xf32>
    %get3A_88 = arith.constant 8 : index
    %get3A_89 = arith.constant 0 : index
    %get3A_90 = arith.constant 0 : index
    %get3A_91 = vector.load %arg0[%get3A_88, %get3A_89, %get3A_90] : memref<32x9x256xf32, #tpu.memory_space<vmem>>, vector<1x8x256xf32>
    %get3A_92 = vector.shape_cast %get3A_91 : vector<1x8x256xf32> to vector<8x256xf32>
    %get3A_93 = arith.constant 2048 : index
    %get3A_94 = arith.constant 0 : index
    %get3A_95 = vector.load %arg2[%get3A_93, %get3A_94] : memref<8192x8xf32, #tpu.memory_space<vmem>>, vector<256x8xf32>
    %dot_general3A_96 = arith.constant dense<0.000000e+00> : vector<8x8xf32>
    %dot_general3A_97 = tpu.matmul %get3A_92, %get3A_95, %dot_general3A_96 {dimension_numbers = #tpu.dot_dimension_numbers<[1], [0], [0], [1], [0, 0, 1, 1], [], []>, transpose_lhs_hint = false} : vector<8x256xf32>, vector<256x8xf32>, vector<8x8xf32> -> vector<8x8xf32>
    %add3A_98 = arith.addf %add3A_87, %dot_general3A_97 : vector<8x8xf32>
    %get3A_99 = arith.constant 9 : index
    %get3A_100 = arith.constant 0 : index
    %get3A_101 = arith.constant 0 : index
    %get3A_102 = vector.load %arg0[%get3A_99, %get3A_100, %get3A_101] : memref<32x9x256xf32, #tpu.memory_space<vmem>>, vector<1x8x256xf32>
    %get3A_103 = vector.shape_cast %get3A_102 : vector<1x8x256xf32> to vector<8x256xf32>
    %get3A_104 = arith.constant 2304 : index
    %get3A_105 = arith.constant 0 : index
    %get3A_106 = vector.load %arg2[%get3A_104, %get3A_105] : memref<8192x8xf32, #tpu.memory_space<vmem>>, vector<256x8xf32>
    %dot_general3A_107 = arith.constant dense<0.000000e+00> : vector<8x8xf32>
    %dot_general3A_108 = tpu.matmul %get3A_103, %get3A_106, %dot_general3A_107 {dimension_numbers = #tpu.dot_dimension_numbers<[1], [0], [0], [1], [0, 0, 1, 1], [], []>, transpose_lhs_hint = false} : vector<8x256xf32>, vector<256x8xf32>, vector<8x8xf32> -> vector<8x8xf32>
    %add3A_109 = arith.addf %add3A_98, %dot_general3A_108 : vector<8x8xf32>
    %get3A_110 = arith.constant 10 : index
    %get3A_111 = arith.constant 0 : index
    %get3A_112 = arith.constant 0 : index
    %get3A_113 = vector.load %arg0[%get3A_110, %get3A_111, %get3A_112] : memref<32x9x256xf32, #tpu.memory_space<vmem>>, vector<1x8x256xf32>
    %get3A_114 = vector.shape_cast %get3A_113 : vector<1x8x256xf32> to vector<8x256xf32>
    %get3A_115 = arith.constant 2560 : index
    %get3A_116 = arith.constant 0 : index
    %get3A_117 = vector.load %arg2[%get3A_115, %get3A_116] : memref<8192x8xf32, #tpu.memory_space<vmem>>, vector<256x8xf32>
    %dot_general3A_118 = arith.constant dense<0.000000e+00> : vector<8x8xf32>
    %dot_general3A_119 = tpu.matmul %get3A_114, %get3A_117, %dot_general3A_118 {dimension_numbers = #tpu.dot_dimension_numbers<[1], [0], [0], [1], [0, 0, 1, 1], [], []>, transpose_lhs_hint = false} : vector<8x256xf32>, vector<256x8xf32>, vector<8x8xf32> -> vector<8x8xf32>
    %add3A_120 = arith.addf %add3A_109, %dot_general3A_119 : vector<8x8xf32>
    %get3A_121 = arith.constant 11 : index
    %get3A_122 = arith.constant 0 : index
    %get3A_123 = arith.constant 0 : index
    %get3A_124 = vector.load %arg0[%get3A_121, %get3A_122, %get3A_123] : memref<32x9x256xf32, #tpu.memory_space<vmem>>, vector<1x8x256xf32>
    %get3A_125 = vector.shape_cast %get3A_124 : vector<1x8x256xf32> to vector<8x256xf32>
    %get3A_126 = arith.constant 2816 : index
    %get3A_127 = arith.constant 0 : index
    %get3A_128 = vector.load %arg2[%get3A_126, %get3A_127] : memref<8192x8xf32, #tpu.memory_space<vmem>>, vector<256x8xf32>
    %dot_general3A_129 = arith.constant dense<0.000000e+00> : vector<8x8xf32>
    %dot_general3A_130 = tpu.matmul %get3A_125, %get3A_128, %dot_general3A_129 {dimension_numbers = #tpu.dot_dimension_numbers<[1], [0], [0], [1], [0, 0, 1, 1], [], []>, transpose_lhs_hint = false} : vector<8x256xf32>, vector<256x8xf32>, vector<8x8xf32> -> vector<8x8xf32>
    %add3A_131 = arith.addf %add3A_120, %dot_general3A_130 : vector<8x8xf32>
    %get3A_132 = arith.constant 12 : index
    %get3A_133 = arith.constant 0 : index
    %get3A_134 = arith.constant 0 : index
    %get3A_135 = vector.load %arg0[%get3A_132, %get3A_133, %get3A_134] : memref<32x9x256xf32, #tpu.memory_space<vmem>>, vector<1x8x256xf32>
    %get3A_136 = vector.shape_cast %get3A_135 : vector<1x8x256xf32> to vector<8x256xf32>
    %get3A_137 = arith.constant 3072 : index
    %get3A_138 = arith.constant 0 : index
    %get3A_139 = vector.load %arg2[%get3A_137, %get3A_138] : memref<8192x8xf32, #tpu.memory_space<vmem>>, vector<256x8xf32>
    %dot_general3A_140 = arith.constant dense<0.000000e+00> : vector<8x8xf32>
    %dot_general3A_141 = tpu.matmul %get3A_136, %get3A_139, %dot_general3A_140 {dimension_numbers = #tpu.dot_dimension_numbers<[1], [0], [0], [1], [0, 0, 1, 1], [], []>, transpose_lhs_hint = false} : vector<8x256xf32>, vector<256x8xf32>, vector<8x8xf32> -> vector<8x8xf32>
    %add3A_142 = arith.addf %add3A_131, %dot_general3A_141 : vector<8x8xf32>
    %get3A_143 = arith.constant 13 : index
    %get3A_144 = arith.constant 0 : index
    %get3A_145 = arith.constant 0 : index
    %get3A_146 = vector.load %arg0[%get3A_143, %get3A_144, %get3A_145] : memref<32x9x256xf32, #tpu.memory_space<vmem>>, vector<1x8x256xf32>
    %get3A_147 = vector.shape_cast %get3A_146 : vector<1x8x256xf32> to vector<8x256xf32>
    %get3A_148 = arith.constant 3328 : index
    %get3A_149 = arith.constant 0 : index
    %get3A_150 = vector.load %arg2[%get3A_148, %get3A_149] : memref<8192x8xf32, #tpu.memory_space<vmem>>, vector<256x8xf32>
    %dot_general3A_151 = arith.constant dense<0.000000e+00> : vector<8x8xf32>
    %dot_general3A_152 = tpu.matmul %get3A_147, %get3A_150, %dot_general3A_151 {dimension_numbers = #tpu.dot_dimension_numbers<[1], [0], [0], [1], [0, 0, 1, 1], [], []>, transpose_lhs_hint = false} : vector<8x256xf32>, vector<256x8xf32>, vector<8x8xf32> -> vector<8x8xf32>
    %add3A_153 = arith.addf %add3A_142, %dot_general3A_152 : vector<8x8xf32>
    %get3A_154 = arith.constant 14 : index
    %get3A_155 = arith.constant 0 : index
    %get3A_156 = arith.constant 0 : index
    %get3A_157 = vector.load %arg0[%get3A_154, %get3A_155, %get3A_156] : memref<32x9x256xf32, #tpu.memory_space<vmem>>, vector<1x8x256xf32>
    %get3A_158 = vector.shape_cast %get3A_157 : vector<1x8x256xf32> to vector<8x256xf32>
    %get3A_159 = arith.constant 3584 : index
    %get3A_160 = arith.constant 0 : index
    %get3A_161 = vector.load %arg2[%get3A_159, %get3A_160] : memref<8192x8xf32, #tpu.memory_space<vmem>>, vector<256x8xf32>
    %dot_general3A_162 = arith.constant dense<0.000000e+00> : vector<8x8xf32>
    %dot_general3A_163 = tpu.matmul %get3A_158, %get3A_161, %dot_general3A_162 {dimension_numbers = #tpu.dot_dimension_numbers<[1], [0], [0], [1], [0, 0, 1, 1], [], []>, transpose_lhs_hint = false} : vector<8x256xf32>, vector<256x8xf32>, vector<8x8xf32> -> vector<8x8xf32>
    %add3A_164 = arith.addf %add3A_153, %dot_general3A_163 : vector<8x8xf32>
    %get3A_165 = arith.constant 15 : index
    %get3A_166 = arith.constant 0 : index
    %get3A_167 = arith.constant 0 : index
    %get3A_168 = vector.load %arg0[%get3A_165, %get3A_166, %get3A_167] : memref<32x9x256xf32, #tpu.memory_space<vmem>>, vector<1x8x256xf32>
    %get3A_169 = vector.shape_cast %get3A_168 : vector<1x8x256xf32> to vector<8x256xf32>
    %get3A_170 = arith.constant 3840 : index
    %get3A_171 = arith.constant 0 : index
    %get3A_172 = vector.load %arg2[%get3A_170, %get3A_171] : memref<8192x8xf32, #tpu.memory_space<vmem>>, vector<256x8xf32>
    %dot_general3A_173 = arith.constant dense<0.000000e+00> : vector<8x8xf32>
    %dot_general3A_174 = tpu.matmul %get3A_169, %get3A_172, %dot_general3A_173 {dimension_numbers = #tpu.dot_dimension_numbers<[1], [0], [0], [1], [0, 0, 1, 1], [], []>, transpose_lhs_hint = false} : vector<8x256xf32>, vector<256x8xf32>, vector<8x8xf32> -> vector<8x8xf32>
    %add3A_175 = arith.addf %add3A_164, %dot_general3A_174 : vector<8x8xf32>
    %get3A_176 = arith.constant 16 : index
    %get3A_177 = arith.constant 0 : index
    %get3A_178 = arith.constant 0 : index
    %get3A_179 = vector.load %arg0[%get3A_176, %get3A_177, %get3A_178] : memref<32x9x256xf32, #tpu.memory_space<vmem>>, vector<1x8x256xf32>
    %get3A_180 = vector.shape_cast %get3A_179 : vector<1x8x256xf32> to vector<8x256xf32>
    %get3A_181 = arith.constant 4096 : index
    %get3A_182 = arith.constant 0 : index
    %get3A_183 = vector.load %arg2[%get3A_181, %get3A_182] : memref<8192x8xf32, #tpu.memory_space<vmem>>, vector<256x8xf32>
    %dot_general3A_184 = arith.constant dense<0.000000e+00> : vector<8x8xf32>
    %dot_general3A_185 = tpu.matmul %get3A_180, %get3A_183, %dot_general3A_184 {dimension_numbers = #tpu.dot_dimension_numbers<[1], [0], [0], [1], [0, 0, 1, 1], [], []>, transpose_lhs_hint = false} : vector<8x256xf32>, vector<256x8xf32>, vector<8x8xf32> -> vector<8x8xf32>
    %add3A_186 = arith.addf %add3A_175, %dot_general3A_185 : vector<8x8xf32>
    %get3A_187 = arith.constant 17 : index
    %get3A_188 = arith.constant 0 : index
    %get3A_189 = arith.constant 0 : index
    %get3A_190 = vector.load %arg0[%get3A_187, %get3A_188, %get3A_189] : memref<32x9x256xf32, #tpu.memory_space<vmem>>, vector<1x8x256xf32>
    %get3A_191 = vector.shape_cast %get3A_190 : vector<1x8x256xf32> to vector<8x256xf32>
    %get3A_192 = arith.constant 4352 : index
    %get3A_193 = arith.constant 0 : index
    %get3A_194 = vector.load %arg2[%get3A_192, %get3A_193] : memref<8192x8xf32, #tpu.memory_space<vmem>>, vector<256x8xf32>
    %dot_general3A_195 = arith.constant dense<0.000000e+00> : vector<8x8xf32>
    %dot_general3A_196 = tpu.matmul %get3A_191, %get3A_194, %dot_general3A_195 {dimension_numbers = #tpu.dot_dimension_numbers<[1], [0], [0], [1], [0, 0, 1, 1], [], []>, transpose_lhs_hint = false} : vector<8x256xf32>, vector<256x8xf32>, vector<8x8xf32> -> vector<8x8xf32>
    %add3A_197 = arith.addf %add3A_186, %dot_general3A_196 : vector<8x8xf32>
    %get3A_198 = arith.constant 18 : index
    %get3A_199 = arith.constant 0 : index
    %get3A_200 = arith.constant 0 : index
    %get3A_201 = vector.load %arg0[%get3A_198, %get3A_199, %get3A_200] : memref<32x9x256xf32, #tpu.memory_space<vmem>>, vector<1x8x256xf32>
    %get3A_202 = vector.shape_cast %get3A_201 : vector<1x8x256xf32> to vector<8x256xf32>
    %get3A_203 = arith.constant 4608 : index
    %get3A_204 = arith.constant 0 : index
    %get3A_205 = vector.load %arg2[%get3A_203, %get3A_204] : memref<8192x8xf32, #tpu.memory_space<vmem>>, vector<256x8xf32>
    %dot_general3A_206 = arith.constant dense<0.000000e+00> : vector<8x8xf32>
    %dot_general3A_207 = tpu.matmul %get3A_202, %get3A_205, %dot_general3A_206 {dimension_numbers = #tpu.dot_dimension_numbers<[1], [0], [0], [1], [0, 0, 1, 1], [], []>, transpose_lhs_hint = false} : vector<8x256xf32>, vector<256x8xf32>, vector<8x8xf32> -> vector<8x8xf32>
    %add3A_208 = arith.addf %add3A_197, %dot_general3A_207 : vector<8x8xf32>
    %get3A_209 = arith.constant 19 : index
    %get3A_210 = arith.constant 0 : index
    %get3A_211 = arith.constant 0 : index
    %get3A_212 = vector.load %arg0[%get3A_209, %get3A_210, %get3A_211] : memref<32x9x256xf32, #tpu.memory_space<vmem>>, vector<1x8x256xf32>
    %get3A_213 = vector.shape_cast %get3A_212 : vector<1x8x256xf32> to vector<8x256xf32>
    %get3A_214 = arith.constant 4864 : index
    %get3A_215 = arith.constant 0 : index
    %get3A_216 = vector.load %arg2[%get3A_214, %get3A_215] : memref<8192x8xf32, #tpu.memory_space<vmem>>, vector<256x8xf32>
    %dot_general3A_217 = arith.constant dense<0.000000e+00> : vector<8x8xf32>
    %dot_general3A_218 = tpu.matmul %get3A_213, %get3A_216, %dot_general3A_217 {dimension_numbers = #tpu.dot_dimension_numbers<[1], [0], [0], [1], [0, 0, 1, 1], [], []>, transpose_lhs_hint = false} : vector<8x256xf32>, vector<256x8xf32>, vector<8x8xf32> -> vector<8x8xf32>
    %add3A_219 = arith.addf %add3A_208, %dot_general3A_218 : vector<8x8xf32>
    %get3A_220 = arith.constant 20 : index
    %get3A_221 = arith.constant 0 : index
    %get3A_222 = arith.constant 0 : index
    %get3A_223 = vector.load %arg0[%get3A_220, %get3A_221, %get3A_222] : memref<32x9x256xf32, #tpu.memory_space<vmem>>, vector<1x8x256xf32>
    %get3A_224 = vector.shape_cast %get3A_223 : vector<1x8x256xf32> to vector<8x256xf32>
    %get3A_225 = arith.constant 5120 : index
    %get3A_226 = arith.constant 0 : index
    %get3A_227 = vector.load %arg2[%get3A_225, %get3A_226] : memref<8192x8xf32, #tpu.memory_space<vmem>>, vector<256x8xf32>
    %dot_general3A_228 = arith.constant dense<0.000000e+00> : vector<8x8xf32>
    %dot_general3A_229 = tpu.matmul %get3A_224, %get3A_227, %dot_general3A_228 {dimension_numbers = #tpu.dot_dimension_numbers<[1], [0], [0], [1], [0, 0, 1, 1], [], []>, transpose_lhs_hint = false} : vector<8x256xf32>, vector<256x8xf32>, vector<8x8xf32> -> vector<8x8xf32>
    %add3A_230 = arith.addf %add3A_219, %dot_general3A_229 : vector<8x8xf32>
    %get3A_231 = arith.constant 21 : index
    %get3A_232 = arith.constant 0 : index
    %get3A_233 = arith.constant 0 : index
    %get3A_234 = vector.load %arg0[%get3A_231, %get3A_232, %get3A_233] : memref<32x9x256xf32, #tpu.memory_space<vmem>>, vector<1x8x256xf32>
    %get3A_235 = vector.shape_cast %get3A_234 : vector<1x8x256xf32> to vector<8x256xf32>
    %get3A_236 = arith.constant 5376 : index
    %get3A_237 = arith.constant 0 : index
    %get3A_238 = vector.load %arg2[%get3A_236, %get3A_237] : memref<8192x8xf32, #tpu.memory_space<vmem>>, vector<256x8xf32>
    %dot_general3A_239 = arith.constant dense<0.000000e+00> : vector<8x8xf32>
    %dot_general3A_240 = tpu.matmul %get3A_235, %get3A_238, %dot_general3A_239 {dimension_numbers = #tpu.dot_dimension_numbers<[1], [0], [0], [1], [0, 0, 1, 1], [], []>, transpose_lhs_hint = false} : vector<8x256xf32>, vector<256x8xf32>, vector<8x8xf32> -> vector<8x8xf32>
    %add3A_241 = arith.addf %add3A_230, %dot_general3A_240 : vector<8x8xf32>
    %get3A_242 = arith.constant 22 : index
    %get3A_243 = arith.constant 0 : index
    %get3A_244 = arith.constant 0 : index
    %get3A_245 = vector.load %arg0[%get3A_242, %get3A_243, %get3A_244] : memref<32x9x256xf32, #tpu.memory_space<vmem>>, vector<1x8x256xf32>
    %get3A_246 = vector.shape_cast %get3A_245 : vector<1x8x256xf32> to vector<8x256xf32>
    %get3A_247 = arith.constant 5632 : index
    %get3A_248 = arith.constant 0 : index
    %get3A_249 = vector.load %arg2[%get3A_247, %get3A_248] : memref<8192x8xf32, #tpu.memory_space<vmem>>, vector<256x8xf32>
    %dot_general3A_250 = arith.constant dense<0.000000e+00> : vector<8x8xf32>
    %dot_general3A_251 = tpu.matmul %get3A_246, %get3A_249, %dot_general3A_250 {dimension_numbers = #tpu.dot_dimension_numbers<[1], [0], [0], [1], [0, 0, 1, 1], [], []>, transpose_lhs_hint = false} : vector<8x256xf32>, vector<256x8xf32>, vector<8x8xf32> -> vector<8x8xf32>
    %add3A_252 = arith.addf %add3A_241, %dot_general3A_251 : vector<8x8xf32>
    %get3A_253 = arith.constant 23 : index
    %get3A_254 = arith.constant 0 : index
    %get3A_255 = arith.constant 0 : index
    %get3A_256 = vector.load %arg0[%get3A_253, %get3A_254, %get3A_255] : memref<32x9x256xf32, #tpu.memory_space<vmem>>, vector<1x8x256xf32>
    %get3A_257 = vector.shape_cast %get3A_256 : vector<1x8x256xf32> to vector<8x256xf32>
    %get3A_258 = arith.constant 5888 : index
    %get3A_259 = arith.constant 0 : index
    %get3A_260 = vector.load %arg2[%get3A_258, %get3A_259] : memref<8192x8xf32, #tpu.memory_space<vmem>>, vector<256x8xf32>
    %dot_general3A_261 = arith.constant dense<0.000000e+00> : vector<8x8xf32>
    %dot_general3A_262 = tpu.matmul %get3A_257, %get3A_260, %dot_general3A_261 {dimension_numbers = #tpu.dot_dimension_numbers<[1], [0], [0], [1], [0, 0, 1, 1], [], []>, transpose_lhs_hint = false} : vector<8x256xf32>, vector<256x8xf32>, vector<8x8xf32> -> vector<8x8xf32>
    %add3A_263 = arith.addf %add3A_252, %dot_general3A_262 : vector<8x8xf32>
    %get3A_264 = arith.constant 24 : index
    %get3A_265 = arith.constant 0 : index
    %get3A_266 = arith.constant 0 : index
    %get3A_267 = vector.load %arg0[%get3A_264, %get3A_265, %get3A_266] : memref<32x9x256xf32, #tpu.memory_space<vmem>>, vector<1x8x256xf32>
    %get3A_268 = vector.shape_cast %get3A_267 : vector<1x8x256xf32> to vector<8x256xf32>
    %get3A_269 = arith.constant 6144 : index
    %get3A_270 = arith.constant 0 : index
    %get3A_271 = vector.load %arg2[%get3A_269, %get3A_270] : memref<8192x8xf32, #tpu.memory_space<vmem>>, vector<256x8xf32>
    %dot_general3A_272 = arith.constant dense<0.000000e+00> : vector<8x8xf32>
    %dot_general3A_273 = tpu.matmul %get3A_268, %get3A_271, %dot_general3A_272 {dimension_numbers = #tpu.dot_dimension_numbers<[1], [0], [0], [1], [0, 0, 1, 1], [], []>, transpose_lhs_hint = false} : vector<8x256xf32>, vector<256x8xf32>, vector<8x8xf32> -> vector<8x8xf32>
    %add3A_274 = arith.addf %add3A_263, %dot_general3A_273 : vector<8x8xf32>
    %get3A_275 = arith.constant 25 : index
    %get3A_276 = arith.constant 0 : index
    %get3A_277 = arith.constant 0 : index
    %get3A_278 = vector.load %arg0[%get3A_275, %get3A_276, %get3A_277] : memref<32x9x256xf32, #tpu.memory_space<vmem>>, vector<1x8x256xf32>
    %get3A_279 = vector.shape_cast %get3A_278 : vector<1x8x256xf32> to vector<8x256xf32>
    %get3A_280 = arith.constant 6400 : index
    %get3A_281 = arith.constant 0 : index
    %get3A_282 = vector.load %arg2[%get3A_280, %get3A_281] : memref<8192x8xf32, #tpu.memory_space<vmem>>, vector<256x8xf32>
    %dot_general3A_283 = arith.constant dense<0.000000e+00> : vector<8x8xf32>
    %dot_general3A_284 = tpu.matmul %get3A_279, %get3A_282, %dot_general3A_283 {dimension_numbers = #tpu.dot_dimension_numbers<[1], [0], [0], [1], [0, 0, 1, 1], [], []>, transpose_lhs_hint = false} : vector<8x256xf32>, vector<256x8xf32>, vector<8x8xf32> -> vector<8x8xf32>
    %add3A_285 = arith.addf %add3A_274, %dot_general3A_284 : vector<8x8xf32>
    %get3A_286 = arith.constant 26 : index
    %get3A_287 = arith.constant 0 : index
    %get3A_288 = arith.constant 0 : index
    %get3A_289 = vector.load %arg0[%get3A_286, %get3A_287, %get3A_288] : memref<32x9x256xf32, #tpu.memory_space<vmem>>, vector<1x8x256xf32>
    %get3A_290 = vector.shape_cast %get3A_289 : vector<1x8x256xf32> to vector<8x256xf32>
    %get3A_291 = arith.constant 6656 : index
    %get3A_292 = arith.constant 0 : index
    %get3A_293 = vector.load %arg2[%get3A_291, %get3A_292] : memref<8192x8xf32, #tpu.memory_space<vmem>>, vector<256x8xf32>
    %dot_general3A_294 = arith.constant dense<0.000000e+00> : vector<8x8xf32>
    %dot_general3A_295 = tpu.matmul %get3A_290, %get3A_293, %dot_general3A_294 {dimension_numbers = #tpu.dot_dimension_numbers<[1], [0], [0], [1], [0, 0, 1, 1], [], []>, transpose_lhs_hint = false} : vector<8x256xf32>, vector<256x8xf32>, vector<8x8xf32> -> vector<8x8xf32>
    %add3A_296 = arith.addf %add3A_285, %dot_general3A_295 : vector<8x8xf32>
    %get3A_297 = arith.constant 27 : index
    %get3A_298 = arith.constant 0 : index
    %get3A_299 = arith.constant 0 : index
    %get3A_300 = vector.load %arg0[%get3A_297, %get3A_298, %get3A_299] : memref<32x9x256xf32, #tpu.memory_space<vmem>>, vector<1x8x256xf32>
    %get3A_301 = vector.shape_cast %get3A_300 : vector<1x8x256xf32> to vector<8x256xf32>
    %get3A_302 = arith.constant 6912 : index
    %get3A_303 = arith.constant 0 : index
    %get3A_304 = vector.load %arg2[%get3A_302, %get3A_303] : memref<8192x8xf32, #tpu.memory_space<vmem>>, vector<256x8xf32>
    %dot_general3A_305 = arith.constant dense<0.000000e+00> : vector<8x8xf32>
    %dot_general3A_306 = tpu.matmul %get3A_301, %get3A_304, %dot_general3A_305 {dimension_numbers = #tpu.dot_dimension_numbers<[1], [0], [0], [1], [0, 0, 1, 1], [], []>, transpose_lhs_hint = false} : vector<8x256xf32>, vector<256x8xf32>, vector<8x8xf32> -> vector<8x8xf32>
    %add3A_307 = arith.addf %add3A_296, %dot_general3A_306 : vector<8x8xf32>
    %get3A_308 = arith.constant 28 : index
    %get3A_309 = arith.constant 0 : index
    %get3A_310 = arith.constant 0 : index
    %get3A_311 = vector.load %arg0[%get3A_308, %get3A_309, %get3A_310] : memref<32x9x256xf32, #tpu.memory_space<vmem>>, vector<1x8x256xf32>
    %get3A_312 = vector.shape_cast %get3A_311 : vector<1x8x256xf32> to vector<8x256xf32>
    %get3A_313 = arith.constant 7168 : index
    %get3A_314 = arith.constant 0 : index
    %get3A_315 = vector.load %arg2[%get3A_313, %get3A_314] : memref<8192x8xf32, #tpu.memory_space<vmem>>, vector<256x8xf32>
    %dot_general3A_316 = arith.constant dense<0.000000e+00> : vector<8x8xf32>
    %dot_general3A_317 = tpu.matmul %get3A_312, %get3A_315, %dot_general3A_316 {dimension_numbers = #tpu.dot_dimension_numbers<[1], [0], [0], [1], [0, 0, 1, 1], [], []>, transpose_lhs_hint = false} : vector<8x256xf32>, vector<256x8xf32>, vector<8x8xf32> -> vector<8x8xf32>
    %add3A_318 = arith.addf %add3A_307, %dot_general3A_317 : vector<8x8xf32>
    %get3A_319 = arith.constant 29 : index
    %get3A_320 = arith.constant 0 : index
    %get3A_321 = arith.constant 0 : index
    %get3A_322 = vector.load %arg0[%get3A_319, %get3A_320, %get3A_321] : memref<32x9x256xf32, #tpu.memory_space<vmem>>, vector<1x8x256xf32>
    %get3A_323 = vector.shape_cast %get3A_322 : vector<1x8x256xf32> to vector<8x256xf32>
    %get3A_324 = arith.constant 7424 : index
    %get3A_325 = arith.constant 0 : index
    %get3A_326 = vector.load %arg2[%get3A_324, %get3A_325] : memref<8192x8xf32, #tpu.memory_space<vmem>>, vector<256x8xf32>
    %dot_general3A_327 = arith.constant dense<0.000000e+00> : vector<8x8xf32>
    %dot_general3A_328 = tpu.matmul %get3A_323, %get3A_326, %dot_general3A_327 {dimension_numbers = #tpu.dot_dimension_numbers<[1], [0], [0], [1], [0, 0, 1, 1], [], []>, transpose_lhs_hint = false} : vector<8x256xf32>, vector<256x8xf32>, vector<8x8xf32> -> vector<8x8xf32>
    %add3A_329 = arith.addf %add3A_318, %dot_general3A_328 : vector<8x8xf32>
    %get3A_330 = arith.constant 30 : index
    %get3A_331 = arith.constant 0 : index
    %get3A_332 = arith.constant 0 : index
    %get3A_333 = vector.load %arg0[%get3A_330, %get3A_331, %get3A_332] : memref<32x9x256xf32, #tpu.memory_space<vmem>>, vector<1x8x256xf32>
    %get3A_334 = vector.shape_cast %get3A_333 : vector<1x8x256xf32> to vector<8x256xf32>
    %get3A_335 = arith.constant 7680 : index
    %get3A_336 = arith.constant 0 : index
    %get3A_337 = vector.load %arg2[%get3A_335, %get3A_336] : memref<8192x8xf32, #tpu.memory_space<vmem>>, vector<256x8xf32>
    %dot_general3A_338 = arith.constant dense<0.000000e+00> : vector<8x8xf32>
    %dot_general3A_339 = tpu.matmul %get3A_334, %get3A_337, %dot_general3A_338 {dimension_numbers = #tpu.dot_dimension_numbers<[1], [0], [0], [1], [0, 0, 1, 1], [], []>, transpose_lhs_hint = false} : vector<8x256xf32>, vector<256x8xf32>, vector<8x8xf32> -> vector<8x8xf32>
    %add3A_340 = arith.addf %add3A_329, %dot_general3A_339 : vector<8x8xf32>
    %get3A_341 = arith.constant 31 : index
    %get3A_342 = arith.constant 0 : index
    %get3A_343 = arith.constant 0 : index
    %get3A_344 = vector.load %arg0[%get3A_341, %get3A_342, %get3A_343] : memref<32x9x256xf32, #tpu.memory_space<vmem>>, vector<1x8x256xf32>
    %get3A_345 = vector.shape_cast %get3A_344 : vector<1x8x256xf32> to vector<8x256xf32>
    %get3A_346 = arith.constant 7936 : index
    %get3A_347 = arith.constant 0 : index
    %get3A_348 = vector.load %arg2[%get3A_346, %get3A_347] : memref<8192x8xf32, #tpu.memory_space<vmem>>, vector<256x8xf32>
    %dot_general3A_349 = arith.constant dense<0.000000e+00> : vector<8x8xf32>
    %dot_general3A_350 = tpu.matmul %get3A_345, %get3A_348, %dot_general3A_349 {dimension_numbers = #tpu.dot_dimension_numbers<[1], [0], [0], [1], [0, 0, 1, 1], [], []>, transpose_lhs_hint = false} : vector<8x256xf32>, vector<256x8xf32>, vector<8x8xf32> -> vector<8x8xf32>
    %add3A_351 = arith.addf %add3A_340, %dot_general3A_350 : vector<8x8xf32>
    %swap3A = arith.constant 0 : index
    %swap3A_352 = arith.constant 0 : index
    %swap3A_353 = vector.load %arg3[%swap3A, %swap3A_352] : memref<8x8xf32, #tpu.memory_space<vmem>>, vector<8x8xf32>
    tpu.vector_store %arg3[%swap3A, %swap3A_352], %add3A_351 {strides = array<i32>} : memref<8x8xf32, #tpu.memory_space<vmem>>, vector<8x8xf32>,
    return
  }
}

module attributes {stable_mosaic.version = 14 : i64} {
  func.func @_tc_partial(%arg0: i32, %arg1: memref<16xi32, #tpu.memory_space<smem>>, %arg2: memref<8192x128xf32, #tpu.memory_space<vmem>>, %arg3: memref<128x8xf32, #tpu.memory_space<vmem>>, %arg4: memref<1x8xf32, #tpu.memory_space<vmem>>, %arg5: memref<128x8192xf32, #tpu.memory_space<vmem>>, %arg6: memref<8x8xf32, #tpu.memory_space<vmem>>, %arg7: memref<8192x8xf32, #tpu.memory_space<vmem>>, %arg8: memref<16x8192xf32, #tpu.memory_space<vmem>>) attributes {dimension_semantics = [#tpu.dimension_semantics<arbitrary>], iteration_bounds = array<i64: 40>, scalar_prefetch = 1 : i64, scratch_operands = 1 : i64, tpu.core_type = #tpu.core_type<tc>, window_params = [{pipeline_mode = #tpu.pipeline_mode<synchronous>, transform_indices = @transform_0, window_bounds = array<i64: 8192, 128>}, {pipeline_mode = #tpu.pipeline_mode<synchronous>, transform_indices = @transform_1, window_bounds = array<i64: 128, 8>}, {pipeline_mode = #tpu.pipeline_mode<synchronous>, transform_indices = @transform_2, window_bounds = array<i64: 1, 8>}, {transform_indices = @transform_3, window_bounds = array<i64: 128, 8192>}, {pipeline_mode = #tpu.pipeline_mode<synchronous>, transform_indices = @transform_4, window_bounds = array<i64: 8, 8>}, {pipeline_mode = #tpu.pipeline_mode<synchronous>, transform_indices = @transform_5, window_bounds = array<i64: 8192, 8>}]} {
    %eq3A = arith.constant 0 : i32
    %eq3A_0 = arith.cmpi eq, %arg0, %eq3A : i32
    %convert_element_type3A = arith.extui %eq3A_0 : i1 to i32
    %cond3A = arith.constant 0 : i32
    %cond3A_1 = arith.cmpi ne, %convert_element_type3A, %cond3A : i32
    scf.if %cond3A_1 {
      %broadcast_in_dim3A = arith.constant 0.000000e+00 : f32
      %broadcast_in_dim3A_139 = vector.broadcast %broadcast_in_dim3A : f32 to vector<16x8192xf32>
      %swap3A = arith.constant 0 : index
      %swap3A_140 = arith.constant 0 : index
      %swap3A_141 = vector.load %arg8[%swap3A, %swap3A_140] : memref<16x8192xf32, #tpu.memory_space<vmem>>, vector<16x8192xf32>
      tpu.vector_store %arg8[%swap3A, %swap3A_140], %broadcast_in_dim3A_139 {strides = array<i32>} : memref<16x8192xf32, #tpu.memory_space<vmem>>, vector<16x8192xf32>,
      %get3A_142 = arith.constant 0 : index
      %get3A_143 = arith.constant 0 : index
      %get3A_144 = vector.load %arg2[%get3A_142, %get3A_143] : memref<8192x128xf32, #tpu.memory_space<vmem>>, vector<8192x128xf32>
      %get3A_145 = arith.constant 0 : index
      %get3A_146 = arith.constant 0 : index
      %get3A_147 = vector.load %arg3[%get3A_145, %get3A_146] : memref<128x8xf32, #tpu.memory_space<vmem>>, vector<128x8xf32>
      %dot_general3A = arith.constant dense<0.000000e+00> : vector<8192x8xf32>
      %dot_general3A_148 = tpu.matmul %get3A_144, %get3A_147, %dot_general3A {dimension_numbers = #tpu.dot_dimension_numbers<[1], [0], [0], [1], [0, 0, 1, 1], [], []>, transpose_lhs_hint = false} : vector<8192x128xf32>, vector<128x8xf32>, vector<8192x8xf32> -> vector<8192x8xf32>
      %get3A_149 = arith.constant 0 : index
      %get3A_150 = arith.constant 0 : index
      %get3A_151 = vector.load %arg4[%get3A_149, %get3A_150] : memref<1x8xf32, #tpu.memory_space<vmem>>, vector<1x8xf32>
      %add3A_152 = vector.broadcast %get3A_151 : vector<1x8xf32> to vector<8192x8xf32>
      %add3A_153 = arith.addf %dot_general3A_148, %add3A_152 : vector<8192x8xf32>
      %swap3A_154 = arith.constant 0 : index
      %swap3A_155 = arith.constant 0 : index
      %swap3A_156 = vector.load %arg7[%swap3A_154, %swap3A_155] : memref<8192x8xf32, #tpu.memory_space<vmem>>, vector<8192x8xf32>
      tpu.vector_store %arg7[%swap3A_154, %swap3A_155], %add3A_153 {strides = array<i32>} : memref<8192x8xf32, #tpu.memory_space<vmem>>, vector<8192x8xf32>,
    } else {
    }
    %mul3A = arith.constant 128 : i32
    %mul3A_2 = arith.muli %arg0, %mul3A : i32
    %get3A = arith.constant 0 : index
    %get3A_3 = memref.load %arg1[%get3A] : memref<16xi32, #tpu.memory_space<smem>>
    %le3A = arith.cmpi sle, %get3A_3, %mul3A_2 : i32
    %jit3A = arith.constant 1 : i32
    %jit3A_4 = arith.constant 0 : i32
    %select_n3A = arith.select %le3A, %jit3A, %jit3A_4 : i32
    %add3A = arith.constant 0 : i32
    %add3A_5 = arith.addi %add3A, %select_n3A : i32
    %add3A_6 = arith.constant 128 : i32
    %add3A_7 = arith.addi %mul3A_2, %add3A_6 : i32
    %sub3A = arith.constant 1 : i32
    %sub3A_8 = arith.subi %add3A_7, %sub3A : i32
    %le3A_9 = arith.cmpi sle, %get3A_3, %sub3A_8 : i32
    %jit3A_10 = arith.constant 1 : i32
    %jit3A_11 = arith.constant 0 : i32
    %select_n3A_12 = arith.select %le3A_9, %jit3A_10, %jit3A_11 : i32
    %add3A_13 = arith.constant 0 : i32
    %add3A_14 = arith.addi %add3A_13, %select_n3A_12 : i32
    %get3A_15 = arith.constant 1 : index
    %get3A_16 = memref.load %arg1[%get3A_15] : memref<16xi32, #tpu.memory_space<smem>>
    %le3A_17 = arith.cmpi sle, %get3A_16, %mul3A_2 : i32
    %jit3A_18 = arith.constant 1 : i32
    %jit3A_19 = arith.constant 0 : i32
    %select_n3A_20 = arith.select %le3A_17, %jit3A_18, %jit3A_19 : i32
    %add3A_21 = arith.addi %add3A_5, %select_n3A_20 : i32
    %add3A_22 = arith.constant 128 : i32
    %add3A_23 = arith.addi %mul3A_2, %add3A_22 : i32
    %sub3A_24 = arith.constant 1 : i32
    %sub3A_25 = arith.subi %add3A_23, %sub3A_24 : i32
    %le3A_26 = arith.cmpi sle, %get3A_16, %sub3A_25 : i32
    %jit3A_27 = arith.constant 1 : i32
    %jit3A_28 = arith.constant 0 : i32
    %select_n3A_29 = arith.select %le3A_26, %jit3A_27, %jit3A_28 : i32
    %add3A_30 = arith.addi %add3A_14, %select_n3A_29 : i32
    %get3A_31 = arith.constant 2 : index
    %get3A_32 = memref.load %arg1[%get3A_31] : memref<16xi32, #tpu.memory_space<smem>>
    %le3A_33 = arith.cmpi sle, %get3A_32, %mul3A_2 : i32
    %jit3A_34 = arith.constant 1 : i32
    %jit3A_35 = arith.constant 0 : i32
    %select_n3A_36 = arith.select %le3A_33, %jit3A_34, %jit3A_35 : i32
    %add3A_37 = arith.addi %add3A_21, %select_n3A_36 : i32
    %add3A_38 = arith.constant 128 : i32
    %add3A_39 = arith.addi %mul3A_2, %add3A_38 : i32
    %sub3A_40 = arith.constant 1 : i32
    %sub3A_41 = arith.subi %add3A_39, %sub3A_40 : i32
    %le3A_42 = arith.cmpi sle, %get3A_32, %sub3A_41 : i32
    %jit3A_43 = arith.constant 1 : i32
    %jit3A_44 = arith.constant 0 : i32
    %select_n3A_45 = arith.select %le3A_42, %jit3A_43, %jit3A_44 : i32
    %add3A_46 = arith.addi %add3A_30, %select_n3A_45 : i32
    %get3A_47 = arith.constant 3 : index
    %get3A_48 = memref.load %arg1[%get3A_47] : memref<16xi32, #tpu.memory_space<smem>>
    %le3A_49 = arith.cmpi sle, %get3A_48, %mul3A_2 : i32
    %jit3A_50 = arith.constant 1 : i32
    %jit3A_51 = arith.constant 0 : i32
    %select_n3A_52 = arith.select %le3A_49, %jit3A_50, %jit3A_51 : i32
    %add3A_53 = arith.addi %add3A_37, %select_n3A_52 : i32
    %add3A_54 = arith.constant 128 : i32
    %add3A_55 = arith.addi %mul3A_2, %add3A_54 : i32
    %sub3A_56 = arith.constant 1 : i32
    %sub3A_57 = arith.subi %add3A_55, %sub3A_56 : i32
    %le3A_58 = arith.cmpi sle, %get3A_48, %sub3A_57 : i32
    %jit3A_59 = arith.constant 1 : i32
    %jit3A_60 = arith.constant 0 : i32
    %select_n3A_61 = arith.select %le3A_58, %jit3A_59, %jit3A_60 : i32
    %add3A_62 = arith.addi %add3A_46, %select_n3A_61 : i32
    %get3A_63 = arith.constant 4 : index
    %get3A_64 = memref.load %arg1[%get3A_63] : memref<16xi32, #tpu.memory_space<smem>>
    %le3A_65 = arith.cmpi sle, %get3A_64, %mul3A_2 : i32
    %jit3A_66 = arith.constant 1 : i32
    %jit3A_67 = arith.constant 0 : i32
    %select_n3A_68 = arith.select %le3A_65, %jit3A_66, %jit3A_67 : i32
    %add3A_69 = arith.addi %add3A_53, %select_n3A_68 : i32
    %add3A_70 = arith.constant 128 : i32
    %add3A_71 = arith.addi %mul3A_2, %add3A_70 : i32
    %sub3A_72 = arith.constant 1 : i32
    %sub3A_73 = arith.subi %add3A_71, %sub3A_72 : i32
    %le3A_74 = arith.cmpi sle, %get3A_64, %sub3A_73 : i32
    %jit3A_75 = arith.constant 1 : i32
    %jit3A_76 = arith.constant 0 : i32
    %select_n3A_77 = arith.select %le3A_74, %jit3A_75, %jit3A_76 : i32
    %add3A_78 = arith.addi %add3A_62, %select_n3A_77 : i32
    %get3A_79 = arith.constant 5 : index
    %get3A_80 = memref.load %arg1[%get3A_79] : memref<16xi32, #tpu.memory_space<smem>>
    %le3A_81 = arith.cmpi sle, %get3A_80, %mul3A_2 : i32
    %jit3A_82 = arith.constant 1 : i32
    %jit3A_83 = arith.constant 0 : i32
    %select_n3A_84 = arith.select %le3A_81, %jit3A_82, %jit3A_83 : i32
    %add3A_85 = arith.addi %add3A_69, %select_n3A_84 : i32
    %add3A_86 = arith.constant 128 : i32
    %add3A_87 = arith.addi %mul3A_2, %add3A_86 : i32
    %sub3A_88 = arith.constant 1 : i32
    %sub3A_89 = arith.subi %add3A_87, %sub3A_88 : i32
    %le3A_90 = arith.cmpi sle, %get3A_80, %sub3A_89 : i32
    %jit3A_91 = arith.constant 1 : i32
    %jit3A_92 = arith.constant 0 : i32
    %select_n3A_93 = arith.select %le3A_90, %jit3A_91, %jit3A_92 : i32
    %add3A_94 = arith.addi %add3A_78, %select_n3A_93 : i32
    %get3A_95 = arith.constant 6 : index
    %get3A_96 = memref.load %arg1[%get3A_95] : memref<16xi32, #tpu.memory_space<smem>>
    %le3A_97 = arith.cmpi sle, %get3A_96, %mul3A_2 : i32
    %jit3A_98 = arith.constant 1 : i32
    %jit3A_99 = arith.constant 0 : i32
    %select_n3A_100 = arith.select %le3A_97, %jit3A_98, %jit3A_99 : i32
    %add3A_101 = arith.addi %add3A_85, %select_n3A_100 : i32
    %add3A_102 = arith.constant 128 : i32
    %add3A_103 = arith.addi %mul3A_2, %add3A_102 : i32
    %sub3A_104 = arith.constant 1 : i32
    %sub3A_105 = arith.subi %add3A_103, %sub3A_104 : i32
    %le3A_106 = arith.cmpi sle, %get3A_96, %sub3A_105 : i32
    %jit3A_107 = arith.constant 1 : i32
    %jit3A_108 = arith.constant 0 : i32
    %select_n3A_109 = arith.select %le3A_106, %jit3A_107, %jit3A_108 : i32
    %add3A_110 = arith.addi %add3A_94, %select_n3A_109 : i32
    %get3A_111 = arith.constant 7 : index
    %get3A_112 = memref.load %arg1[%get3A_111] : memref<16xi32, #tpu.memory_space<smem>>
    %le3A_113 = arith.cmpi sle, %get3A_112, %mul3A_2 : i32
    %jit3A_114 = arith.constant 1 : i32
    %jit3A_115 = arith.constant 0 : i32
    %select_n3A_116 = arith.select %le3A_113, %jit3A_114, %jit3A_115 : i32
    %add3A_117 = arith.addi %add3A_101, %select_n3A_116 : i32
    %add3A_118 = arith.constant 128 : i32
    %add3A_119 = arith.addi %mul3A_2, %add3A_118 : i32
    %sub3A_120 = arith.constant 1 : i32
    %sub3A_121 = arith.subi %add3A_119, %sub3A_120 : i32
    %le3A_122 = arith.cmpi sle, %get3A_112, %sub3A_121 : i32
    %jit3A_123 = arith.constant 1 : i32
    %jit3A_124 = arith.constant 0 : i32
    %select_n3A_125 = arith.select %le3A_122, %jit3A_123, %jit3A_124 : i32
    %add3A_126 = arith.addi %add3A_110, %select_n3A_125 : i32
    %eq3A_127 = arith.cmpi eq, %add3A_117, %add3A_126 : i32
    %convert_element_type3A_128 = arith.extui %eq3A_127 : i1 to i32
    %cond3A_129 = arith.constant 0 : i32
    %cond3A_130 = arith.cmpi ne, %convert_element_type3A_128, %cond3A_129 : i32
    scf.if %cond3A_130 {
      %get3A_139 = arith.constant 0 : index
      %get3A_140 = arith.constant 0 : index
      %get3A_141 = vector.load %arg5[%get3A_139, %get3A_140] : memref<128x8192xf32, #tpu.memory_space<vmem>>, vector<128x8192xf32>
      %reduce_sum3A = arith.constant dense<0.000000e+00> : vector<8192xf32>
      %reduce_sum3A_142 = vector.multi_reduction <add>, %get3A_141, %reduce_sum3A [0] : vector<128x8192xf32> to vector<8192xf32>
      %broadcast_in_dim3A = vector.shape_cast %reduce_sum3A_142 : vector<8192xf32> to vector<1x8192xf32>
      %get3A_143 = arith.index_cast %add3A_117 : i32 to index
      %get3A_144 = arith.constant 0 : index
      %get3A_145 = vector.load %arg8[%get3A_143, %get3A_144] : memref<16x8192xf32, #tpu.memory_space<vmem>>, vector<1x8192xf32>
      %add3A_146 = arith.addf %get3A_145, %broadcast_in_dim3A : vector<1x8192xf32>
      %swap3A = arith.index_cast %add3A_117 : i32 to index
      %swap3A_147 = arith.constant 0 : index
      %swap3A_148 = vector.load %arg8[%swap3A, %swap3A_147] : memref<16x8192xf32, #tpu.memory_space<vmem>>, vector<1x8192xf32>
      tpu.vector_store %arg8[%swap3A, %swap3A_147], %add3A_146 {strides = array<i32>} : memref<16x8192xf32, #tpu.memory_space<vmem>>, vector<1x8192xf32>,
    } else {
    }
    %ne3A = arith.cmpi ne, %add3A_117, %add3A_126 : i32
    %convert_element_type3A_131 = arith.extui %ne3A : i1 to i32
    %cond3A_132 = arith.constant 0 : i32
    %cond3A_133 = arith.cmpi ne, %convert_element_type3A_131, %cond3A_132 : i32
    scf.if %cond3A_133 {
      %iota3A = tpu.iota {dimensions = array<i32: 0>} : vector<128x1xi32>
      %add3A_139 = vector.broadcast %mul3A_2 : i32 to vector<128x1xi32>
      %add3A_140 = arith.addi %add3A_139, %iota3A : vector<128x1xi32>
      %broadcast_in_dim3A = arith.constant 0 : i32
      %broadcast_in_dim3A_141 = vector.broadcast %broadcast_in_dim3A : i32 to vector<128x1xi32>
      %get3A_142 = arith.constant 0 : index
      %get3A_143 = memref.load %arg1[%get3A_142] : memref<16xi32, #tpu.memory_space<smem>>
      %le3A_144 = vector.broadcast %get3A_143 : i32 to vector<128x1xi32>
      %le3A_145 = arith.cmpi sle, %le3A_144, %add3A_140 : vector<128x1xi32>
      %jit3A_146 = arith.constant 1 : i32
      %jit3A_147 = arith.constant 0 : i32
      %broadcast_in_dim3A_148 = vector.broadcast %jit3A_146 : i32 to vector<128x1xi32>
      %broadcast_in_dim3A_149 = vector.broadcast %jit3A_147 : i32 to vector<128x1xi32>
      %select_n3A_150 = arith.select %le3A_145, %broadcast_in_dim3A_148, %broadcast_in_dim3A_149 : vector<128x1xi1>, vector<128x1xi32>
      %add3A_151 = arith.addi %broadcast_in_dim3A_141, %select_n3A_150 : vector<128x1xi32>
      %get3A_152 = arith.constant 1 : index
      %get3A_153 = memref.load %arg1[%get3A_152] : memref<16xi32, #tpu.memory_space<smem>>
      %le3A_154 = vector.broadcast %get3A_153 : i32 to vector<128x1xi32>
      %le3A_155 = arith.cmpi sle, %le3A_154, %add3A_140 : vector<128x1xi32>
      %jit3A_156 = arith.constant 1 : i32
      %jit3A_157 = arith.constant 0 : i32
      %broadcast_in_dim3A_158 = vector.broadcast %jit3A_156 : i32 to vector<128x1xi32>
      %broadcast_in_dim3A_159 = vector.broadcast %jit3A_157 : i32 to vector<128x1xi32>
      %select_n3A_160 = arith.select %le3A_155, %broadcast_in_dim3A_158, %broadcast_in_dim3A_159 : vector<128x1xi1>, vector<128x1xi32>
      %add3A_161 = arith.addi %add3A_151, %select_n3A_160 : vector<128x1xi32>
      %get3A_162 = arith.constant 2 : index
      %get3A_163 = memref.load %arg1[%get3A_162] : memref<16xi32, #tpu.memory_space<smem>>
      %le3A_164 = vector.broadcast %get3A_163 : i32 to vector<128x1xi32>
      %le3A_165 = arith.cmpi sle, %le3A_164, %add3A_140 : vector<128x1xi32>
      %jit3A_166 = arith.constant 1 : i32
      %jit3A_167 = arith.constant 0 : i32
      %broadcast_in_dim3A_168 = vector.broadcast %jit3A_166 : i32 to vector<128x1xi32>
      %broadcast_in_dim3A_169 = vector.broadcast %jit3A_167 : i32 to vector<128x1xi32>
      %select_n3A_170 = arith.select %le3A_165, %broadcast_in_dim3A_168, %broadcast_in_dim3A_169 : vector<128x1xi1>, vector<128x1xi32>
      %add3A_171 = arith.addi %add3A_161, %select_n3A_170 : vector<128x1xi32>
      %get3A_172 = arith.constant 3 : index
      %get3A_173 = memref.load %arg1[%get3A_172] : memref<16xi32, #tpu.memory_space<smem>>
      %le3A_174 = vector.broadcast %get3A_173 : i32 to vector<128x1xi32>
      %le3A_175 = arith.cmpi sle, %le3A_174, %add3A_140 : vector<128x1xi32>
      %jit3A_176 = arith.constant 1 : i32
      %jit3A_177 = arith.constant 0 : i32
      %broadcast_in_dim3A_178 = vector.broadcast %jit3A_176 : i32 to vector<128x1xi32>
      %broadcast_in_dim3A_179 = vector.broadcast %jit3A_177 : i32 to vector<128x1xi32>
      %select_n3A_180 = arith.select %le3A_175, %broadcast_in_dim3A_178, %broadcast_in_dim3A_179 : vector<128x1xi1>, vector<128x1xi32>
      %add3A_181 = arith.addi %add3A_171, %select_n3A_180 : vector<128x1xi32>
      %get3A_182 = arith.constant 4 : index
      %get3A_183 = memref.load %arg1[%get3A_182] : memref<16xi32, #tpu.memory_space<smem>>
      %le3A_184 = vector.broadcast %get3A_183 : i32 to vector<128x1xi32>
      %le3A_185 = arith.cmpi sle, %le3A_184, %add3A_140 : vector<128x1xi32>
      %jit3A_186 = arith.constant 1 : i32
      %jit3A_187 = arith.constant 0 : i32
      %broadcast_in_dim3A_188 = vector.broadcast %jit3A_186 : i32 to vector<128x1xi32>
      %broadcast_in_dim3A_189 = vector.broadcast %jit3A_187 : i32 to vector<128x1xi32>
      %select_n3A_190 = arith.select %le3A_185, %broadcast_in_dim3A_188, %broadcast_in_dim3A_189 : vector<128x1xi1>, vector<128x1xi32>
      %add3A_191 = arith.addi %add3A_181, %select_n3A_190 : vector<128x1xi32>
      %get3A_192 = arith.constant 5 : index
      %get3A_193 = memref.load %arg1[%get3A_192] : memref<16xi32, #tpu.memory_space<smem>>
      %le3A_194 = vector.broadcast %get3A_193 : i32 to vector<128x1xi32>
      %le3A_195 = arith.cmpi sle, %le3A_194, %add3A_140 : vector<128x1xi32>
      %jit3A_196 = arith.constant 1 : i32
      %jit3A_197 = arith.constant 0 : i32
      %broadcast_in_dim3A_198 = vector.broadcast %jit3A_196 : i32 to vector<128x1xi32>
      %broadcast_in_dim3A_199 = vector.broadcast %jit3A_197 : i32 to vector<128x1xi32>
      %select_n3A_200 = arith.select %le3A_195, %broadcast_in_dim3A_198, %broadcast_in_dim3A_199 : vector<128x1xi1>, vector<128x1xi32>
      %add3A_201 = arith.addi %add3A_191, %select_n3A_200 : vector<128x1xi32>
      %get3A_202 = arith.constant 6 : index
      %get3A_203 = memref.load %arg1[%get3A_202] : memref<16xi32, #tpu.memory_space<smem>>
      %le3A_204 = vector.broadcast %get3A_203 : i32 to vector<128x1xi32>
      %le3A_205 = arith.cmpi sle, %le3A_204, %add3A_140 : vector<128x1xi32>
      %jit3A_206 = arith.constant 1 : i32
      %jit3A_207 = arith.constant 0 : i32
      %broadcast_in_dim3A_208 = vector.broadcast %jit3A_206 : i32 to vector<128x1xi32>
      %broadcast_in_dim3A_209 = vector.broadcast %jit3A_207 : i32 to vector<128x1xi32>
      %select_n3A_210 = arith.select %le3A_205, %broadcast_in_dim3A_208, %broadcast_in_dim3A_209 : vector<128x1xi1>, vector<128x1xi32>
      %add3A_211 = arith.addi %add3A_201, %select_n3A_210 : vector<128x1xi32>
      %get3A_212 = arith.constant 7 : index
      %get3A_213 = memref.load %arg1[%get3A_212] : memref<16xi32, #tpu.memory_space<smem>>
      %le3A_214 = vector.broadcast %get3A_213 : i32 to vector<128x1xi32>
      %le3A_215 = arith.cmpi sle, %le3A_214, %add3A_140 : vector<128x1xi32>
      %jit3A_216 = arith.constant 1 : i32
      %jit3A_217 = arith.constant 0 : i32
      %broadcast_in_dim3A_218 = vector.broadcast %jit3A_216 : i32 to vector<128x1xi32>
      %broadcast_in_dim3A_219 = vector.broadcast %jit3A_217 : i32 to vector<128x1xi32>
      %select_n3A_220 = arith.select %le3A_215, %broadcast_in_dim3A_218, %broadcast_in_dim3A_219 : vector<128x1xi1>, vector<128x1xi32>
      %add3A_221 = arith.addi %add3A_211, %select_n3A_220 : vector<128x1xi32>
      %get3A_222 = arith.constant 0 : index
      %get3A_223 = arith.constant 0 : index
      %get3A_224 = vector.load %arg5[%get3A_222, %get3A_223] : memref<128x8192xf32, #tpu.memory_space<vmem>>, vector<128x8192xf32>
      %eq3A_225 = arith.constant 0 : i32
      %eq3A_226 = vector.broadcast %eq3A_225 : i32 to vector<128x1xi32>
      %eq3A_227 = arith.cmpi eq, %add3A_221, %eq3A_226 : vector<128x1xi32>
      %convert_element_type3A_228 = arith.extui %eq3A_227 : vector<128x1xi1> to vector<128x1xi32>
      %convert_element_type3A_229 = arith.sitofp %convert_element_type3A_228 : vector<128x1xi32> to vector<128x1xf32>
      %get3A_230 = arith.constant 0 : index
      %get3A_231 = arith.constant 0 : index
      %get3A_232 = vector.load %arg8[%get3A_230, %get3A_231] : memref<16x8192xf32, #tpu.memory_space<vmem>>, vector<1x8192xf32>
      %mul3A_233 = vector.broadcast %convert_element_type3A_229 : vector<128x1xf32> to vector<128x8192xf32>
      %mul3A_234 = arith.mulf %get3A_224, %mul3A_233 : vector<128x8192xf32>
      %reduce_sum3A = arith.constant dense<0.000000e+00> : vector<8192xf32>
      %reduce_sum3A_235 = vector.multi_reduction <add>, %mul3A_234, %reduce_sum3A [0] : vector<128x8192xf32> to vector<8192xf32>
      %broadcast_in_dim3A_236 = vector.shape_cast %reduce_sum3A_235 : vector<8192xf32> to vector<1x8192xf32>
      %add3A_237 = arith.addf %get3A_232, %broadcast_in_dim3A_236 : vector<1x8192xf32>
      %swap3A = arith.constant 0 : index
      %swap3A_238 = arith.constant 0 : index
      %swap3A_239 = vector.load %arg8[%swap3A, %swap3A_238] : memref<16x8192xf32, #tpu.memory_space<vmem>>, vector<1x8192xf32>
      tpu.vector_store %arg8[%swap3A, %swap3A_238], %add3A_237 {strides = array<i32>} : memref<16x8192xf32, #tpu.memory_space<vmem>>, vector<1x8192xf32>,
      %eq3A_240 = arith.constant 1 : i32
      %eq3A_241 = vector.broadcast %eq3A_240 : i32 to vector<128x1xi32>
      %eq3A_242 = arith.cmpi eq, %add3A_221, %eq3A_241 : vector<128x1xi32>
      %convert_element_type3A_243 = arith.extui %eq3A_242 : vector<128x1xi1> to vector<128x1xi32>
      %convert_element_type3A_244 = arith.sitofp %convert_element_type3A_243 : vector<128x1xi32> to vector<128x1xf32>
      %get3A_245 = arith.constant 1 : index
      %get3A_246 = arith.constant 0 : index
      %get3A_247 = vector.load %arg8[%get3A_245, %get3A_246] : memref<16x8192xf32, #tpu.memory_space<vmem>>, vector<1x8192xf32>
      %mul3A_248 = vector.broadcast %convert_element_type3A_244 : vector<128x1xf32> to vector<128x8192xf32>
      %mul3A_249 = arith.mulf %get3A_224, %mul3A_248 : vector<128x8192xf32>
      %reduce_sum3A_250 = arith.constant dense<0.000000e+00> : vector<8192xf32>
      %reduce_sum3A_251 = vector.multi_reduction <add>, %mul3A_249, %reduce_sum3A_250 [0] : vector<128x8192xf32> to vector<8192xf32>
      %broadcast_in_dim3A_252 = vector.shape_cast %reduce_sum3A_251 : vector<8192xf32> to vector<1x8192xf32>
      %add3A_253 = arith.addf %get3A_247, %broadcast_in_dim3A_252 : vector<1x8192xf32>
      %swap3A_254 = arith.constant 1 : index
      %swap3A_255 = arith.constant 0 : index
      %swap3A_256 = vector.load %arg8[%swap3A_254, %swap3A_255] : memref<16x8192xf32, #tpu.memory_space<vmem>>, vector<1x8192xf32>
      tpu.vector_store %arg8[%swap3A_254, %swap3A_255], %add3A_253 {strides = array<i32>} : memref<16x8192xf32, #tpu.memory_space<vmem>>, vector<1x8192xf32>,
      %eq3A_257 = arith.constant 2 : i32
      %eq3A_258 = vector.broadcast %eq3A_257 : i32 to vector<128x1xi32>
      %eq3A_259 = arith.cmpi eq, %add3A_221, %eq3A_258 : vector<128x1xi32>
      %convert_element_type3A_260 = arith.extui %eq3A_259 : vector<128x1xi1> to vector<128x1xi32>
      %convert_element_type3A_261 = arith.sitofp %convert_element_type3A_260 : vector<128x1xi32> to vector<128x1xf32>
      %get3A_262 = arith.constant 2 : index
      %get3A_263 = arith.constant 0 : index
      %get3A_264 = vector.load %arg8[%get3A_262, %get3A_263] : memref<16x8192xf32, #tpu.memory_space<vmem>>, vector<1x8192xf32>
      %mul3A_265 = vector.broadcast %convert_element_type3A_261 : vector<128x1xf32> to vector<128x8192xf32>
      %mul3A_266 = arith.mulf %get3A_224, %mul3A_265 : vector<128x8192xf32>
      %reduce_sum3A_267 = arith.constant dense<0.000000e+00> : vector<8192xf32>
      %reduce_sum3A_268 = vector.multi_reduction <add>, %mul3A_266, %reduce_sum3A_267 [0] : vector<128x8192xf32> to vector<8192xf32>
      %broadcast_in_dim3A_269 = vector.shape_cast %reduce_sum3A_268 : vector<8192xf32> to vector<1x8192xf32>
      %add3A_270 = arith.addf %get3A_264, %broadcast_in_dim3A_269 : vector<1x8192xf32>
      %swap3A_271 = arith.constant 2 : index
      %swap3A_272 = arith.constant 0 : index
      %swap3A_273 = vector.load %arg8[%swap3A_271, %swap3A_272] : memref<16x8192xf32, #tpu.memory_space<vmem>>, vector<1x8192xf32>
      tpu.vector_store %arg8[%swap3A_271, %swap3A_272], %add3A_270 {strides = array<i32>} : memref<16x8192xf32, #tpu.memory_space<vmem>>, vector<1x8192xf32>,
      %eq3A_274 = arith.constant 3 : i32
      %eq3A_275 = vector.broadcast %eq3A_274 : i32 to vector<128x1xi32>
      %eq3A_276 = arith.cmpi eq, %add3A_221, %eq3A_275 : vector<128x1xi32>
      %convert_element_type3A_277 = arith.extui %eq3A_276 : vector<128x1xi1> to vector<128x1xi32>
      %convert_element_type3A_278 = arith.sitofp %convert_element_type3A_277 : vector<128x1xi32> to vector<128x1xf32>
      %get3A_279 = arith.constant 3 : index
      %get3A_280 = arith.constant 0 : index
      %get3A_281 = vector.load %arg8[%get3A_279, %get3A_280] : memref<16x8192xf32, #tpu.memory_space<vmem>>, vector<1x8192xf32>
      %mul3A_282 = vector.broadcast %convert_element_type3A_278 : vector<128x1xf32> to vector<128x8192xf32>
      %mul3A_283 = arith.mulf %get3A_224, %mul3A_282 : vector<128x8192xf32>
      %reduce_sum3A_284 = arith.constant dense<0.000000e+00> : vector<8192xf32>
      %reduce_sum3A_285 = vector.multi_reduction <add>, %mul3A_283, %reduce_sum3A_284 [0] : vector<128x8192xf32> to vector<8192xf32>
      %broadcast_in_dim3A_286 = vector.shape_cast %reduce_sum3A_285 : vector<8192xf32> to vector<1x8192xf32>
      %add3A_287 = arith.addf %get3A_281, %broadcast_in_dim3A_286 : vector<1x8192xf32>
      %swap3A_288 = arith.constant 3 : index
      %swap3A_289 = arith.constant 0 : index
      %swap3A_290 = vector.load %arg8[%swap3A_288, %swap3A_289] : memref<16x8192xf32, #tpu.memory_space<vmem>>, vector<1x8192xf32>
      tpu.vector_store %arg8[%swap3A_288, %swap3A_289], %add3A_287 {strides = array<i32>} : memref<16x8192xf32, #tpu.memory_space<vmem>>, vector<1x8192xf32>,
      %eq3A_291 = arith.constant 4 : i32
      %eq3A_292 = vector.broadcast %eq3A_291 : i32 to vector<128x1xi32>
      %eq3A_293 = arith.cmpi eq, %add3A_221, %eq3A_292 : vector<128x1xi32>
      %convert_element_type3A_294 = arith.extui %eq3A_293 : vector<128x1xi1> to vector<128x1xi32>
      %convert_element_type3A_295 = arith.sitofp %convert_element_type3A_294 : vector<128x1xi32> to vector<128x1xf32>
      %get3A_296 = arith.constant 4 : index
      %get3A_297 = arith.constant 0 : index
      %get3A_298 = vector.load %arg8[%get3A_296, %get3A_297] : memref<16x8192xf32, #tpu.memory_space<vmem>>, vector<1x8192xf32>
      %mul3A_299 = vector.broadcast %convert_element_type3A_295 : vector<128x1xf32> to vector<128x8192xf32>
      %mul3A_300 = arith.mulf %get3A_224, %mul3A_299 : vector<128x8192xf32>
      %reduce_sum3A_301 = arith.constant dense<0.000000e+00> : vector<8192xf32>
      %reduce_sum3A_302 = vector.multi_reduction <add>, %mul3A_300, %reduce_sum3A_301 [0] : vector<128x8192xf32> to vector<8192xf32>
      %broadcast_in_dim3A_303 = vector.shape_cast %reduce_sum3A_302 : vector<8192xf32> to vector<1x8192xf32>
      %add3A_304 = arith.addf %get3A_298, %broadcast_in_dim3A_303 : vector<1x8192xf32>
      %swap3A_305 = arith.constant 4 : index
      %swap3A_306 = arith.constant 0 : index
      %swap3A_307 = vector.load %arg8[%swap3A_305, %swap3A_306] : memref<16x8192xf32, #tpu.memory_space<vmem>>, vector<1x8192xf32>
      tpu.vector_store %arg8[%swap3A_305, %swap3A_306], %add3A_304 {strides = array<i32>} : memref<16x8192xf32, #tpu.memory_space<vmem>>, vector<1x8192xf32>,
      %eq3A_308 = arith.constant 5 : i32
      %eq3A_309 = vector.broadcast %eq3A_308 : i32 to vector<128x1xi32>
      %eq3A_310 = arith.cmpi eq, %add3A_221, %eq3A_309 : vector<128x1xi32>
      %convert_element_type3A_311 = arith.extui %eq3A_310 : vector<128x1xi1> to vector<128x1xi32>
      %convert_element_type3A_312 = arith.sitofp %convert_element_type3A_311 : vector<128x1xi32> to vector<128x1xf32>
      %get3A_313 = arith.constant 5 : index
      %get3A_314 = arith.constant 0 : index
      %get3A_315 = vector.load %arg8[%get3A_313, %get3A_314] : memref<16x8192xf32, #tpu.memory_space<vmem>>, vector<1x8192xf32>
      %mul3A_316 = vector.broadcast %convert_element_type3A_312 : vector<128x1xf32> to vector<128x8192xf32>
      %mul3A_317 = arith.mulf %get3A_224, %mul3A_316 : vector<128x8192xf32>
      %reduce_sum3A_318 = arith.constant dense<0.000000e+00> : vector<8192xf32>
      %reduce_sum3A_319 = vector.multi_reduction <add>, %mul3A_317, %reduce_sum3A_318 [0] : vector<128x8192xf32> to vector<8192xf32>
      %broadcast_in_dim3A_320 = vector.shape_cast %reduce_sum3A_319 : vector<8192xf32> to vector<1x8192xf32>
      %add3A_321 = arith.addf %get3A_315, %broadcast_in_dim3A_320 : vector<1x8192xf32>
      %swap3A_322 = arith.constant 5 : index
      %swap3A_323 = arith.constant 0 : index
      %swap3A_324 = vector.load %arg8[%swap3A_322, %swap3A_323] : memref<16x8192xf32, #tpu.memory_space<vmem>>, vector<1x8192xf32>
      tpu.vector_store %arg8[%swap3A_322, %swap3A_323], %add3A_321 {strides = array<i32>} : memref<16x8192xf32, #tpu.memory_space<vmem>>, vector<1x8192xf32>,
      %eq3A_325 = arith.constant 6 : i32
      %eq3A_326 = vector.broadcast %eq3A_325 : i32 to vector<128x1xi32>
      %eq3A_327 = arith.cmpi eq, %add3A_221, %eq3A_326 : vector<128x1xi32>
      %convert_element_type3A_328 = arith.extui %eq3A_327 : vector<128x1xi1> to vector<128x1xi32>
      %convert_element_type3A_329 = arith.sitofp %convert_element_type3A_328 : vector<128x1xi32> to vector<128x1xf32>
      %get3A_330 = arith.constant 6 : index
      %get3A_331 = arith.constant 0 : index
      %get3A_332 = vector.load %arg8[%get3A_330, %get3A_331] : memref<16x8192xf32, #tpu.memory_space<vmem>>, vector<1x8192xf32>
      %mul3A_333 = vector.broadcast %convert_element_type3A_329 : vector<128x1xf32> to vector<128x8192xf32>
      %mul3A_334 = arith.mulf %get3A_224, %mul3A_333 : vector<128x8192xf32>
      %reduce_sum3A_335 = arith.constant dense<0.000000e+00> : vector<8192xf32>
      %reduce_sum3A_336 = vector.multi_reduction <add>, %mul3A_334, %reduce_sum3A_335 [0] : vector<128x8192xf32> to vector<8192xf32>
      %broadcast_in_dim3A_337 = vector.shape_cast %reduce_sum3A_336 : vector<8192xf32> to vector<1x8192xf32>
      %add3A_338 = arith.addf %get3A_332, %broadcast_in_dim3A_337 : vector<1x8192xf32>
      %swap3A_339 = arith.constant 6 : index
      %swap3A_340 = arith.constant 0 : index
      %swap3A_341 = vector.load %arg8[%swap3A_339, %swap3A_340] : memref<16x8192xf32, #tpu.memory_space<vmem>>, vector<1x8192xf32>
      tpu.vector_store %arg8[%swap3A_339, %swap3A_340], %add3A_338 {strides = array<i32>} : memref<16x8192xf32, #tpu.memory_space<vmem>>, vector<1x8192xf32>,
      %eq3A_342 = arith.constant 7 : i32
      %eq3A_343 = vector.broadcast %eq3A_342 : i32 to vector<128x1xi32>
      %eq3A_344 = arith.cmpi eq, %add3A_221, %eq3A_343 : vector<128x1xi32>
      %convert_element_type3A_345 = arith.extui %eq3A_344 : vector<128x1xi1> to vector<128x1xi32>
      %convert_element_type3A_346 = arith.sitofp %convert_element_type3A_345 : vector<128x1xi32> to vector<128x1xf32>
      %get3A_347 = arith.constant 7 : index
      %get3A_348 = arith.constant 0 : index
      %get3A_349 = vector.load %arg8[%get3A_347, %get3A_348] : memref<16x8192xf32, #tpu.memory_space<vmem>>, vector<1x8192xf32>
      %mul3A_350 = vector.broadcast %convert_element_type3A_346 : vector<128x1xf32> to vector<128x8192xf32>
      %mul3A_351 = arith.mulf %get3A_224, %mul3A_350 : vector<128x8192xf32>
      %reduce_sum3A_352 = arith.constant dense<0.000000e+00> : vector<8192xf32>
      %reduce_sum3A_353 = vector.multi_reduction <add>, %mul3A_351, %reduce_sum3A_352 [0] : vector<128x8192xf32> to vector<8192xf32>
      %broadcast_in_dim3A_354 = vector.shape_cast %reduce_sum3A_353 : vector<8192xf32> to vector<1x8192xf32>
      %add3A_355 = arith.addf %get3A_349, %broadcast_in_dim3A_354 : vector<1x8192xf32>
      %swap3A_356 = arith.constant 7 : index
      %swap3A_357 = arith.constant 0 : index
      %swap3A_358 = vector.load %arg8[%swap3A_356, %swap3A_357] : memref<16x8192xf32, #tpu.memory_space<vmem>>, vector<1x8192xf32>
      tpu.vector_store %arg8[%swap3A_356, %swap3A_357], %add3A_355 {strides = array<i32>} : memref<16x8192xf32, #tpu.memory_space<vmem>>, vector<1x8192xf32>,
      %eq3A_359 = arith.constant 8 : i32
      %eq3A_360 = vector.broadcast %eq3A_359 : i32 to vector<128x1xi32>
      %eq3A_361 = arith.cmpi eq, %add3A_221, %eq3A_360 : vector<128x1xi32>
      %convert_element_type3A_362 = arith.extui %eq3A_361 : vector<128x1xi1> to vector<128x1xi32>
      %convert_element_type3A_363 = arith.sitofp %convert_element_type3A_362 : vector<128x1xi32> to vector<128x1xf32>
      %get3A_364 = arith.constant 8 : index
      %get3A_365 = arith.constant 0 : index
      %get3A_366 = vector.load %arg8[%get3A_364, %get3A_365] : memref<16x8192xf32, #tpu.memory_space<vmem>>, vector<1x8192xf32>
      %mul3A_367 = vector.broadcast %convert_element_type3A_363 : vector<128x1xf32> to vector<128x8192xf32>
      %mul3A_368 = arith.mulf %get3A_224, %mul3A_367 : vector<128x8192xf32>
      %reduce_sum3A_369 = arith.constant dense<0.000000e+00> : vector<8192xf32>
      %reduce_sum3A_370 = vector.multi_reduction <add>, %mul3A_368, %reduce_sum3A_369 [0] : vector<128x8192xf32> to vector<8192xf32>
      %broadcast_in_dim3A_371 = vector.shape_cast %reduce_sum3A_370 : vector<8192xf32> to vector<1x8192xf32>
      %add3A_372 = arith.addf %get3A_366, %broadcast_in_dim3A_371 : vector<1x8192xf32>
      %swap3A_373 = arith.constant 8 : index
      %swap3A_374 = arith.constant 0 : index
      %swap3A_375 = vector.load %arg8[%swap3A_373, %swap3A_374] : memref<16x8192xf32, #tpu.memory_space<vmem>>, vector<1x8192xf32>
      tpu.vector_store %arg8[%swap3A_373, %swap3A_374], %add3A_372 {strides = array<i32>} : memref<16x8192xf32, #tpu.memory_space<vmem>>, vector<1x8192xf32>,
    } else {
    }
    %eq3A_134 = arith.constant 39 : i32
    %eq3A_135 = arith.cmpi eq, %arg0, %eq3A_134 : i32
    %convert_element_type3A_136 = arith.extui %eq3A_135 : i1 to i32
    %cond3A_137 = arith.constant 0 : i32
    %cond3A_138 = arith.cmpi ne, %convert_element_type3A_136, %cond3A_137 : i32
    scf.if %cond3A_138 {
      %get3A_139 = arith.constant 0 : index
      %get3A_140 = arith.constant 0 : index
      %get3A_141 = vector.load %arg8[%get3A_139, %get3A_140] : memref<16x8192xf32, #tpu.memory_space<vmem>>, vector<8x8192xf32>
      %get3A_142 = arith.constant 0 : index
      %get3A_143 = arith.constant 0 : index
      %get3A_144 = vector.load %arg7[%get3A_142, %get3A_143] : memref<8192x8xf32, #tpu.memory_space<vmem>>, vector<8192x8xf32>
      %dot_general3A = arith.constant dense<0.000000e+00> : vector<8x8xf32>
      %dot_general3A_145 = tpu.matmul %get3A_141, %get3A_144, %dot_general3A {dimension_numbers = #tpu.dot_dimension_numbers<[1], [0], [0], [1], [0, 0, 1, 1], [], []>, transpose_lhs_hint = false} : vector<8x8192xf32>, vector<8192x8xf32>, vector<8x8xf32> -> vector<8x8xf32>
      %swap3A = arith.constant 0 : index
      %swap3A_146 = arith.constant 0 : index
      %swap3A_147 = vector.load %arg6[%swap3A, %swap3A_146] : memref<8x8xf32, #tpu.memory_space<vmem>>, vector<8x8xf32>
      tpu.vector_store %arg6[%swap3A, %swap3A_146], %dot_general3A_145 {strides = array<i32>} : memref<8x8xf32, #tpu.memory_space<vmem>>, vector<8x8xf32>,
    } else {
    }
    return
  }
  func.func @transform_0(%arg0: i32, %arg1: memref<16xi32, #tpu.memory_space<smem>>) -> (i32, i32) {
    %c0_i32 = arith.constant 0 : i32
    %c0_i32_0 = arith.constant 0 : i32
    %c0_i32_1 = arith.constant 0 : i32
    return %c0_i32, %c0_i32_0 : i32, i32
  }
  func.func @transform_1(%arg0: i32, %arg1: memref<16xi32, #tpu.memory_space<smem>>) -> (i32, i32) {
    %c0_i32 = arith.constant 0 : i32
    %c0_i32_0 = arith.constant 0 : i32
    %c0_i32_1 = arith.constant 0 : i32
    return %c0_i32, %c0_i32_0 : i32, i32
  }
  func.func @transform_2(%arg0: i32, %arg1: memref<16xi32, #tpu.memory_space<smem>>) -> (i32, i32) {
    %c0_i32 = arith.constant 0 : i32
    %c0_i32_0 = arith.constant 0 : i32
    %c0_i32_1 = arith.constant 0 : i32
    return %c0_i32, %c0_i32_0 : i32, i32
  }
  func.func @transform_3(%arg0: i32, %arg1: memref<16xi32, #tpu.memory_space<smem>>) -> (i32, i32) {
    %c0_i32 = arith.constant 0 : i32
    %c0_i32_0 = arith.constant 0 : i32
    return %arg0, %c0_i32 : i32, i32
  }
  func.func @transform_4(%arg0: i32, %arg1: memref<16xi32, #tpu.memory_space<smem>>) -> (i32, i32) {
    %c0_i32 = arith.constant 0 : i32
    %c0_i32_0 = arith.constant 0 : i32
    %c0_i32_1 = arith.constant 0 : i32
    return %c0_i32, %c0_i32_0 : i32, i32
  }
  func.func @transform_5(%arg0: i32, %arg1: memref<16xi32, #tpu.memory_space<smem>>) -> (i32, i32) {
    %c0_i32 = arith.constant 0 : i32
    %c0_i32_0 = arith.constant 0 : i32
    %c0_i32_1 = arith.constant 0 : i32
    return %c0_i32, %c0_i32_0 : i32, i32
  }
}

</mosaic_0001>

<sc_bundles>
// kernel: kernel.5.cloned.1.call-start
scs
__scs_entry_jumppad:
0x0: {  	(pc) =	sbr.rel $0x88, $3  }
0x1: {  	(tag) =	ssettag $0x0;
	lr =	simm.s32 $0x1  }
0x2: {  	[smem:$0x3F9C] =	sst lr;
	_ =	strace $0xD0000000  }
0x3: {  	_ = 	snop  }
0x4: {  	_ = 	snop  }
0x5: {  	_ = 	snop  }
0x6: {  	_ = 	snop  }
0x7: {  	_ = 	snop  }
__scs_overlays_trampoline_lowered:
0x8: {  	[smem:$0x3FAB] =	sst s0  }
0x9: {  	[smem:$0x3FAC] =	sst s1  }
0xa: {  	[smem:$0x3FAD] =	sst s2  }
0xb: {  	[smem:$0x3FAE] =	sst s3  }
0xc: {  	[smem:$0x3FAF] =	sst s4  }
0xd: {  	[smem:$0x3FB0] =	sst s5  }
0xe: {  	[smem:$0x3FB1] =	sst s6  }
0xf: {  	[smem:$0x3FB2] =	sst s7  }
0x10: {  	[smem:$0x3FB3] =	sst s8  }
0x11: {  	[smem:$0x3FB4] =	sst s9;
	s0 =	simm.s32 @!p0 $0x0  }
0x12: {  	s1 =	sld [smem:$0x3F9A];
	s0 =	simm.s32 @p0 $0x1  }
0x13: {  	[smem:$0x3FB5] =	sst s0;
	s0 =	simm.s32 @!p1 $0x0  }
0x14: {  	s2 =	sld [smem:$0x3F99];
	s0 =	simm.s32 @p1 $0x1  }
0x15: {  	[smem:$0x3FB6] =	sst s0;
	s0 =	simm.s32 @!p2 $0x0  }
0x16: {  	s3 =	sld [smem:$0x3FDB];
	s0 =	simm.s32 @p2 $0x1  }
0x17: {  	s4 =	simm.s32 $0x1BF5;
	[smem:$0x3FB8] =	sst s0  }
0x18: {  	s0 =	sld [smem:$0x3F9B];
	_ =	swait.ge [sflag:s4], $0x0  }
0x19: {  	s7 =	sld [smem:$0x3F9C]  }
0x1a: {  	s8 =	sadd.s32 $0xFFFFE003, lr  }
0x1b: {  	s9 =	sadd.s32 $0xFFFFFEF7, lr;
	s5 =	simm.s32 $0xFFFFFFFF;
	p2 =	slt.u32 s8, $0xFFFFF086  }
0x1c: {  	p1 =	slt.u32 s9, $0xF7A;
	s5 =	simm.s32 @!p2 $0x0  }
0x1d: {  	s5 =	simm.s32 @p1 $0x1;
	p0 =	seq.s32 s7, s2  }
0x1e: {  	s7 =	smul.u32 @!p0 $0xF7A, s2;
	p2 =	seq.s32 @!p0 s5, $0x0  }
0x1f: {  	s9 =	smul.u32 $0xF7A, s1;
	s8 =	simm.s32 @!p0 $0x1BF5;
	p2 =	por !p2, p0  }
0x20: {  	[sflag:s8] =	ssyncset.s32 @!p0 $0xFFFFF086;
	s6 =	sadd.s32 @!p0 s3, s7;
	s7 =	simm.s32 @!p0 $0x108  }
0x21: {  	s3 =	sadd.s32 s3, s9;
	s6 =	sadd.s32 @!p0 $0x88, s6;
	s7 =	simm.s32 @p2 $0x1082  }
0x22: {  	[simem:s7], [sflag:s8] =	dma.local @!p0 [hbm:s6], $0xF7A  }
0x23: {  	s9 =	sor.u32 $0xD0000000, s2;
	s6 =	simm.s32 $0x108;
	_ =	swait.ge @!p0 [sflag:s8], $0x0  }
0x24: {  	s3 =	sadd.s32 $0x88, s3;
	s6 =	simm.s32 @!p1 $0x1082;
	[sflag:s4] =	ssyncset.s32 $0xFFFFF086  }
0x25: {  	[simem:s6], [sflag:s4] =	dma.local [hbm:s3], $0xF7A  }
0x26: {  	[smem:$0x3F9C] =	sst s1;
	(tag) =	ssettag s2;
	_ =	strace s9  }
0x27: {  	s1 =	sld [smem:$0x3FAC]  }
0x28: {  	s2 =	sld [smem:$0x3FAD]  }
0x29: {  	s4 =	sld [smem:$0x3FAF]  }
0x2a: {  	p0 =	seq.s32 s5, $0x0;
	s5 =	sld [smem:$0x3FB0]  }
0x2b: {  	s6 =	sld [smem:$0x3FB1]  }
0x2c: {  	s7 =	sld [smem:$0x3FB2]  }
0x2d: {  	s3 =	simm.s32 $0x108;
	s8 =	sld [smem:$0x3FB3]  }
0x2e: {  	s3 =	simm.s32 @!p0 $0x1082;
	s9 =	sld [smem:$0x3FB4]  }
0x2f: {  	lr =	sadd.s32 s0, s3;
	s0 =	sld [smem:$0x3FAB]  }
0x30: {  	s3 =	sld [smem:$0x3FAE]  }
0x31: {  	[smem:$0x3FB7] =	sst s10  }
0x32: {  	s10 =	sld [smem:$0x3FB5];
	_ =	sdelay $0x3  }
0x33: {  	p0 =	seq.s32 s10, $0x1;
	s10 =	sld [smem:$0x3FB7];
	_ =	sdelay $0x3  }
0x34: {  	[smem:$0x3FB7] =	sst s10  }
0x35: {  	s10 =	sld [smem:$0x3FB6];
	_ =	sdelay $0x3  }
0x36: {  	p1 =	seq.s32 s10, $0x1;
	s10 =	sld [smem:$0x3FB7];
	_ =	sdelay $0x3  }
0x37: {  	[smem:$0x3FB7] =	sst s10  }
0x38: {  	s10 =	sld [smem:$0x3FB8]  }
0x39: {  	_ = 	snop;
	(pc) =	sbr.ind lr, $3  }
0x3a: {  	_ = 	snop  }
0x3b: {  	_ = 	snop  }
0x3c: {  	p2 =	seq.s32 s10, $0x1;
	s10 =	sld [smem:$0x3FB7]  }
0x3d: {  	_ =	shalt  }
0x3e: {  	_ =	shalt  }
0x3f: {  	_ =	shalt  }
0x40: {  	_ =	shalt  }
0x41: {  	_ =	shalt  }
0x42: {  	_ =	shalt  }
0x43: {  	_ =	shalt  }
0x44: {  	_ =	shalt  }
0x45: {  	_ =	shalt  }
0x46: {  	_ =	shalt  }
0x47: {  	_ =	shalt  }
0x48: {  	_ =	shalt  }
0x49: {  	_ =	shalt  }
0x4a: {  	_ =	shalt  }
0x4b: {  	_ =	shalt  }
0x4c: {  	_ =	shalt  }
0x4d: {  	_ =	shalt  }
0x4e: {  	_ =	shalt  }
0x4f: {  	_ =	shalt  }
0x50: {  	_ =	shalt  }
0x51: {  	_ =	shalt  }
0x52: {  	_ =	shalt  }
0x53: {  	_ =	shalt  }
0x54: {  	_ =	shalt  }
0x55: {  	_ =	shalt  }
0x56: {  	_ =	shalt  }
0x57: {  	_ =	shalt  }
0x58: {  	_ =	shalt  }
0x59: {  	_ =	shalt  }
0x5a: {  	_ =	shalt  }
0x5b: {  	_ =	shalt  }
0x5c: {  	_ =	shalt  }
0x5d: {  	_ =	shalt  }
0x5e: {  	_ =	shalt  }
0x5f: {  	_ =	shalt  }
0x60: {  	_ =	shalt  }
0x61: {  	_ =	shalt  }
0x62: {  	_ =	shalt  }
0x63: {  	_ =	shalt  }
0x64: {  	_ =	shalt  }
0x65: {  	_ =	shalt  }
0x66: {  	_ =	shalt  }
0x67: {  	_ =	shalt  }
0x68: {  	_ =	shalt  }
0x69: {  	_ =	shalt  }
0x6a: {  	_ =	shalt  }
0x6b: {  	_ =	shalt  }
0x6c: {  	_ =	shalt  }
0x6d: {  	_ =	shalt  }
0x6e: {  	_ =	shalt  }
0x6f: {  	_ =	shalt  }
0x70: {  	_ =	shalt  }
0x71: {  	_ =	shalt  }
0x72: {  	_ =	shalt  }
0x73: {  	_ =	shalt  }
0x74: {  	_ =	shalt  }
0x75: {  	_ =	shalt  }
0x76: {  	_ =	shalt  }
0x77: {  	_ =	shalt  }
0x78: {  	_ =	shalt  }
0x79: {  	_ =	shalt  }
0x7a: {  	_ =	shalt  }
0x7b: {  	_ =	shalt  }
0x7c: {  	_ =	shalt  }
0x7d: {  	_ =	shalt  }
0x7e: {  	_ =	shalt  }
0x7f: {  	_ =	shalt  }
0x80: {  	_ =	shalt  }
0x81: {  	_ =	shalt  }
0x82: {  	_ =	shalt  }
0x83: {  	_ =	shalt  }
0x84: {  	_ =	shalt  }
0x85: {  	_ =	shalt  }
0x86: {  	_ =	shalt  }
0x87: {  	_ =	shalt  }
.Lfunc_end0:
.L_simem_size_0:
called_computation_lowered:
.L_overlay_start_0:
0x88: {  	s2 =	sld [smem:$0x3FD9]  }
0x89: {  	s3 =	sld [smem:$0x3FFE];
	_ =	sdelay $0x1  }
0x8a: {  	s1 =	srdreg.scid  }
0x8b: {  	s0 =	sand.u32 $0x1, s1  }
0x8c: {  	s17 =	sshll.u32 s0, $0xA;
	s2 =	sadd.s32 s3, s2  }
0x8d: {  	s2 =	sadd.s32 s2, s17  }
0x8e: {  	[smem:$0x3FC3] =	sst s2  }
0x8f: {  	_ = 	snop  }
0x90: {  	s2 =	sld [smem:$0x3FC7]  }
0x91: {  	s18 =	sld [smem:$0x3FD0];
	(tm) =	ssettm $0x1  }
0x92: {  	s4 =	sld [smem:$0x3FFB];
	_ =	sdelay $0x3  }
0x93: {  	_ =	strace s4  }
0x94: {  	s4 =	sld [smem:$0x3FFC];
	_ =	sdelay $0x3  }
0x95: {  	_ =	strace s4  }
0x96: {  	s4 =	sld [smem:$0x3FFD];
	_ =	sdelay $0x3  }
0x97: {  	_ =	strace s4  }
0x98: {  	_ =	strace $0x8FFFFFFF  }
0x99: {  	s19 =	sld [smem:$0x3FDB];
	_ =	sdelay $0x1  }
0x9a: {  	s5 =	simm.s32 $_scs_section_size  }
0x9b: {  	s6 =	simm.s32 $_size__tile_overlayer_lowered;
	s7 =	simm.s32 $_tile_overlayer_lowered  }
0x9c: {  	s22 =	simm.s32 $0x1BFF;
	s21 =	sshll.u32 s7, $0x1;
	s4 =	sadd.s32 s5, s19  }
0x9d: {  	s8 =	simm.s32 $0x0;
	s20 =	sshll.u32 s6, $0x1;
	s6 =	sadd.s32 s21, s4  }
0x9e: {  	[timem:s8], [sflag:s22] =	dma.local [hbm:s6], s20  }
0x9f: {  	_ =	swait.ge [sflag:s22], s20  }
0xa0: {  	s5 =	ssub.s32 $0x0, s20;
	[sflag:s22] =	ssyncset.done $0x0  }
0xa1: {  	[sflag:s22] =	ssyncadd.s32 s5;
	_ =	sdelay $0x1  }
0xa2: {  	s23 =	simm.s32 $0x1B8B  }
0xa3: {  	_ =	swait.ge [sflag:s23], $0x1  }
0xa4: {  	[sflag:s23] =	ssyncset.done $0x0  }
0xa5: {  	s25 =	simm.s32 $0x1B8E;
	s24 =	sld [smem:$0x3FFE];
	[sflag:s23] =	ssyncadd.s32 $0xFFFFFFFF  }
0xa6: {  	s26 =	simm.s32 $execute0_lowered;
	[smem:$0x3FD2] =	sst s25  }
0xa7: {  	s6 =	sshll.u32 s26, $0x1;
	_ =	strace $0x80000046;
	[dreg:$0x1] =	wrdreg $0xFFFFFFFF  }
0xa8: {  	s28 =	simm.s32 $_size_execute0_lowered;
	s4 =	sadd.s32 s4, s6;
	[dreg:$0x0] =	wrdreg $0x0  }
0xa9: {  	s6 =	sshll.u32 s28, $0x1;
	[dreg:$0x2] =	wrdreg s4  }
0xaa: {  	[dreg:$0x3] =	wrdreg s6  }
0xab: {  	[dreg:$0x4] =	wrdreg $0xC0  }
0xac: {  	_ =	task [dreg:s8], $0x5FFFF  }
0xad: {  	[dreg:$0x1] =	wrdreg $0xFFFFFFFF  }
0xae: {  	[dreg:$0x0] =	wrdreg $0x60  }
0xaf: {  	[dreg:$0x2] =	wrdreg s18  }
0xb0: {  	[dreg:$0x3] =	wrdreg s2  }
0xb1: {  	[dreg:$0x4] =	wrdreg s24  }
0xb2: {  	[dreg:$0x5] =	wrdreg $0x9  }
0xb3: {  	_ =	task.clear_ibuf [dreg:s8], $0x6FFFF;
	_ =	strace $0x90000046  }
0xb4: {  	s29 =	simm.s32 $0x9;
	_ =	strace $0x80000048  }
0xb5: {  	_ =	swait.ge [sflag:s29], $0x1  }
0xb6: {  	[sflag:s29] =	ssyncadd.s32 $0xFFFFFFFF  }
0xb7: {  	_ =	strace $0x90000048  }
0xb8: {  	_ =	sfence  }
0xb9: {  	s30 =	sld [smem:$0x0];
	_ =	sdelay $0x2  }
0xba: {  	s31 =	sshll.u32 s1, $0xD;
	s1 =	sshrl.u32 s1, $0x2  }
0xbb: {  	s3 =	sand.u32 $0x4000, s31;
	s1 =	sadd.s32 s1, s30  }
0xbc: {  	s0 =	sor.u32 s3, s0;
	s1 =	sshll.u32 s1, $0x11  }
0xbd: {  	s0 =	sor.u32 s1, s0  }
0xbe: {  	s0 =	sadd.s32 $0x8F2B, s0  }
0xbf: {  	[sflag:s0] =	ssyncadd.remote.s32 $0x1  }
0xc0: {  	_ =	sfence.sel $0xFFFF  }
0xc1: {  	[dreg:$0x0] =	wrdreg $0xFFFFFFFF;
	(pc) =	sbr.abs _section_cstart, $3  }
0xc2: {  	[dreg:$0x1] =	wrdreg $0xFFFFFFFF  }
0xc3: {  	_ =	task.clear_ibuf [dreg:s8], $0x2FFFF;
	_ =	strace $0x9FFFFFFF  }
0xc4: {  	(tm) =	ssettm $0x7FFFFFFF  }
0xc5: {  	_ =	shalt  }
tec
execute0_lowered:
.L_overlay_start_1:
0x0: {  	(tag) =	ssettag $0x1  }
0x1: {  	s3 =	rddreg [dreg:$0x1]  }
0x2: {  	s0 =	rddreg [dreg:$0x2]  }
0x3: {  	s1 =	srdreg.scid;
	s2 =	stileid.u32  }
0x4: {  	s8 =	simm.s32 $0x0;
	s10 =	simm.s32 $0x3;
	s11 =	simm.s32 $0x800  }
0x5: {  	s12 =	simm.s32 $0x10000;
	s14 =	simm.s32 $0x8080;
	s15 =	simm.s32 $0x1  }
0x6: {  	s16 =	simm.s32 $0x2;
	s1 =	sand.u32 $0x1, s1;
	s2 =	sshll.u32 s2, $0x1  }
0x7: {  	s18 =	simm.s32 $0x0;
	[smem:$0x7FF] =	sst s8;
	s2 =	sor.u32 s1, s2  }
0x8: {  	s1 =	ssub.s32 $0x2, s1;
	s4 =	sshll.u32 s2, $0x9;
	s30 =	sshll.u32 s2, $0x8  }
.Ltmp0:
0x9: {  	s0 =	sadd.s32 s4, s0;
	s4 =	sadd.s32 s30, s3;
	(pc) =	sbr.rel .LBB2_1-.Ltmp0, $4  }
0xa: {  	_ =	strace $0x80000047;
	s5 =	sshrl.u32 s1, $0x1;
	s4 =	sadd.s32 $0x500000, s4  }
0xb: {  	s1 =	ssub.s32 s1, s5;
	s0 =	sadd.s32 $0x1000, s0;
	[dreg:$0x4] =	wrdreg s4  }
0xc: {  	s2 =	sshll.u32 s2, $0xB;
	s31 =	smax.u32 s1, $0x1;
	[dreg:$0x5] =	wrdreg s0  }
0xd: {  	v0 =	vimm.f32 $0.0e+00;
	s6 =	sor.u32 $0x2800000, s2;
	s7 =	sor.u32 $0x2A00000, s2;
	[dreg:$0x6] =	wrdreg s31  }
.LBB2_17:
0xe: {  	s8 =	simm.s32 $0x0;
	s0 =	rddreg [dreg:$0x5];
	s1 =	simm.s32 $0x10080  }
0xf: {  	[hbm4b:s0+s8] =	stream.linear.scatter [tilespmem:s1], [sflag:$0x3], $0x1000, $0x38;
	[tilespmem:$0x11080] =	vst v63  }
0x10: {  	_ =	swait.ge [sflag:s10], $0x1000  }
0x11: {  	s18 =	sadd.s32 $0x1, s18;
	s31 =	rddreg [dreg:$0x6]  }
0x12: {  	p0 =	sne.s32 s18, s31  }
.Ltmp1:
0x13: {  	_ = 	snop;
	(pc) =	sbr.rel @!p0 .LBB2_18-.Ltmp1, $3  }
0x14: {  	_ =	sdelay $0x1  }
0x15: {  	[sflag:s10] =	ssyncset.done $0x0  }
0x16: {  	[sflag:s10] =	ssyncadd.s32 $0xFFFFF000  }
.LBB2_1:
0x17: {  	s0 =	rddreg [dreg:$0x0]  }
0x18: {  	[tilespmem:s8], [sflag:$0x3] =	stream.linear.gather [hbm4b:s0+s8], $0x80, $0x38;
	[tilespmem:$0x11080] =	vst v63  }
0x19: {  	_ =	swait.ge [sflag:s10], $0x80  }
0x1a: {  	[sflag:s10] =	ssyncset.done $0x0  }
0x1b: {  	[sflag:s10] =	ssyncadd.s32 $0xFFFFFF80  }
0x1c: {  	[tilespmem:$0x10080] =	vst v0  }
0x1d: {  	[tilespmem:$0x10090] =	vst v0  }
0x1e: {  	[tilespmem:$0x100A0] =	vst v0  }
0x1f: {  	[tilespmem:$0x100B0] =	vst v0  }
0x20: {  	[tilespmem:$0x100C0] =	vst v0  }
0x21: {  	[tilespmem:$0x100D0] =	vst v0  }
0x22: {  	[tilespmem:$0x100E0] =	vst v0  }
0x23: {  	[tilespmem:$0x100F0] =	vst v0  }
0x24: {  	[tilespmem:$0x10480] =	vst v0  }
0x25: {  	[tilespmem:$0x10490] =	vst v0  }
0x26: {  	[tilespmem:$0x104A0] =	vst v0  }
0x27: {  	[tilespmem:$0x104B0] =	vst v0  }
0x28: {  	[tilespmem:$0x104C0] =	vst v0  }
0x29: {  	[tilespmem:$0x104D0] =	vst v0  }
0x2a: {  	[tilespmem:$0x104E0] =	vst v0  }
0x2b: {  	[tilespmem:$0x104F0] =	vst v0  }
0x2c: {  	[tilespmem:$0x10100] =	vst v0  }
0x2d: {  	[tilespmem:$0x10110] =	vst v0  }
0x2e: {  	[tilespmem:$0x10120] =	vst v0  }
0x2f: {  	[tilespmem:$0x10130] =	vst v0  }
0x30: {  	[tilespmem:$0x10140] =	vst v0  }
0x31: {  	[tilespmem:$0x10150] =	vst v0  }
0x32: {  	[tilespmem:$0x10160] =	vst v0  }
0x33: {  	[tilespmem:$0x10170] =	vst v0  }
0x34: {  	[tilespmem:$0x10500] =	vst v0  }
0x35: {  	[tilespmem:$0x10510] =	vst v0  }
0x36: {  	[tilespmem:$0x10520] =	vst v0  }
0x37: {  	[tilespmem:$0x10530] =	vst v0  }
0x38: {  	[tilespmem:$0x10540] =	vst v0  }
0x39: {  	[tilespmem:$0x10550] =	vst v0  }
0x3a: {  	[tilespmem:$0x10560] =	vst v0  }
0x3b: {  	[tilespmem:$0x10570] =	vst v0  }
0x3c: {  	[tilespmem:$0x10180] =	vst v0  }
0x3d: {  	[tilespmem:$0x10190] =	vst v0  }
0x3e: {  	[tilespmem:$0x101A0] =	vst v0  }
0x3f: {  	[tilespmem:$0x101B0] =	vst v0  }
0x40: {  	[tilespmem:$0x101C0] =	vst v0  }
0x41: {  	[tilespmem:$0x101D0] =	vst v0  }
0x42: {  	[tilespmem:$0x101E0] =	vst v0  }
0x43: {  	[tilespmem:$0x101F0] =	vst v0  }
0x44: {  	[tilespmem:$0x10580] =	vst v0  }
0x45: {  	[tilespmem:$0x10590] =	vst v0  }
0x46: {  	[tilespmem:$0x105A0] =	vst v0  }
0x47: {  	[tilespmem:$0x105B0] =	vst v0  }
0x48: {  	[tilespmem:$0x105C0] =	vst v0  }
0x49: {  	[tilespmem:$0x105D0] =	vst v0  }
0x4a: {  	[tilespmem:$0x105E0] =	vst v0  }
0x4b: {  	[tilespmem:$0x105F0] =	vst v0  }
0x4c: {  	[tilespmem:$0x10200] =	vst v0  }
0x4d: {  	[tilespmem:$0x10210] =	vst v0  }
0x4e: {  	[tilespmem:$0x10220] =	vst v0  }
0x4f: {  	[tilespmem:$0x10230] =	vst v0  }
0x50: {  	[tilespmem:$0x10240] =	vst v0  }
0x51: {  	[tilespmem:$0x10250] =	vst v0  }
0x52: {  	[tilespmem:$0x10260] =	vst v0  }
0x53: {  	[tilespmem:$0x10270] =	vst v0  }
0x54: {  	[tilespmem:$0x10600] =	vst v0  }
0x55: {  	[tilespmem:$0x10610] =	vst v0  }
0x56: {  	[tilespmem:$0x10620] =	vst v0  }
0x57: {  	[tilespmem:$0x10630] =	vst v0  }
0x58: {  	[tilespmem:$0x10640] =	vst v0  }
0x59: {  	[tilespmem:$0x10650] =	vst v0  }
0x5a: {  	[tilespmem:$0x10660] =	vst v0  }
0x5b: {  	[tilespmem:$0x10670] =	vst v0  }
0x5c: {  	[tilespmem:$0x10280] =	vst v0  }
0x5d: {  	[tilespmem:$0x10290] =	vst v0  }
0x5e: {  	[tilespmem:$0x102A0] =	vst v0  }
0x5f: {  	[tilespmem:$0x102B0] =	vst v0  }
0x60: {  	[tilespmem:$0x102C0] =	vst v0  }
0x61: {  	[tilespmem:$0x102D0] =	vst v0  }
0x62: {  	[tilespmem:$0x102E0] =	vst v0  }
0x63: {  	[tilespmem:$0x102F0] =	vst v0  }
0x64: {  	[tilespmem:$0x10680] =	vst v0  }
0x65: {  	[tilespmem:$0x10690] =	vst v0  }
0x66: {  	[tilespmem:$0x106A0] =	vst v0  }
0x67: {  	[tilespmem:$0x106B0] =	vst v0  }
0x68: {  	[tilespmem:$0x106C0] =	vst v0  }
0x69: {  	[tilespmem:$0x106D0] =	vst v0  }
0x6a: {  	[tilespmem:$0x106E0] =	vst v0  }
0x6b: {  	[tilespmem:$0x106F0] =	vst v0  }
0x6c: {  	[tilespmem:$0x10300] =	vst v0  }
0x6d: {  	[tilespmem:$0x10310] =	vst v0  }
0x6e: {  	[tilespmem:$0x10320] =	vst v0  }
0x6f: {  	[tilespmem:$0x10330] =	vst v0  }
0x70: {  	[tilespmem:$0x10340] =	vst v0  }
0x71: {  	[tilespmem:$0x10350] =	vst v0  }
0x72: {  	[tilespmem:$0x10360] =	vst v0  }
0x73: {  	[tilespmem:$0x10370] =	vst v0  }
0x74: {  	[tilespmem:$0x10700] =	vst v0  }
0x75: {  	[tilespmem:$0x10710] =	vst v0  }
0x76: {  	[tilespmem:$0x10720] =	vst v0  }
0x77: {  	[tilespmem:$0x10730] =	vst v0  }
0x78: {  	[tilespmem:$0x10740] =	vst v0  }
0x79: {  	[tilespmem:$0x10750] =	vst v0  }
0x7a: {  	[tilespmem:$0x10760] =	vst v0  }
0x7b: {  	[tilespmem:$0x10770] =	vst v0  }
0x7c: {  	[tilespmem:$0x10380] =	vst v0  }
0x7d: {  	[tilespmem:$0x10390] =	vst v0  }
0x7e: {  	[tilespmem:$0x103A0] =	vst v0  }
0x7f: {  	[tilespmem:$0x103B0] =	vst v0  }
0x80: {  	[tilespmem:$0x103C0] =	vst v0  }
0x81: {  	[tilespmem:$0x103D0] =	vst v0  }
0x82: {  	[tilespmem:$0x103E0] =	vst v0  }
0x83: {  	[tilespmem:$0x103F0] =	vst v0  }
0x84: {  	[tilespmem:$0x10780] =	vst v0  }
0x85: {  	[tilespmem:$0x10790] =	vst v0  }
0x86: {  	[tilespmem:$0x107A0] =	vst v0  }
0x87: {  	[tilespmem:$0x107B0] =	vst v0  }
0x88: {  	[tilespmem:$0x107C0] =	vst v0  }
0x89: {  	[tilespmem:$0x107D0] =	vst v0  }
0x8a: {  	[tilespmem:$0x107E0] =	vst v0  }
0x8b: {  	[tilespmem:$0x107F0] =	vst v0  }
0x8c: {  	[tilespmem:$0x10400] =	vst v0  }
0x8d: {  	[tilespmem:$0x10410] =	vst v0  }
0x8e: {  	[tilespmem:$0x10420] =	vst v0  }
0x8f: {  	[tilespmem:$0x10430] =	vst v0  }
0x90: {  	[tilespmem:$0x10440] =	vst v0  }
0x91: {  	[tilespmem:$0x10450] =	vst v0  }
0x92: {  	[tilespmem:$0x10460] =	vst v0  }
0x93: {  	[tilespmem:$0x10470] =	vst v0  }
0x94: {  	[tilespmem:$0x10800] =	vst v0  }
0x95: {  	[tilespmem:$0x10810] =	vst v0  }
0x96: {  	[tilespmem:$0x10820] =	vst v0  }
0x97: {  	[tilespmem:$0x10830] =	vst v0  }
0x98: {  	[tilespmem:$0x10840] =	vst v0  }
0x99: {  	v1 =	vld [tilespmem:$0x0];
	[tilespmem:$0x10850] =	vst v0  }
0x9a: {  	v2 =	vld [tilespmem:$0x10];
	[tilespmem:$0x10860] =	vst v0  }
0x9b: {  	v3 =	vld [tilespmem:$0x20];
	[tilespmem:$0x10870] =	vst v0  }
0x9c: {  	v4 =	vld [tilespmem:$0x30];
	[tilespmem:$0x10880] =	vst v0  }
0x9d: {  	v5 =	vld [tilespmem:$0x40];
	[tilespmem:$0x10890] =	vst v0  }
0x9e: {  	[tilespmem:$0x108A0] =	vst v0;
	(v2sf) =	vpush v1, $0x0;
	v1 =	vld [tilespmem:$0x50]  }
0x9f: {  	[tilespmem:$0x108B0] =	vst v0;
	(v2sf) =	vpush v2, $0x0;
	v2 =	vld [tilespmem:$0x60]  }
0xa0: {  	[tilespmem:$0x108C0] =	vst v0;
	(v2sf) =	vpush v3, $0x0;
	v3 =	vld [tilespmem:$0x70]  }
0xa1: {  	[tilespmem:$0x108D0] =	vst v0;
	(v2sf) =	vpush v4, $0x0  }
0xa2: {  	[tilespmem:$0x108E0] =	vst v0;
	(v2sf) =	vpush v5, $0x0  }
0xa3: {  	[tilespmem:$0x108F0] =	vst v0;
	(v2sf) =	vpush v1, $0x0  }
0xa4: {  	[tilespmem:$0x10C80] =	vst v0;
	(v2sf) =	vpush v2, $0x0  }
0xa5: {  	[tilespmem:$0x10C90] =	vst v0;
	(v2sf) =	vpush v3, $0x0  }
0xa6: {  	[tilespmem:$0x10CA0] =	vst v0  }
0xa7: {  	[tilespmem:$0x10CB0] =	vst v0  }
0xa8: {  	[tilespmem:$0x10CC0] =	vst v0  }
0xa9: {  	[tilespmem:$0x10CD0] =	vst v0  }
0xaa: {  	[tilespmem:$0x10CE0] =	vst v0  }
0xab: {  	s1 =	simm.s32 $0x80;
	s31 =	rddreg [dreg:$0x4];
	[tilespmem:$0x10CF0] =	vst v0  }
0xac: {  	[tilespmem:s1], [sflag:$0x1] =	stream.strided.gather [hbm4b:s31+s11], $0x8000, s12, s11, $0x38;
	[tilespmem:$0x11080] =	vst v63  }
0xad: {  	s19 =	spop (v2sf)  }
0xae: {  	s20 =	spop (v2sf)  }
0xaf: {  	s21 =	spop (v2sf)  }
.Ltmp2:
0xb0: {  	s22 =	spop (v2sf);
	(pc) =	sbr.rel .LBB2_2-.Ltmp2, $4  }
0xb1: {  	s23 =	spop (v2sf)  }
0xb2: {  	s24 =	spop (v2sf)  }
0xb3: {  	s28 =	simm.s32 $0x1400;
	s25 =	spop (v2sf)  }
0xb4: {  	s29 =	simm.s32 $0x1480;
	s30 =	simm.s32 $0x0;
	s26 =	spop (v2sf)  }
.LBB2_15:
0xb5: {  	s2 =	sand.u32 $0x7FFFF800, s5;
	s4 =	sand.u32 $0x380, s8;
	v1 =	vadd.f32 v2, v1  }
0xb6: {  	s17 =	sand.u32 $0x7800, s13;
	s1 =	sand.u32 $0x380, s1;
	s2 =	sor.u32 s4, s2  }
0xb7: {  	s1 =	sor.u32 s1, s17;
	v2 =	vld [tilespmem:s2+$0x10080];
	[tilespmem:s0+$0x470] =	vst v1  }
0xb8: {  	v1 =	vld [tilespmem:s1+$0x8080];
	_ =	sdelay $0x4  }
0xb9: {  	v1 =	vadd.f32 v1, v2;
	_ =	sdelay $0x1  }
0xba: {  	s31 =	sadd.s32 $0x10080, s2;
	[tilespmem:s2+$0x10080] =	vst v1  }
0xbb: {  	v1 =	vld [tilespmem:s31+$0x10]  }
0xbc: {  	v2 =	vld [tilespmem:s1+$0x8090];
	_ =	sdelay $0x4  }
0xbd: {  	v1 =	vadd.f32 v2, v1;
	_ =	sdelay $0x1  }
0xbe: {  	v2 =	vld [tilespmem:s31+$0x20];
	[tilespmem:s31+$0x10] =	vst v1  }
0xbf: {  	v1 =	vld [tilespmem:s1+$0x80A0];
	_ =	sdelay $0x4  }
0xc0: {  	v1 =	vadd.f32 v1, v2;
	_ =	sdelay $0x1  }
0xc1: {  	v2 =	vld [tilespmem:s31+$0x30];
	[tilespmem:s31+$0x20] =	vst v1  }
0xc2: {  	v1 =	vld [tilespmem:s1+$0x80B0];
	_ =	sdelay $0x4  }
0xc3: {  	v1 =	vadd.f32 v1, v2;
	_ =	sdelay $0x1  }
0xc4: {  	v2 =	vld [tilespmem:s31+$0x40];
	[tilespmem:s31+$0x30] =	vst v1  }
0xc5: {  	v1 =	vld [tilespmem:s1+$0x80C0];
	_ =	sdelay $0x4  }
0xc6: {  	v1 =	vadd.f32 v1, v2;
	_ =	sdelay $0x1  }
0xc7: {  	v2 =	vld [tilespmem:s31+$0x50];
	[tilespmem:s31+$0x40] =	vst v1  }
0xc8: {  	v1 =	vld [tilespmem:s1+$0x80D0];
	_ =	sdelay $0x4  }
0xc9: {  	v1 =	vadd.f32 v1, v2;
	_ =	sdelay $0x1  }
0xca: {  	v2 =	vld [tilespmem:s31+$0x60];
	[tilespmem:s31+$0x50] =	vst v1  }
0xcb: {  	v1 =	vld [tilespmem:s1+$0x80E0];
	_ =	sdelay $0x4  }
0xcc: {  	v1 =	vadd.f32 v1, v2;
	_ =	sdelay $0x1  }
0xcd: {  	v2 =	vld [tilespmem:s31+$0x70];
	[tilespmem:s31+$0x60] =	vst v1  }
0xce: {  	v1 =	vld [tilespmem:s1+$0x80F0];
	_ =	sdelay $0x4  }
0xcf: {  	v1 =	vadd.f32 v1, v2;
	_ =	sdelay $0x1  }
0xd0: {  	v2 =	vld [tilespmem:s31+$0x400];
	[tilespmem:s31+$0x70] =	vst v1  }
0xd1: {  	v1 =	vld [tilespmem:s1+$0x8480];
	_ =	sdelay $0x4  }
0xd2: {  	v1 =	vadd.f32 v1, v2;
	_ =	sdelay $0x1  }
0xd3: {  	v2 =	vld [tilespmem:s31+$0x410];
	[tilespmem:s31+$0x400] =	vst v1  }
0xd4: {  	v1 =	vld [tilespmem:s1+$0x8490];
	_ =	sdelay $0x4  }
0xd5: {  	v1 =	vadd.f32 v1, v2;
	_ =	sdelay $0x1  }
0xd6: {  	v2 =	vld [tilespmem:s31+$0x420];
	[tilespmem:s31+$0x410] =	vst v1  }
0xd7: {  	v1 =	vld [tilespmem:s1+$0x84A0];
	_ =	sdelay $0x4  }
0xd8: {  	v1 =	vadd.f32 v1, v2;
	_ =	sdelay $0x1  }
0xd9: {  	v2 =	vld [tilespmem:s31+$0x430];
	[tilespmem:s31+$0x420] =	vst v1  }
0xda: {  	v1 =	vld [tilespmem:s1+$0x84B0];
	_ =	sdelay $0x4  }
0xdb: {  	v1 =	vadd.f32 v1, v2;
	_ =	sdelay $0x1  }
0xdc: {  	v2 =	vld [tilespmem:s31+$0x440];
	[tilespmem:s31+$0x430] =	vst v1  }
0xdd: {  	v1 =	vld [tilespmem:s1+$0x84C0];
	_ =	sdelay $0x4  }
0xde: {  	v1 =	vadd.f32 v1, v2;
	_ =	sdelay $0x1  }
0xdf: {  	v2 =	vld [tilespmem:s31+$0x450];
	[tilespmem:s31+$0x440] =	vst v1  }
0xe0: {  	v1 =	vld [tilespmem:s1+$0x84D0];
	_ =	sdelay $0x4  }
0xe1: {  	v1 =	vadd.f32 v1, v2;
	_ =	sdelay $0x1  }
0xe2: {  	v2 =	vld [tilespmem:s31+$0x460];
	[tilespmem:s31+$0x450] =	vst v1  }
0xe3: {  	v1 =	vld [tilespmem:s1+$0x84E0];
	_ =	sdelay $0x4  }
0xe4: {  	v1 =	vadd.f32 v1, v2;
	_ =	sdelay $0x1  }
0xe5: {  	v2 =	vld [tilespmem:s31+$0x470];
	[tilespmem:s31+$0x460] =	vst v1  }
0xe6: {  	v1 =	vld [tilespmem:s1+$0x84F0];
	_ =	sdelay $0x4  }
0xe7: {  	v1 =	vadd.f32 v1, v2;
	_ =	sdelay $0x1  }
0xe8: {  	[tilespmem:s31+$0x470] =	vst v1  }
.LBB2_16:
0xe9: {  	s30 =	sadd.s32 $0x1, s30  }
0xea: {  	p0 =	sne.s32 s30, $0xC  }
.Ltmp3:
0xeb: {  	_ = 	snop;
	(pc) =	sbr.rel @!p0 .LBB2_17-.Ltmp3, $2  }
0xec: {  	_ =	sdelay $0x2  }
0xed: {  	s28 =	sadd.s32 $0x100, s28;
	s29 =	sadd.s32 $0x100, s29  }
.LBB2_2:
0xee: {  	s31 =	sshllo.u32 s30, $0x1;
	s9 =	sshll.u32 s30, $0x8  }
0xef: {  	s2 =	simm.s32 $0x1;
	s4 =	simm.s32 $0x1;
	s0 =	sshll.u32 s31, $0x14  }
0xf0: {  	s5 =	simm.s32 $0x1;
	s1 =	sadd.s32 $0x1400, s9;
	s0 =	sadd.s32 s6, s0  }
0xf1: {  	p0 =	sle.s32 s19, s1;
	p1 =	sle.s32 s20, s1;
	s0 =	sshrl.u32 s0, $0x3  }
0xf2: {  	s2 =	simm.s32 @!p0 $0x0;
	s4 =	simm.s32 @!p1 $0x0;
	p0 =	sle.s32 s21, s1  }
0xf3: {  	s0 =	sadd.s32 s3, s0;
	s2 =	sadd.s32 s4, s2;
	s4 =	simm.s32 $0x1  }
0xf4: {  	[tilespmem:s14], [sflag:$0x2] =	stream.strided.gather [hbm4b:s0+s11], $0x8000, s12, s11, $0x38;
	[tilespmem:$0x11080] =	vst v63  }
0xf5: {  	s8 =	simm.s32 $0x1;
	s4 =	simm.s32 @!p0 $0x0;
	p0 =	sle.s32 s22, s1  }
0xf6: {  	s0 =	sadd.s32 $0x147F, s9;
	s2 =	sadd.s32 s4, s2;
	s5 =	simm.s32 @!p0 $0x0  }
0xf7: {  	p0 =	sle.s32 s23, s1;
	s4 =	simm.s32 $0x1;
	p1 =	sle.s32 s20, s0  }
0xf8: {  	s2 =	sadd.s32 s5, s2;
	s4 =	simm.s32 @!p0 $0x0;
	p0 =	sle.s32 s24, s1  }
0xf9: {  	s5 =	simm.s32 $0x1;
	s8 =	simm.s32 @!p1 $0x0;
	s2 =	sadd.s32 s4, s2  }
0xfa: {  	s5 =	simm.s32 @!p0 $0x0;
	p0 =	sle.s32 s25, s1;
	s4 =	simm.s32 $0x1  }
0xfb: {  	p1 =	sle.s32 s22, s0;
	s2 =	sadd.s32 s5, s2;
	s4 =	simm.s32 @!p0 $0x0  }
0xfc: {  	p0 =	sle.s32 s19, s0;
	s5 =	simm.s32 $0x1;
	s2 =	sadd.s32 s4, s2  }
0xfd: {  	s5 =	simm.s32 @!p0 $0x0;
	p0 =	sle.s32 s21, s0;
	s4 =	simm.s32 $0x1  }
0xfe: {  	s13 =	sadd.s32 s8, s5;
	s5 =	simm.s32 $0x1;
	s8 =	simm.s32 $0x1  }
0xff: {  	s5 =	simm.s32 @!p0 $0x0;
	s8 =	simm.s32 @!p1 $0x0;
	p1 =	sle.s32 s23, s0  }
0x100: {  	p0 =	sle.s32 s26, s1;
	s17 =	sadd.s32 s5, s13;
	s4 =	simm.s32 @!p1 $0x0  }
0x101: {  	p1 =	sle.s32 s24, s0;
	s5 =	simm.s32 $0x1;
	s1 =	sadd.s32 s8, s17  }
0x102: {  	s5 =	simm.s32 @!p1 $0x0;
	p1 =	sle.s32 s25, s0;
	s1 =	sadd.s32 s4, s1  }
0x103: {  	s4 =	simm.s32 $0x1;
	s1 =	sadd.s32 s5, s1;
	s5 =	simm.s32 $0x1  }
0x104: {  	s5 =	simm.s32 @!p1 $0x0;
	p1 =	sle.s32 s26, s0;
	s0 =	simm.s32 $0x1  }
0x105: {  	s4 =	simm.s32 @!p0 $0x0;
	s1 =	sadd.s32 s5, s1;
	s0 =	simm.s32 @!p1 $0x0  }
0x106: {  	s2 =	sadd.s32 s4, s2;
	s0 =	sadd.s32 s0, s1  }
0x107: {  	p0 =	sne.s32 s2, s0  }
.Ltmp4:
0x108: {  	_ = 	snop;
	(pc) =	sbr.rel @p0 .LBB2_6-.Ltmp4, $4  }
0x109: {  	_ = 	snop  }
0x10a: {  	_ =	swait.ge [sflag:s15], $0x8000  }
0x10b: {  	[sflag:s15] =	ssyncset.done $0x0  }
0x10c: {  	[sflag:s15] =	ssyncadd.s32 $0xFFFF8000;
	s0 =	simm.s32 $0x0  }
0x10d: {  	s1 =	sand.u32 $0x7800, s0;
	s4 =	sand.u32 $0x200, s0  }
0x10e: {  	s1 =	sor.u32 s4, s1  }
0x10f: {  	v1 =	vld [tilespmem:s1+$0x200]  }
0x110: {  	v3 =	vld [tilespmem:s1+$0x210]  }
0x111: {  	v5 =	vld [tilespmem:s1+$0x220]  }
0x112: {  	v6 =	vld [tilespmem:s1+$0x230]  }
0x113: {  	v7 =	vld [tilespmem:s1+$0x240]  }
0x114: {  	v10 =	vld [tilespmem:s1+$0x250]  }
0x115: {  	v11 =	vld [tilespmem:s1+$0x260]  }
0x116: {  	v12 =	vld [tilespmem:s1+$0x270]  }
0x117: {  	v4 =	vld [tilespmem:s1+$0x180]  }
0x118: {  	v8 =	vld [tilespmem:s1+$0x190]  }
0x119: {  	v9 =	vld [tilespmem:s1+$0x1A0]  }
0x11a: {  	v13 =	vld [tilespmem:s1+$0x1B0]  }
0x11b: {  	v20 =	vld [tilespmem:s1+$0x1C0]  }
0x11c: {  	v22 =	vld [tilespmem:s1+$0x1D0]  }
0x11d: {  	v23 =	vld [tilespmem:s1+$0x1E0]  }
0x11e: {  	v29 =	vld [tilespmem:s1+$0x1F0]  }
0x11f: {  	v16 =	vld [tilespmem:s1+$0x100]  }
0x120: {  	v18 =	vld [tilespmem:s1+$0x110]  }
0x121: {  	v19 =	vld [tilespmem:s1+$0x120]  }
0x122: {  	v25 =	vld [tilespmem:s1+$0x130]  }
0x123: {  	v30 =	vld [tilespmem:s1+$0x140]  }
0x124: {  	v31 =	vld [tilespmem:s1+$0x150]  }
0x125: {  	v32 =	vld [tilespmem:s1+$0x160]  }
0x126: {  	v35 =	vld [tilespmem:s1+$0x170]  }
0x127: {  	v14 =	vld [tilespmem:s1+$0x80]  }
0x128: {  	v15 =	vld [tilespmem:s1+$0x90]  }
0x129: {  	v17 =	vld [tilespmem:s1+$0xA0]  }
0x12a: {  	p0 =	por $0x0, $0x0;
	s4 =	simm.s32 $0x1;
	v26 =	vld [tilespmem:s1+$0xB0]  }
0x12b: {  	s4 =	simm.s32 @!p0 $0x0;
	v33 =	vld [tilespmem:s1+$0xC0]  }
0x12c: {  	v34 =	vld [tilespmem:s1+$0xD0];
	s4 =	sshll.u32 s4, $0x9  }
0x12d: {  	v36 =	vld [tilespmem:s1+$0xE0];
	s5 =	sadd.s32 $0x0, s4  }
0x12e: {  	v37 =	vld [tilespmem:s1+$0xF0];
	s17 =	sor.u32 $0x400, s5  }
0x12f: {  	s4 =	sor.u32 $0x410, s5;
	v39 =	vld [tilespmem:s17+$0x80]  }
0x130: {  	s8 =	sor.u32 $0x420, s5;
	v40 =	vld [tilespmem:s4+$0x80]  }
0x131: {  	v2 =	vimm.f32 $0.0e+00;
	s9 =	sor.u32 $0x430, s5;
	v21 =	vld [tilespmem:s8+$0x80]  }
0x132: {  	s13 =	sor.u32 $0x440, s5;
	v24 =	vld [tilespmem:s9+$0x80];
	v27 =	vadd.f32 v14, v2  }
0x133: {  	s17 =	sor.u32 $0x450, s5;
	v14 =	vld [tilespmem:s13+$0x80];
	v28 =	vadd.f32 v15, v2;
	v38 =	vadd.f32 v17, v2  }
0x134: {  	s4 =	sor.u32 $0x460, s5;
	v15 =	vld [tilespmem:s17+$0x80];
	v26 =	vadd.f32 v26, v2;
	v16 =	vadd.f32 v16, v27  }
0x135: {  	s8 =	sor.u32 $0x470, s5;
	v17 =	vld [tilespmem:s4+$0x80];
	s13 =	sadd.s32 $0x180, s5;
	v18 =	vadd.f32 v18, v28;
	v27 =	vadd.f32 v19, v38  }
0x136: {  	s9 =	sor.u32 $0x400, s13;
	v19 =	vld [tilespmem:s8+$0x80];
	v28 =	vadd.f32 v25, v26;
	v4 =	vadd.f32 v4, v16  }
0x137: {  	s17 =	sor.u32 $0x410, s13;
	v25 =	vld [tilespmem:s9+$0x80];
	v8 =	vadd.f32 v8, v18;
	v16 =	vadd.f32 v9, v27  }
0x138: {  	s4 =	sor.u32 $0x420, s13;
	v26 =	vld [tilespmem:s17+$0x80];
	v13 =	vadd.f32 v13, v28;
	v9 =	vadd.f32 v1, v4  }
0x139: {  	s8 =	sor.u32 $0x430, s13;
	v27 =	vld [tilespmem:s4+$0x80];
	v4 =	vadd.f32 v3, v8;
	v3 =	vadd.f32 v5, v16  }
0x13a: {  	s17 =	sor.u32 $0x450, s13;
	v28 =	vld [tilespmem:s8+$0x80];
	v1 =	vadd.f32 v6, v13;
	v5 =	vadd.f32 v33, v2  }
0x13b: {  	s9 =	sor.u32 $0x440, s13;
	s4 =	sadd.s32 $0x100, s5;
	v18 =	vld [tilespmem:s17+$0x80];
	v6 =	vadd.f32 v34, v2;
	v8 =	vadd.f32 v36, v2  }
0x13c: {  	s8 =	sor.u32 $0x400, s4;
	v16 =	vld [tilespmem:s9+$0x80];
	v13 =	vadd.f32 v37, v2;
	v5 =	vadd.f32 v30, v5  }
0x13d: {  	s17 =	sadd.s32 $0x80, s5;
	v33 =	vld [tilespmem:s8+$0x80];
	s9 =	sor.u32 $0x410, s4;
	v6 =	vadd.f32 v31, v6;
	v8 =	vadd.f32 v32, v8  }
0x13e: {  	s8 =	sor.u32 $0x410, s17;
	v34 =	vld [tilespmem:s9+$0x80];
	v13 =	vadd.f32 v35, v13;
	v30 =	vadd.f32 v39, v2  }
0x13f: {  	s5 =	sor.u32 $0x400, s17;
	v36 =	vld [tilespmem:s8+$0x80];
	v5 =	vadd.f32 v20, v5;
	v6 =	vadd.f32 v22, v6  }
0x140: {  	s9 =	sor.u32 $0x420, s17;
	v35 =	vld [tilespmem:s5+$0x80];
	v20 =	vadd.f32 v23, v8;
	v13 =	vadd.f32 v29, v13  }
0x141: {  	v37 =	vld [tilespmem:s9+$0x80];
	s5 =	sor.u32 $0x430, s17;
	v23 =	vadd.f32 v40, v2;
	v8 =	vadd.f32 v7, v5  }
0x142: {  	s8 =	sor.u32 $0x420, s4;
	v38 =	vld [tilespmem:s5+$0x80];
	v7 =	vadd.f32 v10, v6;
	v6 =	vadd.f32 v11, v20  }
0x143: {  	s9 =	sor.u32 $0x430, s4;
	v29 =	vld [tilespmem:s8+$0x80];
	v5 =	vadd.f32 v12, v13;
	v20 =	vimm.f32 $0.0e+00;
	v12 =	vimm.f32 $0.0e+00  }
0x144: {  	s1 =	simm.s32 $0x200;
	s5 =	sor.u32 $0x440, s4;
	v22 =	vld [tilespmem:s9+$0x80];
	v13 =	vimm.f32 $0.0e+00;
	v11 =	vimm.f32 $0.0e+00;
	v10 =	vimm.f32 $0.0e+00  }
.LBB2_4:
0x145: {  	p1 =	sne.s32 s1, $0x3E00;
	v2 =	vadd.f32 v21, v2;
	v20 =	vadd.f32 v24, v20;
	v21 =	vld [tilespmem:s5+$0x80];
	s5 =	sor.u32 $0x450, s4  }
0x146: {  	s8 =	sor.u32 $0x440, s17;
	v24 =	vadd.f32 v35, v30;
	v23 =	vadd.f32 v36, v23;
	v30 =	vld [tilespmem:s5+$0x80]  }
0x147: {  	s5 =	sor.u32 $0x450, s17;
	v2 =	vadd.f32 v37, v2;
	v20 =	vadd.f32 v38, v20;
	v31 =	vld [tilespmem:s8+$0x80]  }
0x148: {  	v32 =	vld [tilespmem:s5+$0x80];
	s5 =	sor.u32 $0x460, s17;
	v24 =	vadd.f32 v33, v24;
	v23 =	vadd.f32 v34, v23  }
0x149: {  	v33 =	vld [tilespmem:s5+$0x80];
	s5 =	sor.u32 $0x470, s17;
	v2 =	vadd.f32 v29, v2;
	v20 =	vadd.f32 v22, v20  }
0x14a: {  	v29 =	vld [tilespmem:s5+$0x80];
	s5 =	sor.u32 $0x460, s4;
	v22 =	vadd.f32 v25, v24;
	v23 =	vadd.f32 v26, v23  }
0x14b: {  	s4 =	sor.u32 $0x470, s4;
	v24 =	vld [tilespmem:s5+$0x80];
	v2 =	vadd.f32 v27, v2;
	v20 =	vadd.f32 v28, v20  }
0x14c: {  	v12 =	vadd.f32 v14, v12;
	v13 =	vadd.f32 v15, v13;
	s0 =	sadd.s32 $0x400, s0;
	v14 =	vld [tilespmem:s4+$0x80];
	s4 =	sor.u32 $0x460, s13  }
0x14d: {  	v11 =	vadd.f32 v17, v11;
	v10 =	vadd.f32 v19, v10;
	s8 =	sand.u32 $0x200, s1;
	s5 =	sand.u32 $0x7800, s0;
	s13 =	sor.u32 $0x470, s13;
	v15 =	vld [tilespmem:s4+$0x80]  }
0x14e: {  	v12 =	vadd.f32 v31, v12;
	s4 =	sor.u32 s8, s5;
	v13 =	vadd.f32 v32, v13;
	v17 =	vld [tilespmem:s13+$0x80]  }
0x14f: {  	v11 =	vadd.f32 v33, v11;
	v28 =	vld [tilespmem:s4+$0x200];
	v10 =	vadd.f32 v29, v10  }
0x150: {  	v12 =	vadd.f32 v21, v12;
	v13 =	vadd.f32 v30, v13;
	v33 =	vld [tilespmem:s4+$0x210]  }
0x151: {  	v11 =	vadd.f32 v24, v11;
	v34 =	vld [tilespmem:s4+$0x220];
	v10 =	vadd.f32 v14, v10  }
0x152: {  	v12 =	vadd.f32 v16, v12;
	v13 =	vadd.f32 v18, v13;
	v35 =	vld [tilespmem:s4+$0x230]  }
0x153: {  	v11 =	vadd.f32 v15, v11;
	v29 =	vld [tilespmem:s4+$0x240];
	v10 =	vadd.f32 v17, v10  }
0x154: {  	v32 =	vld [tilespmem:s4+$0x250]  }
0x155: {  	v30 =	vld [tilespmem:s4+$0x260]  }
0x156: {  	v31 =	vld [tilespmem:s4+$0x270]  }
0x157: {  	v16 =	vld [tilespmem:s4+$0x180]  }
0x158: {  	v18 =	vld [tilespmem:s4+$0x190]  }
0x159: {  	v27 =	vld [tilespmem:s4+$0x1A0]  }
0x15a: {  	v36 =	vld [tilespmem:s4+$0x1B0]  }
0x15b: {  	v37 =	vld [tilespmem:s4+$0x1C0]  }
0x15c: {  	v38 =	vld [tilespmem:s4+$0x1D0]  }
0x15d: {  	v39 =	vld [tilespmem:s4+$0x1E0]  }
0x15e: {  	v40 =	vld [tilespmem:s4+$0x1F0]  }
0x15f: {  	v25 =	vld [tilespmem:s4+$0x100]  }
0x160: {  	v26 =	vld [tilespmem:s4+$0x110]  }
0x161: {  	v41 =	vld [tilespmem:s4+$0x120]  }
0x162: {  	v42 =	vld [tilespmem:s4+$0x130]  }
0x163: {  	v43 =	vld [tilespmem:s4+$0x140]  }
0x164: {  	v44 =	vld [tilespmem:s4+$0x150]  }
0x165: {  	v45 =	vld [tilespmem:s4+$0x160]  }
0x166: {  	v46 =	vld [tilespmem:s4+$0x170]  }
0x167: {  	v15 =	vld [tilespmem:s4+$0x80]  }
0x168: {  	v17 =	vld [tilespmem:s4+$0x90]  }
0x169: {  	v19 =	vld [tilespmem:s4+$0xA0]  }
0x16a: {  	p0 =	por !p0, !p0;
	s5 =	simm.s32 $0x1;
	v47 =	vld [tilespmem:s4+$0xB0]  }
0x16b: {  	s5 =	simm.s32 @!p0 $0x0;
	v48 =	vld [tilespmem:s4+$0xC0]  }
0x16c: {  	s5 =	sshll.u32 s5, $0x9;
	v49 =	vld [tilespmem:s4+$0xD0]  }
0x16d: {  	s17 =	sadd.s32 s5, s0;
	v50 =	vld [tilespmem:s4+$0xE0]  }
0x16e: {  	v51 =	vld [tilespmem:s4+$0xF0];
	s4 =	sor.u32 $0x400, s17  }
0x16f: {  	v52 =	vld [tilespmem:s4+$0x80];
	s4 =	sor.u32 $0x410, s17  }
0x170: {  	v53 =	vld [tilespmem:s4+$0x80];
	s4 =	sor.u32 $0x420, s17  }
0x171: {  	v21 =	vld [tilespmem:s4+$0x80];
	s4 =	sor.u32 $0x430, s17  }
0x172: {  	v24 =	vld [tilespmem:s4+$0x80];
	s4 =	sor.u32 $0x440, s17  }
0x173: {  	v14 =	vld [tilespmem:s4+$0x80];
	s4 =	sor.u32 $0x450, s17  }
0x174: {  	v9 =	vadd.f32 v15, v9;
	v4 =	vadd.f32 v17, v4;
	v15 =	vld [tilespmem:s4+$0x80];
	s4 =	sor.u32 $0x460, s17  }
0x175: {  	s13 =	sadd.s32 $0x180, s17;
	v3 =	vadd.f32 v19, v3;
	v1 =	vadd.f32 v47, v1;
	v17 =	vld [tilespmem:s4+$0x80];
	s4 =	sor.u32 $0x470, s17  }
0x176: {  	v9 =	vadd.f32 v25, v9;
	v4 =	vadd.f32 v26, v4;
	v19 =	vld [tilespmem:s4+$0x80];
	s4 =	sor.u32 $0x400, s13  }
0x177: {  	v3 =	vadd.f32 v41, v3;
	v1 =	vadd.f32 v42, v1;
	v25 =	vld [tilespmem:s4+$0x80];
	s4 =	sor.u32 $0x410, s13  }
0x178: {  	v9 =	vadd.f32 v16, v9;
	v4 =	vadd.f32 v18, v4;
	v26 =	vld [tilespmem:s4+$0x80];
	s4 =	sor.u32 $0x420, s13  }
0x179: {  	v3 =	vadd.f32 v27, v3;
	v1 =	vadd.f32 v36, v1;
	v27 =	vld [tilespmem:s4+$0x80];
	s4 =	sor.u32 $0x430, s13  }
0x17a: {  	s5 =	sor.u32 $0x440, s13;
	v9 =	vadd.f32 v28, v9;
	v4 =	vadd.f32 v33, v4;
	v28 =	vld [tilespmem:s4+$0x80]  }
0x17b: {  	v3 =	vadd.f32 v34, v3;
	v1 =	vadd.f32 v35, v1;
	s4 =	sadd.s32 $0x100, s17;
	v16 =	vld [tilespmem:s5+$0x80];
	s5 =	sor.u32 $0x450, s13  }
0x17c: {  	v8 =	vadd.f32 v48, v8;
	v7 =	vadd.f32 v49, v7;
	s8 =	sor.u32 $0x400, s4;
	v18 =	vld [tilespmem:s5+$0x80]  }
0x17d: {  	v6 =	vadd.f32 v50, v6;
	v5 =	vadd.f32 v51, v5;
	s17 =	sadd.s32 $0x80, s17;
	s5 =	sor.u32 $0x410, s4;
	v33 =	vld [tilespmem:s8+$0x80]  }
0x17e: {  	v8 =	vadd.f32 v43, v8;
	v7 =	vadd.f32 v44, v7;
	s8 =	sor.u32 $0x400, s17;
	v34 =	vld [tilespmem:s5+$0x80]  }
0x17f: {  	v6 =	vadd.f32 v45, v6;
	v5 =	vadd.f32 v46, v5;
	s5 =	sor.u32 $0x410, s17;
	v35 =	vld [tilespmem:s8+$0x80]  }
.Ltmp5:
0x180: {  	v8 =	vadd.f32 v37, v8;
	v7 =	vadd.f32 v38, v7;
	v36 =	vld [tilespmem:s5+$0x80];
	s5 =	sor.u32 $0x420, s17;
	(pc) =	sbr.rel @p1 .LBB2_4-.Ltmp5, $4  }
0x181: {  	v6 =	vadd.f32 v39, v6;
	v5 =	vadd.f32 v40, v5;
	v37 =	vld [tilespmem:s5+$0x80];
	s5 =	sor.u32 $0x430, s17  }
0x182: {  	v8 =	vadd.f32 v29, v8;
	v7 =	vadd.f32 v32, v7;
	v38 =	vld [tilespmem:s5+$0x80];
	s5 =	sor.u32 $0x420, s4  }
0x183: {  	v6 =	vadd.f32 v30, v6;
	v5 =	vadd.f32 v31, v5;
	v29 =	vld [tilespmem:s5+$0x80];
	s5 =	sor.u32 $0x430, s4  }
0x184: {  	s1 =	sadd.s32 $0x200, s1;
	v23 =	vadd.f32 v53, v23;
	v30 =	vadd.f32 v52, v22;
	v22 =	vld [tilespmem:s5+$0x80];
	s5 =	sor.u32 $0x440, s4  }
0x185: {  	v31 =	vld [tilespmem:s5+$0x80];
	s0 =	sor.u32 $0x450, s4;
	s9 =	sshll.u32 s2, $0x8;
	s5 =	sshll.u32 s2, $0x7  }
0x186: {  	s1 =	sor.u32 $0x440, s17;
	v32 =	vld [tilespmem:s0+$0x80];
	s0 =	sand.u32 $0x7FFFF800, s9;
	s2 =	sand.u32 $0x380, s5  }
0x187: {  	v39 =	vld [tilespmem:s1+$0x80];
	s0 =	sor.u32 s2, s0  }
0x188: {  	s8 =	sor.u32 $0x450, s17;
	v41 =	vld [tilespmem:s0+$0x10080]  }
0x189: {  	v40 =	vld [tilespmem:s8+$0x80];
	s9 =	sor.u32 $0x460, s17  }
0x18a: {  	s5 =	sor.u32 $0x460, s4;
	v42 =	vld [tilespmem:s9+$0x80]  }
0x18b: {  	s8 =	sor.u32 $0x470, s4;
	v44 =	vld [tilespmem:s5+$0x80]  }
0x18c: {  	v2 =	vadd.f32 v21, v2;
	v20 =	vadd.f32 v24, v20;
	s2 =	sor.u32 $0x470, s17;
	v61 =	vld [tilespmem:s8+$0x80]  }
0x18d: {  	v12 =	vadd.f32 v14, v12;
	s9 =	sor.u32 $0x460, s13;
	v43 =	vld [tilespmem:s2+$0x80];
	v9 =	vadd.f32 v41, v9  }
0x18e: {  	v13 =	vadd.f32 v15, v13;
	v11 =	vadd.f32 v17, v11;
	s17 =	sor.u32 $0x470, s13;
	v63 =	vld [tilespmem:s9+$0x80]  }
0x18f: {  	v62 =	vadd.f32 v35, v30;
	v2 =	vadd.f32 v37, v2;
	v37 =	vld [tilespmem:s17+$0x80];
	[tilespmem:s0+$0x10080] =	vst v9;
	s0 =	sadd.s32 $0x10080, s0  }
0x190: {  	v10 =	vadd.f32 v19, v10;
	v20 =	vadd.f32 v38, v20;
	v45 =	vld [tilespmem:s0+$0x10]  }
0x191: {  	v24 =	vadd.f32 v33, v62;
	v2 =	vadd.f32 v29, v2;
	v47 =	vld [tilespmem:s0+$0x20]  }
0x192: {  	v23 =	vadd.f32 v36, v23;
	v20 =	vadd.f32 v22, v20;
	v48 =	vld [tilespmem:s0+$0x30]  }
0x193: {  	v46 =	vadd.f32 v25, v24;
	v2 =	vadd.f32 v27, v2;
	v49 =	vld [tilespmem:s0+$0x40]  }
0x194: {  	v20 =	vadd.f32 v28, v20;
	v12 =	vadd.f32 v39, v12;
	v50 =	vld [tilespmem:s0+$0x50]  }
0x195: {  	v13 =	vadd.f32 v40, v13;
	v51 =	vld [tilespmem:s0+$0x60];
	v4 =	vadd.f32 v45, v4  }
0x196: {  	v11 =	vadd.f32 v42, v11;
	v52 =	vld [tilespmem:s0+$0x70];
	v3 =	vadd.f32 v47, v3  }
0x197: {  	v41 =	vadd.f32 v34, v23;
	v53 =	vld [tilespmem:s0+$0x400];
	v1 =	vadd.f32 v48, v1;
	[tilespmem:s0+$0x10] =	vst v4  }
0x198: {  	v10 =	vadd.f32 v43, v10;
	v54 =	vld [tilespmem:s0+$0x410];
	[tilespmem:s0+$0x20] =	vst v3;
	v3 =	vadd.f32 v49, v8  }
0x199: {  	v12 =	vadd.f32 v31, v12;
	v55 =	vld [tilespmem:s0+$0x420];
	[tilespmem:s0+$0x30] =	vst v1;
	v1 =	vadd.f32 v50, v7  }
0x19a: {  	v13 =	vadd.f32 v32, v13;
	v56 =	vld [tilespmem:s0+$0x430];
	[tilespmem:s0+$0x40] =	vst v3;
	v3 =	vadd.f32 v51, v6  }
0x19b: {  	v9 =	vadd.f32 v26, v41;
	v57 =	vld [tilespmem:s0+$0x440];
	[tilespmem:s0+$0x50] =	vst v1;
	v1 =	vadd.f32 v52, v5  }
0x19c: {  	v11 =	vadd.f32 v44, v11;
	v58 =	vld [tilespmem:s0+$0x450];
	[tilespmem:s0+$0x60] =	vst v3;
	v3 =	vadd.f32 v53, v46  }
0x19d: {  	v10 =	vadd.f32 v61, v10;
	v59 =	vld [tilespmem:s0+$0x460];
	[tilespmem:s0+$0x70] =	vst v1;
	v1 =	vadd.f32 v54, v9  }
0x19e: {  	v60 =	vadd.f32 v16, v12;
	v2 =	vadd.f32 v55, v2;
	[tilespmem:s0+$0x400] =	vst v3;
	v3 =	vld [tilespmem:s0+$0x470]  }
0x19f: {  	v61 =	vadd.f32 v18, v13;
	[tilespmem:s0+$0x410] =	vst v1;
	v1 =	vadd.f32 v56, v20  }
0x1a0: {  	v62 =	vadd.f32 v63, v11;
	[tilespmem:s0+$0x420] =	vst v2;
	v2 =	vadd.f32 v57, v60  }
.Ltmp6:
0x1a1: {  	v63 =	vadd.f32 v37, v10;
	[tilespmem:s0+$0x430] =	vst v1;
	v1 =	vadd.f32 v58, v61;
	(pc) =	sbr.rel .LBB2_9-.Ltmp6, $4  }
0x1a2: {  	[tilespmem:s0+$0x440] =	vst v2;
	v2 =	vadd.f32 v59, v62  }
0x1a3: {  	[tilespmem:s0+$0x450] =	vst v1;
	v1 =	vadd.f32 v3, v63  }
0x1a4: {  	[tilespmem:s0+$0x460] =	vst v2  }
0x1a5: {  	[tilespmem:s0+$0x470] =	vst v1  }
.LBB2_6:
0x1a6: {  	p0 =	sle.s32 s19, s28  }
0x1a7: {  	p1 =	sle.s32 s20, s28;
	s1 =	simm.s32 $0x1;
	s2 =	simm.s32 $0x1  }
0x1a8: {  	s1 =	simm.s32 @!p0 $0x0;
	s2 =	simm.s32 @!p1 $0x0  }
0x1a9: {  	p0 =	sle.s32 s21, s28;
	s1 =	sadd.s32 s2, s1;
	s2 =	simm.s32 $0x1  }
0x1aa: {  	s4 =	simm.s32 $0x1;
	s2 =	simm.s32 @!p0 $0x0;
	p0 =	sle.s32 s22, s28  }
0x1ab: {  	s1 =	sadd.s32 s2, s1;
	s4 =	simm.s32 @!p0 $0x0  }
0x1ac: {  	p0 =	sle.s32 s23, s28;
	s2 =	simm.s32 $0x1;
	s1 =	sadd.s32 s4, s1  }
0x1ad: {  	s2 =	simm.s32 @!p0 $0x0;
	p0 =	sle.s32 s24, s28;
	s4 =	simm.s32 $0x1  }
0x1ae: {  	s1 =	sadd.s32 s2, s1;
	s4 =	simm.s32 @!p0 $0x0  }
0x1af: {  	p0 =	sle.s32 s25, s28;
	s2 =	simm.s32 $0x1;
	s1 =	sadd.s32 s4, s1  }
0x1b0: {  	s2 =	simm.s32 @!p0 $0x0;
	p0 =	sle.s32 s26, s28;
	s4 =	simm.s32 $0x1  }
0x1b1: {  	s1 =	sadd.s32 s2, s1;
	s4 =	simm.s32 @!p0 $0x0  }
0x1b2: {  	s1 =	sadd.s32 s4, s1  }
0x1b3: {  	s9 =	sshll.u32 s1, $0x8;
	s1 =	sshll.u32 s1, $0x7  }
0x1b4: {  	s2 =	sand.u32 $0x7FFFF800, s9;
	s1 =	sand.u32 $0x380, s1  }
0x1b5: {  	s13 =	sand.u32 $0x7800, s0;
	s17 =	sand.u32 $0x380, s0;
	s2 =	sor.u32 s1, s2  }
0x1b6: {  	s1 =	sor.u32 s17, s13;
	v1 =	vld [tilespmem:s2+$0x10080]  }
0x1b7: {  	v2 =	vld [tilespmem:s1+$0x80];
	_ =	sdelay $0x4  }
0x1b8: {  	v1 =	vadd.f32 v2, v1;
	_ =	sdelay $0x1  }
0x1b9: {  	s0 =	sadd.s32 $0x10080, s2;
	[tilespmem:s2+$0x10080] =	vst v1  }
0x1ba: {  	v1 =	vld [tilespmem:s0+$0x10]  }
0x1bb: {  	v2 =	vld [tilespmem:s1+$0x90];
	_ =	sdelay $0x4  }
0x1bc: {  	v1 =	vadd.f32 v2, v1;
	_ =	sdelay $0x1  }
0x1bd: {  	v2 =	vld [tilespmem:s0+$0x20];
	[tilespmem:s0+$0x10] =	vst v1  }
0x1be: {  	v1 =	vld [tilespmem:s1+$0xA0];
	_ =	sdelay $0x4  }
0x1bf: {  	v1 =	vadd.f32 v1, v2;
	_ =	sdelay $0x1  }
0x1c0: {  	v2 =	vld [tilespmem:s0+$0x30];
	[tilespmem:s0+$0x20] =	vst v1  }
0x1c1: {  	v1 =	vld [tilespmem:s1+$0xB0];
	_ =	sdelay $0x4  }
0x1c2: {  	v1 =	vadd.f32 v1, v2;
	_ =	sdelay $0x1  }
0x1c3: {  	v2 =	vld [tilespmem:s0+$0x40];
	[tilespmem:s0+$0x30] =	vst v1  }
0x1c4: {  	v1 =	vld [tilespmem:s1+$0xC0];
	_ =	sdelay $0x4  }
0x1c5: {  	v1 =	vadd.f32 v1, v2;
	_ =	sdelay $0x1  }
0x1c6: {  	v2 =	vld [tilespmem:s0+$0x50];
	[tilespmem:s0+$0x40] =	vst v1  }
0x1c7: {  	v1 =	vld [tilespmem:s1+$0xD0];
	_ =	sdelay $0x4  }
0x1c8: {  	v1 =	vadd.f32 v1, v2;
	_ =	sdelay $0x1  }
0x1c9: {  	v2 =	vld [tilespmem:s0+$0x60];
	[tilespmem:s0+$0x50] =	vst v1  }
0x1ca: {  	v1 =	vld [tilespmem:s1+$0xE0];
	_ =	sdelay $0x4  }
0x1cb: {  	v1 =	vadd.f32 v1, v2;
	_ =	sdelay $0x1  }
0x1cc: {  	v2 =	vld [tilespmem:s0+$0x70];
	[tilespmem:s0+$0x60] =	vst v1  }
0x1cd: {  	v1 =	vld [tilespmem:s1+$0xF0];
	_ =	sdelay $0x4  }
0x1ce: {  	v1 =	vadd.f32 v1, v2;
	_ =	sdelay $0x1  }
0x1cf: {  	v2 =	vld [tilespmem:s0+$0x400];
	[tilespmem:s0+$0x70] =	vst v1  }
0x1d0: {  	v1 =	vld [tilespmem:s1+$0x480];
	_ =	sdelay $0x4  }
0x1d1: {  	v1 =	vadd.f32 v1, v2;
	_ =	sdelay $0x1  }
0x1d2: {  	v2 =	vld [tilespmem:s0+$0x410];
	[tilespmem:s0+$0x400] =	vst v1  }
0x1d3: {  	v1 =	vld [tilespmem:s1+$0x490];
	_ =	sdelay $0x4  }
0x1d4: {  	v1 =	vadd.f32 v1, v2;
	_ =	sdelay $0x1  }
0x1d5: {  	v2 =	vld [tilespmem:s0+$0x420];
	[tilespmem:s0+$0x410] =	vst v1  }
0x1d6: {  	v1 =	vld [tilespmem:s1+$0x4A0];
	_ =	sdelay $0x4  }
0x1d7: {  	v1 =	vadd.f32 v1, v2;
	_ =	sdelay $0x1  }
0x1d8: {  	v2 =	vld [tilespmem:s0+$0x430];
	[tilespmem:s0+$0x420] =	vst v1  }
0x1d9: {  	v1 =	vld [tilespmem:s1+$0x4B0];
	_ =	sdelay $0x4  }
0x1da: {  	v1 =	vadd.f32 v1, v2;
	_ =	sdelay $0x1  }
0x1db: {  	v2 =	vld [tilespmem:s0+$0x440];
	[tilespmem:s0+$0x430] =	vst v1  }
0x1dc: {  	v1 =	vld [tilespmem:s1+$0x4C0];
	_ =	sdelay $0x4  }
0x1dd: {  	v1 =	vadd.f32 v1, v2;
	_ =	sdelay $0x1  }
0x1de: {  	v2 =	vld [tilespmem:s0+$0x450];
	[tilespmem:s0+$0x440] =	vst v1  }
0x1df: {  	v1 =	vld [tilespmem:s1+$0x4D0];
	_ =	sdelay $0x4  }
0x1e0: {  	v1 =	vadd.f32 v1, v2  }
0x1e1: {  	s5 =	simm.s32 $0x1;
	s2 =	sadd.s32 $0x1, s28  }
0x1e2: {  	s4 =	simm.s32 $0x1;
	p0 =	sle.s32 s19, s2;
	p1 =	sle.s32 s20, s2;
	v2 =	vld [tilespmem:s0+$0x460];
	[tilespmem:s0+$0x450] =	vst v1  }
0x1e3: {  	s4 =	simm.s32 @!p0 $0x0;
	s5 =	simm.s32 @!p1 $0x0;
	v1 =	vld [tilespmem:s1+$0x4E0]  }
0x1e4: {  	p0 =	sle.s32 s21, s2;
	s4 =	sadd.s32 s5, s4;
	s5 =	simm.s32 $0x1  }
0x1e5: {  	s8 =	simm.s32 $0x1;
	s5 =	simm.s32 @!p0 $0x0;
	p0 =	sle.s32 s22, s2  }
0x1e6: {  	s4 =	sadd.s32 s5, s4;
	s8 =	simm.s32 @!p0 $0x0  }
0x1e7: {  	p0 =	sle.s32 s23, s2;
	s5 =	simm.s32 $0x1;
	s4 =	sadd.s32 s8, s4  }
0x1e8: {  	s5 =	simm.s32 @!p0 $0x0;
	p0 =	sle.s32 s24, s2;
	s8 =	simm.s32 $0x1;
	v2 =	vadd.f32 v1, v2  }
0x1e9: {  	s4 =	sadd.s32 s5, s4;
	s8 =	simm.s32 @!p0 $0x0  }
0x1ea: {  	p0 =	sle.s32 s25, s2;
	s5 =	simm.s32 $0x1;
	s4 =	sadd.s32 s8, s4;
	v1 =	vld [tilespmem:s0+$0x470];
	[tilespmem:s0+$0x460] =	vst v2  }
0x1eb: {  	s5 =	simm.s32 @!p0 $0x0;
	p0 =	sle.s32 s26, s2;
	s8 =	simm.s32 $0x1;
	v2 =	vld [tilespmem:s1+$0x4F0]  }
0x1ec: {  	s5 =	sadd.s32 s5, s4;
	s8 =	simm.s32 @!p0 $0x0  }
0x1ed: {  	s13 =	simm.s32 $0x100;
	s4 =	simm.s32 $0x200;
	s8 =	sadd.s32 s8, s5  }
0x1ee: {  	s5 =	sshll.u32 s8, $0x8;
	s8 =	sshll.u32 s8, $0x7;
	s1 =	simm.s32 $0x80  }
.LBB2_7:
0x1ef: {  	s5 =	sand.u32 $0x7FFFF800, s5  }
0x1f0: {  	s8 =	sand.u32 $0x380, s8;
	v1 =	vadd.f32 v2, v1;
	s9 =	smov.u32 s4;
	s17 =	sadd.s32 $0x100, s4  }
0x1f1: {  	s5 =	sor.u32 s8, s5;
	s8 =	sand.u32 $0x7800, s13;
	s13 =	sand.u32 $0x380, s1  }
0x1f2: {  	p0 =	sne.s32 s4, $0x7F00;
	v2 =	vld [tilespmem:s5+$0x10080];
	s4 =	sor.u32 s13, s8;
	[tilespmem:s0+$0x470] =	vst v1;
	s13 =	smov.u32 s9  }
0x1f3: {  	v1 =	vld [tilespmem:s4+$0x80];
	_ =	sdelay $0x4  }
0x1f4: {  	v1 =	vadd.f32 v1, v2;
	_ =	sdelay $0x1  }
0x1f5: {  	s0 =	sadd.s32 $0x10080, s5;
	[tilespmem:s5+$0x10080] =	vst v1  }
0x1f6: {  	v1 =	vld [tilespmem:s0+$0x10]  }
0x1f7: {  	v2 =	vld [tilespmem:s4+$0x90];
	_ =	sdelay $0x4  }
0x1f8: {  	v1 =	vadd.f32 v2, v1  }
0x1f9: {  	v2 =	vld [tilespmem:s0+$0x20]  }
0x1fa: {  	[tilespmem:s0+$0x10] =	vst v1  }
0x1fb: {  	v1 =	vld [tilespmem:s4+$0xA0];
	_ =	sdelay $0x4  }
0x1fc: {  	v1 =	vadd.f32 v1, v2  }
0x1fd: {  	v2 =	vld [tilespmem:s0+$0x30]  }
0x1fe: {  	[tilespmem:s0+$0x20] =	vst v1  }
0x1ff: {  	v1 =	vld [tilespmem:s4+$0xB0];
	_ =	sdelay $0x4  }
0x200: {  	v1 =	vadd.f32 v1, v2  }
0x201: {  	v2 =	vld [tilespmem:s0+$0x40]  }
0x202: {  	[tilespmem:s0+$0x30] =	vst v1  }
0x203: {  	v1 =	vld [tilespmem:s4+$0xC0];
	_ =	sdelay $0x4  }
0x204: {  	v1 =	vadd.f32 v1, v2  }
0x205: {  	v2 =	vld [tilespmem:s0+$0x50]  }
0x206: {  	[tilespmem:s0+$0x40] =	vst v1  }
0x207: {  	v1 =	vld [tilespmem:s4+$0xD0];
	_ =	sdelay $0x4  }
0x208: {  	v1 =	vadd.f32 v1, v2  }
0x209: {  	v2 =	vld [tilespmem:s0+$0x60]  }
0x20a: {  	[tilespmem:s0+$0x50] =	vst v1  }
0x20b: {  	v1 =	vld [tilespmem:s4+$0xE0];
	_ =	sdelay $0x4  }
0x20c: {  	v1 =	vadd.f32 v1, v2  }
0x20d: {  	v2 =	vld [tilespmem:s0+$0x70]  }
0x20e: {  	[tilespmem:s0+$0x60] =	vst v1  }
0x20f: {  	v1 =	vld [tilespmem:s4+$0xF0];
	_ =	sdelay $0x4  }
0x210: {  	v1 =	vadd.f32 v1, v2  }
0x211: {  	v2 =	vld [tilespmem:s0+$0x400]  }
0x212: {  	[tilespmem:s0+$0x70] =	vst v1  }
0x213: {  	v1 =	vld [tilespmem:s4+$0x480];
	_ =	sdelay $0x4  }
0x214: {  	v1 =	vadd.f32 v1, v2  }
0x215: {  	v2 =	vld [tilespmem:s0+$0x410]  }
0x216: {  	[tilespmem:s0+$0x400] =	vst v1  }
0x217: {  	v1 =	vld [tilespmem:s4+$0x490];
	_ =	sdelay $0x4  }
0x218: {  	v1 =	vadd.f32 v1, v2  }
0x219: {  	v2 =	vld [tilespmem:s0+$0x420]  }
0x21a: {  	[tilespmem:s0+$0x410] =	vst v1  }
0x21b: {  	v1 =	vld [tilespmem:s4+$0x4A0];
	_ =	sdelay $0x4  }
0x21c: {  	v1 =	vadd.f32 v1, v2  }
0x21d: {  	v2 =	vld [tilespmem:s0+$0x430]  }
0x21e: {  	[tilespmem:s0+$0x420] =	vst v1  }
0x21f: {  	v1 =	vld [tilespmem:s4+$0x4B0];
	_ =	sdelay $0x4  }
0x220: {  	v1 =	vadd.f32 v1, v2  }
0x221: {  	v2 =	vld [tilespmem:s0+$0x440]  }
0x222: {  	[tilespmem:s0+$0x430] =	vst v1  }
0x223: {  	v1 =	vld [tilespmem:s4+$0x4C0];
	_ =	sdelay $0x4  }
0x224: {  	v1 =	vadd.f32 v1, v2  }
0x225: {  	v2 =	vld [tilespmem:s0+$0x450]  }
0x226: {  	[tilespmem:s0+$0x440] =	vst v1  }
0x227: {  	v1 =	vld [tilespmem:s4+$0x4D0];
	_ =	sdelay $0x3  }
0x228: {  	s2 =	sadd.s32 $0x1, s2  }
0x229: {  	p2 =	sle.s32 s19, s2;
	v1 =	vadd.f32 v1, v2  }
0x22a: {  	p3 =	sle.s32 s20, s2;
	s8 =	simm.s32 $0x1;
	s5 =	simm.s32 $0x1;
	v2 =	vld [tilespmem:s0+$0x460]  }
0x22b: {  	s8 =	simm.s32 @!p3 $0x0;
	s5 =	simm.s32 @!p2 $0x0;
	[tilespmem:s0+$0x450] =	vst v1  }
0x22c: {  	p2 =	sle.s32 s21, s2;
	s5 =	sadd.s32 s8, s5;
	s8 =	simm.s32 $0x1;
	v1 =	vld [tilespmem:s4+$0x4E0]  }
0x22d: {  	s8 =	simm.s32 @!p2 $0x0  }
0x22e: {  	p2 =	sle.s32 s22, s2;
	s5 =	sadd.s32 s8, s5;
	s8 =	simm.s32 $0x1  }
0x22f: {  	p1 =	sle.s32 s25, s2;
	s8 =	simm.s32 @!p2 $0x0  }
0x230: {  	p2 =	sle.s32 s23, s2;
	s5 =	sadd.s32 s8, s5;
	s8 =	simm.s32 $0x1  }
0x231: {  	s8 =	simm.s32 @!p2 $0x0;
	v2 =	vadd.f32 v1, v2  }
0x232: {  	p2 =	sle.s32 s24, s2;
	s5 =	sadd.s32 s8, s5;
	s8 =	simm.s32 $0x1;
	v1 =	vld [tilespmem:s0+$0x470]  }
0x233: {  	s8 =	simm.s32 @!p2 $0x0;
	[tilespmem:s0+$0x460] =	vst v2  }
0x234: {  	v2 =	vld [tilespmem:s4+$0x4F0];
	s4 =	sadd.s32 s8, s5;
	s5 =	simm.s32 $0x1  }
.Ltmp7:
0x235: {  	s5 =	simm.s32 @!p1 $0x0;
	(pc) =	sbr.rel @p0 .LBB2_7-.Ltmp7, $4  }
0x236: {  	p1 =	sle.s32 s26, s2;
	s4 =	sadd.s32 s5, s4;
	s5 =	simm.s32 $0x1  }
0x237: {  	s5 =	simm.s32 @!p1 $0x0  }
0x238: {  	s1 =	sadd.s32 $0x80, s1;
	s4 =	sadd.s32 s5, s4  }
0x239: {  	s5 =	sshll.u32 s4, $0x8;
	s8 =	sshll.u32 s4, $0x7;
	s4 =	smov.u32 s17  }
0x23a: {  	s2 =	sand.u32 $0x7FFFF800, s5;
	s4 =	sand.u32 $0x380, s8;
	v1 =	vadd.f32 v2, v1  }
0x23b: {  	s13 =	sand.u32 $0x7800, s13;
	s1 =	sand.u32 $0x380, s1;
	s2 =	sor.u32 s4, s2  }
0x23c: {  	s1 =	sor.u32 s1, s13;
	v2 =	vld [tilespmem:s2+$0x10080];
	[tilespmem:s0+$0x470] =	vst v1  }
0x23d: {  	v1 =	vld [tilespmem:s1+$0x80];
	_ =	sdelay $0x4  }
0x23e: {  	v1 =	vadd.f32 v1, v2;
	_ =	sdelay $0x1  }
0x23f: {  	s17 =	sadd.s32 $0x10080, s2;
	[tilespmem:s2+$0x10080] =	vst v1  }
0x240: {  	v1 =	vld [tilespmem:s17+$0x10]  }
0x241: {  	v2 =	vld [tilespmem:s1+$0x90];
	_ =	sdelay $0x4  }
0x242: {  	v1 =	vadd.f32 v2, v1;
	_ =	sdelay $0x1  }
0x243: {  	v2 =	vld [tilespmem:s17+$0x20];
	[tilespmem:s17+$0x10] =	vst v1  }
0x244: {  	v1 =	vld [tilespmem:s1+$0xA0];
	_ =	sdelay $0x4  }
0x245: {  	v1 =	vadd.f32 v1, v2;
	_ =	sdelay $0x1  }
0x246: {  	v2 =	vld [tilespmem:s17+$0x30];
	[tilespmem:s17+$0x20] =	vst v1  }
0x247: {  	v1 =	vld [tilespmem:s1+$0xB0];
	_ =	sdelay $0x4  }
0x248: {  	v1 =	vadd.f32 v1, v2;
	_ =	sdelay $0x1  }
0x249: {  	v2 =	vld [tilespmem:s17+$0x40];
	[tilespmem:s17+$0x30] =	vst v1  }
0x24a: {  	v1 =	vld [tilespmem:s1+$0xC0];
	_ =	sdelay $0x4  }
0x24b: {  	v1 =	vadd.f32 v1, v2;
	_ =	sdelay $0x1  }
0x24c: {  	v2 =	vld [tilespmem:s17+$0x50];
	[tilespmem:s17+$0x40] =	vst v1  }
0x24d: {  	v1 =	vld [tilespmem:s1+$0xD0];
	_ =	sdelay $0x4  }
0x24e: {  	v1 =	vadd.f32 v1, v2;
	_ =	sdelay $0x1  }
0x24f: {  	v2 =	vld [tilespmem:s17+$0x60];
	[tilespmem:s17+$0x50] =	vst v1  }
0x250: {  	v1 =	vld [tilespmem:s1+$0xE0];
	_ =	sdelay $0x4  }
0x251: {  	v1 =	vadd.f32 v1, v2;
	_ =	sdelay $0x1  }
0x252: {  	v2 =	vld [tilespmem:s17+$0x70];
	[tilespmem:s17+$0x60] =	vst v1  }
0x253: {  	v1 =	vld [tilespmem:s1+$0xF0];
	_ =	sdelay $0x4  }
0x254: {  	v1 =	vadd.f32 v1, v2;
	_ =	sdelay $0x1  }
0x255: {  	v2 =	vld [tilespmem:s17+$0x400];
	[tilespmem:s17+$0x70] =	vst v1  }
0x256: {  	v1 =	vld [tilespmem:s1+$0x480];
	_ =	sdelay $0x4  }
0x257: {  	v1 =	vadd.f32 v1, v2;
	_ =	sdelay $0x1  }
0x258: {  	v2 =	vld [tilespmem:s17+$0x410];
	[tilespmem:s17+$0x400] =	vst v1  }
0x259: {  	v1 =	vld [tilespmem:s1+$0x490];
	_ =	sdelay $0x4  }
0x25a: {  	v1 =	vadd.f32 v1, v2;
	_ =	sdelay $0x1  }
0x25b: {  	v2 =	vld [tilespmem:s17+$0x420];
	[tilespmem:s17+$0x410] =	vst v1  }
0x25c: {  	v1 =	vld [tilespmem:s1+$0x4A0];
	_ =	sdelay $0x4  }
0x25d: {  	v1 =	vadd.f32 v1, v2;
	_ =	sdelay $0x1  }
0x25e: {  	v2 =	vld [tilespmem:s17+$0x430];
	[tilespmem:s17+$0x420] =	vst v1  }
0x25f: {  	v1 =	vld [tilespmem:s1+$0x4B0];
	_ =	sdelay $0x4  }
0x260: {  	v1 =	vadd.f32 v1, v2;
	_ =	sdelay $0x1  }
0x261: {  	v2 =	vld [tilespmem:s17+$0x440];
	[tilespmem:s17+$0x430] =	vst v1  }
0x262: {  	v1 =	vld [tilespmem:s1+$0x4C0];
	_ =	sdelay $0x4  }
0x263: {  	v1 =	vadd.f32 v1, v2;
	_ =	sdelay $0x1  }
0x264: {  	v2 =	vld [tilespmem:s17+$0x450];
	[tilespmem:s17+$0x440] =	vst v1  }
0x265: {  	v1 =	vld [tilespmem:s1+$0x4D0];
	_ =	sdelay $0x4  }
0x266: {  	v1 =	vadd.f32 v1, v2;
	_ =	sdelay $0x1  }
0x267: {  	v2 =	vld [tilespmem:s17+$0x460];
	[tilespmem:s17+$0x450] =	vst v1  }
0x268: {  	v1 =	vld [tilespmem:s1+$0x4E0];
	_ =	sdelay $0x4  }
0x269: {  	v1 =	vadd.f32 v1, v2;
	_ =	sdelay $0x1  }
0x26a: {  	v2 =	vld [tilespmem:s17+$0x470];
	[tilespmem:s17+$0x460] =	vst v1  }
0x26b: {  	v1 =	vld [tilespmem:s1+$0x4F0];
	_ =	sdelay $0x4  }
0x26c: {  	v1 =	vadd.f32 v1, v2;
	_ =	sdelay $0x1  }
0x26d: {  	[tilespmem:s17+$0x470] =	vst v1  }
.LBB2_9:
0x26e: {  	p0 =	seq.s32 s30, $0xB  }
0x26f: {  	s0 =	sshll.u32 @!p0 s30, $0x15  }
0x270: {  	s9 =	sshll.u32 s31, $0x7;
	s1 =	simm.s32 @!p0 $0x800;
	s0 =	sadd.s32 @!p0 s7, s0  }
0x271: {  	s2 =	simm.s32 @!p0 $0x10000;
	s13 =	sadd.s32 $0x1400, s9;
	s0 =	sshrl.u32 @!p0 s0, $0x3  }
0x272: {  	s4 =	simm.s32 @!p0 $0x80;
	p1 =	sle.s32 s20, s13;
	s0 =	sadd.s32 @!p0 s3, s0  }
0x273: {  	[tilespmem:s4], [sflag:$0x1] =	stream.strided.gather @!p0 [hbm4b:s0+s1], $0x8000, s2, s1, $0x38;
	[tilespmem:$0x11080] =	vst v63  }
0x274: {  	p0 =	sle.s32 s19, s13;
	s2 =	simm.s32 $0x1;
	s4 =	simm.s32 $0x1  }
0x275: {  	s5 =	simm.s32 $0x1;
	s2 =	simm.s32 @!p0 $0x0;
	s4 =	simm.s32 @!p1 $0x0  }
0x276: {  	p0 =	sle.s32 s21, s13;
	s2 =	sadd.s32 s4, s2;
	s4 =	simm.s32 $0x1  }
0x277: {  	s8 =	simm.s32 $0x1;
	s0 =	sadd.s32 $0x147F, s9;
	s4 =	simm.s32 @!p0 $0x0  }
0x278: {  	p1 =	sle.s32 s20, s0;
	p0 =	sle.s32 s22, s13;
	s2 =	sadd.s32 s4, s2  }
0x279: {  	s5 =	simm.s32 @!p0 $0x0;
	p0 =	sle.s32 s23, s13;
	s4 =	simm.s32 $0x1  }
0x27a: {  	s8 =	simm.s32 @!p1 $0x0;
	s2 =	sadd.s32 s5, s2;
	s4 =	simm.s32 @!p0 $0x0  }
0x27b: {  	p0 =	sle.s32 s24, s13;
	s5 =	simm.s32 $0x1;
	s2 =	sadd.s32 s4, s2  }
0x27c: {  	s5 =	simm.s32 @!p0 $0x0;
	p0 =	sle.s32 s25, s13;
	s4 =	simm.s32 $0x1  }
0x27d: {  	p1 =	sle.s32 s22, s0;
	s2 =	sadd.s32 s5, s2;
	s4 =	simm.s32 @!p0 $0x0  }
0x27e: {  	p0 =	sle.s32 s19, s0;
	s5 =	simm.s32 $0x1;
	s2 =	sadd.s32 s4, s2  }
0x27f: {  	s5 =	simm.s32 @!p0 $0x0;
	p0 =	sle.s32 s21, s0;
	s4 =	simm.s32 $0x1  }
0x280: {  	s17 =	sadd.s32 s8, s5;
	s5 =	simm.s32 $0x1;
	s8 =	simm.s32 $0x1  }
0x281: {  	s5 =	simm.s32 @!p0 $0x0;
	s8 =	simm.s32 @!p1 $0x0;
	p1 =	sle.s32 s23, s0  }
0x282: {  	p0 =	sle.s32 s26, s13;
	s31 =	sadd.s32 s5, s17;
	s4 =	simm.s32 @!p1 $0x0  }
0x283: {  	p1 =	sle.s32 s24, s0;
	s5 =	simm.s32 $0x1;
	s1 =	sadd.s32 s8, s31  }
0x284: {  	s5 =	simm.s32 @!p1 $0x0;
	p1 =	sle.s32 s25, s0;
	s1 =	sadd.s32 s4, s1  }
0x285: {  	s4 =	simm.s32 $0x1;
	s1 =	sadd.s32 s5, s1;
	s5 =	simm.s32 $0x1  }
0x286: {  	s5 =	simm.s32 @!p1 $0x0;
	p1 =	sle.s32 s26, s0;
	s0 =	simm.s32 $0x1  }
0x287: {  	s4 =	simm.s32 @!p0 $0x0;
	s1 =	sadd.s32 s5, s1;
	s0 =	simm.s32 @!p1 $0x0  }
0x288: {  	s2 =	sadd.s32 s4, s2;
	s0 =	sadd.s32 s0, s1  }
0x289: {  	p0 =	sne.s32 s2, s0  }
.Ltmp8:
0x28a: {  	_ = 	snop;
	(pc) =	sbr.rel @p0 .LBB2_13-.Ltmp8, $4  }
0x28b: {  	_ = 	snop  }
0x28c: {  	_ =	swait.ge [sflag:s16], $0x8000  }
0x28d: {  	[sflag:s16] =	ssyncset.done $0x0  }
0x28e: {  	[sflag:s16] =	ssyncadd.s32 $0xFFFF8000;
	s0 =	simm.s32 $0x0  }
0x28f: {  	s1 =	sand.u32 $0x7800, s0;
	s4 =	sand.u32 $0x200, s0  }
0x290: {  	s1 =	sor.u32 s4, s1  }
0x291: {  	v1 =	vld [tilespmem:s1+$0x8200]  }
0x292: {  	v2 =	vld [tilespmem:s1+$0x8210]  }
0x293: {  	v5 =	vld [tilespmem:s1+$0x8220]  }
0x294: {  	v6 =	vld [tilespmem:s1+$0x8230]  }
0x295: {  	v7 =	vld [tilespmem:s1+$0x8240]  }
0x296: {  	v10 =	vld [tilespmem:s1+$0x8250]  }
0x297: {  	v11 =	vld [tilespmem:s1+$0x8260]  }
0x298: {  	v12 =	vld [tilespmem:s1+$0x8270]  }
0x299: {  	v3 =	vld [tilespmem:s1+$0x8180]  }
0x29a: {  	v8 =	vld [tilespmem:s1+$0x8190]  }
0x29b: {  	v9 =	vld [tilespmem:s1+$0x81A0]  }
0x29c: {  	v13 =	vld [tilespmem:s1+$0x81B0]  }
0x29d: {  	v16 =	vld [tilespmem:s1+$0x81C0]  }
0x29e: {  	v21 =	vld [tilespmem:s1+$0x81D0]  }
0x29f: {  	v22 =	vld [tilespmem:s1+$0x81E0]  }
0x2a0: {  	v29 =	vld [tilespmem:s1+$0x81F0]  }
0x2a1: {  	v14 =	vld [tilespmem:s1+$0x8100]  }
0x2a2: {  	v15 =	vld [tilespmem:s1+$0x8110]  }
0x2a3: {  	v20 =	vld [tilespmem:s1+$0x8120]  }
0x2a4: {  	v25 =	vld [tilespmem:s1+$0x8130]  }
0x2a5: {  	v30 =	vld [tilespmem:s1+$0x8140]  }
0x2a6: {  	v31 =	vld [tilespmem:s1+$0x8150]  }
0x2a7: {  	v32 =	vld [tilespmem:s1+$0x8160]  }
0x2a8: {  	v35 =	vld [tilespmem:s1+$0x8170]  }
0x2a9: {  	v17 =	vld [tilespmem:s1+$0x8080]  }
0x2aa: {  	v18 =	vld [tilespmem:s1+$0x8090]  }
0x2ab: {  	v19 =	vld [tilespmem:s1+$0x80A0]  }
0x2ac: {  	p0 =	por $0x0, $0x0;
	s4 =	simm.s32 $0x1;
	v26 =	vld [tilespmem:s1+$0x80B0]  }
0x2ad: {  	s4 =	simm.s32 @!p0 $0x0;
	v33 =	vld [tilespmem:s1+$0x80C0]  }
0x2ae: {  	v34 =	vld [tilespmem:s1+$0x80D0];
	s4 =	sshll.u32 s4, $0x9  }
0x2af: {  	v36 =	vld [tilespmem:s1+$0x80E0];
	s5 =	sadd.s32 $0x0, s4  }
0x2b0: {  	v37 =	vld [tilespmem:s1+$0x80F0];
	s13 =	sor.u32 $0x8400, s5  }
0x2b1: {  	v39 =	vld [tilespmem:s13+$0x80]  }
0x2b2: {  	v40 =	vld [tilespmem:s13+$0x90]  }
0x2b3: {  	v4 =	vimm.f32 $0.0e+00;
	v23 =	vld [tilespmem:s13+$0xA0]  }
0x2b4: {  	v24 =	vld [tilespmem:s13+$0xB0];
	v27 =	vadd.f32 v17, v4  }
0x2b5: {  	v17 =	vld [tilespmem:s13+$0xC0];
	v28 =	vadd.f32 v18, v4;
	v38 =	vadd.f32 v19, v4  }
0x2b6: {  	v18 =	vld [tilespmem:s13+$0xD0];
	v26 =	vadd.f32 v26, v4;
	v14 =	vadd.f32 v14, v27  }
0x2b7: {  	s4 =	sadd.s32 $0x180, s5;
	v19 =	vld [tilespmem:s13+$0xE0];
	v15 =	vadd.f32 v15, v28;
	v27 =	vadd.f32 v20, v38  }
0x2b8: {  	s4 =	sor.u32 $0x8400, s4;
	v20 =	vld [tilespmem:s13+$0xF0];
	v28 =	vadd.f32 v25, v26;
	v3 =	vadd.f32 v3, v14  }
0x2b9: {  	s17 =	sadd.s32 $0x100, s5;
	s31 =	sadd.s32 $0x80, s5;
	v25 =	vld [tilespmem:s4+$0x80];
	v8 =	vadd.f32 v8, v15;
	v14 =	vadd.f32 v9, v27  }
0x2ba: {  	v26 =	vld [tilespmem:s4+$0x90];
	s13 =	sor.u32 $0x8400, s17;
	s17 =	sor.u32 $0x8400, s31;
	v13 =	vadd.f32 v13, v28;
	v9 =	vadd.f32 v1, v3  }
0x2bb: {  	v38 =	vld [tilespmem:s17+$0xB0];
	v3 =	vadd.f32 v2, v8;
	v2 =	vadd.f32 v5, v14  }
0x2bc: {  	v27 =	vld [tilespmem:s4+$0xA0];
	v1 =	vadd.f32 v6, v13;
	v5 =	vadd.f32 v33, v4  }
0x2bd: {  	v28 =	vld [tilespmem:s4+$0xB0];
	v6 =	vadd.f32 v34, v4;
	v8 =	vadd.f32 v36, v4  }
0x2be: {  	v15 =	vld [tilespmem:s4+$0xD0];
	v13 =	vadd.f32 v37, v4;
	v5 =	vadd.f32 v30, v5  }
0x2bf: {  	v14 =	vld [tilespmem:s4+$0xC0];
	v6 =	vadd.f32 v31, v6;
	v8 =	vadd.f32 v32, v8  }
0x2c0: {  	v33 =	vld [tilespmem:s13+$0x80];
	v13 =	vadd.f32 v35, v13;
	v30 =	vadd.f32 v39, v4  }
0x2c1: {  	v34 =	vld [tilespmem:s13+$0x90];
	v5 =	vadd.f32 v16, v5;
	v6 =	vadd.f32 v21, v6  }
0x2c2: {  	v36 =	vld [tilespmem:s17+$0x90];
	v16 =	vadd.f32 v22, v8;
	v13 =	vadd.f32 v29, v13  }
0x2c3: {  	v35 =	vld [tilespmem:s17+$0x80];
	v22 =	vadd.f32 v40, v4;
	v8 =	vadd.f32 v7, v5  }
0x2c4: {  	v37 =	vld [tilespmem:s17+$0xA0];
	v7 =	vadd.f32 v10, v6;
	v6 =	vadd.f32 v11, v16  }
0x2c5: {  	v29 =	vld [tilespmem:s13+$0xA0];
	v5 =	vadd.f32 v12, v13;
	v16 =	vimm.f32 $0.0e+00;
	v12 =	vimm.f32 $0.0e+00  }
0x2c6: {  	s1 =	simm.s32 $0x200;
	v21 =	vld [tilespmem:s13+$0xB0];
	v13 =	vimm.f32 $0.0e+00;
	v11 =	vimm.f32 $0.0e+00;
	v10 =	vimm.f32 $0.0e+00  }
.LBB2_11:
0x2c7: {  	p1 =	sne.s32 s1, $0x3E00;
	v4 =	vadd.f32 v23, v4;
	v16 =	vadd.f32 v24, v16;
	v23 =	vld [tilespmem:s13+$0xC0]  }
0x2c8: {  	v24 =	vadd.f32 v35, v30;
	v22 =	vadd.f32 v36, v22;
	v30 =	vld [tilespmem:s13+$0xD0]  }
0x2c9: {  	v4 =	vadd.f32 v37, v4;
	v16 =	vadd.f32 v38, v16;
	v31 =	vld [tilespmem:s17+$0xC0]  }
0x2ca: {  	v32 =	vld [tilespmem:s17+$0xD0];
	v24 =	vadd.f32 v33, v24;
	v22 =	vadd.f32 v34, v22  }
0x2cb: {  	v33 =	vld [tilespmem:s17+$0xE0];
	v4 =	vadd.f32 v29, v4;
	v16 =	vadd.f32 v21, v16  }
0x2cc: {  	v29 =	vld [tilespmem:s17+$0xF0];
	v21 =	vadd.f32 v25, v24;
	v22 =	vadd.f32 v26, v22  }
0x2cd: {  	v24 =	vld [tilespmem:s13+$0xE0];
	v4 =	vadd.f32 v27, v4;
	v16 =	vadd.f32 v28, v16  }
0x2ce: {  	v12 =	vadd.f32 v17, v12;
	v13 =	vadd.f32 v18, v13;
	s0 =	sadd.s32 $0x400, s0;
	v17 =	vld [tilespmem:s13+$0xF0]  }
0x2cf: {  	s8 =	sand.u32 $0x200, s1;
	v11 =	vadd.f32 v19, v11;
	v10 =	vadd.f32 v20, v10;
	s5 =	sand.u32 $0x7800, s0;
	v18 =	vld [tilespmem:s4+$0xE0]  }
0x2d0: {  	s13 =	sor.u32 s8, s5;
	v12 =	vadd.f32 v31, v12;
	v13 =	vadd.f32 v32, v13;
	v19 =	vld [tilespmem:s4+$0xF0]  }
0x2d1: {  	v11 =	vadd.f32 v33, v11;
	v28 =	vld [tilespmem:s13+$0x8200];
	v10 =	vadd.f32 v29, v10  }
0x2d2: {  	v12 =	vadd.f32 v23, v12;
	v13 =	vadd.f32 v30, v13;
	v33 =	vld [tilespmem:s13+$0x8210]  }
0x2d3: {  	v11 =	vadd.f32 v24, v11;
	v34 =	vld [tilespmem:s13+$0x8220];
	v10 =	vadd.f32 v17, v10  }
0x2d4: {  	v12 =	vadd.f32 v14, v12;
	v13 =	vadd.f32 v15, v13;
	v35 =	vld [tilespmem:s13+$0x8230]  }
0x2d5: {  	v11 =	vadd.f32 v18, v11;
	v29 =	vld [tilespmem:s13+$0x8240];
	v10 =	vadd.f32 v19, v10  }
0x2d6: {  	v31 =	vld [tilespmem:s13+$0x8250]  }
0x2d7: {  	v30 =	vld [tilespmem:s13+$0x8260]  }
0x2d8: {  	v32 =	vld [tilespmem:s13+$0x8270]  }
0x2d9: {  	v14 =	vld [tilespmem:s13+$0x8180]  }
0x2da: {  	v15 =	vld [tilespmem:s13+$0x8190]  }
0x2db: {  	v27 =	vld [tilespmem:s13+$0x81A0]  }
0x2dc: {  	v36 =	vld [tilespmem:s13+$0x81B0]  }
0x2dd: {  	v37 =	vld [tilespmem:s13+$0x81C0]  }
0x2de: {  	v38 =	vld [tilespmem:s13+$0x81D0]  }
0x2df: {  	v39 =	vld [tilespmem:s13+$0x81E0]  }
0x2e0: {  	v40 =	vld [tilespmem:s13+$0x81F0]  }
0x2e1: {  	v25 =	vld [tilespmem:s13+$0x8100]  }
0x2e2: {  	v26 =	vld [tilespmem:s13+$0x8110]  }
0x2e3: {  	v41 =	vld [tilespmem:s13+$0x8120]  }
0x2e4: {  	v42 =	vld [tilespmem:s13+$0x8130]  }
0x2e5: {  	v43 =	vld [tilespmem:s13+$0x8140]  }
0x2e6: {  	v44 =	vld [tilespmem:s13+$0x8150]  }
0x2e7: {  	v45 =	vld [tilespmem:s13+$0x8160]  }
0x2e8: {  	v46 =	vld [tilespmem:s13+$0x8170]  }
0x2e9: {  	v18 =	vld [tilespmem:s13+$0x8080]  }
0x2ea: {  	v19 =	vld [tilespmem:s13+$0x8090]  }
0x2eb: {  	v20 =	vld [tilespmem:s13+$0x80A0]  }
0x2ec: {  	p0 =	por !p0, !p0;
	s4 =	simm.s32 $0x1;
	v47 =	vld [tilespmem:s13+$0x80B0]  }
0x2ed: {  	s4 =	simm.s32 @!p0 $0x0;
	v48 =	vld [tilespmem:s13+$0x80C0]  }
0x2ee: {  	s4 =	sshll.u32 s4, $0x9;
	v49 =	vld [tilespmem:s13+$0x80D0]  }
0x2ef: {  	s5 =	sadd.s32 s4, s0;
	v50 =	vld [tilespmem:s13+$0x80E0]  }
0x2f0: {  	s4 =	sor.u32 $0x8400, s5;
	v51 =	vld [tilespmem:s13+$0x80F0]  }
0x2f1: {  	v52 =	vld [tilespmem:s4+$0x80]  }
0x2f2: {  	v53 =	vld [tilespmem:s4+$0x90]  }
0x2f3: {  	v23 =	vld [tilespmem:s4+$0xA0]  }
0x2f4: {  	v24 =	vld [tilespmem:s4+$0xB0]  }
0x2f5: {  	v17 =	vld [tilespmem:s4+$0xC0]  }
0x2f6: {  	v9 =	vadd.f32 v18, v9;
	v3 =	vadd.f32 v19, v3;
	v18 =	vld [tilespmem:s4+$0xD0]  }
0x2f7: {  	s8 =	sadd.s32 $0x180, s5;
	v2 =	vadd.f32 v20, v2;
	v1 =	vadd.f32 v47, v1;
	v19 =	vld [tilespmem:s4+$0xE0]  }
0x2f8: {  	v9 =	vadd.f32 v25, v9;
	v3 =	vadd.f32 v26, v3;
	v20 =	vld [tilespmem:s4+$0xF0];
	s4 =	sor.u32 $0x8400, s8  }
0x2f9: {  	v2 =	vadd.f32 v41, v2;
	v1 =	vadd.f32 v42, v1;
	v25 =	vld [tilespmem:s4+$0x80]  }
0x2fa: {  	v9 =	vadd.f32 v14, v9;
	v3 =	vadd.f32 v15, v3;
	v26 =	vld [tilespmem:s4+$0x90]  }
0x2fb: {  	v2 =	vadd.f32 v27, v2;
	v1 =	vadd.f32 v36, v1;
	v27 =	vld [tilespmem:s4+$0xA0]  }
0x2fc: {  	v9 =	vadd.f32 v28, v9;
	v3 =	vadd.f32 v33, v3;
	v28 =	vld [tilespmem:s4+$0xB0]  }
0x2fd: {  	v2 =	vadd.f32 v34, v2;
	v1 =	vadd.f32 v35, v1;
	s8 =	sadd.s32 $0x100, s5;
	v14 =	vld [tilespmem:s4+$0xC0]  }
0x2fe: {  	v8 =	vadd.f32 v48, v8;
	v7 =	vadd.f32 v49, v7;
	s13 =	sor.u32 $0x8400, s8;
	v15 =	vld [tilespmem:s4+$0xD0]  }
0x2ff: {  	v6 =	vadd.f32 v50, v6;
	v5 =	vadd.f32 v51, v5;
	s5 =	sadd.s32 $0x80, s5;
	v33 =	vld [tilespmem:s13+$0x80]  }
0x300: {  	v8 =	vadd.f32 v43, v8;
	v7 =	vadd.f32 v44, v7;
	s17 =	sor.u32 $0x8400, s5;
	v34 =	vld [tilespmem:s13+$0x90]  }
0x301: {  	v6 =	vadd.f32 v45, v6;
	v5 =	vadd.f32 v46, v5;
	v35 =	vld [tilespmem:s17+$0x80]  }
.Ltmp9:
0x302: {  	v8 =	vadd.f32 v37, v8;
	v7 =	vadd.f32 v38, v7;
	v36 =	vld [tilespmem:s17+$0x90];
	(pc) =	sbr.rel @p1 .LBB2_11-.Ltmp9, $4  }
0x303: {  	v6 =	vadd.f32 v39, v6;
	v5 =	vadd.f32 v40, v5;
	v37 =	vld [tilespmem:s17+$0xA0]  }
0x304: {  	v8 =	vadd.f32 v29, v8;
	v7 =	vadd.f32 v31, v7;
	v38 =	vld [tilespmem:s17+$0xB0]  }
0x305: {  	v6 =	vadd.f32 v30, v6;
	v5 =	vadd.f32 v32, v5;
	v29 =	vld [tilespmem:s13+$0xA0]  }
0x306: {  	s1 =	sadd.s32 $0x200, s1;
	v22 =	vadd.f32 v53, v22;
	v30 =	vadd.f32 v52, v21;
	v21 =	vld [tilespmem:s13+$0xB0]  }
0x307: {  	v31 =	vld [tilespmem:s13+$0xC0];
	s0 =	sshll.u32 s2, $0x8;
	s1 =	sshll.u32 s2, $0x7  }
0x308: {  	v32 =	vld [tilespmem:s13+$0xD0];
	s0 =	sand.u32 $0x7FFFF800, s0;
	s1 =	sand.u32 $0x380, s1  }
0x309: {  	v39 =	vld [tilespmem:s17+$0xC0];
	s0 =	sor.u32 s1, s0  }
0x30a: {  	v41 =	vld [tilespmem:s0+$0x10080]  }
0x30b: {  	v40 =	vld [tilespmem:s17+$0xD0]  }
0x30c: {  	v42 =	vld [tilespmem:s17+$0xE0]  }
0x30d: {  	v43 =	vld [tilespmem:s17+$0xF0]  }
0x30e: {  	v44 =	vld [tilespmem:s13+$0xE0];
	v4 =	vadd.f32 v23, v4;
	v16 =	vadd.f32 v24, v16  }
0x30f: {  	v61 =	vld [tilespmem:s13+$0xF0];
	v12 =	vadd.f32 v17, v12;
	v9 =	vadd.f32 v41, v9  }
0x310: {  	v63 =	vld [tilespmem:s4+$0xE0];
	v13 =	vadd.f32 v18, v13;
	v11 =	vadd.f32 v19, v11  }
0x311: {  	v10 =	vadd.f32 v20, v10;
	v62 =	vadd.f32 v35, v30;
	v41 =	vld [tilespmem:s4+$0xF0];
	[tilespmem:s0+$0x10080] =	vst v9;
	s0 =	sadd.s32 $0x10080, s0  }
0x312: {  	v22 =	vadd.f32 v36, v22;
	v4 =	vadd.f32 v37, v4;
	v46 =	vld [tilespmem:s0+$0x10]  }
0x313: {  	v16 =	vadd.f32 v38, v16;
	v24 =	vadd.f32 v33, v62;
	v48 =	vld [tilespmem:s0+$0x20]  }
0x314: {  	v45 =	vadd.f32 v34, v22;
	v4 =	vadd.f32 v29, v4;
	v49 =	vld [tilespmem:s0+$0x30]  }
0x315: {  	v16 =	vadd.f32 v21, v16;
	v47 =	vadd.f32 v25, v24;
	v50 =	vld [tilespmem:s0+$0x40]  }
0x316: {  	v12 =	vadd.f32 v39, v12;
	v13 =	vadd.f32 v40, v13;
	v51 =	vld [tilespmem:s0+$0x50]  }
0x317: {  	v11 =	vadd.f32 v42, v11;
	v52 =	vld [tilespmem:s0+$0x60];
	v3 =	vadd.f32 v46, v3  }
0x318: {  	v10 =	vadd.f32 v43, v10;
	v53 =	vld [tilespmem:s0+$0x70];
	v2 =	vadd.f32 v48, v2  }
0x319: {  	v4 =	vadd.f32 v27, v4;
	v1 =	vadd.f32 v49, v1;
	[tilespmem:s0+$0x10] =	vst v3;
	v3 =	vld [tilespmem:s0+$0x400]  }
0x31a: {  	v16 =	vadd.f32 v28, v16;
	v54 =	vld [tilespmem:s0+$0x410];
	[tilespmem:s0+$0x20] =	vst v2;
	v2 =	vadd.f32 v50, v8  }
0x31b: {  	v12 =	vadd.f32 v31, v12;
	v55 =	vld [tilespmem:s0+$0x420];
	[tilespmem:s0+$0x30] =	vst v1;
	v1 =	vadd.f32 v51, v7  }
0x31c: {  	v13 =	vadd.f32 v32, v13;
	v56 =	vld [tilespmem:s0+$0x430];
	[tilespmem:s0+$0x40] =	vst v2;
	v2 =	vadd.f32 v52, v6  }
0x31d: {  	v9 =	vadd.f32 v26, v45;
	v57 =	vld [tilespmem:s0+$0x440];
	[tilespmem:s0+$0x50] =	vst v1;
	v1 =	vadd.f32 v53, v5  }
0x31e: {  	v11 =	vadd.f32 v44, v11;
	[tilespmem:s0+$0x60] =	vst v2;
	v2 =	vadd.f32 v3, v47;
	v3 =	vld [tilespmem:s0+$0x450]  }
0x31f: {  	v10 =	vadd.f32 v61, v10;
	v58 =	vld [tilespmem:s0+$0x460];
	[tilespmem:s0+$0x70] =	vst v1;
	v1 =	vadd.f32 v54, v9  }
0x320: {  	v59 =	vadd.f32 v14, v12;
	v60 =	vld [tilespmem:s0+$0x470];
	[tilespmem:s0+$0x400] =	vst v2;
	v2 =	vadd.f32 v55, v4  }
0x321: {  	v61 =	vadd.f32 v15, v13;
	[tilespmem:s0+$0x410] =	vst v1;
	v1 =	vadd.f32 v56, v16  }
0x322: {  	v62 =	vadd.f32 v63, v11;
	[tilespmem:s0+$0x420] =	vst v2;
	v2 =	vadd.f32 v57, v59  }
.Ltmp10:
0x323: {  	v63 =	vadd.f32 v41, v10;
	[tilespmem:s0+$0x430] =	vst v1;
	v1 =	vadd.f32 v3, v61;
	(pc) =	sbr.rel .LBB2_16-.Ltmp10, $4  }
0x324: {  	[tilespmem:s0+$0x440] =	vst v2;
	v2 =	vadd.f32 v58, v62  }
0x325: {  	[tilespmem:s0+$0x450] =	vst v1;
	v1 =	vadd.f32 v60, v63  }
0x326: {  	[tilespmem:s0+$0x460] =	vst v2  }
0x327: {  	[tilespmem:s0+$0x470] =	vst v1  }
.LBB2_13:
0x328: {  	p0 =	sle.s32 s19, s29  }
0x329: {  	p1 =	sle.s32 s20, s29;
	s1 =	simm.s32 $0x1;
	s2 =	simm.s32 $0x1  }
0x32a: {  	s1 =	simm.s32 @!p0 $0x0;
	s2 =	simm.s32 @!p1 $0x0  }
0x32b: {  	p0 =	sle.s32 s21, s29;
	s1 =	sadd.s32 s2, s1;
	s2 =	simm.s32 $0x1  }
0x32c: {  	s4 =	simm.s32 $0x1;
	s2 =	simm.s32 @!p0 $0x0;
	p0 =	sle.s32 s22, s29  }
0x32d: {  	s1 =	sadd.s32 s2, s1;
	s4 =	simm.s32 @!p0 $0x0  }
0x32e: {  	p0 =	sle.s32 s23, s29;
	s2 =	simm.s32 $0x1;
	s1 =	sadd.s32 s4, s1  }
0x32f: {  	s2 =	simm.s32 @!p0 $0x0;
	p0 =	sle.s32 s24, s29;
	s4 =	simm.s32 $0x1  }
0x330: {  	s1 =	sadd.s32 s2, s1;
	s4 =	simm.s32 @!p0 $0x0  }
0x331: {  	p0 =	sle.s32 s25, s29;
	s2 =	simm.s32 $0x1;
	s1 =	sadd.s32 s4, s1  }
0x332: {  	s2 =	simm.s32 @!p0 $0x0;
	p0 =	sle.s32 s26, s29;
	s4 =	simm.s32 $0x1  }
0x333: {  	s1 =	sadd.s32 s2, s1;
	s4 =	simm.s32 @!p0 $0x0  }
0x334: {  	s1 =	sadd.s32 s4, s1  }
0x335: {  	s13 =	sshll.u32 s1, $0x8;
	s1 =	sshll.u32 s1, $0x7  }
0x336: {  	s2 =	sand.u32 $0x7FFFF800, s13;
	s1 =	sand.u32 $0x380, s1  }
0x337: {  	s17 =	sand.u32 $0x7800, s0;
	s31 =	sand.u32 $0x380, s0;
	s2 =	sor.u32 s1, s2  }
0x338: {  	s1 =	sor.u32 s31, s17;
	v1 =	vld [tilespmem:s2+$0x10080]  }
0x339: {  	v2 =	vld [tilespmem:s1+$0x8080];
	_ =	sdelay $0x4  }
0x33a: {  	v1 =	vadd.f32 v2, v1;
	_ =	sdelay $0x1  }
0x33b: {  	s0 =	sadd.s32 $0x10080, s2;
	[tilespmem:s2+$0x10080] =	vst v1  }
0x33c: {  	v1 =	vld [tilespmem:s0+$0x10]  }
0x33d: {  	v2 =	vld [tilespmem:s1+$0x8090];
	_ =	sdelay $0x4  }
0x33e: {  	v1 =	vadd.f32 v2, v1;
	_ =	sdelay $0x1  }
0x33f: {  	v2 =	vld [tilespmem:s0+$0x20];
	[tilespmem:s0+$0x10] =	vst v1  }
0x340: {  	v1 =	vld [tilespmem:s1+$0x80A0];
	_ =	sdelay $0x4  }
0x341: {  	v1 =	vadd.f32 v1, v2;
	_ =	sdelay $0x1  }
0x342: {  	v2 =	vld [tilespmem:s0+$0x30];
	[tilespmem:s0+$0x20] =	vst v1  }
0x343: {  	v1 =	vld [tilespmem:s1+$0x80B0];
	_ =	sdelay $0x4  }
0x344: {  	v1 =	vadd.f32 v1, v2;
	_ =	sdelay $0x1  }
0x345: {  	v2 =	vld [tilespmem:s0+$0x40];
	[tilespmem:s0+$0x30] =	vst v1  }
0x346: {  	v1 =	vld [tilespmem:s1+$0x80C0];
	_ =	sdelay $0x4  }
0x347: {  	v1 =	vadd.f32 v1, v2;
	_ =	sdelay $0x1  }
0x348: {  	v2 =	vld [tilespmem:s0+$0x50];
	[tilespmem:s0+$0x40] =	vst v1  }
0x349: {  	v1 =	vld [tilespmem:s1+$0x80D0];
	_ =	sdelay $0x4  }
0x34a: {  	v1 =	vadd.f32 v1, v2;
	_ =	sdelay $0x1  }
0x34b: {  	v2 =	vld [tilespmem:s0+$0x60];
	[tilespmem:s0+$0x50] =	vst v1  }
0x34c: {  	v1 =	vld [tilespmem:s1+$0x80E0];
	_ =	sdelay $0x4  }
0x34d: {  	v1 =	vadd.f32 v1, v2;
	_ =	sdelay $0x1  }
0x34e: {  	v2 =	vld [tilespmem:s0+$0x70];
	[tilespmem:s0+$0x60] =	vst v1  }
0x34f: {  	v1 =	vld [tilespmem:s1+$0x80F0];
	_ =	sdelay $0x4  }
0x350: {  	v1 =	vadd.f32 v1, v2;
	_ =	sdelay $0x1  }
0x351: {  	v2 =	vld [tilespmem:s0+$0x400];
	[tilespmem:s0+$0x70] =	vst v1  }
0x352: {  	v1 =	vld [tilespmem:s1+$0x8480];
	_ =	sdelay $0x4  }
0x353: {  	v1 =	vadd.f32 v1, v2;
	_ =	sdelay $0x1  }
0x354: {  	v2 =	vld [tilespmem:s0+$0x410];
	[tilespmem:s0+$0x400] =	vst v1  }
0x355: {  	v1 =	vld [tilespmem:s1+$0x8490];
	_ =	sdelay $0x4  }
0x356: {  	v1 =	vadd.f32 v1, v2;
	_ =	sdelay $0x1  }
0x357: {  	v2 =	vld [tilespmem:s0+$0x420];
	[tilespmem:s0+$0x410] =	vst v1  }
0x358: {  	v1 =	vld [tilespmem:s1+$0x84A0];
	_ =	sdelay $0x4  }
0x359: {  	v1 =	vadd.f32 v1, v2;
	_ =	sdelay $0x1  }
0x35a: {  	v2 =	vld [tilespmem:s0+$0x430];
	[tilespmem:s0+$0x420] =	vst v1  }
0x35b: {  	v1 =	vld [tilespmem:s1+$0x84B0];
	_ =	sdelay $0x4  }
0x35c: {  	v1 =	vadd.f32 v1, v2;
	_ =	sdelay $0x1  }
0x35d: {  	v2 =	vld [tilespmem:s0+$0x440];
	[tilespmem:s0+$0x430] =	vst v1  }
0x35e: {  	v1 =	vld [tilespmem:s1+$0x84C0];
	_ =	sdelay $0x4  }
0x35f: {  	v1 =	vadd.f32 v1, v2;
	_ =	sdelay $0x1  }
0x360: {  	v2 =	vld [tilespmem:s0+$0x450];
	[tilespmem:s0+$0x440] =	vst v1  }
0x361: {  	v1 =	vld [tilespmem:s1+$0x84D0];
	_ =	sdelay $0x4  }
0x362: {  	v1 =	vadd.f32 v1, v2  }
0x363: {  	s5 =	simm.s32 $0x1;
	s2 =	sadd.s32 $0x1, s29  }
0x364: {  	s4 =	simm.s32 $0x1;
	p0 =	sle.s32 s19, s2;
	p1 =	sle.s32 s20, s2;
	v2 =	vld [tilespmem:s0+$0x460];
	[tilespmem:s0+$0x450] =	vst v1  }
0x365: {  	s4 =	simm.s32 @!p0 $0x0;
	s5 =	simm.s32 @!p1 $0x0;
	v1 =	vld [tilespmem:s1+$0x84E0]  }
0x366: {  	p0 =	sle.s32 s21, s2;
	s4 =	sadd.s32 s5, s4;
	s5 =	simm.s32 $0x1  }
0x367: {  	s8 =	simm.s32 $0x1;
	s5 =	simm.s32 @!p0 $0x0;
	p0 =	sle.s32 s22, s2  }
0x368: {  	s4 =	sadd.s32 s5, s4;
	s8 =	simm.s32 @!p0 $0x0  }
0x369: {  	p0 =	sle.s32 s23, s2;
	s5 =	simm.s32 $0x1;
	s4 =	sadd.s32 s8, s4  }
0x36a: {  	s5 =	simm.s32 @!p0 $0x0;
	p0 =	sle.s32 s24, s2;
	s8 =	simm.s32 $0x1;
	v2 =	vadd.f32 v1, v2  }
0x36b: {  	s4 =	sadd.s32 s5, s4;
	s8 =	simm.s32 @!p0 $0x0  }
0x36c: {  	p0 =	sle.s32 s25, s2;
	s5 =	simm.s32 $0x1;
	s4 =	sadd.s32 s8, s4;
	v1 =	vld [tilespmem:s0+$0x470];
	[tilespmem:s0+$0x460] =	vst v2  }
0x36d: {  	s5 =	simm.s32 @!p0 $0x0;
	p0 =	sle.s32 s26, s2;
	s8 =	simm.s32 $0x1;
	v2 =	vld [tilespmem:s1+$0x84F0]  }
0x36e: {  	s5 =	sadd.s32 s5, s4;
	s8 =	simm.s32 @!p0 $0x0  }
0x36f: {  	s13 =	simm.s32 $0x100;
	s4 =	simm.s32 $0x200;
	s8 =	sadd.s32 s8, s5  }
0x370: {  	s5 =	sshll.u32 s8, $0x8;
	s8 =	sshll.u32 s8, $0x7;
	s1 =	simm.s32 $0x80  }
.LBB2_14:
0x371: {  	s5 =	sand.u32 $0x7FFFF800, s5  }
0x372: {  	s8 =	sand.u32 $0x380, s8;
	v1 =	vadd.f32 v2, v1;
	s9 =	smov.u32 s4;
	s17 =	sadd.s32 $0x100, s4  }
0x373: {  	s5 =	sor.u32 s8, s5;
	s8 =	sand.u32 $0x7800, s13;
	s13 =	sand.u32 $0x380, s1  }
0x374: {  	p0 =	sne.s32 s4, $0x7F00;
	v2 =	vld [tilespmem:s5+$0x10080];
	s4 =	sor.u32 s13, s8;
	[tilespmem:s0+$0x470] =	vst v1;
	s13 =	smov.u32 s9  }
0x375: {  	v1 =	vld [tilespmem:s4+$0x8080];
	_ =	sdelay $0x4  }
0x376: {  	v1 =	vadd.f32 v1, v2;
	_ =	sdelay $0x1  }
0x377: {  	s0 =	sadd.s32 $0x10080, s5;
	[tilespmem:s5+$0x10080] =	vst v1  }
0x378: {  	v1 =	vld [tilespmem:s0+$0x10]  }
0x379: {  	v2 =	vld [tilespmem:s4+$0x8090];
	_ =	sdelay $0x4  }
0x37a: {  	v1 =	vadd.f32 v2, v1  }
0x37b: {  	v2 =	vld [tilespmem:s0+$0x20]  }
0x37c: {  	[tilespmem:s0+$0x10] =	vst v1  }
0x37d: {  	v1 =	vld [tilespmem:s4+$0x80A0];
	_ =	sdelay $0x4  }
0x37e: {  	v1 =	vadd.f32 v1, v2  }
0x37f: {  	v2 =	vld [tilespmem:s0+$0x30]  }
0x380: {  	[tilespmem:s0+$0x20] =	vst v1  }
0x381: {  	v1 =	vld [tilespmem:s4+$0x80B0];
	_ =	sdelay $0x4  }
0x382: {  	v1 =	vadd.f32 v1, v2  }
0x383: {  	v2 =	vld [tilespmem:s0+$0x40]  }
0x384: {  	[tilespmem:s0+$0x30] =	vst v1  }
0x385: {  	v1 =	vld [tilespmem:s4+$0x80C0];
	_ =	sdelay $0x4  }
0x386: {  	v1 =	vadd.f32 v1, v2  }
0x387: {  	v2 =	vld [tilespmem:s0+$0x50]  }
0x388: {  	[tilespmem:s0+$0x40] =	vst v1  }
0x389: {  	v1 =	vld [tilespmem:s4+$0x80D0];
	_ =	sdelay $0x4  }
0x38a: {  	v1 =	vadd.f32 v1, v2  }
0x38b: {  	v2 =	vld [tilespmem:s0+$0x60]  }
0x38c: {  	[tilespmem:s0+$0x50] =	vst v1  }
0x38d: {  	v1 =	vld [tilespmem:s4+$0x80E0];
	_ =	sdelay $0x4  }
0x38e: {  	v1 =	vadd.f32 v1, v2  }
0x38f: {  	v2 =	vld [tilespmem:s0+$0x70]  }
0x390: {  	[tilespmem:s0+$0x60] =	vst v1  }
0x391: {  	v1 =	vld [tilespmem:s4+$0x80F0];
	_ =	sdelay $0x4  }
0x392: {  	v1 =	vadd.f32 v1, v2  }
0x393: {  	v2 =	vld [tilespmem:s0+$0x400]  }
0x394: {  	[tilespmem:s0+$0x70] =	vst v1  }
0x395: {  	v1 =	vld [tilespmem:s4+$0x8480];
	_ =	sdelay $0x4  }
0x396: {  	v1 =	vadd.f32 v1, v2  }
0x397: {  	v2 =	vld [tilespmem:s0+$0x410]  }
0x398: {  	[tilespmem:s0+$0x400] =	vst v1  }
0x399: {  	v1 =	vld [tilespmem:s4+$0x8490];
	_ =	sdelay $0x4  }
0x39a: {  	v1 =	vadd.f32 v1, v2  }
0x39b: {  	v2 =	vld [tilespmem:s0+$0x420]  }
0x39c: {  	[tilespmem:s0+$0x410] =	vst v1  }
0x39d: {  	v1 =	vld [tilespmem:s4+$0x84A0];
	_ =	sdelay $0x4  }
0x39e: {  	v1 =	vadd.f32 v1, v2  }
0x39f: {  	v2 =	vld [tilespmem:s0+$0x430]  }
0x3a0: {  	[tilespmem:s0+$0x420] =	vst v1  }
0x3a1: {  	v1 =	vld [tilespmem:s4+$0x84B0];
	_ =	sdelay $0x4  }
0x3a2: {  	v1 =	vadd.f32 v1, v2  }
0x3a3: {  	v2 =	vld [tilespmem:s0+$0x440]  }
0x3a4: {  	[tilespmem:s0+$0x430] =	vst v1  }
0x3a5: {  	v1 =	vld [tilespmem:s4+$0x84C0];
	_ =	sdelay $0x4  }
0x3a6: {  	v1 =	vadd.f32 v1, v2  }
0x3a7: {  	v2 =	vld [tilespmem:s0+$0x450]  }
0x3a8: {  	[tilespmem:s0+$0x440] =	vst v1  }
0x3a9: {  	v1 =	vld [tilespmem:s4+$0x84D0];
	_ =	sdelay $0x3  }
0x3aa: {  	s2 =	sadd.s32 $0x1, s2  }
0x3ab: {  	p2 =	sle.s32 s19, s2;
	v1 =	vadd.f32 v1, v2  }
0x3ac: {  	p3 =	sle.s32 s20, s2;
	s8 =	simm.s32 $0x1;
	s5 =	simm.s32 $0x1;
	v2 =	vld [tilespmem:s0+$0x460]  }
0x3ad: {  	s8 =	simm.s32 @!p3 $0x0;
	s5 =	simm.s32 @!p2 $0x0;
	[tilespmem:s0+$0x450] =	vst v1  }
0x3ae: {  	p2 =	sle.s32 s21, s2;
	s5 =	sadd.s32 s8, s5;
	s8 =	simm.s32 $0x1;
	v1 =	vld [tilespmem:s4+$0x84E0]  }
0x3af: {  	s8 =	simm.s32 @!p2 $0x0  }
0x3b0: {  	p2 =	sle.s32 s22, s2;
	s5 =	sadd.s32 s8, s5;
	s8 =	simm.s32 $0x1  }
0x3b1: {  	p1 =	sle.s32 s25, s2;
	s8 =	simm.s32 @!p2 $0x0  }
0x3b2: {  	p2 =	sle.s32 s23, s2;
	s5 =	sadd.s32 s8, s5;
	s8 =	simm.s32 $0x1  }
0x3b3: {  	s8 =	simm.s32 @!p2 $0x0;
	v2 =	vadd.f32 v1, v2  }
0x3b4: {  	p2 =	sle.s32 s24, s2;
	s5 =	sadd.s32 s8, s5;
	s8 =	simm.s32 $0x1;
	v1 =	vld [tilespmem:s0+$0x470]  }
0x3b5: {  	s8 =	simm.s32 @!p2 $0x0;
	[tilespmem:s0+$0x460] =	vst v2  }
0x3b6: {  	v2 =	vld [tilespmem:s4+$0x84F0];
	s4 =	sadd.s32 s8, s5;
	s5 =	simm.s32 $0x1  }
.Ltmp11:
0x3b7: {  	s5 =	simm.s32 @!p1 $0x0;
	(pc) =	sbr.rel @p0 .LBB2_14-.Ltmp11, $4  }
0x3b8: {  	p1 =	sle.s32 s26, s2;
	s4 =	sadd.s32 s5, s4;
	s5 =	simm.s32 $0x1  }
0x3b9: {  	s5 =	simm.s32 @!p1 $0x0  }
0x3ba: {  	s1 =	sadd.s32 $0x80, s1;
	s4 =	sadd.s32 s5, s4  }
0x3bb: {  	s5 =	sshll.u32 s4, $0x8;
	s8 =	sshll.u32 s4, $0x7;
	s4 =	smov.u32 s17  }
.Ltmp12:
0x3bc: {  	_ = 	snop;
	(pc) =	sbr.rel .LBB2_15-.Ltmp12, $1  }
0x3bd: {  	_ =	sdelay $0x3  }
.LBB2_18:
0x3be: {  	_ =	sfence.sel $0x180000  }
0x3bf: {  	[bflag:$0x0] =	sbarrier.arrive $0xFFFF  }
0x3c0: {  	_ =	strace $0x90000047  }
0x3c1: {  	s0 =	stileid.u32;
	[bflag:$0x2] =	sbarrier.arrive $0xFFFF  }
0x3c2: {  	p0 =	sne.s32 s0, $0x0;
	s0 =	rddreg [dreg:$0x3]  }
0x3c3: {  	s0 =	sadd.s32 @!p0 $0x100000, s0  }
0x3c4: {  	[sflag:s0] =	ssyncadd.tile.s32 @!p0 $0x1;
	_ =	shalt  }
.Lfunc_end2:
_tile_overlayer_lowered:
.L_overlay_start_2:
0x3c5: {  	(tag) =	ssettag $0x2  }
0x3c6: {  	s0 =	rddreg [dreg:$0x0];
	s2 =	stileid.u32  }
0x3c7: {  	s1 =	rddreg [dreg:$0x1];
	p0 =	sne.s32 s2, $0x0  }
0x3c8: {  	s3 =	rddreg [dreg:$0x2];
	[bflag:$0x3] =	sbarrier.arrive $0xFFFF;
	s2 =	simm.s32 @!p0 $0x1C03  }
0x3c9: {  	[timem:s3], [sflag:s2] =	dma.local @!p0 [hbm:s0], s1  }
0x3ca: {  	s0 =	simm.s32 @!p0 $0x3  }
0x3cb: {  	_ =	swait.ge @!p0 [sflag:s0], s1  }
0x3cc: {  	s1 =	ssub.s32 @!p0 $0x0, s1;
	[sflag:s0] =	ssyncset.done @!p0 $0x0  }
0x3cd: {  	[sflag:s0] =	ssyncadd.s32 @!p0 s1  }
0x3ce: {  	[bflag:$0x3] =	sbarrier.arrive $0xFFFF  }
0x3cf: {  	_ =	shalt  }

</sc_bundles>
